<compile_context>
chip_gen: v7x
topology: tpu7x:2x2x1
jax: 0.10.2.dev20260603
libtpu: 0.0.44.dev20260713+nightly
codegen_flags: <defaults>
</compile_context>

<pallas_src>
import functools

import jax
import jax.numpy as jnp
from jax import lax
from jax.experimental import pallas as pl
from jax.experimental.pallas import tpu as pltpu
from jax.experimental.pallas import tpu_sc as plsc

_L = 16
_NW = 32
_ROWS = 32
_COLS = 512


def _lookup_kernel(shape):
    n_imgs, n_rows, n_cols = shape
    assert n_cols == _COLS and n_rows % _ROWS == 0 and (2 * _NW) == n_imgs
    slabs_per_img = n_rows // _ROWS
    n_chunks = 2 * slabs_per_img
    mesh = plsc.VectorSubcoreMesh(core_axis_name="c", subcore_axis_name="s")

    @functools.partial(
        pl.kernel,
        mesh=mesh,
        out_type=jax.ShapeDtypeStruct(shape, jnp.float32),
        compiler_params=pltpu.CompilerParams(needs_layout_passes=False),
        scratch_types=[
            pltpu.VMEM((256,), jnp.float32),
            pltpu.VMEM((_ROWS, _COLS), jnp.int32),
            pltpu.VMEM((_ROWS, _COLS), jnp.int32),
            pltpu.VMEM((_ROWS, _COLS), jnp.float32),
            pltpu.VMEM((_ROWS, _COLS), jnp.float32),
            pltpu.SemaphoreType.DMA,
            pltpu.SemaphoreType.DMA,
            pltpu.SemaphoreType.DMA,
            pltpu.SemaphoreType.DMA,
        ],
    )
    def k(tbl_hbm, idx_hbm, out_hbm, tbl_v, idx_v0, idx_v1, out_v0, out_v1,
          in_s0, in_s1, out_s0, out_s1):
        wid = lax.axis_index("s") * 2 + lax.axis_index("c")
        img0 = wid * 2
        pltpu.sync_copy(tbl_hbm, tbl_v)
        idx_bufs = [idx_v0, idx_v1]
        out_bufs = [out_v0, out_v1]
        in_sems = [in_s0, in_s1]
        out_sems = [out_s0, out_s1]

        def slab(kk):
            imgi = img0 + (kk // slabs_per_img)
            r0 = (kk % slabs_per_img) * _ROWS
            return imgi, r0

        def in_copy(kk, b):
            imgi, r0 = slab(kk)
            return pltpu.make_async_copy(
                idx_hbm.at[imgi, pl.ds(r0, _ROWS), :],
                idx_bufs[b],
                in_sems[b],
            )

        def out_copy(kk, b):
            imgi, r0 = slab(kk)
            return pltpu.make_async_copy(
                out_bufs[b],
                out_hbm.at[imgi, pl.ds(r0, _ROWS), :],
                out_sems[b],
            )

        in_copy(0, 0).start()
        for kk in range(n_chunks):
            b = kk & 1
            if kk + 1 < n_chunks:
                in_copy(kk + 1, 1 - b).start()
            in_copy(kk, b).wait()
            if kk >= 2:
                out_copy(kk - 2, b).wait()
            idx_b = idx_bufs[b]
            out_b = out_bufs[b]

            @plsc.parallel_loop(0, _ROWS * _COLS, step=_L, unroll=8)
            def inner(s):
                r = s // _COLS
                c = s % _COLS
                iv = idx_b[r, pl.ds(c, _L)]
                out_b[r, pl.ds(c, _L)] = plsc.load_gather(tbl_v, [iv])

            out_copy(kk, b).start()
        out_copy(n_chunks - 2, (n_chunks - 2) & 1).wait()
        out_copy(n_chunks - 1, (n_chunks - 1) & 1).wait()

    return k


@jax.jit
def kernel(class_map, img):
    return _lookup_kernel(img.shape)(class_map, img)

# --- scband reference (transcript-rebuilt; emitter-appended) ---
"""Pipeline reference for scband-merge-class-13073880449051 (READ-ONLY COPY).

The authoritative reference and input builder live on the scoring server;
editing this copy changes nothing except your own understanding.
"""

import jax, jax.numpy as jnp
import numpy as np


def setup_inputs(seed: int = 0) -> dict:
    key = jax.random.key(seed)
    # img: integer class labels in [0, 256)
    img = jax.random.randint(jax.random.fold_in(key, 0), (64, 512, 512), 0, 256, dtype=jnp.int32)
    # class_map: the remapping table passed to __init__ (map[i] = i % 21),
    # materialized as float32 so the lookup is a differentiable table gather.
    class_map = (jnp.arange(256) % 21).astype(jnp.float32)
    return {"class_map": class_map, "img": img}


def reference(class_map, img):
    # Faithful translation of: new_img = self.class_map[img]
    new_img = jnp.take(class_map, img, axis=0)
    return new_img

if __name__ == "__main__":
    import jax
    _d = setup_inputs()
    print(jax.jit(kernel)(*tuple(_d.values())))

</pallas_src>

<mosaic_0001>
#map = affine_map<(d0, d1) -> (0)>
#map1 = affine_map<(d0, d1) -> (0, 0, 0)>
module attributes {stable_mosaic.version = 14 : i64} {
  func.func @k(%arg0: i32, %arg1: i32, %arg2: memref<256xf32, #tpu.memory_space<hbm>>, %arg3: memref<64x512x512xi32, #tpu.memory_space<hbm>>, %arg4: memref<64x512x512xf32, #tpu.memory_space<hbm>>, %arg5: memref<256xf32, #tpu.memory_space<vmem>>, %arg6: memref<32x512xi32, #tpu.memory_space<vmem>>, %arg7: memref<32x512xi32, #tpu.memory_space<vmem>>, %arg8: memref<32x512xf32, #tpu.memory_space<vmem>>, %arg9: memref<32x512xf32, #tpu.memory_space<vmem>>, %arg10: memref<!tpu.dma_semaphore, #tpu.memory_space<semaphore_mem>>, %arg11: memref<!tpu.dma_semaphore, #tpu.memory_space<semaphore_mem>>, %arg12: memref<!tpu.dma_semaphore, #tpu.memory_space<semaphore_mem>>, %arg13: memref<!tpu.dma_semaphore, #tpu.memory_space<semaphore_mem>>) attributes {dimension_semantics = [#tpu.dimension_semantics<core_parallel>, #tpu.dimension_semantics<subcore_parallel>], iteration_bounds = array<i64: 2, 16>, scalar_prefetch = 0 : i64, scratch_operands = 9 : i64, tpu.core_type = #tpu.core_type<sc_vector_subcore>, window_params = [{transform_indices = #map}, {transform_indices = #map1}, {transform_indices = #map1}]} {
    %mul3A = arith.constant 2 : i32
    %mul3A_0 = arith.muli %arg1, %mul3A : i32
    %add3A = arith.addi %mul3A_0, %arg0 : i32
    %mul3A_1 = arith.constant 2 : i32
    %mul3A_2 = arith.muli %add3A, %mul3A_1 : i32
    "tpu.region"() ({
      %run_scoped3A = tpu.sem_alloc : memref<!tpu.dma_semaphore, #tpu.memory_space<semaphore_mem>>
      tpu.enqueue_dma source(%arg2 : memref<256xf32, #tpu.memory_space<hbm>>) target(%arg5 : memref<256xf32, #tpu.memory_space<vmem>>) target_semaphore(%run_scoped3A : memref<!tpu.dma_semaphore, #tpu.memory_space<semaphore_mem>>)
      tpu.wait_dma2 semaphore(%run_scoped3A : memref<!tpu.dma_semaphore, #tpu.memory_space<semaphore_mem>>) src(%arg2 : memref<256xf32, #tpu.memory_space<hbm>>) dst(%arg5 : memref<256xf32, #tpu.memory_space<vmem>>)
      tpu.yield
    }) : () -> ()
    %add3A_3 = arith.constant 0 : i32
    %add3A_4 = arith.addi %mul3A_2, %add3A_3 : i32
    %dma_start3A = arith.constant 0 : i32
    %dma_start3A_5 = arith.constant 0 : i32
    %dma_start3A_6 = tpu.memref_slice %arg3[%add3A_4, %dma_start3A, %dma_start3A_5] : memref<64x512x512xi32, #tpu.memory_space<hbm>> -> memref<1x32x512xi32, #tpu.memory_space<hbm>>
    %dma_start3A_7 = tpu.memref_squeeze %dma_start3A_6 : memref<1x32x512xi32, #tpu.memory_space<hbm>> -> memref<32x512xi32, #tpu.memory_space<hbm>>
    %dma_start3A_8 = arith.constant 0 : i32
    %dma_start3A_9 = arith.constant 0 : i32
    %dma_start3A_10 = tpu.memref_slice %arg3[%add3A_4, %dma_start3A_8, %dma_start3A_9] : memref<64x512x512xi32, #tpu.memory_space<hbm>> -> memref<1x32x512xi32, #tpu.memory_space<hbm>>
    %dma_start3A_11 = tpu.memref_squeeze %dma_start3A_10 : memref<1x32x512xi32, #tpu.memory_space<hbm>> -> memref<32x512xi32, #tpu.memory_space<hbm>>
    tpu.enqueue_dma source(%dma_start3A_11 : memref<32x512xi32, #tpu.memory_space<hbm>>) target(%arg6 : memref<32x512xi32, #tpu.memory_space<vmem>>) target_semaphore(%arg10 : memref<!tpu.dma_semaphore, #tpu.memory_space<semaphore_mem>>)
    %add3A_12 = arith.constant 0 : i32
    %add3A_13 = arith.addi %mul3A_2, %add3A_12 : i32
    %dma_start3A_14 = arith.constant 32 : i32
    %dma_start3A_15 = arith.constant 0 : i32
    %dma_start3A_16 = tpu.memref_slice %arg3[%add3A_13, %dma_start3A_14, %dma_start3A_15] : memref<64x512x512xi32, #tpu.memory_space<hbm>> -> memref<1x32x512xi32, #tpu.memory_space<hbm>>
    %dma_start3A_17 = tpu.memref_squeeze %dma_start3A_16 : memref<1x32x512xi32, #tpu.memory_space<hbm>> -> memref<32x512xi32, #tpu.memory_space<hbm>>
    %dma_start3A_18 = arith.constant 32 : i32
    %dma_start3A_19 = arith.constant 0 : i32
    %dma_start3A_20 = tpu.memref_slice %arg3[%add3A_13, %dma_start3A_18, %dma_start3A_19] : memref<64x512x512xi32, #tpu.memory_space<hbm>> -> memref<1x32x512xi32, #tpu.memory_space<hbm>>
    %dma_start3A_21 = tpu.memref_squeeze %dma_start3A_20 : memref<1x32x512xi32, #tpu.memory_space<hbm>> -> memref<32x512xi32, #tpu.memory_space<hbm>>
    tpu.enqueue_dma source(%dma_start3A_21 : memref<32x512xi32, #tpu.memory_space<hbm>>) target(%arg7 : memref<32x512xi32, #tpu.memory_space<vmem>>) target_semaphore(%arg11 : memref<!tpu.dma_semaphore, #tpu.memory_space<semaphore_mem>>)
    %add3A_22 = arith.constant 0 : i32
    %add3A_23 = arith.addi %mul3A_2, %add3A_22 : i32
    %dma_wait3A = arith.constant 0 : i32
    %dma_wait3A_24 = arith.constant 0 : i32
    %dma_wait3A_25 = tpu.memref_slice %arg3[%add3A_23, %dma_wait3A, %dma_wait3A_24] : memref<64x512x512xi32, #tpu.memory_space<hbm>> -> memref<1x32x512xi32, #tpu.memory_space<hbm>>
    %dma_wait3A_26 = tpu.memref_squeeze %dma_wait3A_25 : memref<1x32x512xi32, #tpu.memory_space<hbm>> -> memref<32x512xi32, #tpu.memory_space<hbm>>
    %dma_wait3A_27 = arith.constant 0 : i32
    %dma_wait3A_28 = arith.constant 0 : i32
    %dma_wait3A_29 = tpu.memref_slice %arg3[%add3A_23, %dma_wait3A_27, %dma_wait3A_28] : memref<64x512x512xi32, #tpu.memory_space<hbm>> -> memref<1x32x512xi32, #tpu.memory_space<hbm>>
    %dma_wait3A_30 = tpu.memref_squeeze %dma_wait3A_29 : memref<1x32x512xi32, #tpu.memory_space<hbm>> -> memref<32x512xi32, #tpu.memory_space<hbm>>
    tpu.wait_dma2 semaphore(%arg10 : memref<!tpu.dma_semaphore, #tpu.memory_space<semaphore_mem>>) src(%dma_wait3A_30 : memref<32x512xi32, #tpu.memory_space<hbm>>) dst(%arg6 : memref<32x512xi32, #tpu.memory_space<vmem>>)
    %parallel_loop3A = arith.constant 0 : i32
    %parallel_loop3A_31 = arith.constant 16384 : i32
    %parallel_loop3A_32 = arith.constant 16 : i32
    scf.for %parallel_loop3A_1376 = %parallel_loop3A to %parallel_loop3A_31 step %parallel_loop3A_32  : i32 {
      %parallel_loop3A_1377 = arith.constant 512 : i32
      %parallel_loop3A_1378 = arith.divsi %parallel_loop3A_1376, %parallel_loop3A_1377 : i32
      %parallel_loop3A_1379 = arith.constant 0 : i32
      %parallel_loop3A_1380 = arith.cmpi sgt, %parallel_loop3A_1376, %parallel_loop3A_1379 : i32
      %parallel_loop3A_1381 = arith.extui %parallel_loop3A_1380 : i1 to i32
      %parallel_loop3A_1382 = arith.constant 0 : i32
      %parallel_loop3A_1383 = arith.cmpi slt, %parallel_loop3A_1376, %parallel_loop3A_1382 : i32
      %parallel_loop3A_1384 = arith.extui %parallel_loop3A_1383 : i1 to i32
      %parallel_loop3A_1385 = arith.subi %parallel_loop3A_1381, %parallel_loop3A_1384 : i32
      %parallel_loop3A_1386 = arith.constant 0 : i32
      %parallel_loop3A_1387 = arith.cmpi sgt, %parallel_loop3A_1377, %parallel_loop3A_1386 : i32
      %parallel_loop3A_1388 = arith.extui %parallel_loop3A_1387 : i1 to i32
      %parallel_loop3A_1389 = arith.constant 0 : i32
      %parallel_loop3A_1390 = arith.cmpi slt, %parallel_loop3A_1377, %parallel_loop3A_1389 : i32
      %parallel_loop3A_1391 = arith.extui %parallel_loop3A_1390 : i1 to i32
      %parallel_loop3A_1392 = arith.subi %parallel_loop3A_1388, %parallel_loop3A_1391 : i32
      %parallel_loop3A_1393 = arith.cmpi ne, %parallel_loop3A_1385, %parallel_loop3A_1392 : i32
      %parallel_loop3A_1394 = arith.remsi %parallel_loop3A_1376, %parallel_loop3A_1377 : i32
      %parallel_loop3A_1395 = arith.constant 0 : i32
      %parallel_loop3A_1396 = arith.cmpi ne, %parallel_loop3A_1394, %parallel_loop3A_1395 : i32
      %parallel_loop3A_1397 = arith.andi %parallel_loop3A_1393, %parallel_loop3A_1396 : i1
      %parallel_loop3A_1398 = arith.constant 1 : i32
      %parallel_loop3A_1399 = arith.subi %parallel_loop3A_1378, %parallel_loop3A_1398 : i32
      %parallel_loop3A_1400 = arith.select %parallel_loop3A_1397, %parallel_loop3A_1399, %parallel_loop3A_1378 : i32
      %parallel_loop3A_1401 = arith.constant 512 : i32
      %parallel_loop3A_1402 = arith.constant 0 : i32
      %parallel_loop3A_1403 = arith.cmpi eq, %parallel_loop3A_1401, %parallel_loop3A_1402 : i32
      %parallel_loop3A_1404 = arith.constant 1 : i32
      %parallel_loop3A_1405 = arith.select %parallel_loop3A_1403, %parallel_loop3A_1404, %parallel_loop3A_1401 : i32
      %parallel_loop3A_1406 = arith.remsi %parallel_loop3A_1376, %parallel_loop3A_1405 : i32
      %parallel_loop3A_1407 = arith.constant 0 : i32
      %parallel_loop3A_1408 = arith.cmpi ne, %parallel_loop3A_1406, %parallel_loop3A_1407 : i32
      %parallel_loop3A_1409 = arith.constant 0 : i32
      %parallel_loop3A_1410 = arith.cmpi slt, %parallel_loop3A_1406, %parallel_loop3A_1409 : i32
      %parallel_loop3A_1411 = arith.constant 0 : i32
      %parallel_loop3A_1412 = arith.cmpi slt, %parallel_loop3A_1405, %parallel_loop3A_1411 : i32
      %parallel_loop3A_1413 = arith.xori %parallel_loop3A_1410, %parallel_loop3A_1412 : i1
      %parallel_loop3A_1414 = arith.andi %parallel_loop3A_1413, %parallel_loop3A_1408 : i1
      %parallel_loop3A_1415 = arith.addi %parallel_loop3A_1406, %parallel_loop3A_1405 : i32
      %parallel_loop3A_1416 = arith.select %parallel_loop3A_1414, %parallel_loop3A_1415, %parallel_loop3A_1406 : i32
      %parallel_loop3A_1417 = arith.index_cast %parallel_loop3A_1400 : i32 to index
      %parallel_loop3A_1418 = arith.index_cast %parallel_loop3A_1416 : i32 to index
      %parallel_loop3A_1419 = tpu.vector_load %arg6[%parallel_loop3A_1417, %parallel_loop3A_1418] {strides = array<i32>} : memref<32x512xi32, #tpu.memory_space<vmem>>, vector<16xi32>,
      %parallel_loop3A_1420 = tpu.vector_load_idx %arg5[%parallel_loop3A_1419] : memref<256xf32, #tpu.memory_space<vmem>>[vector<16xi32>], vector<16xf32>,
      %parallel_loop3A_1421 = arith.index_cast %parallel_loop3A_1400 : i32 to index
      %parallel_loop3A_1422 = arith.index_cast %parallel_loop3A_1416 : i32 to index
      %parallel_loop3A_1423 = tpu.vector_load %arg8[%parallel_loop3A_1421, %parallel_loop3A_1422] {strides = array<i32>} : memref<32x512xf32, #tpu.memory_space<vmem>>, vector<16xf32>,
      tpu.vector_store %arg8[%parallel_loop3A_1421, %parallel_loop3A_1422], %parallel_loop3A_1420 {strides = array<i32>} : memref<32x512xf32, #tpu.memory_space<vmem>>, vector<16xf32>,
    } {sc.loop_unroll_factor = 8 : i64, sc.parallel_access}
    %add3A_33 = arith.constant 0 : i32
    %add3A_34 = arith.addi %mul3A_2, %add3A_33 : i32
    %dma_start3A_35 = arith.constant 0 : i32
    %dma_start3A_36 = arith.constant 0 : i32
    %dma_start3A_37 = tpu.memref_slice %arg4[%add3A_34, %dma_start3A_35, %dma_start3A_36] : memref<64x512x512xf32, #tpu.memory_space<hbm>> -> memref<1x32x512xf32, #tpu.memory_space<hbm>>
    %dma_start3A_38 = tpu.memref_squeeze %dma_start3A_37 : memref<1x32x512xf32, #tpu.memory_space<hbm>> -> memref<32x512xf32, #tpu.memory_space<hbm>>
    %dma_start3A_39 = arith.constant 0 : i32
    %dma_start3A_40 = arith.constant 0 : i32
    %dma_start3A_41 = tpu.memref_slice %arg4[%add3A_34, %dma_start3A_39, %dma_start3A_40] : memref<64x512x512xf32, #tpu.memory_space<hbm>> -> memref<1x32x512xf32, #tpu.memory_space<hbm>>
    %dma_start3A_42 = tpu.memref_squeeze %dma_start3A_41 : memref<1x32x512xf32, #tpu.memory_space<hbm>> -> memref<32x512xf32, #tpu.memory_space<hbm>>
    tpu.enqueue_dma source(%arg8 : memref<32x512xf32, #tpu.memory_space<vmem>>) target(%dma_start3A_42 : memref<32x512xf32, #tpu.memory_space<hbm>>) target_semaphore(%arg12 : memref<!tpu.dma_semaphore, #tpu.memory_space<semaphore_mem>>)
    %add3A_43 = arith.constant 0 : i32
    %add3A_44 = arith.addi %mul3A_2, %add3A_43 : i32
    %dma_start3A_45 = arith.constant 64 : i32
    %dma_start3A_46 = arith.constant 0 : i32
    %dma_start3A_47 = tpu.memref_slice %arg3[%add3A_44, %dma_start3A_45, %dma_start3A_46] : memref<64x512x512xi32, #tpu.memory_space<hbm>> -> memref<1x32x512xi32, #tpu.memory_space<hbm>>
    %dma_start3A_48 = tpu.memref_squeeze %dma_start3A_47 : memref<1x32x512xi32, #tpu.memory_space<hbm>> -> memref<32x512xi32, #tpu.memory_space<hbm>>
    %dma_start3A_49 = arith.constant 64 : i32
    %dma_start3A_50 = arith.constant 0 : i32
    %dma_start3A_51 = tpu.memref_slice %arg3[%add3A_44, %dma_start3A_49, %dma_start3A_50] : memref<64x512x512xi32, #tpu.memory_space<hbm>> -> memref<1x32x512xi32, #tpu.memory_space<hbm>>
    %dma_start3A_52 = tpu.memref_squeeze %dma_start3A_51 : memref<1x32x512xi32, #tpu.memory_space<hbm>> -> memref<32x512xi32, #tpu.memory_space<hbm>>
    tpu.enqueue_dma source(%dma_start3A_52 : memref<32x512xi32, #tpu.memory_space<hbm>>) target(%arg6 : memref<32x512xi32, #tpu.memory_space<vmem>>) target_semaphore(%arg10 : memref<!tpu.dma_semaphore, #tpu.memory_space<semaphore_mem>>)
    %add3A_53 = arith.constant 0 : i32
    %add3A_54 = arith.addi %mul3A_2, %add3A_53 : i32
    %dma_wait3A_55 = arith.constant 32 : i32
    %dma_wait3A_56 = arith.constant 0 : i32
    %dma_wait3A_57 = tpu.memref_slice %arg3[%add3A_54, %dma_wait3A_55, %dma_wait3A_56] : memref<64x512x512xi32, #tpu.memory_space<hbm>> -> memref<1x32x512xi32, #tpu.memory_space<hbm>>
    %dma_wait3A_58 = tpu.memref_squeeze %dma_wait3A_57 : memref<1x32x512xi32, #tpu.memory_space<hbm>> -> memref<32x512xi32, #tpu.memory_space<hbm>>
    %dma_wait3A_59 = arith.constant 32 : i32
    %dma_wait3A_60 = arith.constant 0 : i32
    %dma_wait3A_61 = tpu.memref_slice %arg3[%add3A_54, %dma_wait3A_59, %dma_wait3A_60] : memref<64x512x512xi32, #tpu.memory_space<hbm>> -> memref<1x32x512xi32, #tpu.memory_space<hbm>>
    %dma_wait3A_62 = tpu.memref_squeeze %dma_wait3A_61 : memref<1x32x512xi32, #tpu.memory_space<hbm>> -> memref<32x512xi32, #tpu.memory_space<hbm>>
    tpu.wait_dma2 semaphore(%arg11 : memref<!tpu.dma_semaphore, #tpu.memory_space<semaphore_mem>>) src(%dma_wait3A_62 : memref<32x512xi32, #tpu.memory_space<hbm>>) dst(%arg7 : memref<32x512xi32, #tpu.memory_space<vmem>>)
    %parallel_loop3A_63 = arith.constant 0 : i32
    %parallel_loop3A_64 = arith.constant 16384 : i32
    %parallel_loop3A_65 = arith.constant 16 : i32
    scf.for %parallel_loop3A_1376 = %parallel_loop3A_63 to %parallel_loop3A_64 step %parallel_loop3A_65  : i32 {
      %parallel_loop3A_1377 = arith.constant 512 : i32
      %parallel_loop3A_1378 = arith.divsi %parallel_loop3A_1376, %parallel_loop3A_1377 : i32
      %parallel_loop3A_1379 = arith.constant 0 : i32
      %parallel_loop3A_1380 = arith.cmpi sgt, %parallel_loop3A_1376, %parallel_loop3A_1379 : i32
      %parallel_loop3A_1381 = arith.extui %parallel_loop3A_1380 : i1 to i32
      %parallel_loop3A_1382 = arith.constant 0 : i32
      %parallel_loop3A_1383 = arith.cmpi slt, %parallel_loop3A_1376, %parallel_loop3A_1382 : i32
      %parallel_loop3A_1384 = arith.extui %parallel_loop3A_1383 : i1 to i32
      %parallel_loop3A_1385 = arith.subi %parallel_loop3A_1381, %parallel_loop3A_1384 : i32
      %parallel_loop3A_1386 = arith.constant 0 : i32
      %parallel_loop3A_1387 = arith.cmpi sgt, %parallel_loop3A_1377, %parallel_loop3A_1386 : i32
      %parallel_loop3A_1388 = arith.extui %parallel_loop3A_1387 : i1 to i32
      %parallel_loop3A_1389 = arith.constant 0 : i32
      %parallel_loop3A_1390 = arith.cmpi slt, %parallel_loop3A_1377, %parallel_loop3A_1389 : i32
      %parallel_loop3A_1391 = arith.extui %parallel_loop3A_1390 : i1 to i32
      %parallel_loop3A_1392 = arith.subi %parallel_loop3A_1388, %parallel_loop3A_1391 : i32
      %parallel_loop3A_1393 = arith.cmpi ne, %parallel_loop3A_1385, %parallel_loop3A_1392 : i32
      %parallel_loop3A_1394 = arith.remsi %parallel_loop3A_1376, %parallel_loop3A_1377 : i32
      %parallel_loop3A_1395 = arith.constant 0 : i32
      %parallel_loop3A_1396 = arith.cmpi ne, %parallel_loop3A_1394, %parallel_loop3A_1395 : i32
      %parallel_loop3A_1397 = arith.andi %parallel_loop3A_1393, %parallel_loop3A_1396 : i1
      %parallel_loop3A_1398 = arith.constant 1 : i32
      %parallel_loop3A_1399 = arith.subi %parallel_loop3A_1378, %parallel_loop3A_1398 : i32
      %parallel_loop3A_1400 = arith.select %parallel_loop3A_1397, %parallel_loop3A_1399, %parallel_loop3A_1378 : i32
      %parallel_loop3A_1401 = arith.constant 512 : i32
      %parallel_loop3A_1402 = arith.constant 0 : i32
      %parallel_loop3A_1403 = arith.cmpi eq, %parallel_loop3A_1401, %parallel_loop3A_1402 : i32
      %parallel_loop3A_1404 = arith.constant 1 : i32
      %parallel_loop3A_1405 = arith.select %parallel_loop3A_1403, %parallel_loop3A_1404, %parallel_loop3A_1401 : i32
      %parallel_loop3A_1406 = arith.remsi %parallel_loop3A_1376, %parallel_loop3A_1405 : i32
      %parallel_loop3A_1407 = arith.constant 0 : i32
      %parallel_loop3A_1408 = arith.cmpi ne, %parallel_loop3A_1406, %parallel_loop3A_1407 : i32
      %parallel_loop3A_1409 = arith.constant 0 : i32
      %parallel_loop3A_1410 = arith.cmpi slt, %parallel_loop3A_1406, %parallel_loop3A_1409 : i32
      %parallel_loop3A_1411 = arith.constant 0 : i32
      %parallel_loop3A_1412 = arith.cmpi slt, %parallel_loop3A_1405, %parallel_loop3A_1411 : i32
      %parallel_loop3A_1413 = arith.xori %parallel_loop3A_1410, %parallel_loop3A_1412 : i1
      %parallel_loop3A_1414 = arith.andi %parallel_loop3A_1413, %parallel_loop3A_1408 : i1
      %parallel_loop3A_1415 = arith.addi %parallel_loop3A_1406, %parallel_loop3A_1405 : i32
      %parallel_loop3A_1416 = arith.select %parallel_loop3A_1414, %parallel_loop3A_1415, %parallel_loop3A_1406 : i32
      %parallel_loop3A_1417 = arith.index_cast %parallel_loop3A_1400 : i32 to index
      %parallel_loop3A_1418 = arith.index_cast %parallel_loop3A_1416 : i32 to index
      %parallel_loop3A_1419 = tpu.vector_load %arg7[%parallel_loop3A_1417, %parallel_loop3A_1418] {strides = array<i32>} : memref<32x512xi32, #tpu.memory_space<vmem>>, vector<16xi32>,
      %parallel_loop3A_1420 = tpu.vector_load_idx %arg5[%parallel_loop3A_1419] : memref<256xf32, #tpu.memory_space<vmem>>[vector<16xi32>], vector<16xf32>,
      %parallel_loop3A_1421 = arith.index_cast %parallel_loop3A_1400 : i32 to index
      %parallel_loop3A_1422 = arith.index_cast %parallel_loop3A_1416 : i32 to index
      %parallel_loop3A_1423 = tpu.vector_load %arg9[%parallel_loop3A_1421, %parallel_loop3A_1422] {strides = array<i32>} : memref<32x512xf32, #tpu.memory_space<vmem>>, vector<16xf32>,
      tpu.vector_store %arg9[%parallel_loop3A_1421, %parallel_loop3A_1422], %parallel_loop3A_1420 {strides = array<i32>} : memref<32x512xf32, #tpu.memory_space<vmem>>, vector<16xf32>,
    } {sc.loop_unroll_factor = 8 : i64, sc.parallel_access}
    %add3A_66 = arith.constant 0 : i32
    %add3A_67 = arith.addi %mul3A_2, %add3A_66 : i32
    %dma_start3A_68 = arith.constant 32 : i32
    %dma_start3A_69 = arith.constant 0 : i32
    %dma_start3A_70 = tpu.memref_slice %arg4[%add3A_67, %dma_start3A_68, %dma_start3A_69] : memref<64x512x512xf32, #tpu.memory_space<hbm>> -> memref<1x32x512xf32, #tpu.memory_space<hbm>>
    %dma_start3A_71 = tpu.memref_squeeze %dma_start3A_70 : memref<1x32x512xf32, #tpu.memory_space<hbm>> -> memref<32x512xf32, #tpu.memory_space<hbm>>
    %dma_start3A_72 = arith.constant 32 : i32
    %dma_start3A_73 = arith.constant 0 : i32
    %dma_start3A_74 = tpu.memref_slice %arg4[%add3A_67, %dma_start3A_72, %dma_start3A_73] : memref<64x512x512xf32, #tpu.memory_space<hbm>> -> memref<1x32x512xf32, #tpu.memory_space<hbm>>
    %dma_start3A_75 = tpu.memref_squeeze %dma_start3A_74 : memref<1x32x512xf32, #tpu.memory_space<hbm>> -> memref<32x512xf32, #tpu.memory_space<hbm>>
    tpu.enqueue_dma source(%arg9 : memref<32x512xf32, #tpu.memory_space<vmem>>) target(%dma_start3A_75 : memref<32x512xf32, #tpu.memory_space<hbm>>) target_semaphore(%arg13 : memref<!tpu.dma_semaphore, #tpu.memory_space<semaphore_mem>>)
    %add3A_76 = arith.constant 0 : i32
    %add3A_77 = arith.addi %mul3A_2, %add3A_76 : i32
    %dma_start3A_78 = arith.constant 96 : i32
    %dma_start3A_79 = arith.constant 0 : i32
    %dma_start3A_80 = tpu.memref_slice %arg3[%add3A_77, %dma_start3A_78, %dma_start3A_79] : memref<64x512x512xi32, #tpu.memory_space<hbm>> -> memref<1x32x512xi32, #tpu.memory_space<hbm>>
    %dma_start3A_81 = tpu.memref_squeeze %dma_start3A_80 : memref<1x32x512xi32, #tpu.memory_space<hbm>> -> memref<32x512xi32, #tpu.memory_space<hbm>>
    %dma_start3A_82 = arith.constant 96 : i32
    %dma_start3A_83 = arith.constant 0 : i32
    %dma_start3A_84 = tpu.memref_slice %arg3[%add3A_77, %dma_start3A_82, %dma_start3A_83] : memref<64x512x512xi32, #tpu.memory_space<hbm>> -> memref<1x32x512xi32, #tpu.memory_space<hbm>>
    %dma_start3A_85 = tpu.memref_squeeze %dma_start3A_84 : memref<1x32x512xi32, #tpu.memory_space<hbm>> -> memref<32x512xi32, #tpu.memory_space<hbm>>
    tpu.enqueue_dma source(%dma_start3A_85 : memref<32x512xi32, #tpu.memory_space<hbm>>) target(%arg7 : memref<32x512xi32, #tpu.memory_space<vmem>>) target_semaphore(%arg11 : memref<!tpu.dma_semaphore, #tpu.memory_space<semaphore_mem>>)
    %add3A_86 = arith.constant 0 : i32
    %add3A_87 = arith.addi %mul3A_2, %add3A_86 : i32
    %dma_wait3A_88 = arith.constant 64 : i32
    %dma_wait3A_89 = arith.constant 0 : i32
    %dma_wait3A_90 = tpu.memref_slice %arg3[%add3A_87, %dma_wait3A_88, %dma_wait3A_89] : memref<64x512x512xi32, #tpu.memory_space<hbm>> -> memref<1x32x512xi32, #tpu.memory_space<hbm>>
    %dma_wait3A_91 = tpu.memref_squeeze %dma_wait3A_90 : memref<1x32x512xi32, #tpu.memory_space<hbm>> -> memref<32x512xi32, #tpu.memory_space<hbm>>
    %dma_wait3A_92 = arith.constant 64 : i32
    %dma_wait3A_93 = arith.constant 0 : i32
    %dma_wait3A_94 = tpu.memref_slice %arg3[%add3A_87, %dma_wait3A_92, %dma_wait3A_93] : memref<64x512x512xi32, #tpu.memory_space<hbm>> -> memref<1x32x512xi32, #tpu.memory_space<hbm>>
    %dma_wait3A_95 = tpu.memref_squeeze %dma_wait3A_94 : memref<1x32x512xi32, #tpu.memory_space<hbm>> -> memref<32x512xi32, #tpu.memory_space<hbm>>
    tpu.wait_dma2 semaphore(%arg10 : memref<!tpu.dma_semaphore, #tpu.memory_space<semaphore_mem>>) src(%dma_wait3A_95 : memref<32x512xi32, #tpu.memory_space<hbm>>) dst(%arg6 : memref<32x512xi32, #tpu.memory_space<vmem>>)
    %add3A_96 = arith.constant 0 : i32
    %add3A_97 = arith.addi %mul3A_2, %add3A_96 : i32
    %dma_wait3A_98 = arith.constant 0 : i32
    %dma_wait3A_99 = arith.constant 0 : i32
    %dma_wait3A_100 = tpu.memref_slice %arg4[%add3A_97, %dma_wait3A_98, %dma_wait3A_99] : memref<64x512x512xf32, #tpu.memory_space<hbm>> -> memref<1x32x512xf32, #tpu.memory_space<hbm>>
    %dma_wait3A_101 = tpu.memref_squeeze %dma_wait3A_100 : memref<1x32x512xf32, #tpu.memory_space<hbm>> -> memref<32x512xf32, #tpu.memory_space<hbm>>
    %dma_wait3A_102 = arith.constant 0 : i32
    %dma_wait3A_103 = arith.constant 0 : i32
    %dma_wait3A_104 = tpu.memref_slice %arg4[%add3A_97, %dma_wait3A_102, %dma_wait3A_103] : memref<64x512x512xf32, #tpu.memory_space<hbm>> -> memref<1x32x512xf32, #tpu.memory_space<hbm>>
    %dma_wait3A_105 = tpu.memref_squeeze %dma_wait3A_104 : memref<1x32x512xf32, #tpu.memory_space<hbm>> -> memref<32x512xf32, #tpu.memory_space<hbm>>
    tpu.wait_dma2 semaphore(%arg12 : memref<!tpu.dma_semaphore, #tpu.memory_space<semaphore_mem>>) src(%arg8 : memref<32x512xf32, #tpu.memory_space<vmem>>) dst(%dma_wait3A_105 : memref<32x512xf32, #tpu.memory_space<hbm>>)
    %parallel_loop3A_106 = arith.constant 0 : i32
    %parallel_loop3A_107 = arith.constant 16384 : i32
    %parallel_loop3A_108 = arith.constant 16 : i32
    scf.for %parallel_loop3A_1376 = %parallel_loop3A_106 to %parallel_loop3A_107 step %parallel_loop3A_108  : i32 {
      %parallel_loop3A_1377 = arith.constant 512 : i32
      %parallel_loop3A_1378 = arith.divsi %parallel_loop3A_1376, %parallel_loop3A_1377 : i32
      %parallel_loop3A_1379 = arith.constant 0 : i32
      %parallel_loop3A_1380 = arith.cmpi sgt, %parallel_loop3A_1376, %parallel_loop3A_1379 : i32
      %parallel_loop3A_1381 = arith.extui %parallel_loop3A_1380 : i1 to i32
      %parallel_loop3A_1382 = arith.constant 0 : i32
      %parallel_loop3A_1383 = arith.cmpi slt, %parallel_loop3A_1376, %parallel_loop3A_1382 : i32
      %parallel_loop3A_1384 = arith.extui %parallel_loop3A_1383 : i1 to i32
      %parallel_loop3A_1385 = arith.subi %parallel_loop3A_1381, %parallel_loop3A_1384 : i32
      %parallel_loop3A_1386 = arith.constant 0 : i32
      %parallel_loop3A_1387 = arith.cmpi sgt, %parallel_loop3A_1377, %parallel_loop3A_1386 : i32
      %parallel_loop3A_1388 = arith.extui %parallel_loop3A_1387 : i1 to i32
      %parallel_loop3A_1389 = arith.constant 0 : i32
      %parallel_loop3A_1390 = arith.cmpi slt, %parallel_loop3A_1377, %parallel_loop3A_1389 : i32
      %parallel_loop3A_1391 = arith.extui %parallel_loop3A_1390 : i1 to i32
      %parallel_loop3A_1392 = arith.subi %parallel_loop3A_1388, %parallel_loop3A_1391 : i32
      %parallel_loop3A_1393 = arith.cmpi ne, %parallel_loop3A_1385, %parallel_loop3A_1392 : i32
      %parallel_loop3A_1394 = arith.remsi %parallel_loop3A_1376, %parallel_loop3A_1377 : i32
      %parallel_loop3A_1395 = arith.constant 0 : i32
      %parallel_loop3A_1396 = arith.cmpi ne, %parallel_loop3A_1394, %parallel_loop3A_1395 : i32
      %parallel_loop3A_1397 = arith.andi %parallel_loop3A_1393, %parallel_loop3A_1396 : i1
      %parallel_loop3A_1398 = arith.constant 1 : i32
      %parallel_loop3A_1399 = arith.subi %parallel_loop3A_1378, %parallel_loop3A_1398 : i32
      %parallel_loop3A_1400 = arith.select %parallel_loop3A_1397, %parallel_loop3A_1399, %parallel_loop3A_1378 : i32
      %parallel_loop3A_1401 = arith.constant 512 : i32
      %parallel_loop3A_1402 = arith.constant 0 : i32
      %parallel_loop3A_1403 = arith.cmpi eq, %parallel_loop3A_1401, %parallel_loop3A_1402 : i32
      %parallel_loop3A_1404 = arith.constant 1 : i32
      %parallel_loop3A_1405 = arith.select %parallel_loop3A_1403, %parallel_loop3A_1404, %parallel_loop3A_1401 : i32
      %parallel_loop3A_1406 = arith.remsi %parallel_loop3A_1376, %parallel_loop3A_1405 : i32
      %parallel_loop3A_1407 = arith.constant 0 : i32
      %parallel_loop3A_1408 = arith.cmpi ne, %parallel_loop3A_1406, %parallel_loop3A_1407 : i32
      %parallel_loop3A_1409 = arith.constant 0 : i32
      %parallel_loop3A_1410 = arith.cmpi slt, %parallel_loop3A_1406, %parallel_loop3A_1409 : i32
      %parallel_loop3A_1411 = arith.constant 0 : i32
      %parallel_loop3A_1412 = arith.cmpi slt, %parallel_loop3A_1405, %parallel_loop3A_1411 : i32
      %parallel_loop3A_1413 = arith.xori %parallel_loop3A_1410, %parallel_loop3A_1412 : i1
      %parallel_loop3A_1414 = arith.andi %parallel_loop3A_1413, %parallel_loop3A_1408 : i1
      %parallel_loop3A_1415 = arith.addi %parallel_loop3A_1406, %parallel_loop3A_1405 : i32
      %parallel_loop3A_1416 = arith.select %parallel_loop3A_1414, %parallel_loop3A_1415, %parallel_loop3A_1406 : i32
      %parallel_loop3A_1417 = arith.index_cast %parallel_loop3A_1400 : i32 to index
      %parallel_loop3A_1418 = arith.index_cast %parallel_loop3A_1416 : i32 to index
      %parallel_loop3A_1419 = tpu.vector_load %arg6[%parallel_loop3A_1417, %parallel_loop3A_1418] {strides = array<i32>} : memref<32x512xi32, #tpu.memory_space<vmem>>, vector<16xi32>,
      %parallel_loop3A_1420 = tpu.vector_load_idx %arg5[%parallel_loop3A_1419] : memref<256xf32, #tpu.memory_space<vmem>>[vector<16xi32>], vector<16xf32>,
      %parallel_loop3A_1421 = arith.index_cast %parallel_loop3A_1400 : i32 to index
      %parallel_loop3A_1422 = arith.index_cast %parallel_loop3A_1416 : i32 to index
      %parallel_loop3A_1423 = tpu.vector_load %arg8[%parallel_loop3A_1421, %parallel_loop3A_1422] {strides = array<i32>} : memref<32x512xf32, #tpu.memory_space<vmem>>, vector<16xf32>,
      tpu.vector_store %arg8[%parallel_loop3A_1421, %parallel_loop3A_1422], %parallel_loop3A_1420 {strides = array<i32>} : memref<32x512xf32, #tpu.memory_space<vmem>>, vector<16xf32>,
    } {sc.loop_unroll_factor = 8 : i64, sc.parallel_access}
    %add3A_109 = arith.constant 0 : i32
    %add3A_110 = arith.addi %mul3A_2, %add3A_109 : i32
    %dma_start3A_111 = arith.constant 64 : i32
    %dma_start3A_112 = arith.constant 0 : i32
    %dma_start3A_113 = tpu.memref_slice %arg4[%add3A_110, %dma_start3A_111, %dma_start3A_112] : memref<64x512x512xf32, #tpu.memory_space<hbm>> -> memref<1x32x512xf32, #tpu.memory_space<hbm>>
    %dma_start3A_114 = tpu.memref_squeeze %dma_start3A_113 : memref<1x32x512xf32, #tpu.memory_space<hbm>> -> memref<32x512xf32, #tpu.memory_space<hbm>>
    %dma_start3A_115 = arith.constant 64 : i32
    %dma_start3A_116 = arith.constant 0 : i32
    %dma_start3A_117 = tpu.memref_slice %arg4[%add3A_110, %dma_start3A_115, %dma_start3A_116] : memref<64x512x512xf32, #tpu.memory_space<hbm>> -> memref<1x32x512xf32, #tpu.memory_space<hbm>>
    %dma_start3A_118 = tpu.memref_squeeze %dma_start3A_117 : memref<1x32x512xf32, #tpu.memory_space<hbm>> -> memref<32x512xf32, #tpu.memory_space<hbm>>
    tpu.enqueue_dma source(%arg8 : memref<32x512xf32, #tpu.memory_space<vmem>>) target(%dma_start3A_118 : memref<32x512xf32, #tpu.memory_space<hbm>>) target_semaphore(%arg12 : memref<!tpu.dma_semaphore, #tpu.memory_space<semaphore_mem>>)
    %add3A_119 = arith.constant 0 : i32
    %add3A_120 = arith.addi %mul3A_2, %add3A_119 : i32
    %dma_start3A_121 = arith.constant 128 : i32
    %dma_start3A_122 = arith.constant 0 : i32
    %dma_start3A_123 = tpu.memref_slice %arg3[%add3A_120, %dma_start3A_121, %dma_start3A_122] : memref<64x512x512xi32, #tpu.memory_space<hbm>> -> memref<1x32x512xi32, #tpu.memory_space<hbm>>
    %dma_start3A_124 = tpu.memref_squeeze %dma_start3A_123 : memref<1x32x512xi32, #tpu.memory_space<hbm>> -> memref<32x512xi32, #tpu.memory_space<hbm>>
    %dma_start3A_125 = arith.constant 128 : i32
    %dma_start3A_126 = arith.constant 0 : i32
    %dma_start3A_127 = tpu.memref_slice %arg3[%add3A_120, %dma_start3A_125, %dma_start3A_126] : memref<64x512x512xi32, #tpu.memory_space<hbm>> -> memref<1x32x512xi32, #tpu.memory_space<hbm>>
    %dma_start3A_128 = tpu.memref_squeeze %dma_start3A_127 : memref<1x32x512xi32, #tpu.memory_space<hbm>> -> memref<32x512xi32, #tpu.memory_space<hbm>>
    tpu.enqueue_dma source(%dma_start3A_128 : memref<32x512xi32, #tpu.memory_space<hbm>>) target(%arg6 : memref<32x512xi32, #tpu.memory_space<vmem>>) target_semaphore(%arg10 : memref<!tpu.dma_semaphore, #tpu.memory_space<semaphore_mem>>)
    %add3A_129 = arith.constant 0 : i32
    %add3A_130 = arith.addi %mul3A_2, %add3A_129 : i32
    %dma_wait3A_131 = arith.constant 96 : i32
    %dma_wait3A_132 = arith.constant 0 : i32
    %dma_wait3A_133 = tpu.memref_slice %arg3[%add3A_130, %dma_wait3A_131, %dma_wait3A_132] : memref<64x512x512xi32, #tpu.memory_space<hbm>> -> memref<1x32x512xi32, #tpu.memory_space<hbm>>
    %dma_wait3A_134 = tpu.memref_squeeze %dma_wait3A_133 : memref<1x32x512xi32, #tpu.memory_space<hbm>> -> memref<32x512xi32, #tpu.memory_space<hbm>>
    %dma_wait3A_135 = arith.constant 96 : i32
    %dma_wait3A_136 = arith.constant 0 : i32
    %dma_wait3A_137 = tpu.memref_slice %arg3[%add3A_130, %dma_wait3A_135, %dma_wait3A_136] : memref<64x512x512xi32, #tpu.memory_space<hbm>> -> memref<1x32x512xi32, #tpu.memory_space<hbm>>
    %dma_wait3A_138 = tpu.memref_squeeze %dma_wait3A_137 : memref<1x32x512xi32, #tpu.memory_space<hbm>> -> memref<32x512xi32, #tpu.memory_space<hbm>>
    tpu.wait_dma2 semaphore(%arg11 : memref<!tpu.dma_semaphore, #tpu.memory_space<semaphore_mem>>) src(%dma_wait3A_138 : memref<32x512xi32, #tpu.memory_space<hbm>>) dst(%arg7 : memref<32x512xi32, #tpu.memory_space<vmem>>)
    %add3A_139 = arith.constant 0 : i32
    %add3A_140 = arith.addi %mul3A_2, %add3A_139 : i32
    %dma_wait3A_141 = arith.constant 32 : i32
    %dma_wait3A_142 = arith.constant 0 : i32
    %dma_wait3A_143 = tpu.memref_slice %arg4[%add3A_140, %dma_wait3A_141, %dma_wait3A_142] : memref<64x512x512xf32, #tpu.memory_space<hbm>> -> memref<1x32x512xf32, #tpu.memory_space<hbm>>
    %dma_wait3A_144 = tpu.memref_squeeze %dma_wait3A_143 : memref<1x32x512xf32, #tpu.memory_space<hbm>> -> memref<32x512xf32, #tpu.memory_space<hbm>>
    %dma_wait3A_145 = arith.constant 32 : i32
    %dma_wait3A_146 = arith.constant 0 : i32
    %dma_wait3A_147 = tpu.memref_slice %arg4[%add3A_140, %dma_wait3A_145, %dma_wait3A_146] : memref<64x512x512xf32, #tpu.memory_space<hbm>> -> memref<1x32x512xf32, #tpu.memory_space<hbm>>
    %dma_wait3A_148 = tpu.memref_squeeze %dma_wait3A_147 : memref<1x32x512xf32, #tpu.memory_space<hbm>> -> memref<32x512xf32, #tpu.memory_space<hbm>>
    tpu.wait_dma2 semaphore(%arg13 : memref<!tpu.dma_semaphore, #tpu.memory_space<semaphore_mem>>) src(%arg9 : memref<32x512xf32, #tpu.memory_space<vmem>>) dst(%dma_wait3A_148 : memref<32x512xf32, #tpu.memory_space<hbm>>)
    %parallel_loop3A_149 = arith.constant 0 : i32
    %parallel_loop3A_150 = arith.constant 16384 : i32
    %parallel_loop3A_151 = arith.constant 16 : i32
    scf.for %parallel_loop3A_1376 = %parallel_loop3A_149 to %parallel_loop3A_150 step %parallel_loop3A_151  : i32 {
      %parallel_loop3A_1377 = arith.constant 512 : i32
      %parallel_loop3A_1378 = arith.divsi %parallel_loop3A_1376, %parallel_loop3A_1377 : i32
      %parallel_loop3A_1379 = arith.constant 0 : i32
      %parallel_loop3A_1380 = arith.cmpi sgt, %parallel_loop3A_1376, %parallel_loop3A_1379 : i32
      %parallel_loop3A_1381 = arith.extui %parallel_loop3A_1380 : i1 to i32
      %parallel_loop3A_1382 = arith.constant 0 : i32
      %parallel_loop3A_1383 = arith.cmpi slt, %parallel_loop3A_1376, %parallel_loop3A_1382 : i32
      %parallel_loop3A_1384 = arith.extui %parallel_loop3A_1383 : i1 to i32
      %parallel_loop3A_1385 = arith.subi %parallel_loop3A_1381, %parallel_loop3A_1384 : i32
      %parallel_loop3A_1386 = arith.constant 0 : i32
      %parallel_loop3A_1387 = arith.cmpi sgt, %parallel_loop3A_1377, %parallel_loop3A_1386 : i32
      %parallel_loop3A_1388 = arith.extui %parallel_loop3A_1387 : i1 to i32
      %parallel_loop3A_1389 = arith.constant 0 : i32
      %parallel_loop3A_1390 = arith.cmpi slt, %parallel_loop3A_1377, %parallel_loop3A_1389 : i32
      %parallel_loop3A_1391 = arith.extui %parallel_loop3A_1390 : i1 to i32
      %parallel_loop3A_1392 = arith.subi %parallel_loop3A_1388, %parallel_loop3A_1391 : i32
      %parallel_loop3A_1393 = arith.cmpi ne, %parallel_loop3A_1385, %parallel_loop3A_1392 : i32
      %parallel_loop3A_1394 = arith.remsi %parallel_loop3A_1376, %parallel_loop3A_1377 : i32
      %parallel_loop3A_1395 = arith.constant 0 : i32
      %parallel_loop3A_1396 = arith.cmpi ne, %parallel_loop3A_1394, %parallel_loop3A_1395 : i32
      %parallel_loop3A_1397 = arith.andi %parallel_loop3A_1393, %parallel_loop3A_1396 : i1
      %parallel_loop3A_1398 = arith.constant 1 : i32
      %parallel_loop3A_1399 = arith.subi %parallel_loop3A_1378, %parallel_loop3A_1398 : i32
      %parallel_loop3A_1400 = arith.select %parallel_loop3A_1397, %parallel_loop3A_1399, %parallel_loop3A_1378 : i32
      %parallel_loop3A_1401 = arith.constant 512 : i32
      %parallel_loop3A_1402 = arith.constant 0 : i32
      %parallel_loop3A_1403 = arith.cmpi eq, %parallel_loop3A_1401, %parallel_loop3A_1402 : i32
      %parallel_loop3A_1404 = arith.constant 1 : i32
      %parallel_loop3A_1405 = arith.select %parallel_loop3A_1403, %parallel_loop3A_1404, %parallel_loop3A_1401 : i32
      %parallel_loop3A_1406 = arith.remsi %parallel_loop3A_1376, %parallel_loop3A_1405 : i32
      %parallel_loop3A_1407 = arith.constant 0 : i32
      %parallel_loop3A_1408 = arith.cmpi ne, %parallel_loop3A_1406, %parallel_loop3A_1407 : i32
      %parallel_loop3A_1409 = arith.constant 0 : i32
      %parallel_loop3A_1410 = arith.cmpi slt, %parallel_loop3A_1406, %parallel_loop3A_1409 : i32
      %parallel_loop3A_1411 = arith.constant 0 : i32
      %parallel_loop3A_1412 = arith.cmpi slt, %parallel_loop3A_1405, %parallel_loop3A_1411 : i32
      %parallel_loop3A_1413 = arith.xori %parallel_loop3A_1410, %parallel_loop3A_1412 : i1
      %parallel_loop3A_1414 = arith.andi %parallel_loop3A_1413, %parallel_loop3A_1408 : i1
      %parallel_loop3A_1415 = arith.addi %parallel_loop3A_1406, %parallel_loop3A_1405 : i32
      %parallel_loop3A_1416 = arith.select %parallel_loop3A_1414, %parallel_loop3A_1415, %parallel_loop3A_1406 : i32
      %parallel_loop3A_1417 = arith.index_cast %parallel_loop3A_1400 : i32 to index
      %parallel_loop3A_1418 = arith.index_cast %parallel_loop3A_1416 : i32 to index
      %parallel_loop3A_1419 = tpu.vector_load %arg7[%parallel_loop3A_1417, %parallel_loop3A_1418] {strides = array<i32>} : memref<32x512xi32, #tpu.memory_space<vmem>>, vector<16xi32>,
      %parallel_loop3A_1420 = tpu.vector_load_idx %arg5[%parallel_loop3A_1419] : memref<256xf32, #tpu.memory_space<vmem>>[vector<16xi32>], vector<16xf32>,
      %parallel_loop3A_1421 = arith.index_cast %parallel_loop3A_1400 : i32 to index
      %parallel_loop3A_1422 = arith.index_cast %parallel_loop3A_1416 : i32 to index
      %parallel_loop3A_1423 = tpu.vector_load %arg9[%parallel_loop3A_1421, %parallel_loop3A_1422] {strides = array<i32>} : memref<32x512xf32, #tpu.memory_space<vmem>>, vector<16xf32>,
      tpu.vector_store %arg9[%parallel_loop3A_1421, %parallel_loop3A_1422], %parallel_loop3A_1420 {strides = array<i32>} : memref<32x512xf32, #tpu.memory_space<vmem>>, vector<16xf32>,
    } {sc.loop_unroll_factor = 8 : i64, sc.parallel_access}
    %add3A_152 = arith.constant 0 : i32
    %add3A_153 = arith.addi %mul3A_2, %add3A_152 : i32
    %dma_start3A_154 = arith.constant 96 : i32
    %dma_start3A_155 = arith.constant 0 : i32
    %dma_start3A_156 = tpu.memref_slice %arg4[%add3A_153, %dma_start3A_154, %dma_start3A_155] : memref<64x512x512xf32, #tpu.memory_space<hbm>> -> memref<1x32x512xf32, #tpu.memory_space<hbm>>
    %dma_start3A_157 = tpu.memref_squeeze %dma_start3A_156 : memref<1x32x512xf32, #tpu.memory_space<hbm>> -> memref<32x512xf32, #tpu.memory_space<hbm>>
    %dma_start3A_158 = arith.constant 96 : i32
    %dma_start3A_159 = arith.constant 0 : i32
    %dma_start3A_160 = tpu.memref_slice %arg4[%add3A_153, %dma_start3A_158, %dma_start3A_159] : memref<64x512x512xf32, #tpu.memory_space<hbm>> -> memref<1x32x512xf32, #tpu.memory_space<hbm>>
    %dma_start3A_161 = tpu.memref_squeeze %dma_start3A_160 : memref<1x32x512xf32, #tpu.memory_space<hbm>> -> memref<32x512xf32, #tpu.memory_space<hbm>>
    tpu.enqueue_dma source(%arg9 : memref<32x512xf32, #tpu.memory_space<vmem>>) target(%dma_start3A_161 : memref<32x512xf32, #tpu.memory_space<hbm>>) target_semaphore(%arg13 : memref<!tpu.dma_semaphore, #tpu.memory_space<semaphore_mem>>)
    %add3A_162 = arith.constant 0 : i32
    %add3A_163 = arith.addi %mul3A_2, %add3A_162 : i32
    %dma_start3A_164 = arith.constant 160 : i32
    %dma_start3A_165 = arith.constant 0 : i32
    %dma_start3A_166 = tpu.memref_slice %arg3[%add3A_163, %dma_start3A_164, %dma_start3A_165] : memref<64x512x512xi32, #tpu.memory_space<hbm>> -> memref<1x32x512xi32, #tpu.memory_space<hbm>>
    %dma_start3A_167 = tpu.memref_squeeze %dma_start3A_166 : memref<1x32x512xi32, #tpu.memory_space<hbm>> -> memref<32x512xi32, #tpu.memory_space<hbm>>
    %dma_start3A_168 = arith.constant 160 : i32
    %dma_start3A_169 = arith.constant 0 : i32
    %dma_start3A_170 = tpu.memref_slice %arg3[%add3A_163, %dma_start3A_168, %dma_start3A_169] : memref<64x512x512xi32, #tpu.memory_space<hbm>> -> memref<1x32x512xi32, #tpu.memory_space<hbm>>
    %dma_start3A_171 = tpu.memref_squeeze %dma_start3A_170 : memref<1x32x512xi32, #tpu.memory_space<hbm>> -> memref<32x512xi32, #tpu.memory_space<hbm>>
    tpu.enqueue_dma source(%dma_start3A_171 : memref<32x512xi32, #tpu.memory_space<hbm>>) target(%arg7 : memref<32x512xi32, #tpu.memory_space<vmem>>) target_semaphore(%arg11 : memref<!tpu.dma_semaphore, #tpu.memory_space<semaphore_mem>>)
    %add3A_172 = arith.constant 0 : i32
    %add3A_173 = arith.addi %mul3A_2, %add3A_172 : i32
    %dma_wait3A_174 = arith.constant 128 : i32
    %dma_wait3A_175 = arith.constant 0 : i32
    %dma_wait3A_176 = tpu.memref_slice %arg3[%add3A_173, %dma_wait3A_174, %dma_wait3A_175] : memref<64x512x512xi32, #tpu.memory_space<hbm>> -> memref<1x32x512xi32, #tpu.memory_space<hbm>>
    %dma_wait3A_177 = tpu.memref_squeeze %dma_wait3A_176 : memref<1x32x512xi32, #tpu.memory_space<hbm>> -> memref<32x512xi32, #tpu.memory_space<hbm>>
    %dma_wait3A_178 = arith.constant 128 : i32
    %dma_wait3A_179 = arith.constant 0 : i32
    %dma_wait3A_180 = tpu.memref_slice %arg3[%add3A_173, %dma_wait3A_178, %dma_wait3A_179] : memref<64x512x512xi32, #tpu.memory_space<hbm>> -> memref<1x32x512xi32, #tpu.memory_space<hbm>>
    %dma_wait3A_181 = tpu.memref_squeeze %dma_wait3A_180 : memref<1x32x512xi32, #tpu.memory_space<hbm>> -> memref<32x512xi32, #tpu.memory_space<hbm>>
    tpu.wait_dma2 semaphore(%arg10 : memref<!tpu.dma_semaphore, #tpu.memory_space<semaphore_mem>>) src(%dma_wait3A_181 : memref<32x512xi32, #tpu.memory_space<hbm>>) dst(%arg6 : memref<32x512xi32, #tpu.memory_space<vmem>>)
    %add3A_182 = arith.constant 0 : i32
    %add3A_183 = arith.addi %mul3A_2, %add3A_182 : i32
    %dma_wait3A_184 = arith.constant 64 : i32
    %dma_wait3A_185 = arith.constant 0 : i32
    %dma_wait3A_186 = tpu.memref_slice %arg4[%add3A_183, %dma_wait3A_184, %dma_wait3A_185] : memref<64x512x512xf32, #tpu.memory_space<hbm>> -> memref<1x32x512xf32, #tpu.memory_space<hbm>>
    %dma_wait3A_187 = tpu.memref_squeeze %dma_wait3A_186 : memref<1x32x512xf32, #tpu.memory_space<hbm>> -> memref<32x512xf32, #tpu.memory_space<hbm>>
    %dma_wait3A_188 = arith.constant 64 : i32
    %dma_wait3A_189 = arith.constant 0 : i32
    %dma_wait3A_190 = tpu.memref_slice %arg4[%add3A_183, %dma_wait3A_188, %dma_wait3A_189] : memref<64x512x512xf32, #tpu.memory_space<hbm>> -> memref<1x32x512xf32, #tpu.memory_space<hbm>>
    %dma_wait3A_191 = tpu.memref_squeeze %dma_wait3A_190 : memref<1x32x512xf32, #tpu.memory_space<hbm>> -> memref<32x512xf32, #tpu.memory_space<hbm>>
    tpu.wait_dma2 semaphore(%arg12 : memref<!tpu.dma_semaphore, #tpu.memory_space<semaphore_mem>>) src(%arg8 : memref<32x512xf32, #tpu.memory_space<vmem>>) dst(%dma_wait3A_191 : memref<32x512xf32, #tpu.memory_space<hbm>>)
    %parallel_loop3A_192 = arith.constant 0 : i32
    %parallel_loop3A_193 = arith.constant 16384 : i32
    %parallel_loop3A_194 = arith.constant 16 : i32
    scf.for %parallel_loop3A_1376 = %parallel_loop3A_192 to %parallel_loop3A_193 step %parallel_loop3A_194  : i32 {
      %parallel_loop3A_1377 = arith.constant 512 : i32
      %parallel_loop3A_1378 = arith.divsi %parallel_loop3A_1376, %parallel_loop3A_1377 : i32
      %parallel_loop3A_1379 = arith.constant 0 : i32
      %parallel_loop3A_1380 = arith.cmpi sgt, %parallel_loop3A_1376, %parallel_loop3A_1379 : i32
      %parallel_loop3A_1381 = arith.extui %parallel_loop3A_1380 : i1 to i32
      %parallel_loop3A_1382 = arith.constant 0 : i32
      %parallel_loop3A_1383 = arith.cmpi slt, %parallel_loop3A_1376, %parallel_loop3A_1382 : i32
      %parallel_loop3A_1384 = arith.extui %parallel_loop3A_1383 : i1 to i32
      %parallel_loop3A_1385 = arith.subi %parallel_loop3A_1381, %parallel_loop3A_1384 : i32
      %parallel_loop3A_1386 = arith.constant 0 : i32
      %parallel_loop3A_1387 = arith.cmpi sgt, %parallel_loop3A_1377, %parallel_loop3A_1386 : i32
      %parallel_loop3A_1388 = arith.extui %parallel_loop3A_1387 : i1 to i32
      %parallel_loop3A_1389 = arith.constant 0 : i32
      %parallel_loop3A_1390 = arith.cmpi slt, %parallel_loop3A_1377, %parallel_loop3A_1389 : i32
      %parallel_loop3A_1391 = arith.extui %parallel_loop3A_1390 : i1 to i32
      %parallel_loop3A_1392 = arith.subi %parallel_loop3A_1388, %parallel_loop3A_1391 : i32
      %parallel_loop3A_1393 = arith.cmpi ne, %parallel_loop3A_1385, %parallel_loop3A_1392 : i32
      %parallel_loop3A_1394 = arith.remsi %parallel_loop3A_1376, %parallel_loop3A_1377 : i32
      %parallel_loop3A_1395 = arith.constant 0 : i32
      %parallel_loop3A_1396 = arith.cmpi ne, %parallel_loop3A_1394, %parallel_loop3A_1395 : i32
      %parallel_loop3A_1397 = arith.andi %parallel_loop3A_1393, %parallel_loop3A_1396 : i1
      %parallel_loop3A_1398 = arith.constant 1 : i32
      %parallel_loop3A_1399 = arith.subi %parallel_loop3A_1378, %parallel_loop3A_1398 : i32
      %parallel_loop3A_1400 = arith.select %parallel_loop3A_1397, %parallel_loop3A_1399, %parallel_loop3A_1378 : i32
      %parallel_loop3A_1401 = arith.constant 512 : i32
      %parallel_loop3A_1402 = arith.constant 0 : i32
      %parallel_loop3A_1403 = arith.cmpi eq, %parallel_loop3A_1401, %parallel_loop3A_1402 : i32
      %parallel_loop3A_1404 = arith.constant 1 : i32
      %parallel_loop3A_1405 = arith.select %parallel_loop3A_1403, %parallel_loop3A_1404, %parallel_loop3A_1401 : i32
      %parallel_loop3A_1406 = arith.remsi %parallel_loop3A_1376, %parallel_loop3A_1405 : i32
      %parallel_loop3A_1407 = arith.constant 0 : i32
      %parallel_loop3A_1408 = arith.cmpi ne, %parallel_loop3A_1406, %parallel_loop3A_1407 : i32
      %parallel_loop3A_1409 = arith.constant 0 : i32
      %parallel_loop3A_1410 = arith.cmpi slt, %parallel_loop3A_1406, %parallel_loop3A_1409 : i32
      %parallel_loop3A_1411 = arith.constant 0 : i32
      %parallel_loop3A_1412 = arith.cmpi slt, %parallel_loop3A_1405, %parallel_loop3A_1411 : i32
      %parallel_loop3A_1413 = arith.xori %parallel_loop3A_1410, %parallel_loop3A_1412 : i1
      %parallel_loop3A_1414 = arith.andi %parallel_loop3A_1413, %parallel_loop3A_1408 : i1
      %parallel_loop3A_1415 = arith.addi %parallel_loop3A_1406, %parallel_loop3A_1405 : i32
      %parallel_loop3A_1416 = arith.select %parallel_loop3A_1414, %parallel_loop3A_1415, %parallel_loop3A_1406 : i32
      %parallel_loop3A_1417 = arith.index_cast %parallel_loop3A_1400 : i32 to index
      %parallel_loop3A_1418 = arith.index_cast %parallel_loop3A_1416 : i32 to index
      %parallel_loop3A_1419 = tpu.vector_load %arg6[%parallel_loop3A_1417, %parallel_loop3A_1418] {strides = array<i32>} : memref<32x512xi32, #tpu.memory_space<vmem>>, vector<16xi32>,
      %parallel_loop3A_1420 = tpu.vector_load_idx %arg5[%parallel_loop3A_1419] : memref<256xf32, #tpu.memory_space<vmem>>[vector<16xi32>], vector<16xf32>,
      %parallel_loop3A_1421 = arith.index_cast %parallel_loop3A_1400 : i32 to index
      %parallel_loop3A_1422 = arith.index_cast %parallel_loop3A_1416 : i32 to index
      %parallel_loop3A_1423 = tpu.vector_load %arg8[%parallel_loop3A_1421, %parallel_loop3A_1422] {strides = array<i32>} : memref<32x512xf32, #tpu.memory_space<vmem>>, vector<16xf32>,
      tpu.vector_store %arg8[%parallel_loop3A_1421, %parallel_loop3A_1422], %parallel_loop3A_1420 {strides = array<i32>} : memref<32x512xf32, #tpu.memory_space<vmem>>, vector<16xf32>,
    } {sc.loop_unroll_factor = 8 : i64, sc.parallel_access}
    %add3A_195 = arith.constant 0 : i32
    %add3A_196 = arith.addi %mul3A_2, %add3A_195 : i32
    %dma_start3A_197 = arith.constant 128 : i32
    %dma_start3A_198 = arith.constant 0 : i32
    %dma_start3A_199 = tpu.memref_slice %arg4[%add3A_196, %dma_start3A_197, %dma_start3A_198] : memref<64x512x512xf32, #tpu.memory_space<hbm>> -> memref<1x32x512xf32, #tpu.memory_space<hbm>>
    %dma_start3A_200 = tpu.memref_squeeze %dma_start3A_199 : memref<1x32x512xf32, #tpu.memory_space<hbm>> -> memref<32x512xf32, #tpu.memory_space<hbm>>
    %dma_start3A_201 = arith.constant 128 : i32
    %dma_start3A_202 = arith.constant 0 : i32
    %dma_start3A_203 = tpu.memref_slice %arg4[%add3A_196, %dma_start3A_201, %dma_start3A_202] : memref<64x512x512xf32, #tpu.memory_space<hbm>> -> memref<1x32x512xf32, #tpu.memory_space<hbm>>
    %dma_start3A_204 = tpu.memref_squeeze %dma_start3A_203 : memref<1x32x512xf32, #tpu.memory_space<hbm>> -> memref<32x512xf32, #tpu.memory_space<hbm>>
    tpu.enqueue_dma source(%arg8 : memref<32x512xf32, #tpu.memory_space<vmem>>) target(%dma_start3A_204 : memref<32x512xf32, #tpu.memory_space<hbm>>) target_semaphore(%arg12 : memref<!tpu.dma_semaphore, #tpu.memory_space<semaphore_mem>>)
    %add3A_205 = arith.constant 0 : i32
    %add3A_206 = arith.addi %mul3A_2, %add3A_205 : i32
    %dma_start3A_207 = arith.constant 192 : i32
    %dma_start3A_208 = arith.constant 0 : i32
    %dma_start3A_209 = tpu.memref_slice %arg3[%add3A_206, %dma_start3A_207, %dma_start3A_208] : memref<64x512x512xi32, #tpu.memory_space<hbm>> -> memref<1x32x512xi32, #tpu.memory_space<hbm>>
    %dma_start3A_210 = tpu.memref_squeeze %dma_start3A_209 : memref<1x32x512xi32, #tpu.memory_space<hbm>> -> memref<32x512xi32, #tpu.memory_space<hbm>>
    %dma_start3A_211 = arith.constant 192 : i32
    %dma_start3A_212 = arith.constant 0 : i32
    %dma_start3A_213 = tpu.memref_slice %arg3[%add3A_206, %dma_start3A_211, %dma_start3A_212] : memref<64x512x512xi32, #tpu.memory_space<hbm>> -> memref<1x32x512xi32, #tpu.memory_space<hbm>>
    %dma_start3A_214 = tpu.memref_squeeze %dma_start3A_213 : memref<1x32x512xi32, #tpu.memory_space<hbm>> -> memref<32x512xi32, #tpu.memory_space<hbm>>
    tpu.enqueue_dma source(%dma_start3A_214 : memref<32x512xi32, #tpu.memory_space<hbm>>) target(%arg6 : memref<32x512xi32, #tpu.memory_space<vmem>>) target_semaphore(%arg10 : memref<!tpu.dma_semaphore, #tpu.memory_space<semaphore_mem>>)
    %add3A_215 = arith.constant 0 : i32
    %add3A_216 = arith.addi %mul3A_2, %add3A_215 : i32
    %dma_wait3A_217 = arith.constant 160 : i32
    %dma_wait3A_218 = arith.constant 0 : i32
    %dma_wait3A_219 = tpu.memref_slice %arg3[%add3A_216, %dma_wait3A_217, %dma_wait3A_218] : memref<64x512x512xi32, #tpu.memory_space<hbm>> -> memref<1x32x512xi32, #tpu.memory_space<hbm>>
    %dma_wait3A_220 = tpu.memref_squeeze %dma_wait3A_219 : memref<1x32x512xi32, #tpu.memory_space<hbm>> -> memref<32x512xi32, #tpu.memory_space<hbm>>
    %dma_wait3A_221 = arith.constant 160 : i32
    %dma_wait3A_222 = arith.constant 0 : i32
    %dma_wait3A_223 = tpu.memref_slice %arg3[%add3A_216, %dma_wait3A_221, %dma_wait3A_222] : memref<64x512x512xi32, #tpu.memory_space<hbm>> -> memref<1x32x512xi32, #tpu.memory_space<hbm>>
    %dma_wait3A_224 = tpu.memref_squeeze %dma_wait3A_223 : memref<1x32x512xi32, #tpu.memory_space<hbm>> -> memref<32x512xi32, #tpu.memory_space<hbm>>
    tpu.wait_dma2 semaphore(%arg11 : memref<!tpu.dma_semaphore, #tpu.memory_space<semaphore_mem>>) src(%dma_wait3A_224 : memref<32x512xi32, #tpu.memory_space<hbm>>) dst(%arg7 : memref<32x512xi32, #tpu.memory_space<vmem>>)
    %add3A_225 = arith.constant 0 : i32
    %add3A_226 = arith.addi %mul3A_2, %add3A_225 : i32
    %dma_wait3A_227 = arith.constant 96 : i32
    %dma_wait3A_228 = arith.constant 0 : i32
    %dma_wait3A_229 = tpu.memref_slice %arg4[%add3A_226, %dma_wait3A_227, %dma_wait3A_228] : memref<64x512x512xf32, #tpu.memory_space<hbm>> -> memref<1x32x512xf32, #tpu.memory_space<hbm>>
    %dma_wait3A_230 = tpu.memref_squeeze %dma_wait3A_229 : memref<1x32x512xf32, #tpu.memory_space<hbm>> -> memref<32x512xf32, #tpu.memory_space<hbm>>
    %dma_wait3A_231 = arith.constant 96 : i32
    %dma_wait3A_232 = arith.constant 0 : i32
    %dma_wait3A_233 = tpu.memref_slice %arg4[%add3A_226, %dma_wait3A_231, %dma_wait3A_232] : memref<64x512x512xf32, #tpu.memory_space<hbm>> -> memref<1x32x512xf32, #tpu.memory_space<hbm>>
    %dma_wait3A_234 = tpu.memref_squeeze %dma_wait3A_233 : memref<1x32x512xf32, #tpu.memory_space<hbm>> -> memref<32x512xf32, #tpu.memory_space<hbm>>
    tpu.wait_dma2 semaphore(%arg13 : memref<!tpu.dma_semaphore, #tpu.memory_space<semaphore_mem>>) src(%arg9 : memref<32x512xf32, #tpu.memory_space<vmem>>) dst(%dma_wait3A_234 : memref<32x512xf32, #tpu.memory_space<hbm>>)
    %parallel_loop3A_235 = arith.constant 0 : i32
    %parallel_loop3A_236 = arith.constant 16384 : i32
    %parallel_loop3A_237 = arith.constant 16 : i32
    scf.for %parallel_loop3A_1376 = %parallel_loop3A_235 to %parallel_loop3A_236 step %parallel_loop3A_237  : i32 {
      %parallel_loop3A_1377 = arith.constant 512 : i32
      %parallel_loop3A_1378 = arith.divsi %parallel_loop3A_1376, %parallel_loop3A_1377 : i32
      %parallel_loop3A_1379 = arith.constant 0 : i32
      %parallel_loop3A_1380 = arith.cmpi sgt, %parallel_loop3A_1376, %parallel_loop3A_1379 : i32
      %parallel_loop3A_1381 = arith.extui %parallel_loop3A_1380 : i1 to i32
      %parallel_loop3A_1382 = arith.constant 0 : i32
      %parallel_loop3A_1383 = arith.cmpi slt, %parallel_loop3A_1376, %parallel_loop3A_1382 : i32
      %parallel_loop3A_1384 = arith.extui %parallel_loop3A_1383 : i1 to i32
      %parallel_loop3A_1385 = arith.subi %parallel_loop3A_1381, %parallel_loop3A_1384 : i32
      %parallel_loop3A_1386 = arith.constant 0 : i32
      %parallel_loop3A_1387 = arith.cmpi sgt, %parallel_loop3A_1377, %parallel_loop3A_1386 : i32
      %parallel_loop3A_1388 = arith.extui %parallel_loop3A_1387 : i1 to i32
      %parallel_loop3A_1389 = arith.constant 0 : i32
      %parallel_loop3A_1390 = arith.cmpi slt, %parallel_loop3A_1377, %parallel_loop3A_1389 : i32
      %parallel_loop3A_1391 = arith.extui %parallel_loop3A_1390 : i1 to i32
      %parallel_loop3A_1392 = arith.subi %parallel_loop3A_1388, %parallel_loop3A_1391 : i32
      %parallel_loop3A_1393 = arith.cmpi ne, %parallel_loop3A_1385, %parallel_loop3A_1392 : i32
      %parallel_loop3A_1394 = arith.remsi %parallel_loop3A_1376, %parallel_loop3A_1377 : i32
      %parallel_loop3A_1395 = arith.constant 0 : i32
      %parallel_loop3A_1396 = arith.cmpi ne, %parallel_loop3A_1394, %parallel_loop3A_1395 : i32
      %parallel_loop3A_1397 = arith.andi %parallel_loop3A_1393, %parallel_loop3A_1396 : i1
      %parallel_loop3A_1398 = arith.constant 1 : i32
      %parallel_loop3A_1399 = arith.subi %parallel_loop3A_1378, %parallel_loop3A_1398 : i32
      %parallel_loop3A_1400 = arith.select %parallel_loop3A_1397, %parallel_loop3A_1399, %parallel_loop3A_1378 : i32
      %parallel_loop3A_1401 = arith.constant 512 : i32
      %parallel_loop3A_1402 = arith.constant 0 : i32
      %parallel_loop3A_1403 = arith.cmpi eq, %parallel_loop3A_1401, %parallel_loop3A_1402 : i32
      %parallel_loop3A_1404 = arith.constant 1 : i32
      %parallel_loop3A_1405 = arith.select %parallel_loop3A_1403, %parallel_loop3A_1404, %parallel_loop3A_1401 : i32
      %parallel_loop3A_1406 = arith.remsi %parallel_loop3A_1376, %parallel_loop3A_1405 : i32
      %parallel_loop3A_1407 = arith.constant 0 : i32
      %parallel_loop3A_1408 = arith.cmpi ne, %parallel_loop3A_1406, %parallel_loop3A_1407 : i32
      %parallel_loop3A_1409 = arith.constant 0 : i32
      %parallel_loop3A_1410 = arith.cmpi slt, %parallel_loop3A_1406, %parallel_loop3A_1409 : i32
      %parallel_loop3A_1411 = arith.constant 0 : i32
      %parallel_loop3A_1412 = arith.cmpi slt, %parallel_loop3A_1405, %parallel_loop3A_1411 : i32
      %parallel_loop3A_1413 = arith.xori %parallel_loop3A_1410, %parallel_loop3A_1412 : i1
      %parallel_loop3A_1414 = arith.andi %parallel_loop3A_1413, %parallel_loop3A_1408 : i1
      %parallel_loop3A_1415 = arith.addi %parallel_loop3A_1406, %parallel_loop3A_1405 : i32
      %parallel_loop3A_1416 = arith.select %parallel_loop3A_1414, %parallel_loop3A_1415, %parallel_loop3A_1406 : i32
      %parallel_loop3A_1417 = arith.index_cast %parallel_loop3A_1400 : i32 to index
      %parallel_loop3A_1418 = arith.index_cast %parallel_loop3A_1416 : i32 to index
      %parallel_loop3A_1419 = tpu.vector_load %arg7[%parallel_loop3A_1417, %parallel_loop3A_1418] {strides = array<i32>} : memref<32x512xi32, #tpu.memory_space<vmem>>, vector<16xi32>,
      %parallel_loop3A_1420 = tpu.vector_load_idx %arg5[%parallel_loop3A_1419] : memref<256xf32, #tpu.memory_space<vmem>>[vector<16xi32>], vector<16xf32>,
      %parallel_loop3A_1421 = arith.index_cast %parallel_loop3A_1400 : i32 to index
      %parallel_loop3A_1422 = arith.index_cast %parallel_loop3A_1416 : i32 to index
      %parallel_loop3A_1423 = tpu.vector_load %arg9[%parallel_loop3A_1421, %parallel_loop3A_1422] {strides = array<i32>} : memref<32x512xf32, #tpu.memory_space<vmem>>, vector<16xf32>,
      tpu.vector_store %arg9[%parallel_loop3A_1421, %parallel_loop3A_1422], %parallel_loop3A_1420 {strides = array<i32>} : memref<32x512xf32, #tpu.memory_space<vmem>>, vector<16xf32>,
    } {sc.loop_unroll_factor = 8 : i64, sc.parallel_access}
    %add3A_238 = arith.constant 0 : i32
    %add3A_239 = arith.addi %mul3A_2, %add3A_238 : i32
    %dma_start3A_240 = arith.constant 160 : i32
    %dma_start3A_241 = arith.constant 0 : i32
    %dma_start3A_242 = tpu.memref_slice %arg4[%add3A_239, %dma_start3A_240, %dma_start3A_241] : memref<64x512x512xf32, #tpu.memory_space<hbm>> -> memref<1x32x512xf32, #tpu.memory_space<hbm>>
    %dma_start3A_243 = tpu.memref_squeeze %dma_start3A_242 : memref<1x32x512xf32, #tpu.memory_space<hbm>> -> memref<32x512xf32, #tpu.memory_space<hbm>>
    %dma_start3A_244 = arith.constant 160 : i32
    %dma_start3A_245 = arith.constant 0 : i32
    %dma_start3A_246 = tpu.memref_slice %arg4[%add3A_239, %dma_start3A_244, %dma_start3A_245] : memref<64x512x512xf32, #tpu.memory_space<hbm>> -> memref<1x32x512xf32, #tpu.memory_space<hbm>>
    %dma_start3A_247 = tpu.memref_squeeze %dma_start3A_246 : memref<1x32x512xf32, #tpu.memory_space<hbm>> -> memref<32x512xf32, #tpu.memory_space<hbm>>
    tpu.enqueue_dma source(%arg9 : memref<32x512xf32, #tpu.memory_space<vmem>>) target(%dma_start3A_247 : memref<32x512xf32, #tpu.memory_space<hbm>>) target_semaphore(%arg13 : memref<!tpu.dma_semaphore, #tpu.memory_space<semaphore_mem>>)
    %add3A_248 = arith.constant 0 : i32
    %add3A_249 = arith.addi %mul3A_2, %add3A_248 : i32
    %dma_start3A_250 = arith.constant 224 : i32
    %dma_start3A_251 = arith.constant 0 : i32
    %dma_start3A_252 = tpu.memref_slice %arg3[%add3A_249, %dma_start3A_250, %dma_start3A_251] : memref<64x512x512xi32, #tpu.memory_space<hbm>> -> memref<1x32x512xi32, #tpu.memory_space<hbm>>
    %dma_start3A_253 = tpu.memref_squeeze %dma_start3A_252 : memref<1x32x512xi32, #tpu.memory_space<hbm>> -> memref<32x512xi32, #tpu.memory_space<hbm>>
    %dma_start3A_254 = arith.constant 224 : i32
    %dma_start3A_255 = arith.constant 0 : i32
    %dma_start3A_256 = tpu.memref_slice %arg3[%add3A_249, %dma_start3A_254, %dma_start3A_255] : memref<64x512x512xi32, #tpu.memory_space<hbm>> -> memref<1x32x512xi32, #tpu.memory_space<hbm>>
    %dma_start3A_257 = tpu.memref_squeeze %dma_start3A_256 : memref<1x32x512xi32, #tpu.memory_space<hbm>> -> memref<32x512xi32, #tpu.memory_space<hbm>>
    tpu.enqueue_dma source(%dma_start3A_257 : memref<32x512xi32, #tpu.memory_space<hbm>>) target(%arg7 : memref<32x512xi32, #tpu.memory_space<vmem>>) target_semaphore(%arg11 : memref<!tpu.dma_semaphore, #tpu.memory_space<semaphore_mem>>)
    %add3A_258 = arith.constant 0 : i32
    %add3A_259 = arith.addi %mul3A_2, %add3A_258 : i32
    %dma_wait3A_260 = arith.constant 192 : i32
    %dma_wait3A_261 = arith.constant 0 : i32
    %dma_wait3A_262 = tpu.memref_slice %arg3[%add3A_259, %dma_wait3A_260, %dma_wait3A_261] : memref<64x512x512xi32, #tpu.memory_space<hbm>> -> memref<1x32x512xi32, #tpu.memory_space<hbm>>
    %dma_wait3A_263 = tpu.memref_squeeze %dma_wait3A_262 : memref<1x32x512xi32, #tpu.memory_space<hbm>> -> memref<32x512xi32, #tpu.memory_space<hbm>>
    %dma_wait3A_264 = arith.constant 192 : i32
    %dma_wait3A_265 = arith.constant 0 : i32
    %dma_wait3A_266 = tpu.memref_slice %arg3[%add3A_259, %dma_wait3A_264, %dma_wait3A_265] : memref<64x512x512xi32, #tpu.memory_space<hbm>> -> memref<1x32x512xi32, #tpu.memory_space<hbm>>
    %dma_wait3A_267 = tpu.memref_squeeze %dma_wait3A_266 : memref<1x32x512xi32, #tpu.memory_space<hbm>> -> memref<32x512xi32, #tpu.memory_space<hbm>>
    tpu.wait_dma2 semaphore(%arg10 : memref<!tpu.dma_semaphore, #tpu.memory_space<semaphore_mem>>) src(%dma_wait3A_267 : memref<32x512xi32, #tpu.memory_space<hbm>>) dst(%arg6 : memref<32x512xi32, #tpu.memory_space<vmem>>)
    %add3A_268 = arith.constant 0 : i32
    %add3A_269 = arith.addi %mul3A_2, %add3A_268 : i32
    %dma_wait3A_270 = arith.constant 128 : i32
    %dma_wait3A_271 = arith.constant 0 : i32
    %dma_wait3A_272 = tpu.memref_slice %arg4[%add3A_269, %dma_wait3A_270, %dma_wait3A_271] : memref<64x512x512xf32, #tpu.memory_space<hbm>> -> memref<1x32x512xf32, #tpu.memory_space<hbm>>
    %dma_wait3A_273 = tpu.memref_squeeze %dma_wait3A_272 : memref<1x32x512xf32, #tpu.memory_space<hbm>> -> memref<32x512xf32, #tpu.memory_space<hbm>>
    %dma_wait3A_274 = arith.constant 128 : i32
    %dma_wait3A_275 = arith.constant 0 : i32
    %dma_wait3A_276 = tpu.memref_slice %arg4[%add3A_269, %dma_wait3A_274, %dma_wait3A_275] : memref<64x512x512xf32, #tpu.memory_space<hbm>> -> memref<1x32x512xf32, #tpu.memory_space<hbm>>
    %dma_wait3A_277 = tpu.memref_squeeze %dma_wait3A_276 : memref<1x32x512xf32, #tpu.memory_space<hbm>> -> memref<32x512xf32, #tpu.memory_space<hbm>>
    tpu.wait_dma2 semaphore(%arg12 : memref<!tpu.dma_semaphore, #tpu.memory_space<semaphore_mem>>) src(%arg8 : memref<32x512xf32, #tpu.memory_space<vmem>>) dst(%dma_wait3A_277 : memref<32x512xf32, #tpu.memory_space<hbm>>)
    %parallel_loop3A_278 = arith.constant 0 : i32
    %parallel_loop3A_279 = arith.constant 16384 : i32
    %parallel_loop3A_280 = arith.constant 16 : i32
    scf.for %parallel_loop3A_1376 = %parallel_loop3A_278 to %parallel_loop3A_279 step %parallel_loop3A_280  : i32 {
      %parallel_loop3A_1377 = arith.constant 512 : i32
      %parallel_loop3A_1378 = arith.divsi %parallel_loop3A_1376, %parallel_loop3A_1377 : i32
      %parallel_loop3A_1379 = arith.constant 0 : i32
      %parallel_loop3A_1380 = arith.cmpi sgt, %parallel_loop3A_1376, %parallel_loop3A_1379 : i32
      %parallel_loop3A_1381 = arith.extui %parallel_loop3A_1380 : i1 to i32
      %parallel_loop3A_1382 = arith.constant 0 : i32
      %parallel_loop3A_1383 = arith.cmpi slt, %parallel_loop3A_1376, %parallel_loop3A_1382 : i32
      %parallel_loop3A_1384 = arith.extui %parallel_loop3A_1383 : i1 to i32
      %parallel_loop3A_1385 = arith.subi %parallel_loop3A_1381, %parallel_loop3A_1384 : i32
      %parallel_loop3A_1386 = arith.constant 0 : i32
      %parallel_loop3A_1387 = arith.cmpi sgt, %parallel_loop3A_1377, %parallel_loop3A_1386 : i32
      %parallel_loop3A_1388 = arith.extui %parallel_loop3A_1387 : i1 to i32
      %parallel_loop3A_1389 = arith.constant 0 : i32
      %parallel_loop3A_1390 = arith.cmpi slt, %parallel_loop3A_1377, %parallel_loop3A_1389 : i32
      %parallel_loop3A_1391 = arith.extui %parallel_loop3A_1390 : i1 to i32
      %parallel_loop3A_1392 = arith.subi %parallel_loop3A_1388, %parallel_loop3A_1391 : i32
      %parallel_loop3A_1393 = arith.cmpi ne, %parallel_loop3A_1385, %parallel_loop3A_1392 : i32
      %parallel_loop3A_1394 = arith.remsi %parallel_loop3A_1376, %parallel_loop3A_1377 : i32
      %parallel_loop3A_1395 = arith.constant 0 : i32
      %parallel_loop3A_1396 = arith.cmpi ne, %parallel_loop3A_1394, %parallel_loop3A_1395 : i32
      %parallel_loop3A_1397 = arith.andi %parallel_loop3A_1393, %parallel_loop3A_1396 : i1
      %parallel_loop3A_1398 = arith.constant 1 : i32
      %parallel_loop3A_1399 = arith.subi %parallel_loop3A_1378, %parallel_loop3A_1398 : i32
      %parallel_loop3A_1400 = arith.select %parallel_loop3A_1397, %parallel_loop3A_1399, %parallel_loop3A_1378 : i32
      %parallel_loop3A_1401 = arith.constant 512 : i32
      %parallel_loop3A_1402 = arith.constant 0 : i32
      %parallel_loop3A_1403 = arith.cmpi eq, %parallel_loop3A_1401, %parallel_loop3A_1402 : i32
      %parallel_loop3A_1404 = arith.constant 1 : i32
      %parallel_loop3A_1405 = arith.select %parallel_loop3A_1403, %parallel_loop3A_1404, %parallel_loop3A_1401 : i32
      %parallel_loop3A_1406 = arith.remsi %parallel_loop3A_1376, %parallel_loop3A_1405 : i32
      %parallel_loop3A_1407 = arith.constant 0 : i32
      %parallel_loop3A_1408 = arith.cmpi ne, %parallel_loop3A_1406, %parallel_loop3A_1407 : i32
      %parallel_loop3A_1409 = arith.constant 0 : i32
      %parallel_loop3A_1410 = arith.cmpi slt, %parallel_loop3A_1406, %parallel_loop3A_1409 : i32
      %parallel_loop3A_1411 = arith.constant 0 : i32
      %parallel_loop3A_1412 = arith.cmpi slt, %parallel_loop3A_1405, %parallel_loop3A_1411 : i32
      %parallel_loop3A_1413 = arith.xori %parallel_loop3A_1410, %parallel_loop3A_1412 : i1
      %parallel_loop3A_1414 = arith.andi %parallel_loop3A_1413, %parallel_loop3A_1408 : i1
      %parallel_loop3A_1415 = arith.addi %parallel_loop3A_1406, %parallel_loop3A_1405 : i32
      %parallel_loop3A_1416 = arith.select %parallel_loop3A_1414, %parallel_loop3A_1415, %parallel_loop3A_1406 : i32
      %parallel_loop3A_1417 = arith.index_cast %parallel_loop3A_1400 : i32 to index
      %parallel_loop3A_1418 = arith.index_cast %parallel_loop3A_1416 : i32 to index
      %parallel_loop3A_1419 = tpu.vector_load %arg6[%parallel_loop3A_1417, %parallel_loop3A_1418] {strides = array<i32>} : memref<32x512xi32, #tpu.memory_space<vmem>>, vector<16xi32>,
      %parallel_loop3A_1420 = tpu.vector_load_idx %arg5[%parallel_loop3A_1419] : memref<256xf32, #tpu.memory_space<vmem>>[vector<16xi32>], vector<16xf32>,
      %parallel_loop3A_1421 = arith.index_cast %parallel_loop3A_1400 : i32 to index
      %parallel_loop3A_1422 = arith.index_cast %parallel_loop3A_1416 : i32 to index
      %parallel_loop3A_1423 = tpu.vector_load %arg8[%parallel_loop3A_1421, %parallel_loop3A_1422] {strides = array<i32>} : memref<32x512xf32, #tpu.memory_space<vmem>>, vector<16xf32>,
      tpu.vector_store %arg8[%parallel_loop3A_1421, %parallel_loop3A_1422], %parallel_loop3A_1420 {strides = array<i32>} : memref<32x512xf32, #tpu.memory_space<vmem>>, vector<16xf32>,
    } {sc.loop_unroll_factor = 8 : i64, sc.parallel_access}
    %add3A_281 = arith.constant 0 : i32
    %add3A_282 = arith.addi %mul3A_2, %add3A_281 : i32
    %dma_start3A_283 = arith.constant 192 : i32
    %dma_start3A_284 = arith.constant 0 : i32
    %dma_start3A_285 = tpu.memref_slice %arg4[%add3A_282, %dma_start3A_283, %dma_start3A_284] : memref<64x512x512xf32, #tpu.memory_space<hbm>> -> memref<1x32x512xf32, #tpu.memory_space<hbm>>
    %dma_start3A_286 = tpu.memref_squeeze %dma_start3A_285 : memref<1x32x512xf32, #tpu.memory_space<hbm>> -> memref<32x512xf32, #tpu.memory_space<hbm>>
    %dma_start3A_287 = arith.constant 192 : i32
    %dma_start3A_288 = arith.constant 0 : i32
    %dma_start3A_289 = tpu.memref_slice %arg4[%add3A_282, %dma_start3A_287, %dma_start3A_288] : memref<64x512x512xf32, #tpu.memory_space<hbm>> -> memref<1x32x512xf32, #tpu.memory_space<hbm>>
    %dma_start3A_290 = tpu.memref_squeeze %dma_start3A_289 : memref<1x32x512xf32, #tpu.memory_space<hbm>> -> memref<32x512xf32, #tpu.memory_space<hbm>>
    tpu.enqueue_dma source(%arg8 : memref<32x512xf32, #tpu.memory_space<vmem>>) target(%dma_start3A_290 : memref<32x512xf32, #tpu.memory_space<hbm>>) target_semaphore(%arg12 : memref<!tpu.dma_semaphore, #tpu.memory_space<semaphore_mem>>)
    %add3A_291 = arith.constant 0 : i32
    %add3A_292 = arith.addi %mul3A_2, %add3A_291 : i32
    %dma_start3A_293 = arith.constant 256 : i32
    %dma_start3A_294 = arith.constant 0 : i32
    %dma_start3A_295 = tpu.memref_slice %arg3[%add3A_292, %dma_start3A_293, %dma_start3A_294] : memref<64x512x512xi32, #tpu.memory_space<hbm>> -> memref<1x32x512xi32, #tpu.memory_space<hbm>>
    %dma_start3A_296 = tpu.memref_squeeze %dma_start3A_295 : memref<1x32x512xi32, #tpu.memory_space<hbm>> -> memref<32x512xi32, #tpu.memory_space<hbm>>
    %dma_start3A_297 = arith.constant 256 : i32
    %dma_start3A_298 = arith.constant 0 : i32
    %dma_start3A_299 = tpu.memref_slice %arg3[%add3A_292, %dma_start3A_297, %dma_start3A_298] : memref<64x512x512xi32, #tpu.memory_space<hbm>> -> memref<1x32x512xi32, #tpu.memory_space<hbm>>
    %dma_start3A_300 = tpu.memref_squeeze %dma_start3A_299 : memref<1x32x512xi32, #tpu.memory_space<hbm>> -> memref<32x512xi32, #tpu.memory_space<hbm>>
    tpu.enqueue_dma source(%dma_start3A_300 : memref<32x512xi32, #tpu.memory_space<hbm>>) target(%arg6 : memref<32x512xi32, #tpu.memory_space<vmem>>) target_semaphore(%arg10 : memref<!tpu.dma_semaphore, #tpu.memory_space<semaphore_mem>>)
    %add3A_301 = arith.constant 0 : i32
    %add3A_302 = arith.addi %mul3A_2, %add3A_301 : i32
    %dma_wait3A_303 = arith.constant 224 : i32
    %dma_wait3A_304 = arith.constant 0 : i32
    %dma_wait3A_305 = tpu.memref_slice %arg3[%add3A_302, %dma_wait3A_303, %dma_wait3A_304] : memref<64x512x512xi32, #tpu.memory_space<hbm>> -> memref<1x32x512xi32, #tpu.memory_space<hbm>>
    %dma_wait3A_306 = tpu.memref_squeeze %dma_wait3A_305 : memref<1x32x512xi32, #tpu.memory_space<hbm>> -> memref<32x512xi32, #tpu.memory_space<hbm>>
    %dma_wait3A_307 = arith.constant 224 : i32
    %dma_wait3A_308 = arith.constant 0 : i32
    %dma_wait3A_309 = tpu.memref_slice %arg3[%add3A_302, %dma_wait3A_307, %dma_wait3A_308] : memref<64x512x512xi32, #tpu.memory_space<hbm>> -> memref<1x32x512xi32, #tpu.memory_space<hbm>>
    %dma_wait3A_310 = tpu.memref_squeeze %dma_wait3A_309 : memref<1x32x512xi32, #tpu.memory_space<hbm>> -> memref<32x512xi32, #tpu.memory_space<hbm>>
    tpu.wait_dma2 semaphore(%arg11 : memref<!tpu.dma_semaphore, #tpu.memory_space<semaphore_mem>>) src(%dma_wait3A_310 : memref<32x512xi32, #tpu.memory_space<hbm>>) dst(%arg7 : memref<32x512xi32, #tpu.memory_space<vmem>>)
    %add3A_311 = arith.constant 0 : i32
    %add3A_312 = arith.addi %mul3A_2, %add3A_311 : i32
    %dma_wait3A_313 = arith.constant 160 : i32
    %dma_wait3A_314 = arith.constant 0 : i32
    %dma_wait3A_315 = tpu.memref_slice %arg4[%add3A_312, %dma_wait3A_313, %dma_wait3A_314] : memref<64x512x512xf32, #tpu.memory_space<hbm>> -> memref<1x32x512xf32, #tpu.memory_space<hbm>>
    %dma_wait3A_316 = tpu.memref_squeeze %dma_wait3A_315 : memref<1x32x512xf32, #tpu.memory_space<hbm>> -> memref<32x512xf32, #tpu.memory_space<hbm>>
    %dma_wait3A_317 = arith.constant 160 : i32
    %dma_wait3A_318 = arith.constant 0 : i32
    %dma_wait3A_319 = tpu.memref_slice %arg4[%add3A_312, %dma_wait3A_317, %dma_wait3A_318] : memref<64x512x512xf32, #tpu.memory_space<hbm>> -> memref<1x32x512xf32, #tpu.memory_space<hbm>>
    %dma_wait3A_320 = tpu.memref_squeeze %dma_wait3A_319 : memref<1x32x512xf32, #tpu.memory_space<hbm>> -> memref<32x512xf32, #tpu.memory_space<hbm>>
    tpu.wait_dma2 semaphore(%arg13 : memref<!tpu.dma_semaphore, #tpu.memory_space<semaphore_mem>>) src(%arg9 : memref<32x512xf32, #tpu.memory_space<vmem>>) dst(%dma_wait3A_320 : memref<32x512xf32, #tpu.memory_space<hbm>>)
    %parallel_loop3A_321 = arith.constant 0 : i32
    %parallel_loop3A_322 = arith.constant 16384 : i32
    %parallel_loop3A_323 = arith.constant 16 : i32
    scf.for %parallel_loop3A_1376 = %parallel_loop3A_321 to %parallel_loop3A_322 step %parallel_loop3A_323  : i32 {
      %parallel_loop3A_1377 = arith.constant 512 : i32
      %parallel_loop3A_1378 = arith.divsi %parallel_loop3A_1376, %parallel_loop3A_1377 : i32
      %parallel_loop3A_1379 = arith.constant 0 : i32
      %parallel_loop3A_1380 = arith.cmpi sgt, %parallel_loop3A_1376, %parallel_loop3A_1379 : i32
      %parallel_loop3A_1381 = arith.extui %parallel_loop3A_1380 : i1 to i32
      %parallel_loop3A_1382 = arith.constant 0 : i32
      %parallel_loop3A_1383 = arith.cmpi slt, %parallel_loop3A_1376, %parallel_loop3A_1382 : i32
      %parallel_loop3A_1384 = arith.extui %parallel_loop3A_1383 : i1 to i32
      %parallel_loop3A_1385 = arith.subi %parallel_loop3A_1381, %parallel_loop3A_1384 : i32
      %parallel_loop3A_1386 = arith.constant 0 : i32
      %parallel_loop3A_1387 = arith.cmpi sgt, %parallel_loop3A_1377, %parallel_loop3A_1386 : i32
      %parallel_loop3A_1388 = arith.extui %parallel_loop3A_1387 : i1 to i32
      %parallel_loop3A_1389 = arith.constant 0 : i32
      %parallel_loop3A_1390 = arith.cmpi slt, %parallel_loop3A_1377, %parallel_loop3A_1389 : i32
      %parallel_loop3A_1391 = arith.extui %parallel_loop3A_1390 : i1 to i32
      %parallel_loop3A_1392 = arith.subi %parallel_loop3A_1388, %parallel_loop3A_1391 : i32
      %parallel_loop3A_1393 = arith.cmpi ne, %parallel_loop3A_1385, %parallel_loop3A_1392 : i32
      %parallel_loop3A_1394 = arith.remsi %parallel_loop3A_1376, %parallel_loop3A_1377 : i32
      %parallel_loop3A_1395 = arith.constant 0 : i32
      %parallel_loop3A_1396 = arith.cmpi ne, %parallel_loop3A_1394, %parallel_loop3A_1395 : i32
      %parallel_loop3A_1397 = arith.andi %parallel_loop3A_1393, %parallel_loop3A_1396 : i1
      %parallel_loop3A_1398 = arith.constant 1 : i32
      %parallel_loop3A_1399 = arith.subi %parallel_loop3A_1378, %parallel_loop3A_1398 : i32
      %parallel_loop3A_1400 = arith.select %parallel_loop3A_1397, %parallel_loop3A_1399, %parallel_loop3A_1378 : i32
      %parallel_loop3A_1401 = arith.constant 512 : i32
      %parallel_loop3A_1402 = arith.constant 0 : i32
      %parallel_loop3A_1403 = arith.cmpi eq, %parallel_loop3A_1401, %parallel_loop3A_1402 : i32
      %parallel_loop3A_1404 = arith.constant 1 : i32
      %parallel_loop3A_1405 = arith.select %parallel_loop3A_1403, %parallel_loop3A_1404, %parallel_loop3A_1401 : i32
      %parallel_loop3A_1406 = arith.remsi %parallel_loop3A_1376, %parallel_loop3A_1405 : i32
      %parallel_loop3A_1407 = arith.constant 0 : i32
      %parallel_loop3A_1408 = arith.cmpi ne, %parallel_loop3A_1406, %parallel_loop3A_1407 : i32
      %parallel_loop3A_1409 = arith.constant 0 : i32
      %parallel_loop3A_1410 = arith.cmpi slt, %parallel_loop3A_1406, %parallel_loop3A_1409 : i32
      %parallel_loop3A_1411 = arith.constant 0 : i32
      %parallel_loop3A_1412 = arith.cmpi slt, %parallel_loop3A_1405, %parallel_loop3A_1411 : i32
      %parallel_loop3A_1413 = arith.xori %parallel_loop3A_1410, %parallel_loop3A_1412 : i1
      %parallel_loop3A_1414 = arith.andi %parallel_loop3A_1413, %parallel_loop3A_1408 : i1
      %parallel_loop3A_1415 = arith.addi %parallel_loop3A_1406, %parallel_loop3A_1405 : i32
      %parallel_loop3A_1416 = arith.select %parallel_loop3A_1414, %parallel_loop3A_1415, %parallel_loop3A_1406 : i32
      %parallel_loop3A_1417 = arith.index_cast %parallel_loop3A_1400 : i32 to index
      %parallel_loop3A_1418 = arith.index_cast %parallel_loop3A_1416 : i32 to index
      %parallel_loop3A_1419 = tpu.vector_load %arg7[%parallel_loop3A_1417, %parallel_loop3A_1418] {strides = array<i32>} : memref<32x512xi32, #tpu.memory_space<vmem>>, vector<16xi32>,
      %parallel_loop3A_1420 = tpu.vector_load_idx %arg5[%parallel_loop3A_1419] : memref<256xf32, #tpu.memory_space<vmem>>[vector<16xi32>], vector<16xf32>,
      %parallel_loop3A_1421 = arith.index_cast %parallel_loop3A_1400 : i32 to index
      %parallel_loop3A_1422 = arith.index_cast %parallel_loop3A_1416 : i32 to index
      %parallel_loop3A_1423 = tpu.vector_load %arg9[%parallel_loop3A_1421, %parallel_loop3A_1422] {strides = array<i32>} : memref<32x512xf32, #tpu.memory_space<vmem>>, vector<16xf32>,
      tpu.vector_store %arg9[%parallel_loop3A_1421, %parallel_loop3A_1422], %parallel_loop3A_1420 {strides = array<i32>} : memref<32x512xf32, #tpu.memory_space<vmem>>, vector<16xf32>,
    } {sc.loop_unroll_factor = 8 : i64, sc.parallel_access}
    %add3A_324 = arith.constant 0 : i32
    %add3A_325 = arith.addi %mul3A_2, %add3A_324 : i32
    %dma_start3A_326 = arith.constant 224 : i32
    %dma_start3A_327 = arith.constant 0 : i32
    %dma_start3A_328 = tpu.memref_slice %arg4[%add3A_325, %dma_start3A_326, %dma_start3A_327] : memref<64x512x512xf32, #tpu.memory_space<hbm>> -> memref<1x32x512xf32, #tpu.memory_space<hbm>>
    %dma_start3A_329 = tpu.memref_squeeze %dma_start3A_328 : memref<1x32x512xf32, #tpu.memory_space<hbm>> -> memref<32x512xf32, #tpu.memory_space<hbm>>
    %dma_start3A_330 = arith.constant 224 : i32
    %dma_start3A_331 = arith.constant 0 : i32
    %dma_start3A_332 = tpu.memref_slice %arg4[%add3A_325, %dma_start3A_330, %dma_start3A_331] : memref<64x512x512xf32, #tpu.memory_space<hbm>> -> memref<1x32x512xf32, #tpu.memory_space<hbm>>
    %dma_start3A_333 = tpu.memref_squeeze %dma_start3A_332 : memref<1x32x512xf32, #tpu.memory_space<hbm>> -> memref<32x512xf32, #tpu.memory_space<hbm>>
    tpu.enqueue_dma source(%arg9 : memref<32x512xf32, #tpu.memory_space<vmem>>) target(%dma_start3A_333 : memref<32x512xf32, #tpu.memory_space<hbm>>) target_semaphore(%arg13 : memref<!tpu.dma_semaphore, #tpu.memory_space<semaphore_mem>>)
    %add3A_334 = arith.constant 0 : i32
    %add3A_335 = arith.addi %mul3A_2, %add3A_334 : i32
    %dma_start3A_336 = arith.constant 288 : i32
    %dma_start3A_337 = arith.constant 0 : i32
    %dma_start3A_338 = tpu.memref_slice %arg3[%add3A_335, %dma_start3A_336, %dma_start3A_337] : memref<64x512x512xi32, #tpu.memory_space<hbm>> -> memref<1x32x512xi32, #tpu.memory_space<hbm>>
    %dma_start3A_339 = tpu.memref_squeeze %dma_start3A_338 : memref<1x32x512xi32, #tpu.memory_space<hbm>> -> memref<32x512xi32, #tpu.memory_space<hbm>>
    %dma_start3A_340 = arith.constant 288 : i32
    %dma_start3A_341 = arith.constant 0 : i32
    %dma_start3A_342 = tpu.memref_slice %arg3[%add3A_335, %dma_start3A_340, %dma_start3A_341] : memref<64x512x512xi32, #tpu.memory_space<hbm>> -> memref<1x32x512xi32, #tpu.memory_space<hbm>>
    %dma_start3A_343 = tpu.memref_squeeze %dma_start3A_342 : memref<1x32x512xi32, #tpu.memory_space<hbm>> -> memref<32x512xi32, #tpu.memory_space<hbm>>
    tpu.enqueue_dma source(%dma_start3A_343 : memref<32x512xi32, #tpu.memory_space<hbm>>) target(%arg7 : memref<32x512xi32, #tpu.memory_space<vmem>>) target_semaphore(%arg11 : memref<!tpu.dma_semaphore, #tpu.memory_space<semaphore_mem>>)
    %add3A_344 = arith.constant 0 : i32
    %add3A_345 = arith.addi %mul3A_2, %add3A_344 : i32
    %dma_wait3A_346 = arith.constant 256 : i32
    %dma_wait3A_347 = arith.constant 0 : i32
    %dma_wait3A_348 = tpu.memref_slice %arg3[%add3A_345, %dma_wait3A_346, %dma_wait3A_347] : memref<64x512x512xi32, #tpu.memory_space<hbm>> -> memref<1x32x512xi32, #tpu.memory_space<hbm>>
    %dma_wait3A_349 = tpu.memref_squeeze %dma_wait3A_348 : memref<1x32x512xi32, #tpu.memory_space<hbm>> -> memref<32x512xi32, #tpu.memory_space<hbm>>
    %dma_wait3A_350 = arith.constant 256 : i32
    %dma_wait3A_351 = arith.constant 0 : i32
    %dma_wait3A_352 = tpu.memref_slice %arg3[%add3A_345, %dma_wait3A_350, %dma_wait3A_351] : memref<64x512x512xi32, #tpu.memory_space<hbm>> -> memref<1x32x512xi32, #tpu.memory_space<hbm>>
    %dma_wait3A_353 = tpu.memref_squeeze %dma_wait3A_352 : memref<1x32x512xi32, #tpu.memory_space<hbm>> -> memref<32x512xi32, #tpu.memory_space<hbm>>
    tpu.wait_dma2 semaphore(%arg10 : memref<!tpu.dma_semaphore, #tpu.memory_space<semaphore_mem>>) src(%dma_wait3A_353 : memref<32x512xi32, #tpu.memory_space<hbm>>) dst(%arg6 : memref<32x512xi32, #tpu.memory_space<vmem>>)
    %add3A_354 = arith.constant 0 : i32
    %add3A_355 = arith.addi %mul3A_2, %add3A_354 : i32
    %dma_wait3A_356 = arith.constant 192 : i32
    %dma_wait3A_357 = arith.constant 0 : i32
    %dma_wait3A_358 = tpu.memref_slice %arg4[%add3A_355, %dma_wait3A_356, %dma_wait3A_357] : memref<64x512x512xf32, #tpu.memory_space<hbm>> -> memref<1x32x512xf32, #tpu.memory_space<hbm>>
    %dma_wait3A_359 = tpu.memref_squeeze %dma_wait3A_358 : memref<1x32x512xf32, #tpu.memory_space<hbm>> -> memref<32x512xf32, #tpu.memory_space<hbm>>
    %dma_wait3A_360 = arith.constant 192 : i32
    %dma_wait3A_361 = arith.constant 0 : i32
    %dma_wait3A_362 = tpu.memref_slice %arg4[%add3A_355, %dma_wait3A_360, %dma_wait3A_361] : memref<64x512x512xf32, #tpu.memory_space<hbm>> -> memref<1x32x512xf32, #tpu.memory_space<hbm>>
    %dma_wait3A_363 = tpu.memref_squeeze %dma_wait3A_362 : memref<1x32x512xf32, #tpu.memory_space<hbm>> -> memref<32x512xf32, #tpu.memory_space<hbm>>
    tpu.wait_dma2 semaphore(%arg12 : memref<!tpu.dma_semaphore, #tpu.memory_space<semaphore_mem>>) src(%arg8 : memref<32x512xf32, #tpu.memory_space<vmem>>) dst(%dma_wait3A_363 : memref<32x512xf32, #tpu.memory_space<hbm>>)
    %parallel_loop3A_364 = arith.constant 0 : i32
    %parallel_loop3A_365 = arith.constant 16384 : i32
    %parallel_loop3A_366 = arith.constant 16 : i32
    scf.for %parallel_loop3A_1376 = %parallel_loop3A_364 to %parallel_loop3A_365 step %parallel_loop3A_366  : i32 {
      %parallel_loop3A_1377 = arith.constant 512 : i32
      %parallel_loop3A_1378 = arith.divsi %parallel_loop3A_1376, %parallel_loop3A_1377 : i32
      %parallel_loop3A_1379 = arith.constant 0 : i32
      %parallel_loop3A_1380 = arith.cmpi sgt, %parallel_loop3A_1376, %parallel_loop3A_1379 : i32
      %parallel_loop3A_1381 = arith.extui %parallel_loop3A_1380 : i1 to i32
      %parallel_loop3A_1382 = arith.constant 0 : i32
      %parallel_loop3A_1383 = arith.cmpi slt, %parallel_loop3A_1376, %parallel_loop3A_1382 : i32
      %parallel_loop3A_1384 = arith.extui %parallel_loop3A_1383 : i1 to i32
      %parallel_loop3A_1385 = arith.subi %parallel_loop3A_1381, %parallel_loop3A_1384 : i32
      %parallel_loop3A_1386 = arith.constant 0 : i32
      %parallel_loop3A_1387 = arith.cmpi sgt, %parallel_loop3A_1377, %parallel_loop3A_1386 : i32
      %parallel_loop3A_1388 = arith.extui %parallel_loop3A_1387 : i1 to i32
      %parallel_loop3A_1389 = arith.constant 0 : i32
      %parallel_loop3A_1390 = arith.cmpi slt, %parallel_loop3A_1377, %parallel_loop3A_1389 : i32
      %parallel_loop3A_1391 = arith.extui %parallel_loop3A_1390 : i1 to i32
      %parallel_loop3A_1392 = arith.subi %parallel_loop3A_1388, %parallel_loop3A_1391 : i32
      %parallel_loop3A_1393 = arith.cmpi ne, %parallel_loop3A_1385, %parallel_loop3A_1392 : i32
      %parallel_loop3A_1394 = arith.remsi %parallel_loop3A_1376, %parallel_loop3A_1377 : i32
      %parallel_loop3A_1395 = arith.constant 0 : i32
      %parallel_loop3A_1396 = arith.cmpi ne, %parallel_loop3A_1394, %parallel_loop3A_1395 : i32
      %parallel_loop3A_1397 = arith.andi %parallel_loop3A_1393, %parallel_loop3A_1396 : i1
      %parallel_loop3A_1398 = arith.constant 1 : i32
      %parallel_loop3A_1399 = arith.subi %parallel_loop3A_1378, %parallel_loop3A_1398 : i32
      %parallel_loop3A_1400 = arith.select %parallel_loop3A_1397, %parallel_loop3A_1399, %parallel_loop3A_1378 : i32
      %parallel_loop3A_1401 = arith.constant 512 : i32
      %parallel_loop3A_1402 = arith.constant 0 : i32
      %parallel_loop3A_1403 = arith.cmpi eq, %parallel_loop3A_1401, %parallel_loop3A_1402 : i32
      %parallel_loop3A_1404 = arith.constant 1 : i32
      %parallel_loop3A_1405 = arith.select %parallel_loop3A_1403, %parallel_loop3A_1404, %parallel_loop3A_1401 : i32
      %parallel_loop3A_1406 = arith.remsi %parallel_loop3A_1376, %parallel_loop3A_1405 : i32
      %parallel_loop3A_1407 = arith.constant 0 : i32
      %parallel_loop3A_1408 = arith.cmpi ne, %parallel_loop3A_1406, %parallel_loop3A_1407 : i32
      %parallel_loop3A_1409 = arith.constant 0 : i32
      %parallel_loop3A_1410 = arith.cmpi slt, %parallel_loop3A_1406, %parallel_loop3A_1409 : i32
      %parallel_loop3A_1411 = arith.constant 0 : i32
      %parallel_loop3A_1412 = arith.cmpi slt, %parallel_loop3A_1405, %parallel_loop3A_1411 : i32
      %parallel_loop3A_1413 = arith.xori %parallel_loop3A_1410, %parallel_loop3A_1412 : i1
      %parallel_loop3A_1414 = arith.andi %parallel_loop3A_1413, %parallel_loop3A_1408 : i1
      %parallel_loop3A_1415 = arith.addi %parallel_loop3A_1406, %parallel_loop3A_1405 : i32
      %parallel_loop3A_1416 = arith.select %parallel_loop3A_1414, %parallel_loop3A_1415, %parallel_loop3A_1406 : i32
      %parallel_loop3A_1417 = arith.index_cast %parallel_loop3A_1400 : i32 to index
      %parallel_loop3A_1418 = arith.index_cast %parallel_loop3A_1416 : i32 to index
      %parallel_loop3A_1419 = tpu.vector_load %arg6[%parallel_loop3A_1417, %parallel_loop3A_1418] {strides = array<i32>} : memref<32x512xi32, #tpu.memory_space<vmem>>, vector<16xi32>,
      %parallel_loop3A_1420 = tpu.vector_load_idx %arg5[%parallel_loop3A_1419] : memref<256xf32, #tpu.memory_space<vmem>>[vector<16xi32>], vector<16xf32>,
      %parallel_loop3A_1421 = arith.index_cast %parallel_loop3A_1400 : i32 to index
      %parallel_loop3A_1422 = arith.index_cast %parallel_loop3A_1416 : i32 to index
      %parallel_loop3A_1423 = tpu.vector_load %arg8[%parallel_loop3A_1421, %parallel_loop3A_1422] {strides = array<i32>} : memref<32x512xf32, #tpu.memory_space<vmem>>, vector<16xf32>,
      tpu.vector_store %arg8[%parallel_loop3A_1421, %parallel_loop3A_1422], %parallel_loop3A_1420 {strides = array<i32>} : memref<32x512xf32, #tpu.memory_space<vmem>>, vector<16xf32>,
    } {sc.loop_unroll_factor = 8 : i64, sc.parallel_access}
    %add3A_367 = arith.constant 0 : i32
    %add3A_368 = arith.addi %mul3A_2, %add3A_367 : i32
    %dma_start3A_369 = arith.constant 256 : i32
    %dma_start3A_370 = arith.constant 0 : i32
    %dma_start3A_371 = tpu.memref_slice %arg4[%add3A_368, %dma_start3A_369, %dma_start3A_370] : memref<64x512x512xf32, #tpu.memory_space<hbm>> -> memref<1x32x512xf32, #tpu.memory_space<hbm>>
    %dma_start3A_372 = tpu.memref_squeeze %dma_start3A_371 : memref<1x32x512xf32, #tpu.memory_space<hbm>> -> memref<32x512xf32, #tpu.memory_space<hbm>>
    %dma_start3A_373 = arith.constant 256 : i32
    %dma_start3A_374 = arith.constant 0 : i32
    %dma_start3A_375 = tpu.memref_slice %arg4[%add3A_368, %dma_start3A_373, %dma_start3A_374] : memref<64x512x512xf32, #tpu.memory_space<hbm>> -> memref<1x32x512xf32, #tpu.memory_space<hbm>>
    %dma_start3A_376 = tpu.memref_squeeze %dma_start3A_375 : memref<1x32x512xf32, #tpu.memory_space<hbm>> -> memref<32x512xf32, #tpu.memory_space<hbm>>
    tpu.enqueue_dma source(%arg8 : memref<32x512xf32, #tpu.memory_space<vmem>>) target(%dma_start3A_376 : memref<32x512xf32, #tpu.memory_space<hbm>>) target_semaphore(%arg12 : memref<!tpu.dma_semaphore, #tpu.memory_space<semaphore_mem>>)
    %add3A_377 = arith.constant 0 : i32
    %add3A_378 = arith.addi %mul3A_2, %add3A_377 : i32
    %dma_start3A_379 = arith.constant 320 : i32
    %dma_start3A_380 = arith.constant 0 : i32
    %dma_start3A_381 = tpu.memref_slice %arg3[%add3A_378, %dma_start3A_379, %dma_start3A_380] : memref<64x512x512xi32, #tpu.memory_space<hbm>> -> memref<1x32x512xi32, #tpu.memory_space<hbm>>
    %dma_start3A_382 = tpu.memref_squeeze %dma_start3A_381 : memref<1x32x512xi32, #tpu.memory_space<hbm>> -> memref<32x512xi32, #tpu.memory_space<hbm>>
    %dma_start3A_383 = arith.constant 320 : i32
    %dma_start3A_384 = arith.constant 0 : i32
    %dma_start3A_385 = tpu.memref_slice %arg3[%add3A_378, %dma_start3A_383, %dma_start3A_384] : memref<64x512x512xi32, #tpu.memory_space<hbm>> -> memref<1x32x512xi32, #tpu.memory_space<hbm>>
    %dma_start3A_386 = tpu.memref_squeeze %dma_start3A_385 : memref<1x32x512xi32, #tpu.memory_space<hbm>> -> memref<32x512xi32, #tpu.memory_space<hbm>>
    tpu.enqueue_dma source(%dma_start3A_386 : memref<32x512xi32, #tpu.memory_space<hbm>>) target(%arg6 : memref<32x512xi32, #tpu.memory_space<vmem>>) target_semaphore(%arg10 : memref<!tpu.dma_semaphore, #tpu.memory_space<semaphore_mem>>)
    %add3A_387 = arith.constant 0 : i32
    %add3A_388 = arith.addi %mul3A_2, %add3A_387 : i32
    %dma_wait3A_389 = arith.constant 288 : i32
    %dma_wait3A_390 = arith.constant 0 : i32
    %dma_wait3A_391 = tpu.memref_slice %arg3[%add3A_388, %dma_wait3A_389, %dma_wait3A_390] : memref<64x512x512xi32, #tpu.memory_space<hbm>> -> memref<1x32x512xi32, #tpu.memory_space<hbm>>
    %dma_wait3A_392 = tpu.memref_squeeze %dma_wait3A_391 : memref<1x32x512xi32, #tpu.memory_space<hbm>> -> memref<32x512xi32, #tpu.memory_space<hbm>>
    %dma_wait3A_393 = arith.constant 288 : i32
    %dma_wait3A_394 = arith.constant 0 : i32
    %dma_wait3A_395 = tpu.memref_slice %arg3[%add3A_388, %dma_wait3A_393, %dma_wait3A_394] : memref<64x512x512xi32, #tpu.memory_space<hbm>> -> memref<1x32x512xi32, #tpu.memory_space<hbm>>
    %dma_wait3A_396 = tpu.memref_squeeze %dma_wait3A_395 : memref<1x32x512xi32, #tpu.memory_space<hbm>> -> memref<32x512xi32, #tpu.memory_space<hbm>>
    tpu.wait_dma2 semaphore(%arg11 : memref<!tpu.dma_semaphore, #tpu.memory_space<semaphore_mem>>) src(%dma_wait3A_396 : memref<32x512xi32, #tpu.memory_space<hbm>>) dst(%arg7 : memref<32x512xi32, #tpu.memory_space<vmem>>)
    %add3A_397 = arith.constant 0 : i32
    %add3A_398 = arith.addi %mul3A_2, %add3A_397 : i32
    %dma_wait3A_399 = arith.constant 224 : i32
    %dma_wait3A_400 = arith.constant 0 : i32
    %dma_wait3A_401 = tpu.memref_slice %arg4[%add3A_398, %dma_wait3A_399, %dma_wait3A_400] : memref<64x512x512xf32, #tpu.memory_space<hbm>> -> memref<1x32x512xf32, #tpu.memory_space<hbm>>
    %dma_wait3A_402 = tpu.memref_squeeze %dma_wait3A_401 : memref<1x32x512xf32, #tpu.memory_space<hbm>> -> memref<32x512xf32, #tpu.memory_space<hbm>>
    %dma_wait3A_403 = arith.constant 224 : i32
    %dma_wait3A_404 = arith.constant 0 : i32
    %dma_wait3A_405 = tpu.memref_slice %arg4[%add3A_398, %dma_wait3A_403, %dma_wait3A_404] : memref<64x512x512xf32, #tpu.memory_space<hbm>> -> memref<1x32x512xf32, #tpu.memory_space<hbm>>
    %dma_wait3A_406 = tpu.memref_squeeze %dma_wait3A_405 : memref<1x32x512xf32, #tpu.memory_space<hbm>> -> memref<32x512xf32, #tpu.memory_space<hbm>>
    tpu.wait_dma2 semaphore(%arg13 : memref<!tpu.dma_semaphore, #tpu.memory_space<semaphore_mem>>) src(%arg9 : memref<32x512xf32, #tpu.memory_space<vmem>>) dst(%dma_wait3A_406 : memref<32x512xf32, #tpu.memory_space<hbm>>)
    %parallel_loop3A_407 = arith.constant 0 : i32
    %parallel_loop3A_408 = arith.constant 16384 : i32
    %parallel_loop3A_409 = arith.constant 16 : i32
    scf.for %parallel_loop3A_1376 = %parallel_loop3A_407 to %parallel_loop3A_408 step %parallel_loop3A_409  : i32 {
      %parallel_loop3A_1377 = arith.constant 512 : i32
      %parallel_loop3A_1378 = arith.divsi %parallel_loop3A_1376, %parallel_loop3A_1377 : i32
      %parallel_loop3A_1379 = arith.constant 0 : i32
      %parallel_loop3A_1380 = arith.cmpi sgt, %parallel_loop3A_1376, %parallel_loop3A_1379 : i32
      %parallel_loop3A_1381 = arith.extui %parallel_loop3A_1380 : i1 to i32
      %parallel_loop3A_1382 = arith.constant 0 : i32
      %parallel_loop3A_1383 = arith.cmpi slt, %parallel_loop3A_1376, %parallel_loop3A_1382 : i32
      %parallel_loop3A_1384 = arith.extui %parallel_loop3A_1383 : i1 to i32
      %parallel_loop3A_1385 = arith.subi %parallel_loop3A_1381, %parallel_loop3A_1384 : i32
      %parallel_loop3A_1386 = arith.constant 0 : i32
      %parallel_loop3A_1387 = arith.cmpi sgt, %parallel_loop3A_1377, %parallel_loop3A_1386 : i32
      %parallel_loop3A_1388 = arith.extui %parallel_loop3A_1387 : i1 to i32
      %parallel_loop3A_1389 = arith.constant 0 : i32
      %parallel_loop3A_1390 = arith.cmpi slt, %parallel_loop3A_1377, %parallel_loop3A_1389 : i32
      %parallel_loop3A_1391 = arith.extui %parallel_loop3A_1390 : i1 to i32
      %parallel_loop3A_1392 = arith.subi %parallel_loop3A_1388, %parallel_loop3A_1391 : i32
      %parallel_loop3A_1393 = arith.cmpi ne, %parallel_loop3A_1385, %parallel_loop3A_1392 : i32
      %parallel_loop3A_1394 = arith.remsi %parallel_loop3A_1376, %parallel_loop3A_1377 : i32
      %parallel_loop3A_1395 = arith.constant 0 : i32
      %parallel_loop3A_1396 = arith.cmpi ne, %parallel_loop3A_1394, %parallel_loop3A_1395 : i32
      %parallel_loop3A_1397 = arith.andi %parallel_loop3A_1393, %parallel_loop3A_1396 : i1
      %parallel_loop3A_1398 = arith.constant 1 : i32
      %parallel_loop3A_1399 = arith.subi %parallel_loop3A_1378, %parallel_loop3A_1398 : i32
      %parallel_loop3A_1400 = arith.select %parallel_loop3A_1397, %parallel_loop3A_1399, %parallel_loop3A_1378 : i32
      %parallel_loop3A_1401 = arith.constant 512 : i32
      %parallel_loop3A_1402 = arith.constant 0 : i32
      %parallel_loop3A_1403 = arith.cmpi eq, %parallel_loop3A_1401, %parallel_loop3A_1402 : i32
      %parallel_loop3A_1404 = arith.constant 1 : i32
      %parallel_loop3A_1405 = arith.select %parallel_loop3A_1403, %parallel_loop3A_1404, %parallel_loop3A_1401 : i32
      %parallel_loop3A_1406 = arith.remsi %parallel_loop3A_1376, %parallel_loop3A_1405 : i32
      %parallel_loop3A_1407 = arith.constant 0 : i32
      %parallel_loop3A_1408 = arith.cmpi ne, %parallel_loop3A_1406, %parallel_loop3A_1407 : i32
      %parallel_loop3A_1409 = arith.constant 0 : i32
      %parallel_loop3A_1410 = arith.cmpi slt, %parallel_loop3A_1406, %parallel_loop3A_1409 : i32
      %parallel_loop3A_1411 = arith.constant 0 : i32
      %parallel_loop3A_1412 = arith.cmpi slt, %parallel_loop3A_1405, %parallel_loop3A_1411 : i32
      %parallel_loop3A_1413 = arith.xori %parallel_loop3A_1410, %parallel_loop3A_1412 : i1
      %parallel_loop3A_1414 = arith.andi %parallel_loop3A_1413, %parallel_loop3A_1408 : i1
      %parallel_loop3A_1415 = arith.addi %parallel_loop3A_1406, %parallel_loop3A_1405 : i32
      %parallel_loop3A_1416 = arith.select %parallel_loop3A_1414, %parallel_loop3A_1415, %parallel_loop3A_1406 : i32
      %parallel_loop3A_1417 = arith.index_cast %parallel_loop3A_1400 : i32 to index
      %parallel_loop3A_1418 = arith.index_cast %parallel_loop3A_1416 : i32 to index
      %parallel_loop3A_1419 = tpu.vector_load %arg7[%parallel_loop3A_1417, %parallel_loop3A_1418] {strides = array<i32>} : memref<32x512xi32, #tpu.memory_space<vmem>>, vector<16xi32>,
      %parallel_loop3A_1420 = tpu.vector_load_idx %arg5[%parallel_loop3A_1419] : memref<256xf32, #tpu.memory_space<vmem>>[vector<16xi32>], vector<16xf32>,
      %parallel_loop3A_1421 = arith.index_cast %parallel_loop3A_1400 : i32 to index
      %parallel_loop3A_1422 = arith.index_cast %parallel_loop3A_1416 : i32 to index
      %parallel_loop3A_1423 = tpu.vector_load %arg9[%parallel_loop3A_1421, %parallel_loop3A_1422] {strides = array<i32>} : memref<32x512xf32, #tpu.memory_space<vmem>>, vector<16xf32>,
      tpu.vector_store %arg9[%parallel_loop3A_1421, %parallel_loop3A_1422], %parallel_loop3A_1420 {strides = array<i32>} : memref<32x512xf32, #tpu.memory_space<vmem>>, vector<16xf32>,
    } {sc.loop_unroll_factor = 8 : i64, sc.parallel_access}
    %add3A_410 = arith.constant 0 : i32
    %add3A_411 = arith.addi %mul3A_2, %add3A_410 : i32
    %dma_start3A_412 = arith.constant 288 : i32
    %dma_start3A_413 = arith.constant 0 : i32
    %dma_start3A_414 = tpu.memref_slice %arg4[%add3A_411, %dma_start3A_412, %dma_start3A_413] : memref<64x512x512xf32, #tpu.memory_space<hbm>> -> memref<1x32x512xf32, #tpu.memory_space<hbm>>
    %dma_start3A_415 = tpu.memref_squeeze %dma_start3A_414 : memref<1x32x512xf32, #tpu.memory_space<hbm>> -> memref<32x512xf32, #tpu.memory_space<hbm>>
    %dma_start3A_416 = arith.constant 288 : i32
    %dma_start3A_417 = arith.constant 0 : i32
    %dma_start3A_418 = tpu.memref_slice %arg4[%add3A_411, %dma_start3A_416, %dma_start3A_417] : memref<64x512x512xf32, #tpu.memory_space<hbm>> -> memref<1x32x512xf32, #tpu.memory_space<hbm>>
    %dma_start3A_419 = tpu.memref_squeeze %dma_start3A_418 : memref<1x32x512xf32, #tpu.memory_space<hbm>> -> memref<32x512xf32, #tpu.memory_space<hbm>>
    tpu.enqueue_dma source(%arg9 : memref<32x512xf32, #tpu.memory_space<vmem>>) target(%dma_start3A_419 : memref<32x512xf32, #tpu.memory_space<hbm>>) target_semaphore(%arg13 : memref<!tpu.dma_semaphore, #tpu.memory_space<semaphore_mem>>)
    %add3A_420 = arith.constant 0 : i32
    %add3A_421 = arith.addi %mul3A_2, %add3A_420 : i32
    %dma_start3A_422 = arith.constant 352 : i32
    %dma_start3A_423 = arith.constant 0 : i32
    %dma_start3A_424 = tpu.memref_slice %arg3[%add3A_421, %dma_start3A_422, %dma_start3A_423] : memref<64x512x512xi32, #tpu.memory_space<hbm>> -> memref<1x32x512xi32, #tpu.memory_space<hbm>>
    %dma_start3A_425 = tpu.memref_squeeze %dma_start3A_424 : memref<1x32x512xi32, #tpu.memory_space<hbm>> -> memref<32x512xi32, #tpu.memory_space<hbm>>
    %dma_start3A_426 = arith.constant 352 : i32
    %dma_start3A_427 = arith.constant 0 : i32
    %dma_start3A_428 = tpu.memref_slice %arg3[%add3A_421, %dma_start3A_426, %dma_start3A_427] : memref<64x512x512xi32, #tpu.memory_space<hbm>> -> memref<1x32x512xi32, #tpu.memory_space<hbm>>
    %dma_start3A_429 = tpu.memref_squeeze %dma_start3A_428 : memref<1x32x512xi32, #tpu.memory_space<hbm>> -> memref<32x512xi32, #tpu.memory_space<hbm>>
    tpu.enqueue_dma source(%dma_start3A_429 : memref<32x512xi32, #tpu.memory_space<hbm>>) target(%arg7 : memref<32x512xi32, #tpu.memory_space<vmem>>) target_semaphore(%arg11 : memref<!tpu.dma_semaphore, #tpu.memory_space<semaphore_mem>>)
    %add3A_430 = arith.constant 0 : i32
    %add3A_431 = arith.addi %mul3A_2, %add3A_430 : i32
    %dma_wait3A_432 = arith.constant 320 : i32
    %dma_wait3A_433 = arith.constant 0 : i32
    %dma_wait3A_434 = tpu.memref_slice %arg3[%add3A_431, %dma_wait3A_432, %dma_wait3A_433] : memref<64x512x512xi32, #tpu.memory_space<hbm>> -> memref<1x32x512xi32, #tpu.memory_space<hbm>>
    %dma_wait3A_435 = tpu.memref_squeeze %dma_wait3A_434 : memref<1x32x512xi32, #tpu.memory_space<hbm>> -> memref<32x512xi32, #tpu.memory_space<hbm>>
    %dma_wait3A_436 = arith.constant 320 : i32
    %dma_wait3A_437 = arith.constant 0 : i32
    %dma_wait3A_438 = tpu.memref_slice %arg3[%add3A_431, %dma_wait3A_436, %dma_wait3A_437] : memref<64x512x512xi32, #tpu.memory_space<hbm>> -> memref<1x32x512xi32, #tpu.memory_space<hbm>>
    %dma_wait3A_439 = tpu.memref_squeeze %dma_wait3A_438 : memref<1x32x512xi32, #tpu.memory_space<hbm>> -> memref<32x512xi32, #tpu.memory_space<hbm>>
    tpu.wait_dma2 semaphore(%arg10 : memref<!tpu.dma_semaphore, #tpu.memory_space<semaphore_mem>>) src(%dma_wait3A_439 : memref<32x512xi32, #tpu.memory_space<hbm>>) dst(%arg6 : memref<32x512xi32, #tpu.memory_space<vmem>>)
    %add3A_440 = arith.constant 0 : i32
    %add3A_441 = arith.addi %mul3A_2, %add3A_440 : i32
    %dma_wait3A_442 = arith.constant 256 : i32
    %dma_wait3A_443 = arith.constant 0 : i32
    %dma_wait3A_444 = tpu.memref_slice %arg4[%add3A_441, %dma_wait3A_442, %dma_wait3A_443] : memref<64x512x512xf32, #tpu.memory_space<hbm>> -> memref<1x32x512xf32, #tpu.memory_space<hbm>>
    %dma_wait3A_445 = tpu.memref_squeeze %dma_wait3A_444 : memref<1x32x512xf32, #tpu.memory_space<hbm>> -> memref<32x512xf32, #tpu.memory_space<hbm>>
    %dma_wait3A_446 = arith.constant 256 : i32
    %dma_wait3A_447 = arith.constant 0 : i32
    %dma_wait3A_448 = tpu.memref_slice %arg4[%add3A_441, %dma_wait3A_446, %dma_wait3A_447] : memref<64x512x512xf32, #tpu.memory_space<hbm>> -> memref<1x32x512xf32, #tpu.memory_space<hbm>>
    %dma_wait3A_449 = tpu.memref_squeeze %dma_wait3A_448 : memref<1x32x512xf32, #tpu.memory_space<hbm>> -> memref<32x512xf32, #tpu.memory_space<hbm>>
    tpu.wait_dma2 semaphore(%arg12 : memref<!tpu.dma_semaphore, #tpu.memory_space<semaphore_mem>>) src(%arg8 : memref<32x512xf32, #tpu.memory_space<vmem>>) dst(%dma_wait3A_449 : memref<32x512xf32, #tpu.memory_space<hbm>>)
    %parallel_loop3A_450 = arith.constant 0 : i32
    %parallel_loop3A_451 = arith.constant 16384 : i32
    %parallel_loop3A_452 = arith.constant 16 : i32
    scf.for %parallel_loop3A_1376 = %parallel_loop3A_450 to %parallel_loop3A_451 step %parallel_loop3A_452  : i32 {
      %parallel_loop3A_1377 = arith.constant 512 : i32
      %parallel_loop3A_1378 = arith.divsi %parallel_loop3A_1376, %parallel_loop3A_1377 : i32
      %parallel_loop3A_1379 = arith.constant 0 : i32
      %parallel_loop3A_1380 = arith.cmpi sgt, %parallel_loop3A_1376, %parallel_loop3A_1379 : i32
      %parallel_loop3A_1381 = arith.extui %parallel_loop3A_1380 : i1 to i32
      %parallel_loop3A_1382 = arith.constant 0 : i32
      %parallel_loop3A_1383 = arith.cmpi slt, %parallel_loop3A_1376, %parallel_loop3A_1382 : i32
      %parallel_loop3A_1384 = arith.extui %parallel_loop3A_1383 : i1 to i32
      %parallel_loop3A_1385 = arith.subi %parallel_loop3A_1381, %parallel_loop3A_1384 : i32
      %parallel_loop3A_1386 = arith.constant 0 : i32
      %parallel_loop3A_1387 = arith.cmpi sgt, %parallel_loop3A_1377, %parallel_loop3A_1386 : i32
      %parallel_loop3A_1388 = arith.extui %parallel_loop3A_1387 : i1 to i32
      %parallel_loop3A_1389 = arith.constant 0 : i32
      %parallel_loop3A_1390 = arith.cmpi slt, %parallel_loop3A_1377, %parallel_loop3A_1389 : i32
      %parallel_loop3A_1391 = arith.extui %parallel_loop3A_1390 : i1 to i32
      %parallel_loop3A_1392 = arith.subi %parallel_loop3A_1388, %parallel_loop3A_1391 : i32
      %parallel_loop3A_1393 = arith.cmpi ne, %parallel_loop3A_1385, %parallel_loop3A_1392 : i32
      %parallel_loop3A_1394 = arith.remsi %parallel_loop3A_1376, %parallel_loop3A_1377 : i32
      %parallel_loop3A_1395 = arith.constant 0 : i32
      %parallel_loop3A_1396 = arith.cmpi ne, %parallel_loop3A_1394, %parallel_loop3A_1395 : i32
      %parallel_loop3A_1397 = arith.andi %parallel_loop3A_1393, %parallel_loop3A_1396 : i1
      %parallel_loop3A_1398 = arith.constant 1 : i32
      %parallel_loop3A_1399 = arith.subi %parallel_loop3A_1378, %parallel_loop3A_1398 : i32
      %parallel_loop3A_1400 = arith.select %parallel_loop3A_1397, %parallel_loop3A_1399, %parallel_loop3A_1378 : i32
      %parallel_loop3A_1401 = arith.constant 512 : i32
      %parallel_loop3A_1402 = arith.constant 0 : i32
      %parallel_loop3A_1403 = arith.cmpi eq, %parallel_loop3A_1401, %parallel_loop3A_1402 : i32
      %parallel_loop3A_1404 = arith.constant 1 : i32
      %parallel_loop3A_1405 = arith.select %parallel_loop3A_1403, %parallel_loop3A_1404, %parallel_loop3A_1401 : i32
      %parallel_loop3A_1406 = arith.remsi %parallel_loop3A_1376, %parallel_loop3A_1405 : i32
      %parallel_loop3A_1407 = arith.constant 0 : i32
      %parallel_loop3A_1408 = arith.cmpi ne, %parallel_loop3A_1406, %parallel_loop3A_1407 : i32
      %parallel_loop3A_1409 = arith.constant 0 : i32
      %parallel_loop3A_1410 = arith.cmpi slt, %parallel_loop3A_1406, %parallel_loop3A_1409 : i32
      %parallel_loop3A_1411 = arith.constant 0 : i32
      %parallel_loop3A_1412 = arith.cmpi slt, %parallel_loop3A_1405, %parallel_loop3A_1411 : i32
      %parallel_loop3A_1413 = arith.xori %parallel_loop3A_1410, %parallel_loop3A_1412 : i1
      %parallel_loop3A_1414 = arith.andi %parallel_loop3A_1413, %parallel_loop3A_1408 : i1
      %parallel_loop3A_1415 = arith.addi %parallel_loop3A_1406, %parallel_loop3A_1405 : i32
      %parallel_loop3A_1416 = arith.select %parallel_loop3A_1414, %parallel_loop3A_1415, %parallel_loop3A_1406 : i32
      %parallel_loop3A_1417 = arith.index_cast %parallel_loop3A_1400 : i32 to index
      %parallel_loop3A_1418 = arith.index_cast %parallel_loop3A_1416 : i32 to index
      %parallel_loop3A_1419 = tpu.vector_load %arg6[%parallel_loop3A_1417, %parallel_loop3A_1418] {strides = array<i32>} : memref<32x512xi32, #tpu.memory_space<vmem>>, vector<16xi32>,
      %parallel_loop3A_1420 = tpu.vector_load_idx %arg5[%parallel_loop3A_1419] : memref<256xf32, #tpu.memory_space<vmem>>[vector<16xi32>], vector<16xf32>,
      %parallel_loop3A_1421 = arith.index_cast %parallel_loop3A_1400 : i32 to index
      %parallel_loop3A_1422 = arith.index_cast %parallel_loop3A_1416 : i32 to index
      %parallel_loop3A_1423 = tpu.vector_load %arg8[%parallel_loop3A_1421, %parallel_loop3A_1422] {strides = array<i32>} : memref<32x512xf32, #tpu.memory_space<vmem>>, vector<16xf32>,
      tpu.vector_store %arg8[%parallel_loop3A_1421, %parallel_loop3A_1422], %parallel_loop3A_1420 {strides = array<i32>} : memref<32x512xf32, #tpu.memory_space<vmem>>, vector<16xf32>,
    } {sc.loop_unroll_factor = 8 : i64, sc.parallel_access}
    %add3A_453 = arith.constant 0 : i32
    %add3A_454 = arith.addi %mul3A_2, %add3A_453 : i32
    %dma_start3A_455 = arith.constant 320 : i32
    %dma_start3A_456 = arith.constant 0 : i32
    %dma_start3A_457 = tpu.memref_slice %arg4[%add3A_454, %dma_start3A_455, %dma_start3A_456] : memref<64x512x512xf32, #tpu.memory_space<hbm>> -> memref<1x32x512xf32, #tpu.memory_space<hbm>>
    %dma_start3A_458 = tpu.memref_squeeze %dma_start3A_457 : memref<1x32x512xf32, #tpu.memory_space<hbm>> -> memref<32x512xf32, #tpu.memory_space<hbm>>
    %dma_start3A_459 = arith.constant 320 : i32
    %dma_start3A_460 = arith.constant 0 : i32
    %dma_start3A_461 = tpu.memref_slice %arg4[%add3A_454, %dma_start3A_459, %dma_start3A_460] : memref<64x512x512xf32, #tpu.memory_space<hbm>> -> memref<1x32x512xf32, #tpu.memory_space<hbm>>
    %dma_start3A_462 = tpu.memref_squeeze %dma_start3A_461 : memref<1x32x512xf32, #tpu.memory_space<hbm>> -> memref<32x512xf32, #tpu.memory_space<hbm>>
    tpu.enqueue_dma source(%arg8 : memref<32x512xf32, #tpu.memory_space<vmem>>) target(%dma_start3A_462 : memref<32x512xf32, #tpu.memory_space<hbm>>) target_semaphore(%arg12 : memref<!tpu.dma_semaphore, #tpu.memory_space<semaphore_mem>>)
    %add3A_463 = arith.constant 0 : i32
    %add3A_464 = arith.addi %mul3A_2, %add3A_463 : i32
    %dma_start3A_465 = arith.constant 384 : i32
    %dma_start3A_466 = arith.constant 0 : i32
    %dma_start3A_467 = tpu.memref_slice %arg3[%add3A_464, %dma_start3A_465, %dma_start3A_466] : memref<64x512x512xi32, #tpu.memory_space<hbm>> -> memref<1x32x512xi32, #tpu.memory_space<hbm>>
    %dma_start3A_468 = tpu.memref_squeeze %dma_start3A_467 : memref<1x32x512xi32, #tpu.memory_space<hbm>> -> memref<32x512xi32, #tpu.memory_space<hbm>>
    %dma_start3A_469 = arith.constant 384 : i32
    %dma_start3A_470 = arith.constant 0 : i32
    %dma_start3A_471 = tpu.memref_slice %arg3[%add3A_464, %dma_start3A_469, %dma_start3A_470] : memref<64x512x512xi32, #tpu.memory_space<hbm>> -> memref<1x32x512xi32, #tpu.memory_space<hbm>>
    %dma_start3A_472 = tpu.memref_squeeze %dma_start3A_471 : memref<1x32x512xi32, #tpu.memory_space<hbm>> -> memref<32x512xi32, #tpu.memory_space<hbm>>
    tpu.enqueue_dma source(%dma_start3A_472 : memref<32x512xi32, #tpu.memory_space<hbm>>) target(%arg6 : memref<32x512xi32, #tpu.memory_space<vmem>>) target_semaphore(%arg10 : memref<!tpu.dma_semaphore, #tpu.memory_space<semaphore_mem>>)
    %add3A_473 = arith.constant 0 : i32
    %add3A_474 = arith.addi %mul3A_2, %add3A_473 : i32
    %dma_wait3A_475 = arith.constant 352 : i32
    %dma_wait3A_476 = arith.constant 0 : i32
    %dma_wait3A_477 = tpu.memref_slice %arg3[%add3A_474, %dma_wait3A_475, %dma_wait3A_476] : memref<64x512x512xi32, #tpu.memory_space<hbm>> -> memref<1x32x512xi32, #tpu.memory_space<hbm>>
    %dma_wait3A_478 = tpu.memref_squeeze %dma_wait3A_477 : memref<1x32x512xi32, #tpu.memory_space<hbm>> -> memref<32x512xi32, #tpu.memory_space<hbm>>
    %dma_wait3A_479 = arith.constant 352 : i32
    %dma_wait3A_480 = arith.constant 0 : i32
    %dma_wait3A_481 = tpu.memref_slice %arg3[%add3A_474, %dma_wait3A_479, %dma_wait3A_480] : memref<64x512x512xi32, #tpu.memory_space<hbm>> -> memref<1x32x512xi32, #tpu.memory_space<hbm>>
    %dma_wait3A_482 = tpu.memref_squeeze %dma_wait3A_481 : memref<1x32x512xi32, #tpu.memory_space<hbm>> -> memref<32x512xi32, #tpu.memory_space<hbm>>
    tpu.wait_dma2 semaphore(%arg11 : memref<!tpu.dma_semaphore, #tpu.memory_space<semaphore_mem>>) src(%dma_wait3A_482 : memref<32x512xi32, #tpu.memory_space<hbm>>) dst(%arg7 : memref<32x512xi32, #tpu.memory_space<vmem>>)
    %add3A_483 = arith.constant 0 : i32
    %add3A_484 = arith.addi %mul3A_2, %add3A_483 : i32
    %dma_wait3A_485 = arith.constant 288 : i32
    %dma_wait3A_486 = arith.constant 0 : i32
    %dma_wait3A_487 = tpu.memref_slice %arg4[%add3A_484, %dma_wait3A_485, %dma_wait3A_486] : memref<64x512x512xf32, #tpu.memory_space<hbm>> -> memref<1x32x512xf32, #tpu.memory_space<hbm>>
    %dma_wait3A_488 = tpu.memref_squeeze %dma_wait3A_487 : memref<1x32x512xf32, #tpu.memory_space<hbm>> -> memref<32x512xf32, #tpu.memory_space<hbm>>
    %dma_wait3A_489 = arith.constant 288 : i32
    %dma_wait3A_490 = arith.constant 0 : i32
    %dma_wait3A_491 = tpu.memref_slice %arg4[%add3A_484, %dma_wait3A_489, %dma_wait3A_490] : memref<64x512x512xf32, #tpu.memory_space<hbm>> -> memref<1x32x512xf32, #tpu.memory_space<hbm>>
    %dma_wait3A_492 = tpu.memref_squeeze %dma_wait3A_491 : memref<1x32x512xf32, #tpu.memory_space<hbm>> -> memref<32x512xf32, #tpu.memory_space<hbm>>
    tpu.wait_dma2 semaphore(%arg13 : memref<!tpu.dma_semaphore, #tpu.memory_space<semaphore_mem>>) src(%arg9 : memref<32x512xf32, #tpu.memory_space<vmem>>) dst(%dma_wait3A_492 : memref<32x512xf32, #tpu.memory_space<hbm>>)
    %parallel_loop3A_493 = arith.constant 0 : i32
    %parallel_loop3A_494 = arith.constant 16384 : i32
    %parallel_loop3A_495 = arith.constant 16 : i32
    scf.for %parallel_loop3A_1376 = %parallel_loop3A_493 to %parallel_loop3A_494 step %parallel_loop3A_495  : i32 {
      %parallel_loop3A_1377 = arith.constant 512 : i32
      %parallel_loop3A_1378 = arith.divsi %parallel_loop3A_1376, %parallel_loop3A_1377 : i32
      %parallel_loop3A_1379 = arith.constant 0 : i32
      %parallel_loop3A_1380 = arith.cmpi sgt, %parallel_loop3A_1376, %parallel_loop3A_1379 : i32
      %parallel_loop3A_1381 = arith.extui %parallel_loop3A_1380 : i1 to i32
      %parallel_loop3A_1382 = arith.constant 0 : i32
      %parallel_loop3A_1383 = arith.cmpi slt, %parallel_loop3A_1376, %parallel_loop3A_1382 : i32
      %parallel_loop3A_1384 = arith.extui %parallel_loop3A_1383 : i1 to i32
      %parallel_loop3A_1385 = arith.subi %parallel_loop3A_1381, %parallel_loop3A_1384 : i32
      %parallel_loop3A_1386 = arith.constant 0 : i32
      %parallel_loop3A_1387 = arith.cmpi sgt, %parallel_loop3A_1377, %parallel_loop3A_1386 : i32
      %parallel_loop3A_1388 = arith.extui %parallel_loop3A_1387 : i1 to i32
      %parallel_loop3A_1389 = arith.constant 0 : i32
      %parallel_loop3A_1390 = arith.cmpi slt, %parallel_loop3A_1377, %parallel_loop3A_1389 : i32
      %parallel_loop3A_1391 = arith.extui %parallel_loop3A_1390 : i1 to i32
      %parallel_loop3A_1392 = arith.subi %parallel_loop3A_1388, %parallel_loop3A_1391 : i32
      %parallel_loop3A_1393 = arith.cmpi ne, %parallel_loop3A_1385, %parallel_loop3A_1392 : i32
      %parallel_loop3A_1394 = arith.remsi %parallel_loop3A_1376, %parallel_loop3A_1377 : i32
      %parallel_loop3A_1395 = arith.constant 0 : i32
      %parallel_loop3A_1396 = arith.cmpi ne, %parallel_loop3A_1394, %parallel_loop3A_1395 : i32
      %parallel_loop3A_1397 = arith.andi %parallel_loop3A_1393, %parallel_loop3A_1396 : i1
      %parallel_loop3A_1398 = arith.constant 1 : i32
      %parallel_loop3A_1399 = arith.subi %parallel_loop3A_1378, %parallel_loop3A_1398 : i32
      %parallel_loop3A_1400 = arith.select %parallel_loop3A_1397, %parallel_loop3A_1399, %parallel_loop3A_1378 : i32
      %parallel_loop3A_1401 = arith.constant 512 : i32
      %parallel_loop3A_1402 = arith.constant 0 : i32
      %parallel_loop3A_1403 = arith.cmpi eq, %parallel_loop3A_1401, %parallel_loop3A_1402 : i32
      %parallel_loop3A_1404 = arith.constant 1 : i32
      %parallel_loop3A_1405 = arith.select %parallel_loop3A_1403, %parallel_loop3A_1404, %parallel_loop3A_1401 : i32
      %parallel_loop3A_1406 = arith.remsi %parallel_loop3A_1376, %parallel_loop3A_1405 : i32
      %parallel_loop3A_1407 = arith.constant 0 : i32
      %parallel_loop3A_1408 = arith.cmpi ne, %parallel_loop3A_1406, %parallel_loop3A_1407 : i32
      %parallel_loop3A_1409 = arith.constant 0 : i32
      %parallel_loop3A_1410 = arith.cmpi slt, %parallel_loop3A_1406, %parallel_loop3A_1409 : i32
      %parallel_loop3A_1411 = arith.constant 0 : i32
      %parallel_loop3A_1412 = arith.cmpi slt, %parallel_loop3A_1405, %parallel_loop3A_1411 : i32
      %parallel_loop3A_1413 = arith.xori %parallel_loop3A_1410, %parallel_loop3A_1412 : i1
      %parallel_loop3A_1414 = arith.andi %parallel_loop3A_1413, %parallel_loop3A_1408 : i1
      %parallel_loop3A_1415 = arith.addi %parallel_loop3A_1406, %parallel_loop3A_1405 : i32
      %parallel_loop3A_1416 = arith.select %parallel_loop3A_1414, %parallel_loop3A_1415, %parallel_loop3A_1406 : i32
      %parallel_loop3A_1417 = arith.index_cast %parallel_loop3A_1400 : i32 to index
      %parallel_loop3A_1418 = arith.index_cast %parallel_loop3A_1416 : i32 to index
      %parallel_loop3A_1419 = tpu.vector_load %arg7[%parallel_loop3A_1417, %parallel_loop3A_1418] {strides = array<i32>} : memref<32x512xi32, #tpu.memory_space<vmem>>, vector<16xi32>,
      %parallel_loop3A_1420 = tpu.vector_load_idx %arg5[%parallel_loop3A_1419] : memref<256xf32, #tpu.memory_space<vmem>>[vector<16xi32>], vector<16xf32>,
      %parallel_loop3A_1421 = arith.index_cast %parallel_loop3A_1400 : i32 to index
      %parallel_loop3A_1422 = arith.index_cast %parallel_loop3A_1416 : i32 to index
      %parallel_loop3A_1423 = tpu.vector_load %arg9[%parallel_loop3A_1421, %parallel_loop3A_1422] {strides = array<i32>} : memref<32x512xf32, #tpu.memory_space<vmem>>, vector<16xf32>,
      tpu.vector_store %arg9[%parallel_loop3A_1421, %parallel_loop3A_1422], %parallel_loop3A_1420 {strides = array<i32>} : memref<32x512xf32, #tpu.memory_space<vmem>>, vector<16xf32>,
    } {sc.loop_unroll_factor = 8 : i64, sc.parallel_access}
    %add3A_496 = arith.constant 0 : i32
    %add3A_497 = arith.addi %mul3A_2, %add3A_496 : i32
    %dma_start3A_498 = arith.constant 352 : i32
    %dma_start3A_499 = arith.constant 0 : i32
    %dma_start3A_500 = tpu.memref_slice %arg4[%add3A_497, %dma_start3A_498, %dma_start3A_499] : memref<64x512x512xf32, #tpu.memory_space<hbm>> -> memref<1x32x512xf32, #tpu.memory_space<hbm>>
    %dma_start3A_501 = tpu.memref_squeeze %dma_start3A_500 : memref<1x32x512xf32, #tpu.memory_space<hbm>> -> memref<32x512xf32, #tpu.memory_space<hbm>>
    %dma_start3A_502 = arith.constant 352 : i32
    %dma_start3A_503 = arith.constant 0 : i32
    %dma_start3A_504 = tpu.memref_slice %arg4[%add3A_497, %dma_start3A_502, %dma_start3A_503] : memref<64x512x512xf32, #tpu.memory_space<hbm>> -> memref<1x32x512xf32, #tpu.memory_space<hbm>>
    %dma_start3A_505 = tpu.memref_squeeze %dma_start3A_504 : memref<1x32x512xf32, #tpu.memory_space<hbm>> -> memref<32x512xf32, #tpu.memory_space<hbm>>
    tpu.enqueue_dma source(%arg9 : memref<32x512xf32, #tpu.memory_space<vmem>>) target(%dma_start3A_505 : memref<32x512xf32, #tpu.memory_space<hbm>>) target_semaphore(%arg13 : memref<!tpu.dma_semaphore, #tpu.memory_space<semaphore_mem>>)
    %add3A_506 = arith.constant 0 : i32
    %add3A_507 = arith.addi %mul3A_2, %add3A_506 : i32
    %dma_start3A_508 = arith.constant 416 : i32
    %dma_start3A_509 = arith.constant 0 : i32
    %dma_start3A_510 = tpu.memref_slice %arg3[%add3A_507, %dma_start3A_508, %dma_start3A_509] : memref<64x512x512xi32, #tpu.memory_space<hbm>> -> memref<1x32x512xi32, #tpu.memory_space<hbm>>
    %dma_start3A_511 = tpu.memref_squeeze %dma_start3A_510 : memref<1x32x512xi32, #tpu.memory_space<hbm>> -> memref<32x512xi32, #tpu.memory_space<hbm>>
    %dma_start3A_512 = arith.constant 416 : i32
    %dma_start3A_513 = arith.constant 0 : i32
    %dma_start3A_514 = tpu.memref_slice %arg3[%add3A_507, %dma_start3A_512, %dma_start3A_513] : memref<64x512x512xi32, #tpu.memory_space<hbm>> -> memref<1x32x512xi32, #tpu.memory_space<hbm>>
    %dma_start3A_515 = tpu.memref_squeeze %dma_start3A_514 : memref<1x32x512xi32, #tpu.memory_space<hbm>> -> memref<32x512xi32, #tpu.memory_space<hbm>>
    tpu.enqueue_dma source(%dma_start3A_515 : memref<32x512xi32, #tpu.memory_space<hbm>>) target(%arg7 : memref<32x512xi32, #tpu.memory_space<vmem>>) target_semaphore(%arg11 : memref<!tpu.dma_semaphore, #tpu.memory_space<semaphore_mem>>)
    %add3A_516 = arith.constant 0 : i32
    %add3A_517 = arith.addi %mul3A_2, %add3A_516 : i32
    %dma_wait3A_518 = arith.constant 384 : i32
    %dma_wait3A_519 = arith.constant 0 : i32
    %dma_wait3A_520 = tpu.memref_slice %arg3[%add3A_517, %dma_wait3A_518, %dma_wait3A_519] : memref<64x512x512xi32, #tpu.memory_space<hbm>> -> memref<1x32x512xi32, #tpu.memory_space<hbm>>
    %dma_wait3A_521 = tpu.memref_squeeze %dma_wait3A_520 : memref<1x32x512xi32, #tpu.memory_space<hbm>> -> memref<32x512xi32, #tpu.memory_space<hbm>>
    %dma_wait3A_522 = arith.constant 384 : i32
    %dma_wait3A_523 = arith.constant 0 : i32
    %dma_wait3A_524 = tpu.memref_slice %arg3[%add3A_517, %dma_wait3A_522, %dma_wait3A_523] : memref<64x512x512xi32, #tpu.memory_space<hbm>> -> memref<1x32x512xi32, #tpu.memory_space<hbm>>
    %dma_wait3A_525 = tpu.memref_squeeze %dma_wait3A_524 : memref<1x32x512xi32, #tpu.memory_space<hbm>> -> memref<32x512xi32, #tpu.memory_space<hbm>>
    tpu.wait_dma2 semaphore(%arg10 : memref<!tpu.dma_semaphore, #tpu.memory_space<semaphore_mem>>) src(%dma_wait3A_525 : memref<32x512xi32, #tpu.memory_space<hbm>>) dst(%arg6 : memref<32x512xi32, #tpu.memory_space<vmem>>)
    %add3A_526 = arith.constant 0 : i32
    %add3A_527 = arith.addi %mul3A_2, %add3A_526 : i32
    %dma_wait3A_528 = arith.constant 320 : i32
    %dma_wait3A_529 = arith.constant 0 : i32
    %dma_wait3A_530 = tpu.memref_slice %arg4[%add3A_527, %dma_wait3A_528, %dma_wait3A_529] : memref<64x512x512xf32, #tpu.memory_space<hbm>> -> memref<1x32x512xf32, #tpu.memory_space<hbm>>
    %dma_wait3A_531 = tpu.memref_squeeze %dma_wait3A_530 : memref<1x32x512xf32, #tpu.memory_space<hbm>> -> memref<32x512xf32, #tpu.memory_space<hbm>>
    %dma_wait3A_532 = arith.constant 320 : i32
    %dma_wait3A_533 = arith.constant 0 : i32
    %dma_wait3A_534 = tpu.memref_slice %arg4[%add3A_527, %dma_wait3A_532, %dma_wait3A_533] : memref<64x512x512xf32, #tpu.memory_space<hbm>> -> memref<1x32x512xf32, #tpu.memory_space<hbm>>
    %dma_wait3A_535 = tpu.memref_squeeze %dma_wait3A_534 : memref<1x32x512xf32, #tpu.memory_space<hbm>> -> memref<32x512xf32, #tpu.memory_space<hbm>>
    tpu.wait_dma2 semaphore(%arg12 : memref<!tpu.dma_semaphore, #tpu.memory_space<semaphore_mem>>) src(%arg8 : memref<32x512xf32, #tpu.memory_space<vmem>>) dst(%dma_wait3A_535 : memref<32x512xf32, #tpu.memory_space<hbm>>)
    %parallel_loop3A_536 = arith.constant 0 : i32
    %parallel_loop3A_537 = arith.constant 16384 : i32
    %parallel_loop3A_538 = arith.constant 16 : i32
    scf.for %parallel_loop3A_1376 = %parallel_loop3A_536 to %parallel_loop3A_537 step %parallel_loop3A_538  : i32 {
      %parallel_loop3A_1377 = arith.constant 512 : i32
      %parallel_loop3A_1378 = arith.divsi %parallel_loop3A_1376, %parallel_loop3A_1377 : i32
      %parallel_loop3A_1379 = arith.constant 0 : i32
      %parallel_loop3A_1380 = arith.cmpi sgt, %parallel_loop3A_1376, %parallel_loop3A_1379 : i32
      %parallel_loop3A_1381 = arith.extui %parallel_loop3A_1380 : i1 to i32
      %parallel_loop3A_1382 = arith.constant 0 : i32
      %parallel_loop3A_1383 = arith.cmpi slt, %parallel_loop3A_1376, %parallel_loop3A_1382 : i32
      %parallel_loop3A_1384 = arith.extui %parallel_loop3A_1383 : i1 to i32
      %parallel_loop3A_1385 = arith.subi %parallel_loop3A_1381, %parallel_loop3A_1384 : i32
      %parallel_loop3A_1386 = arith.constant 0 : i32
      %parallel_loop3A_1387 = arith.cmpi sgt, %parallel_loop3A_1377, %parallel_loop3A_1386 : i32
      %parallel_loop3A_1388 = arith.extui %parallel_loop3A_1387 : i1 to i32
      %parallel_loop3A_1389 = arith.constant 0 : i32
      %parallel_loop3A_1390 = arith.cmpi slt, %parallel_loop3A_1377, %parallel_loop3A_1389 : i32
      %parallel_loop3A_1391 = arith.extui %parallel_loop3A_1390 : i1 to i32
      %parallel_loop3A_1392 = arith.subi %parallel_loop3A_1388, %parallel_loop3A_1391 : i32
      %parallel_loop3A_1393 = arith.cmpi ne, %parallel_loop3A_1385, %parallel_loop3A_1392 : i32
      %parallel_loop3A_1394 = arith.remsi %parallel_loop3A_1376, %parallel_loop3A_1377 : i32
      %parallel_loop3A_1395 = arith.constant 0 : i32
      %parallel_loop3A_1396 = arith.cmpi ne, %parallel_loop3A_1394, %parallel_loop3A_1395 : i32
      %parallel_loop3A_1397 = arith.andi %parallel_loop3A_1393, %parallel_loop3A_1396 : i1
      %parallel_loop3A_1398 = arith.constant 1 : i32
      %parallel_loop3A_1399 = arith.subi %parallel_loop3A_1378, %parallel_loop3A_1398 : i32
      %parallel_loop3A_1400 = arith.select %parallel_loop3A_1397, %parallel_loop3A_1399, %parallel_loop3A_1378 : i32
      %parallel_loop3A_1401 = arith.constant 512 : i32
      %parallel_loop3A_1402 = arith.constant 0 : i32
      %parallel_loop3A_1403 = arith.cmpi eq, %parallel_loop3A_1401, %parallel_loop3A_1402 : i32
      %parallel_loop3A_1404 = arith.constant 1 : i32
      %parallel_loop3A_1405 = arith.select %parallel_loop3A_1403, %parallel_loop3A_1404, %parallel_loop3A_1401 : i32
      %parallel_loop3A_1406 = arith.remsi %parallel_loop3A_1376, %parallel_loop3A_1405 : i32
      %parallel_loop3A_1407 = arith.constant 0 : i32
      %parallel_loop3A_1408 = arith.cmpi ne, %parallel_loop3A_1406, %parallel_loop3A_1407 : i32
      %parallel_loop3A_1409 = arith.constant 0 : i32
      %parallel_loop3A_1410 = arith.cmpi slt, %parallel_loop3A_1406, %parallel_loop3A_1409 : i32
      %parallel_loop3A_1411 = arith.constant 0 : i32
      %parallel_loop3A_1412 = arith.cmpi slt, %parallel_loop3A_1405, %parallel_loop3A_1411 : i32
      %parallel_loop3A_1413 = arith.xori %parallel_loop3A_1410, %parallel_loop3A_1412 : i1
      %parallel_loop3A_1414 = arith.andi %parallel_loop3A_1413, %parallel_loop3A_1408 : i1
      %parallel_loop3A_1415 = arith.addi %parallel_loop3A_1406, %parallel_loop3A_1405 : i32
      %parallel_loop3A_1416 = arith.select %parallel_loop3A_1414, %parallel_loop3A_1415, %parallel_loop3A_1406 : i32
      %parallel_loop3A_1417 = arith.index_cast %parallel_loop3A_1400 : i32 to index
      %parallel_loop3A_1418 = arith.index_cast %parallel_loop3A_1416 : i32 to index
      %parallel_loop3A_1419 = tpu.vector_load %arg6[%parallel_loop3A_1417, %parallel_loop3A_1418] {strides = array<i32>} : memref<32x512xi32, #tpu.memory_space<vmem>>, vector<16xi32>,
      %parallel_loop3A_1420 = tpu.vector_load_idx %arg5[%parallel_loop3A_1419] : memref<256xf32, #tpu.memory_space<vmem>>[vector<16xi32>], vector<16xf32>,
      %parallel_loop3A_1421 = arith.index_cast %parallel_loop3A_1400 : i32 to index
      %parallel_loop3A_1422 = arith.index_cast %parallel_loop3A_1416 : i32 to index
      %parallel_loop3A_1423 = tpu.vector_load %arg8[%parallel_loop3A_1421, %parallel_loop3A_1422] {strides = array<i32>} : memref<32x512xf32, #tpu.memory_space<vmem>>, vector<16xf32>,
      tpu.vector_store %arg8[%parallel_loop3A_1421, %parallel_loop3A_1422], %parallel_loop3A_1420 {strides = array<i32>} : memref<32x512xf32, #tpu.memory_space<vmem>>, vector<16xf32>,
    } {sc.loop_unroll_factor = 8 : i64, sc.parallel_access}
    %add3A_539 = arith.constant 0 : i32
    %add3A_540 = arith.addi %mul3A_2, %add3A_539 : i32
    %dma_start3A_541 = arith.constant 384 : i32
    %dma_start3A_542 = arith.constant 0 : i32
    %dma_start3A_543 = tpu.memref_slice %arg4[%add3A_540, %dma_start3A_541, %dma_start3A_542] : memref<64x512x512xf32, #tpu.memory_space<hbm>> -> memref<1x32x512xf32, #tpu.memory_space<hbm>>
    %dma_start3A_544 = tpu.memref_squeeze %dma_start3A_543 : memref<1x32x512xf32, #tpu.memory_space<hbm>> -> memref<32x512xf32, #tpu.memory_space<hbm>>
    %dma_start3A_545 = arith.constant 384 : i32
    %dma_start3A_546 = arith.constant 0 : i32
    %dma_start3A_547 = tpu.memref_slice %arg4[%add3A_540, %dma_start3A_545, %dma_start3A_546] : memref<64x512x512xf32, #tpu.memory_space<hbm>> -> memref<1x32x512xf32, #tpu.memory_space<hbm>>
    %dma_start3A_548 = tpu.memref_squeeze %dma_start3A_547 : memref<1x32x512xf32, #tpu.memory_space<hbm>> -> memref<32x512xf32, #tpu.memory_space<hbm>>
    tpu.enqueue_dma source(%arg8 : memref<32x512xf32, #tpu.memory_space<vmem>>) target(%dma_start3A_548 : memref<32x512xf32, #tpu.memory_space<hbm>>) target_semaphore(%arg12 : memref<!tpu.dma_semaphore, #tpu.memory_space<semaphore_mem>>)
    %add3A_549 = arith.constant 0 : i32
    %add3A_550 = arith.addi %mul3A_2, %add3A_549 : i32
    %dma_start3A_551 = arith.constant 448 : i32
    %dma_start3A_552 = arith.constant 0 : i32
    %dma_start3A_553 = tpu.memref_slice %arg3[%add3A_550, %dma_start3A_551, %dma_start3A_552] : memref<64x512x512xi32, #tpu.memory_space<hbm>> -> memref<1x32x512xi32, #tpu.memory_space<hbm>>
    %dma_start3A_554 = tpu.memref_squeeze %dma_start3A_553 : memref<1x32x512xi32, #tpu.memory_space<hbm>> -> memref<32x512xi32, #tpu.memory_space<hbm>>
    %dma_start3A_555 = arith.constant 448 : i32
    %dma_start3A_556 = arith.constant 0 : i32
    %dma_start3A_557 = tpu.memref_slice %arg3[%add3A_550, %dma_start3A_555, %dma_start3A_556] : memref<64x512x512xi32, #tpu.memory_space<hbm>> -> memref<1x32x512xi32, #tpu.memory_space<hbm>>
    %dma_start3A_558 = tpu.memref_squeeze %dma_start3A_557 : memref<1x32x512xi32, #tpu.memory_space<hbm>> -> memref<32x512xi32, #tpu.memory_space<hbm>>
    tpu.enqueue_dma source(%dma_start3A_558 : memref<32x512xi32, #tpu.memory_space<hbm>>) target(%arg6 : memref<32x512xi32, #tpu.memory_space<vmem>>) target_semaphore(%arg10 : memref<!tpu.dma_semaphore, #tpu.memory_space<semaphore_mem>>)
    %add3A_559 = arith.constant 0 : i32
    %add3A_560 = arith.addi %mul3A_2, %add3A_559 : i32
    %dma_wait3A_561 = arith.constant 416 : i32
    %dma_wait3A_562 = arith.constant 0 : i32
    %dma_wait3A_563 = tpu.memref_slice %arg3[%add3A_560, %dma_wait3A_561, %dma_wait3A_562] : memref<64x512x512xi32, #tpu.memory_space<hbm>> -> memref<1x32x512xi32, #tpu.memory_space<hbm>>
    %dma_wait3A_564 = tpu.memref_squeeze %dma_wait3A_563 : memref<1x32x512xi32, #tpu.memory_space<hbm>> -> memref<32x512xi32, #tpu.memory_space<hbm>>
    %dma_wait3A_565 = arith.constant 416 : i32
    %dma_wait3A_566 = arith.constant 0 : i32
    %dma_wait3A_567 = tpu.memref_slice %arg3[%add3A_560, %dma_wait3A_565, %dma_wait3A_566] : memref<64x512x512xi32, #tpu.memory_space<hbm>> -> memref<1x32x512xi32, #tpu.memory_space<hbm>>
    %dma_wait3A_568 = tpu.memref_squeeze %dma_wait3A_567 : memref<1x32x512xi32, #tpu.memory_space<hbm>> -> memref<32x512xi32, #tpu.memory_space<hbm>>
    tpu.wait_dma2 semaphore(%arg11 : memref<!tpu.dma_semaphore, #tpu.memory_space<semaphore_mem>>) src(%dma_wait3A_568 : memref<32x512xi32, #tpu.memory_space<hbm>>) dst(%arg7 : memref<32x512xi32, #tpu.memory_space<vmem>>)
    %add3A_569 = arith.constant 0 : i32
    %add3A_570 = arith.addi %mul3A_2, %add3A_569 : i32
    %dma_wait3A_571 = arith.constant 352 : i32
    %dma_wait3A_572 = arith.constant 0 : i32
    %dma_wait3A_573 = tpu.memref_slice %arg4[%add3A_570, %dma_wait3A_571, %dma_wait3A_572] : memref<64x512x512xf32, #tpu.memory_space<hbm>> -> memref<1x32x512xf32, #tpu.memory_space<hbm>>
    %dma_wait3A_574 = tpu.memref_squeeze %dma_wait3A_573 : memref<1x32x512xf32, #tpu.memory_space<hbm>> -> memref<32x512xf32, #tpu.memory_space<hbm>>
    %dma_wait3A_575 = arith.constant 352 : i32
    %dma_wait3A_576 = arith.constant 0 : i32
    %dma_wait3A_577 = tpu.memref_slice %arg4[%add3A_570, %dma_wait3A_575, %dma_wait3A_576] : memref<64x512x512xf32, #tpu.memory_space<hbm>> -> memref<1x32x512xf32, #tpu.memory_space<hbm>>
    %dma_wait3A_578 = tpu.memref_squeeze %dma_wait3A_577 : memref<1x32x512xf32, #tpu.memory_space<hbm>> -> memref<32x512xf32, #tpu.memory_space<hbm>>
    tpu.wait_dma2 semaphore(%arg13 : memref<!tpu.dma_semaphore, #tpu.memory_space<semaphore_mem>>) src(%arg9 : memref<32x512xf32, #tpu.memory_space<vmem>>) dst(%dma_wait3A_578 : memref<32x512xf32, #tpu.memory_space<hbm>>)
    %parallel_loop3A_579 = arith.constant 0 : i32
    %parallel_loop3A_580 = arith.constant 16384 : i32
    %parallel_loop3A_581 = arith.constant 16 : i32
    scf.for %parallel_loop3A_1376 = %parallel_loop3A_579 to %parallel_loop3A_580 step %parallel_loop3A_581  : i32 {
      %parallel_loop3A_1377 = arith.constant 512 : i32
      %parallel_loop3A_1378 = arith.divsi %parallel_loop3A_1376, %parallel_loop3A_1377 : i32
      %parallel_loop3A_1379 = arith.constant 0 : i32
      %parallel_loop3A_1380 = arith.cmpi sgt, %parallel_loop3A_1376, %parallel_loop3A_1379 : i32
      %parallel_loop3A_1381 = arith.extui %parallel_loop3A_1380 : i1 to i32
      %parallel_loop3A_1382 = arith.constant 0 : i32
      %parallel_loop3A_1383 = arith.cmpi slt, %parallel_loop3A_1376, %parallel_loop3A_1382 : i32
      %parallel_loop3A_1384 = arith.extui %parallel_loop3A_1383 : i1 to i32
      %parallel_loop3A_1385 = arith.subi %parallel_loop3A_1381, %parallel_loop3A_1384 : i32
      %parallel_loop3A_1386 = arith.constant 0 : i32
      %parallel_loop3A_1387 = arith.cmpi sgt, %parallel_loop3A_1377, %parallel_loop3A_1386 : i32
      %parallel_loop3A_1388 = arith.extui %parallel_loop3A_1387 : i1 to i32
      %parallel_loop3A_1389 = arith.constant 0 : i32
      %parallel_loop3A_1390 = arith.cmpi slt, %parallel_loop3A_1377, %parallel_loop3A_1389 : i32
      %parallel_loop3A_1391 = arith.extui %parallel_loop3A_1390 : i1 to i32
      %parallel_loop3A_1392 = arith.subi %parallel_loop3A_1388, %parallel_loop3A_1391 : i32
      %parallel_loop3A_1393 = arith.cmpi ne, %parallel_loop3A_1385, %parallel_loop3A_1392 : i32
      %parallel_loop3A_1394 = arith.remsi %parallel_loop3A_1376, %parallel_loop3A_1377 : i32
      %parallel_loop3A_1395 = arith.constant 0 : i32
      %parallel_loop3A_1396 = arith.cmpi ne, %parallel_loop3A_1394, %parallel_loop3A_1395 : i32
      %parallel_loop3A_1397 = arith.andi %parallel_loop3A_1393, %parallel_loop3A_1396 : i1
      %parallel_loop3A_1398 = arith.constant 1 : i32
      %parallel_loop3A_1399 = arith.subi %parallel_loop3A_1378, %parallel_loop3A_1398 : i32
      %parallel_loop3A_1400 = arith.select %parallel_loop3A_1397, %parallel_loop3A_1399, %parallel_loop3A_1378 : i32
      %parallel_loop3A_1401 = arith.constant 512 : i32
      %parallel_loop3A_1402 = arith.constant 0 : i32
      %parallel_loop3A_1403 = arith.cmpi eq, %parallel_loop3A_1401, %parallel_loop3A_1402 : i32
      %parallel_loop3A_1404 = arith.constant 1 : i32
      %parallel_loop3A_1405 = arith.select %parallel_loop3A_1403, %parallel_loop3A_1404, %parallel_loop3A_1401 : i32
      %parallel_loop3A_1406 = arith.remsi %parallel_loop3A_1376, %parallel_loop3A_1405 : i32
      %parallel_loop3A_1407 = arith.constant 0 : i32
      %parallel_loop3A_1408 = arith.cmpi ne, %parallel_loop3A_1406, %parallel_loop3A_1407 : i32
      %parallel_loop3A_1409 = arith.constant 0 : i32
      %parallel_loop3A_1410 = arith.cmpi slt, %parallel_loop3A_1406, %parallel_loop3A_1409 : i32
      %parallel_loop3A_1411 = arith.constant 0 : i32
      %parallel_loop3A_1412 = arith.cmpi slt, %parallel_loop3A_1405, %parallel_loop3A_1411 : i32
      %parallel_loop3A_1413 = arith.xori %parallel_loop3A_1410, %parallel_loop3A_1412 : i1
      %parallel_loop3A_1414 = arith.andi %parallel_loop3A_1413, %parallel_loop3A_1408 : i1
      %parallel_loop3A_1415 = arith.addi %parallel_loop3A_1406, %parallel_loop3A_1405 : i32
      %parallel_loop3A_1416 = arith.select %parallel_loop3A_1414, %parallel_loop3A_1415, %parallel_loop3A_1406 : i32
      %parallel_loop3A_1417 = arith.index_cast %parallel_loop3A_1400 : i32 to index
      %parallel_loop3A_1418 = arith.index_cast %parallel_loop3A_1416 : i32 to index
      %parallel_loop3A_1419 = tpu.vector_load %arg7[%parallel_loop3A_1417, %parallel_loop3A_1418] {strides = array<i32>} : memref<32x512xi32, #tpu.memory_space<vmem>>, vector<16xi32>,
      %parallel_loop3A_1420 = tpu.vector_load_idx %arg5[%parallel_loop3A_1419] : memref<256xf32, #tpu.memory_space<vmem>>[vector<16xi32>], vector<16xf32>,
      %parallel_loop3A_1421 = arith.index_cast %parallel_loop3A_1400 : i32 to index
      %parallel_loop3A_1422 = arith.index_cast %parallel_loop3A_1416 : i32 to index
      %parallel_loop3A_1423 = tpu.vector_load %arg9[%parallel_loop3A_1421, %parallel_loop3A_1422] {strides = array<i32>} : memref<32x512xf32, #tpu.memory_space<vmem>>, vector<16xf32>,
      tpu.vector_store %arg9[%parallel_loop3A_1421, %parallel_loop3A_1422], %parallel_loop3A_1420 {strides = array<i32>} : memref<32x512xf32, #tpu.memory_space<vmem>>, vector<16xf32>,
    } {sc.loop_unroll_factor = 8 : i64, sc.parallel_access}
    %add3A_582 = arith.constant 0 : i32
    %add3A_583 = arith.addi %mul3A_2, %add3A_582 : i32
    %dma_start3A_584 = arith.constant 416 : i32
    %dma_start3A_585 = arith.constant 0 : i32
    %dma_start3A_586 = tpu.memref_slice %arg4[%add3A_583, %dma_start3A_584, %dma_start3A_585] : memref<64x512x512xf32, #tpu.memory_space<hbm>> -> memref<1x32x512xf32, #tpu.memory_space<hbm>>
    %dma_start3A_587 = tpu.memref_squeeze %dma_start3A_586 : memref<1x32x512xf32, #tpu.memory_space<hbm>> -> memref<32x512xf32, #tpu.memory_space<hbm>>
    %dma_start3A_588 = arith.constant 416 : i32
    %dma_start3A_589 = arith.constant 0 : i32
    %dma_start3A_590 = tpu.memref_slice %arg4[%add3A_583, %dma_start3A_588, %dma_start3A_589] : memref<64x512x512xf32, #tpu.memory_space<hbm>> -> memref<1x32x512xf32, #tpu.memory_space<hbm>>
    %dma_start3A_591 = tpu.memref_squeeze %dma_start3A_590 : memref<1x32x512xf32, #tpu.memory_space<hbm>> -> memref<32x512xf32, #tpu.memory_space<hbm>>
    tpu.enqueue_dma source(%arg9 : memref<32x512xf32, #tpu.memory_space<vmem>>) target(%dma_start3A_591 : memref<32x512xf32, #tpu.memory_space<hbm>>) target_semaphore(%arg13 : memref<!tpu.dma_semaphore, #tpu.memory_space<semaphore_mem>>)
    %add3A_592 = arith.constant 0 : i32
    %add3A_593 = arith.addi %mul3A_2, %add3A_592 : i32
    %dma_start3A_594 = arith.constant 480 : i32
    %dma_start3A_595 = arith.constant 0 : i32
    %dma_start3A_596 = tpu.memref_slice %arg3[%add3A_593, %dma_start3A_594, %dma_start3A_595] : memref<64x512x512xi32, #tpu.memory_space<hbm>> -> memref<1x32x512xi32, #tpu.memory_space<hbm>>
    %dma_start3A_597 = tpu.memref_squeeze %dma_start3A_596 : memref<1x32x512xi32, #tpu.memory_space<hbm>> -> memref<32x512xi32, #tpu.memory_space<hbm>>
    %dma_start3A_598 = arith.constant 480 : i32
    %dma_start3A_599 = arith.constant 0 : i32
    %dma_start3A_600 = tpu.memref_slice %arg3[%add3A_593, %dma_start3A_598, %dma_start3A_599] : memref<64x512x512xi32, #tpu.memory_space<hbm>> -> memref<1x32x512xi32, #tpu.memory_space<hbm>>
    %dma_start3A_601 = tpu.memref_squeeze %dma_start3A_600 : memref<1x32x512xi32, #tpu.memory_space<hbm>> -> memref<32x512xi32, #tpu.memory_space<hbm>>
    tpu.enqueue_dma source(%dma_start3A_601 : memref<32x512xi32, #tpu.memory_space<hbm>>) target(%arg7 : memref<32x512xi32, #tpu.memory_space<vmem>>) target_semaphore(%arg11 : memref<!tpu.dma_semaphore, #tpu.memory_space<semaphore_mem>>)
    %add3A_602 = arith.constant 0 : i32
    %add3A_603 = arith.addi %mul3A_2, %add3A_602 : i32
    %dma_wait3A_604 = arith.constant 448 : i32
    %dma_wait3A_605 = arith.constant 0 : i32
    %dma_wait3A_606 = tpu.memref_slice %arg3[%add3A_603, %dma_wait3A_604, %dma_wait3A_605] : memref<64x512x512xi32, #tpu.memory_space<hbm>> -> memref<1x32x512xi32, #tpu.memory_space<hbm>>
    %dma_wait3A_607 = tpu.memref_squeeze %dma_wait3A_606 : memref<1x32x512xi32, #tpu.memory_space<hbm>> -> memref<32x512xi32, #tpu.memory_space<hbm>>
    %dma_wait3A_608 = arith.constant 448 : i32
    %dma_wait3A_609 = arith.constant 0 : i32
    %dma_wait3A_610 = tpu.memref_slice %arg3[%add3A_603, %dma_wait3A_608, %dma_wait3A_609] : memref<64x512x512xi32, #tpu.memory_space<hbm>> -> memref<1x32x512xi32, #tpu.memory_space<hbm>>
    %dma_wait3A_611 = tpu.memref_squeeze %dma_wait3A_610 : memref<1x32x512xi32, #tpu.memory_space<hbm>> -> memref<32x512xi32, #tpu.memory_space<hbm>>
    tpu.wait_dma2 semaphore(%arg10 : memref<!tpu.dma_semaphore, #tpu.memory_space<semaphore_mem>>) src(%dma_wait3A_611 : memref<32x512xi32, #tpu.memory_space<hbm>>) dst(%arg6 : memref<32x512xi32, #tpu.memory_space<vmem>>)
    %add3A_612 = arith.constant 0 : i32
    %add3A_613 = arith.addi %mul3A_2, %add3A_612 : i32
    %dma_wait3A_614 = arith.constant 384 : i32
    %dma_wait3A_615 = arith.constant 0 : i32
    %dma_wait3A_616 = tpu.memref_slice %arg4[%add3A_613, %dma_wait3A_614, %dma_wait3A_615] : memref<64x512x512xf32, #tpu.memory_space<hbm>> -> memref<1x32x512xf32, #tpu.memory_space<hbm>>
    %dma_wait3A_617 = tpu.memref_squeeze %dma_wait3A_616 : memref<1x32x512xf32, #tpu.memory_space<hbm>> -> memref<32x512xf32, #tpu.memory_space<hbm>>
    %dma_wait3A_618 = arith.constant 384 : i32
    %dma_wait3A_619 = arith.constant 0 : i32
    %dma_wait3A_620 = tpu.memref_slice %arg4[%add3A_613, %dma_wait3A_618, %dma_wait3A_619] : memref<64x512x512xf32, #tpu.memory_space<hbm>> -> memref<1x32x512xf32, #tpu.memory_space<hbm>>
    %dma_wait3A_621 = tpu.memref_squeeze %dma_wait3A_620 : memref<1x32x512xf32, #tpu.memory_space<hbm>> -> memref<32x512xf32, #tpu.memory_space<hbm>>
    tpu.wait_dma2 semaphore(%arg12 : memref<!tpu.dma_semaphore, #tpu.memory_space<semaphore_mem>>) src(%arg8 : memref<32x512xf32, #tpu.memory_space<vmem>>) dst(%dma_wait3A_621 : memref<32x512xf32, #tpu.memory_space<hbm>>)
    %parallel_loop3A_622 = arith.constant 0 : i32
    %parallel_loop3A_623 = arith.constant 16384 : i32
    %parallel_loop3A_624 = arith.constant 16 : i32
    scf.for %parallel_loop3A_1376 = %parallel_loop3A_622 to %parallel_loop3A_623 step %parallel_loop3A_624  : i32 {
      %parallel_loop3A_1377 = arith.constant 512 : i32
      %parallel_loop3A_1378 = arith.divsi %parallel_loop3A_1376, %parallel_loop3A_1377 : i32
      %parallel_loop3A_1379 = arith.constant 0 : i32
      %parallel_loop3A_1380 = arith.cmpi sgt, %parallel_loop3A_1376, %parallel_loop3A_1379 : i32
      %parallel_loop3A_1381 = arith.extui %parallel_loop3A_1380 : i1 to i32
      %parallel_loop3A_1382 = arith.constant 0 : i32
      %parallel_loop3A_1383 = arith.cmpi slt, %parallel_loop3A_1376, %parallel_loop3A_1382 : i32
      %parallel_loop3A_1384 = arith.extui %parallel_loop3A_1383 : i1 to i32
      %parallel_loop3A_1385 = arith.subi %parallel_loop3A_1381, %parallel_loop3A_1384 : i32
      %parallel_loop3A_1386 = arith.constant 0 : i32
      %parallel_loop3A_1387 = arith.cmpi sgt, %parallel_loop3A_1377, %parallel_loop3A_1386 : i32
      %parallel_loop3A_1388 = arith.extui %parallel_loop3A_1387 : i1 to i32
      %parallel_loop3A_1389 = arith.constant 0 : i32
      %parallel_loop3A_1390 = arith.cmpi slt, %parallel_loop3A_1377, %parallel_loop3A_1389 : i32
      %parallel_loop3A_1391 = arith.extui %parallel_loop3A_1390 : i1 to i32
      %parallel_loop3A_1392 = arith.subi %parallel_loop3A_1388, %parallel_loop3A_1391 : i32
      %parallel_loop3A_1393 = arith.cmpi ne, %parallel_loop3A_1385, %parallel_loop3A_1392 : i32
      %parallel_loop3A_1394 = arith.remsi %parallel_loop3A_1376, %parallel_loop3A_1377 : i32
      %parallel_loop3A_1395 = arith.constant 0 : i32
      %parallel_loop3A_1396 = arith.cmpi ne, %parallel_loop3A_1394, %parallel_loop3A_1395 : i32
      %parallel_loop3A_1397 = arith.andi %parallel_loop3A_1393, %parallel_loop3A_1396 : i1
      %parallel_loop3A_1398 = arith.constant 1 : i32
      %parallel_loop3A_1399 = arith.subi %parallel_loop3A_1378, %parallel_loop3A_1398 : i32
      %parallel_loop3A_1400 = arith.select %parallel_loop3A_1397, %parallel_loop3A_1399, %parallel_loop3A_1378 : i32
      %parallel_loop3A_1401 = arith.constant 512 : i32
      %parallel_loop3A_1402 = arith.constant 0 : i32
      %parallel_loop3A_1403 = arith.cmpi eq, %parallel_loop3A_1401, %parallel_loop3A_1402 : i32
      %parallel_loop3A_1404 = arith.constant 1 : i32
      %parallel_loop3A_1405 = arith.select %parallel_loop3A_1403, %parallel_loop3A_1404, %parallel_loop3A_1401 : i32
      %parallel_loop3A_1406 = arith.remsi %parallel_loop3A_1376, %parallel_loop3A_1405 : i32
      %parallel_loop3A_1407 = arith.constant 0 : i32
      %parallel_loop3A_1408 = arith.cmpi ne, %parallel_loop3A_1406, %parallel_loop3A_1407 : i32
      %parallel_loop3A_1409 = arith.constant 0 : i32
      %parallel_loop3A_1410 = arith.cmpi slt, %parallel_loop3A_1406, %parallel_loop3A_1409 : i32
      %parallel_loop3A_1411 = arith.constant 0 : i32
      %parallel_loop3A_1412 = arith.cmpi slt, %parallel_loop3A_1405, %parallel_loop3A_1411 : i32
      %parallel_loop3A_1413 = arith.xori %parallel_loop3A_1410, %parallel_loop3A_1412 : i1
      %parallel_loop3A_1414 = arith.andi %parallel_loop3A_1413, %parallel_loop3A_1408 : i1
      %parallel_loop3A_1415 = arith.addi %parallel_loop3A_1406, %parallel_loop3A_1405 : i32
      %parallel_loop3A_1416 = arith.select %parallel_loop3A_1414, %parallel_loop3A_1415, %parallel_loop3A_1406 : i32
      %parallel_loop3A_1417 = arith.index_cast %parallel_loop3A_1400 : i32 to index
      %parallel_loop3A_1418 = arith.index_cast %parallel_loop3A_1416 : i32 to index
      %parallel_loop3A_1419 = tpu.vector_load %arg6[%parallel_loop3A_1417, %parallel_loop3A_1418] {strides = array<i32>} : memref<32x512xi32, #tpu.memory_space<vmem>>, vector<16xi32>,
      %parallel_loop3A_1420 = tpu.vector_load_idx %arg5[%parallel_loop3A_1419] : memref<256xf32, #tpu.memory_space<vmem>>[vector<16xi32>], vector<16xf32>,
      %parallel_loop3A_1421 = arith.index_cast %parallel_loop3A_1400 : i32 to index
      %parallel_loop3A_1422 = arith.index_cast %parallel_loop3A_1416 : i32 to index
      %parallel_loop3A_1423 = tpu.vector_load %arg8[%parallel_loop3A_1421, %parallel_loop3A_1422] {strides = array<i32>} : memref<32x512xf32, #tpu.memory_space<vmem>>, vector<16xf32>,
      tpu.vector_store %arg8[%parallel_loop3A_1421, %parallel_loop3A_1422], %parallel_loop3A_1420 {strides = array<i32>} : memref<32x512xf32, #tpu.memory_space<vmem>>, vector<16xf32>,
    } {sc.loop_unroll_factor = 8 : i64, sc.parallel_access}
    %add3A_625 = arith.constant 0 : i32
    %add3A_626 = arith.addi %mul3A_2, %add3A_625 : i32
    %dma_start3A_627 = arith.constant 448 : i32
    %dma_start3A_628 = arith.constant 0 : i32
    %dma_start3A_629 = tpu.memref_slice %arg4[%add3A_626, %dma_start3A_627, %dma_start3A_628] : memref<64x512x512xf32, #tpu.memory_space<hbm>> -> memref<1x32x512xf32, #tpu.memory_space<hbm>>
    %dma_start3A_630 = tpu.memref_squeeze %dma_start3A_629 : memref<1x32x512xf32, #tpu.memory_space<hbm>> -> memref<32x512xf32, #tpu.memory_space<hbm>>
    %dma_start3A_631 = arith.constant 448 : i32
    %dma_start3A_632 = arith.constant 0 : i32
    %dma_start3A_633 = tpu.memref_slice %arg4[%add3A_626, %dma_start3A_631, %dma_start3A_632] : memref<64x512x512xf32, #tpu.memory_space<hbm>> -> memref<1x32x512xf32, #tpu.memory_space<hbm>>
    %dma_start3A_634 = tpu.memref_squeeze %dma_start3A_633 : memref<1x32x512xf32, #tpu.memory_space<hbm>> -> memref<32x512xf32, #tpu.memory_space<hbm>>
    tpu.enqueue_dma source(%arg8 : memref<32x512xf32, #tpu.memory_space<vmem>>) target(%dma_start3A_634 : memref<32x512xf32, #tpu.memory_space<hbm>>) target_semaphore(%arg12 : memref<!tpu.dma_semaphore, #tpu.memory_space<semaphore_mem>>)
    %add3A_635 = arith.constant 1 : i32
    %add3A_636 = arith.addi %mul3A_2, %add3A_635 : i32
    %dma_start3A_637 = arith.constant 0 : i32
    %dma_start3A_638 = arith.constant 0 : i32
    %dma_start3A_639 = tpu.memref_slice %arg3[%add3A_636, %dma_start3A_637, %dma_start3A_638] : memref<64x512x512xi32, #tpu.memory_space<hbm>> -> memref<1x32x512xi32, #tpu.memory_space<hbm>>
    %dma_start3A_640 = tpu.memref_squeeze %dma_start3A_639 : memref<1x32x512xi32, #tpu.memory_space<hbm>> -> memref<32x512xi32, #tpu.memory_space<hbm>>
    %dma_start3A_641 = arith.constant 0 : i32
    %dma_start3A_642 = arith.constant 0 : i32
    %dma_start3A_643 = tpu.memref_slice %arg3[%add3A_636, %dma_start3A_641, %dma_start3A_642] : memref<64x512x512xi32, #tpu.memory_space<hbm>> -> memref<1x32x512xi32, #tpu.memory_space<hbm>>
    %dma_start3A_644 = tpu.memref_squeeze %dma_start3A_643 : memref<1x32x512xi32, #tpu.memory_space<hbm>> -> memref<32x512xi32, #tpu.memory_space<hbm>>
    tpu.enqueue_dma source(%dma_start3A_644 : memref<32x512xi32, #tpu.memory_space<hbm>>) target(%arg6 : memref<32x512xi32, #tpu.memory_space<vmem>>) target_semaphore(%arg10 : memref<!tpu.dma_semaphore, #tpu.memory_space<semaphore_mem>>)
    %add3A_645 = arith.constant 0 : i32
    %add3A_646 = arith.addi %mul3A_2, %add3A_645 : i32
    %dma_wait3A_647 = arith.constant 480 : i32
    %dma_wait3A_648 = arith.constant 0 : i32
    %dma_wait3A_649 = tpu.memref_slice %arg3[%add3A_646, %dma_wait3A_647, %dma_wait3A_648] : memref<64x512x512xi32, #tpu.memory_space<hbm>> -> memref<1x32x512xi32, #tpu.memory_space<hbm>>
    %dma_wait3A_650 = tpu.memref_squeeze %dma_wait3A_649 : memref<1x32x512xi32, #tpu.memory_space<hbm>> -> memref<32x512xi32, #tpu.memory_space<hbm>>
    %dma_wait3A_651 = arith.constant 480 : i32
    %dma_wait3A_652 = arith.constant 0 : i32
    %dma_wait3A_653 = tpu.memref_slice %arg3[%add3A_646, %dma_wait3A_651, %dma_wait3A_652] : memref<64x512x512xi32, #tpu.memory_space<hbm>> -> memref<1x32x512xi32, #tpu.memory_space<hbm>>
    %dma_wait3A_654 = tpu.memref_squeeze %dma_wait3A_653 : memref<1x32x512xi32, #tpu.memory_space<hbm>> -> memref<32x512xi32, #tpu.memory_space<hbm>>
    tpu.wait_dma2 semaphore(%arg11 : memref<!tpu.dma_semaphore, #tpu.memory_space<semaphore_mem>>) src(%dma_wait3A_654 : memref<32x512xi32, #tpu.memory_space<hbm>>) dst(%arg7 : memref<32x512xi32, #tpu.memory_space<vmem>>)
    %add3A_655 = arith.constant 0 : i32
    %add3A_656 = arith.addi %mul3A_2, %add3A_655 : i32
    %dma_wait3A_657 = arith.constant 416 : i32
    %dma_wait3A_658 = arith.constant 0 : i32
    %dma_wait3A_659 = tpu.memref_slice %arg4[%add3A_656, %dma_wait3A_657, %dma_wait3A_658] : memref<64x512x512xf32, #tpu.memory_space<hbm>> -> memref<1x32x512xf32, #tpu.memory_space<hbm>>
    %dma_wait3A_660 = tpu.memref_squeeze %dma_wait3A_659 : memref<1x32x512xf32, #tpu.memory_space<hbm>> -> memref<32x512xf32, #tpu.memory_space<hbm>>
    %dma_wait3A_661 = arith.constant 416 : i32
    %dma_wait3A_662 = arith.constant 0 : i32
    %dma_wait3A_663 = tpu.memref_slice %arg4[%add3A_656, %dma_wait3A_661, %dma_wait3A_662] : memref<64x512x512xf32, #tpu.memory_space<hbm>> -> memref<1x32x512xf32, #tpu.memory_space<hbm>>
    %dma_wait3A_664 = tpu.memref_squeeze %dma_wait3A_663 : memref<1x32x512xf32, #tpu.memory_space<hbm>> -> memref<32x512xf32, #tpu.memory_space<hbm>>
    tpu.wait_dma2 semaphore(%arg13 : memref<!tpu.dma_semaphore, #tpu.memory_space<semaphore_mem>>) src(%arg9 : memref<32x512xf32, #tpu.memory_space<vmem>>) dst(%dma_wait3A_664 : memref<32x512xf32, #tpu.memory_space<hbm>>)
    %parallel_loop3A_665 = arith.constant 0 : i32
    %parallel_loop3A_666 = arith.constant 16384 : i32
    %parallel_loop3A_667 = arith.constant 16 : i32
    scf.for %parallel_loop3A_1376 = %parallel_loop3A_665 to %parallel_loop3A_666 step %parallel_loop3A_667  : i32 {
      %parallel_loop3A_1377 = arith.constant 512 : i32
      %parallel_loop3A_1378 = arith.divsi %parallel_loop3A_1376, %parallel_loop3A_1377 : i32
      %parallel_loop3A_1379 = arith.constant 0 : i32
      %parallel_loop3A_1380 = arith.cmpi sgt, %parallel_loop3A_1376, %parallel_loop3A_1379 : i32
      %parallel_loop3A_1381 = arith.extui %parallel_loop3A_1380 : i1 to i32
      %parallel_loop3A_1382 = arith.constant 0 : i32
      %parallel_loop3A_1383 = arith.cmpi slt, %parallel_loop3A_1376, %parallel_loop3A_1382 : i32
      %parallel_loop3A_1384 = arith.extui %parallel_loop3A_1383 : i1 to i32
      %parallel_loop3A_1385 = arith.subi %parallel_loop3A_1381, %parallel_loop3A_1384 : i32
      %parallel_loop3A_1386 = arith.constant 0 : i32
      %parallel_loop3A_1387 = arith.cmpi sgt, %parallel_loop3A_1377, %parallel_loop3A_1386 : i32
      %parallel_loop3A_1388 = arith.extui %parallel_loop3A_1387 : i1 to i32
      %parallel_loop3A_1389 = arith.constant 0 : i32
      %parallel_loop3A_1390 = arith.cmpi slt, %parallel_loop3A_1377, %parallel_loop3A_1389 : i32
      %parallel_loop3A_1391 = arith.extui %parallel_loop3A_1390 : i1 to i32
      %parallel_loop3A_1392 = arith.subi %parallel_loop3A_1388, %parallel_loop3A_1391 : i32
      %parallel_loop3A_1393 = arith.cmpi ne, %parallel_loop3A_1385, %parallel_loop3A_1392 : i32
      %parallel_loop3A_1394 = arith.remsi %parallel_loop3A_1376, %parallel_loop3A_1377 : i32
      %parallel_loop3A_1395 = arith.constant 0 : i32
      %parallel_loop3A_1396 = arith.cmpi ne, %parallel_loop3A_1394, %parallel_loop3A_1395 : i32
      %parallel_loop3A_1397 = arith.andi %parallel_loop3A_1393, %parallel_loop3A_1396 : i1
      %parallel_loop3A_1398 = arith.constant 1 : i32
      %parallel_loop3A_1399 = arith.subi %parallel_loop3A_1378, %parallel_loop3A_1398 : i32
      %parallel_loop3A_1400 = arith.select %parallel_loop3A_1397, %parallel_loop3A_1399, %parallel_loop3A_1378 : i32
      %parallel_loop3A_1401 = arith.constant 512 : i32
      %parallel_loop3A_1402 = arith.constant 0 : i32
      %parallel_loop3A_1403 = arith.cmpi eq, %parallel_loop3A_1401, %parallel_loop3A_1402 : i32
      %parallel_loop3A_1404 = arith.constant 1 : i32
      %parallel_loop3A_1405 = arith.select %parallel_loop3A_1403, %parallel_loop3A_1404, %parallel_loop3A_1401 : i32
      %parallel_loop3A_1406 = arith.remsi %parallel_loop3A_1376, %parallel_loop3A_1405 : i32
      %parallel_loop3A_1407 = arith.constant 0 : i32
      %parallel_loop3A_1408 = arith.cmpi ne, %parallel_loop3A_1406, %parallel_loop3A_1407 : i32
      %parallel_loop3A_1409 = arith.constant 0 : i32
      %parallel_loop3A_1410 = arith.cmpi slt, %parallel_loop3A_1406, %parallel_loop3A_1409 : i32
      %parallel_loop3A_1411 = arith.constant 0 : i32
      %parallel_loop3A_1412 = arith.cmpi slt, %parallel_loop3A_1405, %parallel_loop3A_1411 : i32
      %parallel_loop3A_1413 = arith.xori %parallel_loop3A_1410, %parallel_loop3A_1412 : i1
      %parallel_loop3A_1414 = arith.andi %parallel_loop3A_1413, %parallel_loop3A_1408 : i1
      %parallel_loop3A_1415 = arith.addi %parallel_loop3A_1406, %parallel_loop3A_1405 : i32
      %parallel_loop3A_1416 = arith.select %parallel_loop3A_1414, %parallel_loop3A_1415, %parallel_loop3A_1406 : i32
      %parallel_loop3A_1417 = arith.index_cast %parallel_loop3A_1400 : i32 to index
      %parallel_loop3A_1418 = arith.index_cast %parallel_loop3A_1416 : i32 to index
      %parallel_loop3A_1419 = tpu.vector_load %arg7[%parallel_loop3A_1417, %parallel_loop3A_1418] {strides = array<i32>} : memref<32x512xi32, #tpu.memory_space<vmem>>, vector<16xi32>,
      %parallel_loop3A_1420 = tpu.vector_load_idx %arg5[%parallel_loop3A_1419] : memref<256xf32, #tpu.memory_space<vmem>>[vector<16xi32>], vector<16xf32>,
      %parallel_loop3A_1421 = arith.index_cast %parallel_loop3A_1400 : i32 to index
      %parallel_loop3A_1422 = arith.index_cast %parallel_loop3A_1416 : i32 to index
      %parallel_loop3A_1423 = tpu.vector_load %arg9[%parallel_loop3A_1421, %parallel_loop3A_1422] {strides = array<i32>} : memref<32x512xf32, #tpu.memory_space<vmem>>, vector<16xf32>,
      tpu.vector_store %arg9[%parallel_loop3A_1421, %parallel_loop3A_1422], %parallel_loop3A_1420 {strides = array<i32>} : memref<32x512xf32, #tpu.memory_space<vmem>>, vector<16xf32>,
    } {sc.loop_unroll_factor = 8 : i64, sc.parallel_access}
    %add3A_668 = arith.constant 0 : i32
    %add3A_669 = arith.addi %mul3A_2, %add3A_668 : i32
    %dma_start3A_670 = arith.constant 480 : i32
    %dma_start3A_671 = arith.constant 0 : i32
    %dma_start3A_672 = tpu.memref_slice %arg4[%add3A_669, %dma_start3A_670, %dma_start3A_671] : memref<64x512x512xf32, #tpu.memory_space<hbm>> -> memref<1x32x512xf32, #tpu.memory_space<hbm>>
    %dma_start3A_673 = tpu.memref_squeeze %dma_start3A_672 : memref<1x32x512xf32, #tpu.memory_space<hbm>> -> memref<32x512xf32, #tpu.memory_space<hbm>>
    %dma_start3A_674 = arith.constant 480 : i32
    %dma_start3A_675 = arith.constant 0 : i32
    %dma_start3A_676 = tpu.memref_slice %arg4[%add3A_669, %dma_start3A_674, %dma_start3A_675] : memref<64x512x512xf32, #tpu.memory_space<hbm>> -> memref<1x32x512xf32, #tpu.memory_space<hbm>>
    %dma_start3A_677 = tpu.memref_squeeze %dma_start3A_676 : memref<1x32x512xf32, #tpu.memory_space<hbm>> -> memref<32x512xf32, #tpu.memory_space<hbm>>
    tpu.enqueue_dma source(%arg9 : memref<32x512xf32, #tpu.memory_space<vmem>>) target(%dma_start3A_677 : memref<32x512xf32, #tpu.memory_space<hbm>>) target_semaphore(%arg13 : memref<!tpu.dma_semaphore, #tpu.memory_space<semaphore_mem>>)
    %add3A_678 = arith.constant 1 : i32
    %add3A_679 = arith.addi %mul3A_2, %add3A_678 : i32
    %dma_start3A_680 = arith.constant 32 : i32
    %dma_start3A_681 = arith.constant 0 : i32
    %dma_start3A_682 = tpu.memref_slice %arg3[%add3A_679, %dma_start3A_680, %dma_start3A_681] : memref<64x512x512xi32, #tpu.memory_space<hbm>> -> memref<1x32x512xi32, #tpu.memory_space<hbm>>
    %dma_start3A_683 = tpu.memref_squeeze %dma_start3A_682 : memref<1x32x512xi32, #tpu.memory_space<hbm>> -> memref<32x512xi32, #tpu.memory_space<hbm>>
    %dma_start3A_684 = arith.constant 32 : i32
    %dma_start3A_685 = arith.constant 0 : i32
    %dma_start3A_686 = tpu.memref_slice %arg3[%add3A_679, %dma_start3A_684, %dma_start3A_685] : memref<64x512x512xi32, #tpu.memory_space<hbm>> -> memref<1x32x512xi32, #tpu.memory_space<hbm>>
    %dma_start3A_687 = tpu.memref_squeeze %dma_start3A_686 : memref<1x32x512xi32, #tpu.memory_space<hbm>> -> memref<32x512xi32, #tpu.memory_space<hbm>>
    tpu.enqueue_dma source(%dma_start3A_687 : memref<32x512xi32, #tpu.memory_space<hbm>>) target(%arg7 : memref<32x512xi32, #tpu.memory_space<vmem>>) target_semaphore(%arg11 : memref<!tpu.dma_semaphore, #tpu.memory_space<semaphore_mem>>)
    %add3A_688 = arith.constant 1 : i32
    %add3A_689 = arith.addi %mul3A_2, %add3A_688 : i32
    %dma_wait3A_690 = arith.constant 0 : i32
    %dma_wait3A_691 = arith.constant 0 : i32
    %dma_wait3A_692 = tpu.memref_slice %arg3[%add3A_689, %dma_wait3A_690, %dma_wait3A_691] : memref<64x512x512xi32, #tpu.memory_space<hbm>> -> memref<1x32x512xi32, #tpu.memory_space<hbm>>
    %dma_wait3A_693 = tpu.memref_squeeze %dma_wait3A_692 : memref<1x32x512xi32, #tpu.memory_space<hbm>> -> memref<32x512xi32, #tpu.memory_space<hbm>>
    %dma_wait3A_694 = arith.constant 0 : i32
    %dma_wait3A_695 = arith.constant 0 : i32
    %dma_wait3A_696 = tpu.memref_slice %arg3[%add3A_689, %dma_wait3A_694, %dma_wait3A_695] : memref<64x512x512xi32, #tpu.memory_space<hbm>> -> memref<1x32x512xi32, #tpu.memory_space<hbm>>
    %dma_wait3A_697 = tpu.memref_squeeze %dma_wait3A_696 : memref<1x32x512xi32, #tpu.memory_space<hbm>> -> memref<32x512xi32, #tpu.memory_space<hbm>>
    tpu.wait_dma2 semaphore(%arg10 : memref<!tpu.dma_semaphore, #tpu.memory_space<semaphore_mem>>) src(%dma_wait3A_697 : memref<32x512xi32, #tpu.memory_space<hbm>>) dst(%arg6 : memref<32x512xi32, #tpu.memory_space<vmem>>)
    %add3A_698 = arith.constant 0 : i32
    %add3A_699 = arith.addi %mul3A_2, %add3A_698 : i32
    %dma_wait3A_700 = arith.constant 448 : i32
    %dma_wait3A_701 = arith.constant 0 : i32
    %dma_wait3A_702 = tpu.memref_slice %arg4[%add3A_699, %dma_wait3A_700, %dma_wait3A_701] : memref<64x512x512xf32, #tpu.memory_space<hbm>> -> memref<1x32x512xf32, #tpu.memory_space<hbm>>
    %dma_wait3A_703 = tpu.memref_squeeze %dma_wait3A_702 : memref<1x32x512xf32, #tpu.memory_space<hbm>> -> memref<32x512xf32, #tpu.memory_space<hbm>>
    %dma_wait3A_704 = arith.constant 448 : i32
    %dma_wait3A_705 = arith.constant 0 : i32
    %dma_wait3A_706 = tpu.memref_slice %arg4[%add3A_699, %dma_wait3A_704, %dma_wait3A_705] : memref<64x512x512xf32, #tpu.memory_space<hbm>> -> memref<1x32x512xf32, #tpu.memory_space<hbm>>
    %dma_wait3A_707 = tpu.memref_squeeze %dma_wait3A_706 : memref<1x32x512xf32, #tpu.memory_space<hbm>> -> memref<32x512xf32, #tpu.memory_space<hbm>>
    tpu.wait_dma2 semaphore(%arg12 : memref<!tpu.dma_semaphore, #tpu.memory_space<semaphore_mem>>) src(%arg8 : memref<32x512xf32, #tpu.memory_space<vmem>>) dst(%dma_wait3A_707 : memref<32x512xf32, #tpu.memory_space<hbm>>)
    %parallel_loop3A_708 = arith.constant 0 : i32
    %parallel_loop3A_709 = arith.constant 16384 : i32
    %parallel_loop3A_710 = arith.constant 16 : i32
    scf.for %parallel_loop3A_1376 = %parallel_loop3A_708 to %parallel_loop3A_709 step %parallel_loop3A_710  : i32 {
      %parallel_loop3A_1377 = arith.constant 512 : i32
      %parallel_loop3A_1378 = arith.divsi %parallel_loop3A_1376, %parallel_loop3A_1377 : i32
      %parallel_loop3A_1379 = arith.constant 0 : i32
      %parallel_loop3A_1380 = arith.cmpi sgt, %parallel_loop3A_1376, %parallel_loop3A_1379 : i32
      %parallel_loop3A_1381 = arith.extui %parallel_loop3A_1380 : i1 to i32
      %parallel_loop3A_1382 = arith.constant 0 : i32
      %parallel_loop3A_1383 = arith.cmpi slt, %parallel_loop3A_1376, %parallel_loop3A_1382 : i32
      %parallel_loop3A_1384 = arith.extui %parallel_loop3A_1383 : i1 to i32
      %parallel_loop3A_1385 = arith.subi %parallel_loop3A_1381, %parallel_loop3A_1384 : i32
      %parallel_loop3A_1386 = arith.constant 0 : i32
      %parallel_loop3A_1387 = arith.cmpi sgt, %parallel_loop3A_1377, %parallel_loop3A_1386 : i32
      %parallel_loop3A_1388 = arith.extui %parallel_loop3A_1387 : i1 to i32
      %parallel_loop3A_1389 = arith.constant 0 : i32
      %parallel_loop3A_1390 = arith.cmpi slt, %parallel_loop3A_1377, %parallel_loop3A_1389 : i32
      %parallel_loop3A_1391 = arith.extui %parallel_loop3A_1390 : i1 to i32
      %parallel_loop3A_1392 = arith.subi %parallel_loop3A_1388, %parallel_loop3A_1391 : i32
      %parallel_loop3A_1393 = arith.cmpi ne, %parallel_loop3A_1385, %parallel_loop3A_1392 : i32
      %parallel_loop3A_1394 = arith.remsi %parallel_loop3A_1376, %parallel_loop3A_1377 : i32
      %parallel_loop3A_1395 = arith.constant 0 : i32
      %parallel_loop3A_1396 = arith.cmpi ne, %parallel_loop3A_1394, %parallel_loop3A_1395 : i32
      %parallel_loop3A_1397 = arith.andi %parallel_loop3A_1393, %parallel_loop3A_1396 : i1
      %parallel_loop3A_1398 = arith.constant 1 : i32
      %parallel_loop3A_1399 = arith.subi %parallel_loop3A_1378, %parallel_loop3A_1398 : i32
      %parallel_loop3A_1400 = arith.select %parallel_loop3A_1397, %parallel_loop3A_1399, %parallel_loop3A_1378 : i32
      %parallel_loop3A_1401 = arith.constant 512 : i32
      %parallel_loop3A_1402 = arith.constant 0 : i32
      %parallel_loop3A_1403 = arith.cmpi eq, %parallel_loop3A_1401, %parallel_loop3A_1402 : i32
      %parallel_loop3A_1404 = arith.constant 1 : i32
      %parallel_loop3A_1405 = arith.select %parallel_loop3A_1403, %parallel_loop3A_1404, %parallel_loop3A_1401 : i32
      %parallel_loop3A_1406 = arith.remsi %parallel_loop3A_1376, %parallel_loop3A_1405 : i32
      %parallel_loop3A_1407 = arith.constant 0 : i32
      %parallel_loop3A_1408 = arith.cmpi ne, %parallel_loop3A_1406, %parallel_loop3A_1407 : i32
      %parallel_loop3A_1409 = arith.constant 0 : i32
      %parallel_loop3A_1410 = arith.cmpi slt, %parallel_loop3A_1406, %parallel_loop3A_1409 : i32
      %parallel_loop3A_1411 = arith.constant 0 : i32
      %parallel_loop3A_1412 = arith.cmpi slt, %parallel_loop3A_1405, %parallel_loop3A_1411 : i32
      %parallel_loop3A_1413 = arith.xori %parallel_loop3A_1410, %parallel_loop3A_1412 : i1
      %parallel_loop3A_1414 = arith.andi %parallel_loop3A_1413, %parallel_loop3A_1408 : i1
      %parallel_loop3A_1415 = arith.addi %parallel_loop3A_1406, %parallel_loop3A_1405 : i32
      %parallel_loop3A_1416 = arith.select %parallel_loop3A_1414, %parallel_loop3A_1415, %parallel_loop3A_1406 : i32
      %parallel_loop3A_1417 = arith.index_cast %parallel_loop3A_1400 : i32 to index
      %parallel_loop3A_1418 = arith.index_cast %parallel_loop3A_1416 : i32 to index
      %parallel_loop3A_1419 = tpu.vector_load %arg6[%parallel_loop3A_1417, %parallel_loop3A_1418] {strides = array<i32>} : memref<32x512xi32, #tpu.memory_space<vmem>>, vector<16xi32>,
      %parallel_loop3A_1420 = tpu.vector_load_idx %arg5[%parallel_loop3A_1419] : memref<256xf32, #tpu.memory_space<vmem>>[vector<16xi32>], vector<16xf32>,
      %parallel_loop3A_1421 = arith.index_cast %parallel_loop3A_1400 : i32 to index
      %parallel_loop3A_1422 = arith.index_cast %parallel_loop3A_1416 : i32 to index
      %parallel_loop3A_1423 = tpu.vector_load %arg8[%parallel_loop3A_1421, %parallel_loop3A_1422] {strides = array<i32>} : memref<32x512xf32, #tpu.memory_space<vmem>>, vector<16xf32>,
      tpu.vector_store %arg8[%parallel_loop3A_1421, %parallel_loop3A_1422], %parallel_loop3A_1420 {strides = array<i32>} : memref<32x512xf32, #tpu.memory_space<vmem>>, vector<16xf32>,
    } {sc.loop_unroll_factor = 8 : i64, sc.parallel_access}
    %add3A_711 = arith.constant 1 : i32
    %add3A_712 = arith.addi %mul3A_2, %add3A_711 : i32
    %dma_start3A_713 = arith.constant 0 : i32
    %dma_start3A_714 = arith.constant 0 : i32
    %dma_start3A_715 = tpu.memref_slice %arg4[%add3A_712, %dma_start3A_713, %dma_start3A_714] : memref<64x512x512xf32, #tpu.memory_space<hbm>> -> memref<1x32x512xf32, #tpu.memory_space<hbm>>
    %dma_start3A_716 = tpu.memref_squeeze %dma_start3A_715 : memref<1x32x512xf32, #tpu.memory_space<hbm>> -> memref<32x512xf32, #tpu.memory_space<hbm>>
    %dma_start3A_717 = arith.constant 0 : i32
    %dma_start3A_718 = arith.constant 0 : i32
    %dma_start3A_719 = tpu.memref_slice %arg4[%add3A_712, %dma_start3A_717, %dma_start3A_718] : memref<64x512x512xf32, #tpu.memory_space<hbm>> -> memref<1x32x512xf32, #tpu.memory_space<hbm>>
    %dma_start3A_720 = tpu.memref_squeeze %dma_start3A_719 : memref<1x32x512xf32, #tpu.memory_space<hbm>> -> memref<32x512xf32, #tpu.memory_space<hbm>>
    tpu.enqueue_dma source(%arg8 : memref<32x512xf32, #tpu.memory_space<vmem>>) target(%dma_start3A_720 : memref<32x512xf32, #tpu.memory_space<hbm>>) target_semaphore(%arg12 : memref<!tpu.dma_semaphore, #tpu.memory_space<semaphore_mem>>)
    %add3A_721 = arith.constant 1 : i32
    %add3A_722 = arith.addi %mul3A_2, %add3A_721 : i32
    %dma_start3A_723 = arith.constant 64 : i32
    %dma_start3A_724 = arith.constant 0 : i32
    %dma_start3A_725 = tpu.memref_slice %arg3[%add3A_722, %dma_start3A_723, %dma_start3A_724] : memref<64x512x512xi32, #tpu.memory_space<hbm>> -> memref<1x32x512xi32, #tpu.memory_space<hbm>>
    %dma_start3A_726 = tpu.memref_squeeze %dma_start3A_725 : memref<1x32x512xi32, #tpu.memory_space<hbm>> -> memref<32x512xi32, #tpu.memory_space<hbm>>
    %dma_start3A_727 = arith.constant 64 : i32
    %dma_start3A_728 = arith.constant 0 : i32
    %dma_start3A_729 = tpu.memref_slice %arg3[%add3A_722, %dma_start3A_727, %dma_start3A_728] : memref<64x512x512xi32, #tpu.memory_space<hbm>> -> memref<1x32x512xi32, #tpu.memory_space<hbm>>
    %dma_start3A_730 = tpu.memref_squeeze %dma_start3A_729 : memref<1x32x512xi32, #tpu.memory_space<hbm>> -> memref<32x512xi32, #tpu.memory_space<hbm>>
    tpu.enqueue_dma source(%dma_start3A_730 : memref<32x512xi32, #tpu.memory_space<hbm>>) target(%arg6 : memref<32x512xi32, #tpu.memory_space<vmem>>) target_semaphore(%arg10 : memref<!tpu.dma_semaphore, #tpu.memory_space<semaphore_mem>>)
    %add3A_731 = arith.constant 1 : i32
    %add3A_732 = arith.addi %mul3A_2, %add3A_731 : i32
    %dma_wait3A_733 = arith.constant 32 : i32
    %dma_wait3A_734 = arith.constant 0 : i32
    %dma_wait3A_735 = tpu.memref_slice %arg3[%add3A_732, %dma_wait3A_733, %dma_wait3A_734] : memref<64x512x512xi32, #tpu.memory_space<hbm>> -> memref<1x32x512xi32, #tpu.memory_space<hbm>>
    %dma_wait3A_736 = tpu.memref_squeeze %dma_wait3A_735 : memref<1x32x512xi32, #tpu.memory_space<hbm>> -> memref<32x512xi32, #tpu.memory_space<hbm>>
    %dma_wait3A_737 = arith.constant 32 : i32
    %dma_wait3A_738 = arith.constant 0 : i32
    %dma_wait3A_739 = tpu.memref_slice %arg3[%add3A_732, %dma_wait3A_737, %dma_wait3A_738] : memref<64x512x512xi32, #tpu.memory_space<hbm>> -> memref<1x32x512xi32, #tpu.memory_space<hbm>>
    %dma_wait3A_740 = tpu.memref_squeeze %dma_wait3A_739 : memref<1x32x512xi32, #tpu.memory_space<hbm>> -> memref<32x512xi32, #tpu.memory_space<hbm>>
    tpu.wait_dma2 semaphore(%arg11 : memref<!tpu.dma_semaphore, #tpu.memory_space<semaphore_mem>>) src(%dma_wait3A_740 : memref<32x512xi32, #tpu.memory_space<hbm>>) dst(%arg7 : memref<32x512xi32, #tpu.memory_space<vmem>>)
    %add3A_741 = arith.constant 0 : i32
    %add3A_742 = arith.addi %mul3A_2, %add3A_741 : i32
    %dma_wait3A_743 = arith.constant 480 : i32
    %dma_wait3A_744 = arith.constant 0 : i32
    %dma_wait3A_745 = tpu.memref_slice %arg4[%add3A_742, %dma_wait3A_743, %dma_wait3A_744] : memref<64x512x512xf32, #tpu.memory_space<hbm>> -> memref<1x32x512xf32, #tpu.memory_space<hbm>>
    %dma_wait3A_746 = tpu.memref_squeeze %dma_wait3A_745 : memref<1x32x512xf32, #tpu.memory_space<hbm>> -> memref<32x512xf32, #tpu.memory_space<hbm>>
    %dma_wait3A_747 = arith.constant 480 : i32
    %dma_wait3A_748 = arith.constant 0 : i32
    %dma_wait3A_749 = tpu.memref_slice %arg4[%add3A_742, %dma_wait3A_747, %dma_wait3A_748] : memref<64x512x512xf32, #tpu.memory_space<hbm>> -> memref<1x32x512xf32, #tpu.memory_space<hbm>>
    %dma_wait3A_750 = tpu.memref_squeeze %dma_wait3A_749 : memref<1x32x512xf32, #tpu.memory_space<hbm>> -> memref<32x512xf32, #tpu.memory_space<hbm>>
    tpu.wait_dma2 semaphore(%arg13 : memref<!tpu.dma_semaphore, #tpu.memory_space<semaphore_mem>>) src(%arg9 : memref<32x512xf32, #tpu.memory_space<vmem>>) dst(%dma_wait3A_750 : memref<32x512xf32, #tpu.memory_space<hbm>>)
    %parallel_loop3A_751 = arith.constant 0 : i32
    %parallel_loop3A_752 = arith.constant 16384 : i32
    %parallel_loop3A_753 = arith.constant 16 : i32
    scf.for %parallel_loop3A_1376 = %parallel_loop3A_751 to %parallel_loop3A_752 step %parallel_loop3A_753  : i32 {
      %parallel_loop3A_1377 = arith.constant 512 : i32
      %parallel_loop3A_1378 = arith.divsi %parallel_loop3A_1376, %parallel_loop3A_1377 : i32
      %parallel_loop3A_1379 = arith.constant 0 : i32
      %parallel_loop3A_1380 = arith.cmpi sgt, %parallel_loop3A_1376, %parallel_loop3A_1379 : i32
      %parallel_loop3A_1381 = arith.extui %parallel_loop3A_1380 : i1 to i32
      %parallel_loop3A_1382 = arith.constant 0 : i32
      %parallel_loop3A_1383 = arith.cmpi slt, %parallel_loop3A_1376, %parallel_loop3A_1382 : i32
      %parallel_loop3A_1384 = arith.extui %parallel_loop3A_1383 : i1 to i32
      %parallel_loop3A_1385 = arith.subi %parallel_loop3A_1381, %parallel_loop3A_1384 : i32
      %parallel_loop3A_1386 = arith.constant 0 : i32
      %parallel_loop3A_1387 = arith.cmpi sgt, %parallel_loop3A_1377, %parallel_loop3A_1386 : i32
      %parallel_loop3A_1388 = arith.extui %parallel_loop3A_1387 : i1 to i32
      %parallel_loop3A_1389 = arith.constant 0 : i32
      %parallel_loop3A_1390 = arith.cmpi slt, %parallel_loop3A_1377, %parallel_loop3A_1389 : i32
      %parallel_loop3A_1391 = arith.extui %parallel_loop3A_1390 : i1 to i32
      %parallel_loop3A_1392 = arith.subi %parallel_loop3A_1388, %parallel_loop3A_1391 : i32
      %parallel_loop3A_1393 = arith.cmpi ne, %parallel_loop3A_1385, %parallel_loop3A_1392 : i32
      %parallel_loop3A_1394 = arith.remsi %parallel_loop3A_1376, %parallel_loop3A_1377 : i32
      %parallel_loop3A_1395 = arith.constant 0 : i32
      %parallel_loop3A_1396 = arith.cmpi ne, %parallel_loop3A_1394, %parallel_loop3A_1395 : i32
      %parallel_loop3A_1397 = arith.andi %parallel_loop3A_1393, %parallel_loop3A_1396 : i1
      %parallel_loop3A_1398 = arith.constant 1 : i32
      %parallel_loop3A_1399 = arith.subi %parallel_loop3A_1378, %parallel_loop3A_1398 : i32
      %parallel_loop3A_1400 = arith.select %parallel_loop3A_1397, %parallel_loop3A_1399, %parallel_loop3A_1378 : i32
      %parallel_loop3A_1401 = arith.constant 512 : i32
      %parallel_loop3A_1402 = arith.constant 0 : i32
      %parallel_loop3A_1403 = arith.cmpi eq, %parallel_loop3A_1401, %parallel_loop3A_1402 : i32
      %parallel_loop3A_1404 = arith.constant 1 : i32
      %parallel_loop3A_1405 = arith.select %parallel_loop3A_1403, %parallel_loop3A_1404, %parallel_loop3A_1401 : i32
      %parallel_loop3A_1406 = arith.remsi %parallel_loop3A_1376, %parallel_loop3A_1405 : i32
      %parallel_loop3A_1407 = arith.constant 0 : i32
      %parallel_loop3A_1408 = arith.cmpi ne, %parallel_loop3A_1406, %parallel_loop3A_1407 : i32
      %parallel_loop3A_1409 = arith.constant 0 : i32
      %parallel_loop3A_1410 = arith.cmpi slt, %parallel_loop3A_1406, %parallel_loop3A_1409 : i32
      %parallel_loop3A_1411 = arith.constant 0 : i32
      %parallel_loop3A_1412 = arith.cmpi slt, %parallel_loop3A_1405, %parallel_loop3A_1411 : i32
      %parallel_loop3A_1413 = arith.xori %parallel_loop3A_1410, %parallel_loop3A_1412 : i1
      %parallel_loop3A_1414 = arith.andi %parallel_loop3A_1413, %parallel_loop3A_1408 : i1
      %parallel_loop3A_1415 = arith.addi %parallel_loop3A_1406, %parallel_loop3A_1405 : i32
      %parallel_loop3A_1416 = arith.select %parallel_loop3A_1414, %parallel_loop3A_1415, %parallel_loop3A_1406 : i32
      %parallel_loop3A_1417 = arith.index_cast %parallel_loop3A_1400 : i32 to index
      %parallel_loop3A_1418 = arith.index_cast %parallel_loop3A_1416 : i32 to index
      %parallel_loop3A_1419 = tpu.vector_load %arg7[%parallel_loop3A_1417, %parallel_loop3A_1418] {strides = array<i32>} : memref<32x512xi32, #tpu.memory_space<vmem>>, vector<16xi32>,
      %parallel_loop3A_1420 = tpu.vector_load_idx %arg5[%parallel_loop3A_1419] : memref<256xf32, #tpu.memory_space<vmem>>[vector<16xi32>], vector<16xf32>,
      %parallel_loop3A_1421 = arith.index_cast %parallel_loop3A_1400 : i32 to index
      %parallel_loop3A_1422 = arith.index_cast %parallel_loop3A_1416 : i32 to index
      %parallel_loop3A_1423 = tpu.vector_load %arg9[%parallel_loop3A_1421, %parallel_loop3A_1422] {strides = array<i32>} : memref<32x512xf32, #tpu.memory_space<vmem>>, vector<16xf32>,
      tpu.vector_store %arg9[%parallel_loop3A_1421, %parallel_loop3A_1422], %parallel_loop3A_1420 {strides = array<i32>} : memref<32x512xf32, #tpu.memory_space<vmem>>, vector<16xf32>,
    } {sc.loop_unroll_factor = 8 : i64, sc.parallel_access}
    %add3A_754 = arith.constant 1 : i32
    %add3A_755 = arith.addi %mul3A_2, %add3A_754 : i32
    %dma_start3A_756 = arith.constant 32 : i32
    %dma_start3A_757 = arith.constant 0 : i32
    %dma_start3A_758 = tpu.memref_slice %arg4[%add3A_755, %dma_start3A_756, %dma_start3A_757] : memref<64x512x512xf32, #tpu.memory_space<hbm>> -> memref<1x32x512xf32, #tpu.memory_space<hbm>>
    %dma_start3A_759 = tpu.memref_squeeze %dma_start3A_758 : memref<1x32x512xf32, #tpu.memory_space<hbm>> -> memref<32x512xf32, #tpu.memory_space<hbm>>
    %dma_start3A_760 = arith.constant 32 : i32
    %dma_start3A_761 = arith.constant 0 : i32
    %dma_start3A_762 = tpu.memref_slice %arg4[%add3A_755, %dma_start3A_760, %dma_start3A_761] : memref<64x512x512xf32, #tpu.memory_space<hbm>> -> memref<1x32x512xf32, #tpu.memory_space<hbm>>
    %dma_start3A_763 = tpu.memref_squeeze %dma_start3A_762 : memref<1x32x512xf32, #tpu.memory_space<hbm>> -> memref<32x512xf32, #tpu.memory_space<hbm>>
    tpu.enqueue_dma source(%arg9 : memref<32x512xf32, #tpu.memory_space<vmem>>) target(%dma_start3A_763 : memref<32x512xf32, #tpu.memory_space<hbm>>) target_semaphore(%arg13 : memref<!tpu.dma_semaphore, #tpu.memory_space<semaphore_mem>>)
    %add3A_764 = arith.constant 1 : i32
    %add3A_765 = arith.addi %mul3A_2, %add3A_764 : i32
    %dma_start3A_766 = arith.constant 96 : i32
    %dma_start3A_767 = arith.constant 0 : i32
    %dma_start3A_768 = tpu.memref_slice %arg3[%add3A_765, %dma_start3A_766, %dma_start3A_767] : memref<64x512x512xi32, #tpu.memory_space<hbm>> -> memref<1x32x512xi32, #tpu.memory_space<hbm>>
    %dma_start3A_769 = tpu.memref_squeeze %dma_start3A_768 : memref<1x32x512xi32, #tpu.memory_space<hbm>> -> memref<32x512xi32, #tpu.memory_space<hbm>>
    %dma_start3A_770 = arith.constant 96 : i32
    %dma_start3A_771 = arith.constant 0 : i32
    %dma_start3A_772 = tpu.memref_slice %arg3[%add3A_765, %dma_start3A_770, %dma_start3A_771] : memref<64x512x512xi32, #tpu.memory_space<hbm>> -> memref<1x32x512xi32, #tpu.memory_space<hbm>>
    %dma_start3A_773 = tpu.memref_squeeze %dma_start3A_772 : memref<1x32x512xi32, #tpu.memory_space<hbm>> -> memref<32x512xi32, #tpu.memory_space<hbm>>
    tpu.enqueue_dma source(%dma_start3A_773 : memref<32x512xi32, #tpu.memory_space<hbm>>) target(%arg7 : memref<32x512xi32, #tpu.memory_space<vmem>>) target_semaphore(%arg11 : memref<!tpu.dma_semaphore, #tpu.memory_space<semaphore_mem>>)
    %add3A_774 = arith.constant 1 : i32
    %add3A_775 = arith.addi %mul3A_2, %add3A_774 : i32
    %dma_wait3A_776 = arith.constant 64 : i32
    %dma_wait3A_777 = arith.constant 0 : i32
    %dma_wait3A_778 = tpu.memref_slice %arg3[%add3A_775, %dma_wait3A_776, %dma_wait3A_777] : memref<64x512x512xi32, #tpu.memory_space<hbm>> -> memref<1x32x512xi32, #tpu.memory_space<hbm>>
    %dma_wait3A_779 = tpu.memref_squeeze %dma_wait3A_778 : memref<1x32x512xi32, #tpu.memory_space<hbm>> -> memref<32x512xi32, #tpu.memory_space<hbm>>
    %dma_wait3A_780 = arith.constant 64 : i32
    %dma_wait3A_781 = arith.constant 0 : i32
    %dma_wait3A_782 = tpu.memref_slice %arg3[%add3A_775, %dma_wait3A_780, %dma_wait3A_781] : memref<64x512x512xi32, #tpu.memory_space<hbm>> -> memref<1x32x512xi32, #tpu.memory_space<hbm>>
    %dma_wait3A_783 = tpu.memref_squeeze %dma_wait3A_782 : memref<1x32x512xi32, #tpu.memory_space<hbm>> -> memref<32x512xi32, #tpu.memory_space<hbm>>
    tpu.wait_dma2 semaphore(%arg10 : memref<!tpu.dma_semaphore, #tpu.memory_space<semaphore_mem>>) src(%dma_wait3A_783 : memref<32x512xi32, #tpu.memory_space<hbm>>) dst(%arg6 : memref<32x512xi32, #tpu.memory_space<vmem>>)
    %add3A_784 = arith.constant 1 : i32
    %add3A_785 = arith.addi %mul3A_2, %add3A_784 : i32
    %dma_wait3A_786 = arith.constant 0 : i32
    %dma_wait3A_787 = arith.constant 0 : i32
    %dma_wait3A_788 = tpu.memref_slice %arg4[%add3A_785, %dma_wait3A_786, %dma_wait3A_787] : memref<64x512x512xf32, #tpu.memory_space<hbm>> -> memref<1x32x512xf32, #tpu.memory_space<hbm>>
    %dma_wait3A_789 = tpu.memref_squeeze %dma_wait3A_788 : memref<1x32x512xf32, #tpu.memory_space<hbm>> -> memref<32x512xf32, #tpu.memory_space<hbm>>
    %dma_wait3A_790 = arith.constant 0 : i32
    %dma_wait3A_791 = arith.constant 0 : i32
    %dma_wait3A_792 = tpu.memref_slice %arg4[%add3A_785, %dma_wait3A_790, %dma_wait3A_791] : memref<64x512x512xf32, #tpu.memory_space<hbm>> -> memref<1x32x512xf32, #tpu.memory_space<hbm>>
    %dma_wait3A_793 = tpu.memref_squeeze %dma_wait3A_792 : memref<1x32x512xf32, #tpu.memory_space<hbm>> -> memref<32x512xf32, #tpu.memory_space<hbm>>
    tpu.wait_dma2 semaphore(%arg12 : memref<!tpu.dma_semaphore, #tpu.memory_space<semaphore_mem>>) src(%arg8 : memref<32x512xf32, #tpu.memory_space<vmem>>) dst(%dma_wait3A_793 : memref<32x512xf32, #tpu.memory_space<hbm>>)
    %parallel_loop3A_794 = arith.constant 0 : i32
    %parallel_loop3A_795 = arith.constant 16384 : i32
    %parallel_loop3A_796 = arith.constant 16 : i32
    scf.for %parallel_loop3A_1376 = %parallel_loop3A_794 to %parallel_loop3A_795 step %parallel_loop3A_796  : i32 {
      %parallel_loop3A_1377 = arith.constant 512 : i32
      %parallel_loop3A_1378 = arith.divsi %parallel_loop3A_1376, %parallel_loop3A_1377 : i32
      %parallel_loop3A_1379 = arith.constant 0 : i32
      %parallel_loop3A_1380 = arith.cmpi sgt, %parallel_loop3A_1376, %parallel_loop3A_1379 : i32
      %parallel_loop3A_1381 = arith.extui %parallel_loop3A_1380 : i1 to i32
      %parallel_loop3A_1382 = arith.constant 0 : i32
      %parallel_loop3A_1383 = arith.cmpi slt, %parallel_loop3A_1376, %parallel_loop3A_1382 : i32
      %parallel_loop3A_1384 = arith.extui %parallel_loop3A_1383 : i1 to i32
      %parallel_loop3A_1385 = arith.subi %parallel_loop3A_1381, %parallel_loop3A_1384 : i32
      %parallel_loop3A_1386 = arith.constant 0 : i32
      %parallel_loop3A_1387 = arith.cmpi sgt, %parallel_loop3A_1377, %parallel_loop3A_1386 : i32
      %parallel_loop3A_1388 = arith.extui %parallel_loop3A_1387 : i1 to i32
      %parallel_loop3A_1389 = arith.constant 0 : i32
      %parallel_loop3A_1390 = arith.cmpi slt, %parallel_loop3A_1377, %parallel_loop3A_1389 : i32
      %parallel_loop3A_1391 = arith.extui %parallel_loop3A_1390 : i1 to i32
      %parallel_loop3A_1392 = arith.subi %parallel_loop3A_1388, %parallel_loop3A_1391 : i32
      %parallel_loop3A_1393 = arith.cmpi ne, %parallel_loop3A_1385, %parallel_loop3A_1392 : i32
      %parallel_loop3A_1394 = arith.remsi %parallel_loop3A_1376, %parallel_loop3A_1377 : i32
      %parallel_loop3A_1395 = arith.constant 0 : i32
      %parallel_loop3A_1396 = arith.cmpi ne, %parallel_loop3A_1394, %parallel_loop3A_1395 : i32
      %parallel_loop3A_1397 = arith.andi %parallel_loop3A_1393, %parallel_loop3A_1396 : i1
      %parallel_loop3A_1398 = arith.constant 1 : i32
      %parallel_loop3A_1399 = arith.subi %parallel_loop3A_1378, %parallel_loop3A_1398 : i32
      %parallel_loop3A_1400 = arith.select %parallel_loop3A_1397, %parallel_loop3A_1399, %parallel_loop3A_1378 : i32
      %parallel_loop3A_1401 = arith.constant 512 : i32
      %parallel_loop3A_1402 = arith.constant 0 : i32
      %parallel_loop3A_1403 = arith.cmpi eq, %parallel_loop3A_1401, %parallel_loop3A_1402 : i32
      %parallel_loop3A_1404 = arith.constant 1 : i32
      %parallel_loop3A_1405 = arith.select %parallel_loop3A_1403, %parallel_loop3A_1404, %parallel_loop3A_1401 : i32
      %parallel_loop3A_1406 = arith.remsi %parallel_loop3A_1376, %parallel_loop3A_1405 : i32
      %parallel_loop3A_1407 = arith.constant 0 : i32
      %parallel_loop3A_1408 = arith.cmpi ne, %parallel_loop3A_1406, %parallel_loop3A_1407 : i32
      %parallel_loop3A_1409 = arith.constant 0 : i32
      %parallel_loop3A_1410 = arith.cmpi slt, %parallel_loop3A_1406, %parallel_loop3A_1409 : i32
      %parallel_loop3A_1411 = arith.constant 0 : i32
      %parallel_loop3A_1412 = arith.cmpi slt, %parallel_loop3A_1405, %parallel_loop3A_1411 : i32
      %parallel_loop3A_1413 = arith.xori %parallel_loop3A_1410, %parallel_loop3A_1412 : i1
      %parallel_loop3A_1414 = arith.andi %parallel_loop3A_1413, %parallel_loop3A_1408 : i1
      %parallel_loop3A_1415 = arith.addi %parallel_loop3A_1406, %parallel_loop3A_1405 : i32
      %parallel_loop3A_1416 = arith.select %parallel_loop3A_1414, %parallel_loop3A_1415, %parallel_loop3A_1406 : i32
      %parallel_loop3A_1417 = arith.index_cast %parallel_loop3A_1400 : i32 to index
      %parallel_loop3A_1418 = arith.index_cast %parallel_loop3A_1416 : i32 to index
      %parallel_loop3A_1419 = tpu.vector_load %arg6[%parallel_loop3A_1417, %parallel_loop3A_1418] {strides = array<i32>} : memref<32x512xi32, #tpu.memory_space<vmem>>, vector<16xi32>,
      %parallel_loop3A_1420 = tpu.vector_load_idx %arg5[%parallel_loop3A_1419] : memref<256xf32, #tpu.memory_space<vmem>>[vector<16xi32>], vector<16xf32>,
      %parallel_loop3A_1421 = arith.index_cast %parallel_loop3A_1400 : i32 to index
      %parallel_loop3A_1422 = arith.index_cast %parallel_loop3A_1416 : i32 to index
      %parallel_loop3A_1423 = tpu.vector_load %arg8[%parallel_loop3A_1421, %parallel_loop3A_1422] {strides = array<i32>} : memref<32x512xf32, #tpu.memory_space<vmem>>, vector<16xf32>,
      tpu.vector_store %arg8[%parallel_loop3A_1421, %parallel_loop3A_1422], %parallel_loop3A_1420 {strides = array<i32>} : memref<32x512xf32, #tpu.memory_space<vmem>>, vector<16xf32>,
    } {sc.loop_unroll_factor = 8 : i64, sc.parallel_access}
    %add3A_797 = arith.constant 1 : i32
    %add3A_798 = arith.addi %mul3A_2, %add3A_797 : i32
    %dma_start3A_799 = arith.constant 64 : i32
    %dma_start3A_800 = arith.constant 0 : i32
    %dma_start3A_801 = tpu.memref_slice %arg4[%add3A_798, %dma_start3A_799, %dma_start3A_800] : memref<64x512x512xf32, #tpu.memory_space<hbm>> -> memref<1x32x512xf32, #tpu.memory_space<hbm>>
    %dma_start3A_802 = tpu.memref_squeeze %dma_start3A_801 : memref<1x32x512xf32, #tpu.memory_space<hbm>> -> memref<32x512xf32, #tpu.memory_space<hbm>>
    %dma_start3A_803 = arith.constant 64 : i32
    %dma_start3A_804 = arith.constant 0 : i32
    %dma_start3A_805 = tpu.memref_slice %arg4[%add3A_798, %dma_start3A_803, %dma_start3A_804] : memref<64x512x512xf32, #tpu.memory_space<hbm>> -> memref<1x32x512xf32, #tpu.memory_space<hbm>>
    %dma_start3A_806 = tpu.memref_squeeze %dma_start3A_805 : memref<1x32x512xf32, #tpu.memory_space<hbm>> -> memref<32x512xf32, #tpu.memory_space<hbm>>
    tpu.enqueue_dma source(%arg8 : memref<32x512xf32, #tpu.memory_space<vmem>>) target(%dma_start3A_806 : memref<32x512xf32, #tpu.memory_space<hbm>>) target_semaphore(%arg12 : memref<!tpu.dma_semaphore, #tpu.memory_space<semaphore_mem>>)
    %add3A_807 = arith.constant 1 : i32
    %add3A_808 = arith.addi %mul3A_2, %add3A_807 : i32
    %dma_start3A_809 = arith.constant 128 : i32
    %dma_start3A_810 = arith.constant 0 : i32
    %dma_start3A_811 = tpu.memref_slice %arg3[%add3A_808, %dma_start3A_809, %dma_start3A_810] : memref<64x512x512xi32, #tpu.memory_space<hbm>> -> memref<1x32x512xi32, #tpu.memory_space<hbm>>
    %dma_start3A_812 = tpu.memref_squeeze %dma_start3A_811 : memref<1x32x512xi32, #tpu.memory_space<hbm>> -> memref<32x512xi32, #tpu.memory_space<hbm>>
    %dma_start3A_813 = arith.constant 128 : i32
    %dma_start3A_814 = arith.constant 0 : i32
    %dma_start3A_815 = tpu.memref_slice %arg3[%add3A_808, %dma_start3A_813, %dma_start3A_814] : memref<64x512x512xi32, #tpu.memory_space<hbm>> -> memref<1x32x512xi32, #tpu.memory_space<hbm>>
    %dma_start3A_816 = tpu.memref_squeeze %dma_start3A_815 : memref<1x32x512xi32, #tpu.memory_space<hbm>> -> memref<32x512xi32, #tpu.memory_space<hbm>>
    tpu.enqueue_dma source(%dma_start3A_816 : memref<32x512xi32, #tpu.memory_space<hbm>>) target(%arg6 : memref<32x512xi32, #tpu.memory_space<vmem>>) target_semaphore(%arg10 : memref<!tpu.dma_semaphore, #tpu.memory_space<semaphore_mem>>)
    %add3A_817 = arith.constant 1 : i32
    %add3A_818 = arith.addi %mul3A_2, %add3A_817 : i32
    %dma_wait3A_819 = arith.constant 96 : i32
    %dma_wait3A_820 = arith.constant 0 : i32
    %dma_wait3A_821 = tpu.memref_slice %arg3[%add3A_818, %dma_wait3A_819, %dma_wait3A_820] : memref<64x512x512xi32, #tpu.memory_space<hbm>> -> memref<1x32x512xi32, #tpu.memory_space<hbm>>
    %dma_wait3A_822 = tpu.memref_squeeze %dma_wait3A_821 : memref<1x32x512xi32, #tpu.memory_space<hbm>> -> memref<32x512xi32, #tpu.memory_space<hbm>>
    %dma_wait3A_823 = arith.constant 96 : i32
    %dma_wait3A_824 = arith.constant 0 : i32
    %dma_wait3A_825 = tpu.memref_slice %arg3[%add3A_818, %dma_wait3A_823, %dma_wait3A_824] : memref<64x512x512xi32, #tpu.memory_space<hbm>> -> memref<1x32x512xi32, #tpu.memory_space<hbm>>
    %dma_wait3A_826 = tpu.memref_squeeze %dma_wait3A_825 : memref<1x32x512xi32, #tpu.memory_space<hbm>> -> memref<32x512xi32, #tpu.memory_space<hbm>>
    tpu.wait_dma2 semaphore(%arg11 : memref<!tpu.dma_semaphore, #tpu.memory_space<semaphore_mem>>) src(%dma_wait3A_826 : memref<32x512xi32, #tpu.memory_space<hbm>>) dst(%arg7 : memref<32x512xi32, #tpu.memory_space<vmem>>)
    %add3A_827 = arith.constant 1 : i32
    %add3A_828 = arith.addi %mul3A_2, %add3A_827 : i32
    %dma_wait3A_829 = arith.constant 32 : i32
    %dma_wait3A_830 = arith.constant 0 : i32
    %dma_wait3A_831 = tpu.memref_slice %arg4[%add3A_828, %dma_wait3A_829, %dma_wait3A_830] : memref<64x512x512xf32, #tpu.memory_space<hbm>> -> memref<1x32x512xf32, #tpu.memory_space<hbm>>
    %dma_wait3A_832 = tpu.memref_squeeze %dma_wait3A_831 : memref<1x32x512xf32, #tpu.memory_space<hbm>> -> memref<32x512xf32, #tpu.memory_space<hbm>>
    %dma_wait3A_833 = arith.constant 32 : i32
    %dma_wait3A_834 = arith.constant 0 : i32
    %dma_wait3A_835 = tpu.memref_slice %arg4[%add3A_828, %dma_wait3A_833, %dma_wait3A_834] : memref<64x512x512xf32, #tpu.memory_space<hbm>> -> memref<1x32x512xf32, #tpu.memory_space<hbm>>
    %dma_wait3A_836 = tpu.memref_squeeze %dma_wait3A_835 : memref<1x32x512xf32, #tpu.memory_space<hbm>> -> memref<32x512xf32, #tpu.memory_space<hbm>>
    tpu.wait_dma2 semaphore(%arg13 : memref<!tpu.dma_semaphore, #tpu.memory_space<semaphore_mem>>) src(%arg9 : memref<32x512xf32, #tpu.memory_space<vmem>>) dst(%dma_wait3A_836 : memref<32x512xf32, #tpu.memory_space<hbm>>)
    %parallel_loop3A_837 = arith.constant 0 : i32
    %parallel_loop3A_838 = arith.constant 16384 : i32
    %parallel_loop3A_839 = arith.constant 16 : i32
    scf.for %parallel_loop3A_1376 = %parallel_loop3A_837 to %parallel_loop3A_838 step %parallel_loop3A_839  : i32 {
      %parallel_loop3A_1377 = arith.constant 512 : i32
      %parallel_loop3A_1378 = arith.divsi %parallel_loop3A_1376, %parallel_loop3A_1377 : i32
      %parallel_loop3A_1379 = arith.constant 0 : i32
      %parallel_loop3A_1380 = arith.cmpi sgt, %parallel_loop3A_1376, %parallel_loop3A_1379 : i32
      %parallel_loop3A_1381 = arith.extui %parallel_loop3A_1380 : i1 to i32
      %parallel_loop3A_1382 = arith.constant 0 : i32
      %parallel_loop3A_1383 = arith.cmpi slt, %parallel_loop3A_1376, %parallel_loop3A_1382 : i32
      %parallel_loop3A_1384 = arith.extui %parallel_loop3A_1383 : i1 to i32
      %parallel_loop3A_1385 = arith.subi %parallel_loop3A_1381, %parallel_loop3A_1384 : i32
      %parallel_loop3A_1386 = arith.constant 0 : i32
      %parallel_loop3A_1387 = arith.cmpi sgt, %parallel_loop3A_1377, %parallel_loop3A_1386 : i32
      %parallel_loop3A_1388 = arith.extui %parallel_loop3A_1387 : i1 to i32
      %parallel_loop3A_1389 = arith.constant 0 : i32
      %parallel_loop3A_1390 = arith.cmpi slt, %parallel_loop3A_1377, %parallel_loop3A_1389 : i32
      %parallel_loop3A_1391 = arith.extui %parallel_loop3A_1390 : i1 to i32
      %parallel_loop3A_1392 = arith.subi %parallel_loop3A_1388, %parallel_loop3A_1391 : i32
      %parallel_loop3A_1393 = arith.cmpi ne, %parallel_loop3A_1385, %parallel_loop3A_1392 : i32
      %parallel_loop3A_1394 = arith.remsi %parallel_loop3A_1376, %parallel_loop3A_1377 : i32
      %parallel_loop3A_1395 = arith.constant 0 : i32
      %parallel_loop3A_1396 = arith.cmpi ne, %parallel_loop3A_1394, %parallel_loop3A_1395 : i32
      %parallel_loop3A_1397 = arith.andi %parallel_loop3A_1393, %parallel_loop3A_1396 : i1
      %parallel_loop3A_1398 = arith.constant 1 : i32
      %parallel_loop3A_1399 = arith.subi %parallel_loop3A_1378, %parallel_loop3A_1398 : i32
      %parallel_loop3A_1400 = arith.select %parallel_loop3A_1397, %parallel_loop3A_1399, %parallel_loop3A_1378 : i32
      %parallel_loop3A_1401 = arith.constant 512 : i32
      %parallel_loop3A_1402 = arith.constant 0 : i32
      %parallel_loop3A_1403 = arith.cmpi eq, %parallel_loop3A_1401, %parallel_loop3A_1402 : i32
      %parallel_loop3A_1404 = arith.constant 1 : i32
      %parallel_loop3A_1405 = arith.select %parallel_loop3A_1403, %parallel_loop3A_1404, %parallel_loop3A_1401 : i32
      %parallel_loop3A_1406 = arith.remsi %parallel_loop3A_1376, %parallel_loop3A_1405 : i32
      %parallel_loop3A_1407 = arith.constant 0 : i32
      %parallel_loop3A_1408 = arith.cmpi ne, %parallel_loop3A_1406, %parallel_loop3A_1407 : i32
      %parallel_loop3A_1409 = arith.constant 0 : i32
      %parallel_loop3A_1410 = arith.cmpi slt, %parallel_loop3A_1406, %parallel_loop3A_1409 : i32
      %parallel_loop3A_1411 = arith.constant 0 : i32
      %parallel_loop3A_1412 = arith.cmpi slt, %parallel_loop3A_1405, %parallel_loop3A_1411 : i32
      %parallel_loop3A_1413 = arith.xori %parallel_loop3A_1410, %parallel_loop3A_1412 : i1
      %parallel_loop3A_1414 = arith.andi %parallel_loop3A_1413, %parallel_loop3A_1408 : i1
      %parallel_loop3A_1415 = arith.addi %parallel_loop3A_1406, %parallel_loop3A_1405 : i32
      %parallel_loop3A_1416 = arith.select %parallel_loop3A_1414, %parallel_loop3A_1415, %parallel_loop3A_1406 : i32
      %parallel_loop3A_1417 = arith.index_cast %parallel_loop3A_1400 : i32 to index
      %parallel_loop3A_1418 = arith.index_cast %parallel_loop3A_1416 : i32 to index
      %parallel_loop3A_1419 = tpu.vector_load %arg7[%parallel_loop3A_1417, %parallel_loop3A_1418] {strides = array<i32>} : memref<32x512xi32, #tpu.memory_space<vmem>>, vector<16xi32>,
      %parallel_loop3A_1420 = tpu.vector_load_idx %arg5[%parallel_loop3A_1419] : memref<256xf32, #tpu.memory_space<vmem>>[vector<16xi32>], vector<16xf32>,
      %parallel_loop3A_1421 = arith.index_cast %parallel_loop3A_1400 : i32 to index
      %parallel_loop3A_1422 = arith.index_cast %parallel_loop3A_1416 : i32 to index
      %parallel_loop3A_1423 = tpu.vector_load %arg9[%parallel_loop3A_1421, %parallel_loop3A_1422] {strides = array<i32>} : memref<32x512xf32, #tpu.memory_space<vmem>>, vector<16xf32>,
      tpu.vector_store %arg9[%parallel_loop3A_1421, %parallel_loop3A_1422], %parallel_loop3A_1420 {strides = array<i32>} : memref<32x512xf32, #tpu.memory_space<vmem>>, vector<16xf32>,
    } {sc.loop_unroll_factor = 8 : i64, sc.parallel_access}
    %add3A_840 = arith.constant 1 : i32
    %add3A_841 = arith.addi %mul3A_2, %add3A_840 : i32
    %dma_start3A_842 = arith.constant 96 : i32
    %dma_start3A_843 = arith.constant 0 : i32
    %dma_start3A_844 = tpu.memref_slice %arg4[%add3A_841, %dma_start3A_842, %dma_start3A_843] : memref<64x512x512xf32, #tpu.memory_space<hbm>> -> memref<1x32x512xf32, #tpu.memory_space<hbm>>
    %dma_start3A_845 = tpu.memref_squeeze %dma_start3A_844 : memref<1x32x512xf32, #tpu.memory_space<hbm>> -> memref<32x512xf32, #tpu.memory_space<hbm>>
    %dma_start3A_846 = arith.constant 96 : i32
    %dma_start3A_847 = arith.constant 0 : i32
    %dma_start3A_848 = tpu.memref_slice %arg4[%add3A_841, %dma_start3A_846, %dma_start3A_847] : memref<64x512x512xf32, #tpu.memory_space<hbm>> -> memref<1x32x512xf32, #tpu.memory_space<hbm>>
    %dma_start3A_849 = tpu.memref_squeeze %dma_start3A_848 : memref<1x32x512xf32, #tpu.memory_space<hbm>> -> memref<32x512xf32, #tpu.memory_space<hbm>>
    tpu.enqueue_dma source(%arg9 : memref<32x512xf32, #tpu.memory_space<vmem>>) target(%dma_start3A_849 : memref<32x512xf32, #tpu.memory_space<hbm>>) target_semaphore(%arg13 : memref<!tpu.dma_semaphore, #tpu.memory_space<semaphore_mem>>)
    %add3A_850 = arith.constant 1 : i32
    %add3A_851 = arith.addi %mul3A_2, %add3A_850 : i32
    %dma_start3A_852 = arith.constant 160 : i32
    %dma_start3A_853 = arith.constant 0 : i32
    %dma_start3A_854 = tpu.memref_slice %arg3[%add3A_851, %dma_start3A_852, %dma_start3A_853] : memref<64x512x512xi32, #tpu.memory_space<hbm>> -> memref<1x32x512xi32, #tpu.memory_space<hbm>>
    %dma_start3A_855 = tpu.memref_squeeze %dma_start3A_854 : memref<1x32x512xi32, #tpu.memory_space<hbm>> -> memref<32x512xi32, #tpu.memory_space<hbm>>
    %dma_start3A_856 = arith.constant 160 : i32
    %dma_start3A_857 = arith.constant 0 : i32
    %dma_start3A_858 = tpu.memref_slice %arg3[%add3A_851, %dma_start3A_856, %dma_start3A_857] : memref<64x512x512xi32, #tpu.memory_space<hbm>> -> memref<1x32x512xi32, #tpu.memory_space<hbm>>
    %dma_start3A_859 = tpu.memref_squeeze %dma_start3A_858 : memref<1x32x512xi32, #tpu.memory_space<hbm>> -> memref<32x512xi32, #tpu.memory_space<hbm>>
    tpu.enqueue_dma source(%dma_start3A_859 : memref<32x512xi32, #tpu.memory_space<hbm>>) target(%arg7 : memref<32x512xi32, #tpu.memory_space<vmem>>) target_semaphore(%arg11 : memref<!tpu.dma_semaphore, #tpu.memory_space<semaphore_mem>>)
    %add3A_860 = arith.constant 1 : i32
    %add3A_861 = arith.addi %mul3A_2, %add3A_860 : i32
    %dma_wait3A_862 = arith.constant 128 : i32
    %dma_wait3A_863 = arith.constant 0 : i32
    %dma_wait3A_864 = tpu.memref_slice %arg3[%add3A_861, %dma_wait3A_862, %dma_wait3A_863] : memref<64x512x512xi32, #tpu.memory_space<hbm>> -> memref<1x32x512xi32, #tpu.memory_space<hbm>>
    %dma_wait3A_865 = tpu.memref_squeeze %dma_wait3A_864 : memref<1x32x512xi32, #tpu.memory_space<hbm>> -> memref<32x512xi32, #tpu.memory_space<hbm>>
    %dma_wait3A_866 = arith.constant 128 : i32
    %dma_wait3A_867 = arith.constant 0 : i32
    %dma_wait3A_868 = tpu.memref_slice %arg3[%add3A_861, %dma_wait3A_866, %dma_wait3A_867] : memref<64x512x512xi32, #tpu.memory_space<hbm>> -> memref<1x32x512xi32, #tpu.memory_space<hbm>>
    %dma_wait3A_869 = tpu.memref_squeeze %dma_wait3A_868 : memref<1x32x512xi32, #tpu.memory_space<hbm>> -> memref<32x512xi32, #tpu.memory_space<hbm>>
    tpu.wait_dma2 semaphore(%arg10 : memref<!tpu.dma_semaphore, #tpu.memory_space<semaphore_mem>>) src(%dma_wait3A_869 : memref<32x512xi32, #tpu.memory_space<hbm>>) dst(%arg6 : memref<32x512xi32, #tpu.memory_space<vmem>>)
    %add3A_870 = arith.constant 1 : i32
    %add3A_871 = arith.addi %mul3A_2, %add3A_870 : i32
    %dma_wait3A_872 = arith.constant 64 : i32
    %dma_wait3A_873 = arith.constant 0 : i32
    %dma_wait3A_874 = tpu.memref_slice %arg4[%add3A_871, %dma_wait3A_872, %dma_wait3A_873] : memref<64x512x512xf32, #tpu.memory_space<hbm>> -> memref<1x32x512xf32, #tpu.memory_space<hbm>>
    %dma_wait3A_875 = tpu.memref_squeeze %dma_wait3A_874 : memref<1x32x512xf32, #tpu.memory_space<hbm>> -> memref<32x512xf32, #tpu.memory_space<hbm>>
    %dma_wait3A_876 = arith.constant 64 : i32
    %dma_wait3A_877 = arith.constant 0 : i32
    %dma_wait3A_878 = tpu.memref_slice %arg4[%add3A_871, %dma_wait3A_876, %dma_wait3A_877] : memref<64x512x512xf32, #tpu.memory_space<hbm>> -> memref<1x32x512xf32, #tpu.memory_space<hbm>>
    %dma_wait3A_879 = tpu.memref_squeeze %dma_wait3A_878 : memref<1x32x512xf32, #tpu.memory_space<hbm>> -> memref<32x512xf32, #tpu.memory_space<hbm>>
    tpu.wait_dma2 semaphore(%arg12 : memref<!tpu.dma_semaphore, #tpu.memory_space<semaphore_mem>>) src(%arg8 : memref<32x512xf32, #tpu.memory_space<vmem>>) dst(%dma_wait3A_879 : memref<32x512xf32, #tpu.memory_space<hbm>>)
    %parallel_loop3A_880 = arith.constant 0 : i32
    %parallel_loop3A_881 = arith.constant 16384 : i32
    %parallel_loop3A_882 = arith.constant 16 : i32
    scf.for %parallel_loop3A_1376 = %parallel_loop3A_880 to %parallel_loop3A_881 step %parallel_loop3A_882  : i32 {
      %parallel_loop3A_1377 = arith.constant 512 : i32
      %parallel_loop3A_1378 = arith.divsi %parallel_loop3A_1376, %parallel_loop3A_1377 : i32
      %parallel_loop3A_1379 = arith.constant 0 : i32
      %parallel_loop3A_1380 = arith.cmpi sgt, %parallel_loop3A_1376, %parallel_loop3A_1379 : i32
      %parallel_loop3A_1381 = arith.extui %parallel_loop3A_1380 : i1 to i32
      %parallel_loop3A_1382 = arith.constant 0 : i32
      %parallel_loop3A_1383 = arith.cmpi slt, %parallel_loop3A_1376, %parallel_loop3A_1382 : i32
      %parallel_loop3A_1384 = arith.extui %parallel_loop3A_1383 : i1 to i32
      %parallel_loop3A_1385 = arith.subi %parallel_loop3A_1381, %parallel_loop3A_1384 : i32
      %parallel_loop3A_1386 = arith.constant 0 : i32
      %parallel_loop3A_1387 = arith.cmpi sgt, %parallel_loop3A_1377, %parallel_loop3A_1386 : i32
      %parallel_loop3A_1388 = arith.extui %parallel_loop3A_1387 : i1 to i32
      %parallel_loop3A_1389 = arith.constant 0 : i32
      %parallel_loop3A_1390 = arith.cmpi slt, %parallel_loop3A_1377, %parallel_loop3A_1389 : i32
      %parallel_loop3A_1391 = arith.extui %parallel_loop3A_1390 : i1 to i32
      %parallel_loop3A_1392 = arith.subi %parallel_loop3A_1388, %parallel_loop3A_1391 : i32
      %parallel_loop3A_1393 = arith.cmpi ne, %parallel_loop3A_1385, %parallel_loop3A_1392 : i32
      %parallel_loop3A_1394 = arith.remsi %parallel_loop3A_1376, %parallel_loop3A_1377 : i32
      %parallel_loop3A_1395 = arith.constant 0 : i32
      %parallel_loop3A_1396 = arith.cmpi ne, %parallel_loop3A_1394, %parallel_loop3A_1395 : i32
      %parallel_loop3A_1397 = arith.andi %parallel_loop3A_1393, %parallel_loop3A_1396 : i1
      %parallel_loop3A_1398 = arith.constant 1 : i32
      %parallel_loop3A_1399 = arith.subi %parallel_loop3A_1378, %parallel_loop3A_1398 : i32
      %parallel_loop3A_1400 = arith.select %parallel_loop3A_1397, %parallel_loop3A_1399, %parallel_loop3A_1378 : i32
      %parallel_loop3A_1401 = arith.constant 512 : i32
      %parallel_loop3A_1402 = arith.constant 0 : i32
      %parallel_loop3A_1403 = arith.cmpi eq, %parallel_loop3A_1401, %parallel_loop3A_1402 : i32
      %parallel_loop3A_1404 = arith.constant 1 : i32
      %parallel_loop3A_1405 = arith.select %parallel_loop3A_1403, %parallel_loop3A_1404, %parallel_loop3A_1401 : i32
      %parallel_loop3A_1406 = arith.remsi %parallel_loop3A_1376, %parallel_loop3A_1405 : i32
      %parallel_loop3A_1407 = arith.constant 0 : i32
      %parallel_loop3A_1408 = arith.cmpi ne, %parallel_loop3A_1406, %parallel_loop3A_1407 : i32
      %parallel_loop3A_1409 = arith.constant 0 : i32
      %parallel_loop3A_1410 = arith.cmpi slt, %parallel_loop3A_1406, %parallel_loop3A_1409 : i32
      %parallel_loop3A_1411 = arith.constant 0 : i32
      %parallel_loop3A_1412 = arith.cmpi slt, %parallel_loop3A_1405, %parallel_loop3A_1411 : i32
      %parallel_loop3A_1413 = arith.xori %parallel_loop3A_1410, %parallel_loop3A_1412 : i1
      %parallel_loop3A_1414 = arith.andi %parallel_loop3A_1413, %parallel_loop3A_1408 : i1
      %parallel_loop3A_1415 = arith.addi %parallel_loop3A_1406, %parallel_loop3A_1405 : i32
      %parallel_loop3A_1416 = arith.select %parallel_loop3A_1414, %parallel_loop3A_1415, %parallel_loop3A_1406 : i32
      %parallel_loop3A_1417 = arith.index_cast %parallel_loop3A_1400 : i32 to index
      %parallel_loop3A_1418 = arith.index_cast %parallel_loop3A_1416 : i32 to index
      %parallel_loop3A_1419 = tpu.vector_load %arg6[%parallel_loop3A_1417, %parallel_loop3A_1418] {strides = array<i32>} : memref<32x512xi32, #tpu.memory_space<vmem>>, vector<16xi32>,
      %parallel_loop3A_1420 = tpu.vector_load_idx %arg5[%parallel_loop3A_1419] : memref<256xf32, #tpu.memory_space<vmem>>[vector<16xi32>], vector<16xf32>,
      %parallel_loop3A_1421 = arith.index_cast %parallel_loop3A_1400 : i32 to index
      %parallel_loop3A_1422 = arith.index_cast %parallel_loop3A_1416 : i32 to index
      %parallel_loop3A_1423 = tpu.vector_load %arg8[%parallel_loop3A_1421, %parallel_loop3A_1422] {strides = array<i32>} : memref<32x512xf32, #tpu.memory_space<vmem>>, vector<16xf32>,
      tpu.vector_store %arg8[%parallel_loop3A_1421, %parallel_loop3A_1422], %parallel_loop3A_1420 {strides = array<i32>} : memref<32x512xf32, #tpu.memory_space<vmem>>, vector<16xf32>,
    } {sc.loop_unroll_factor = 8 : i64, sc.parallel_access}
    %add3A_883 = arith.constant 1 : i32
    %add3A_884 = arith.addi %mul3A_2, %add3A_883 : i32
    %dma_start3A_885 = arith.constant 128 : i32
    %dma_start3A_886 = arith.constant 0 : i32
    %dma_start3A_887 = tpu.memref_slice %arg4[%add3A_884, %dma_start3A_885, %dma_start3A_886] : memref<64x512x512xf32, #tpu.memory_space<hbm>> -> memref<1x32x512xf32, #tpu.memory_space<hbm>>
    %dma_start3A_888 = tpu.memref_squeeze %dma_start3A_887 : memref<1x32x512xf32, #tpu.memory_space<hbm>> -> memref<32x512xf32, #tpu.memory_space<hbm>>
    %dma_start3A_889 = arith.constant 128 : i32
    %dma_start3A_890 = arith.constant 0 : i32
    %dma_start3A_891 = tpu.memref_slice %arg4[%add3A_884, %dma_start3A_889, %dma_start3A_890] : memref<64x512x512xf32, #tpu.memory_space<hbm>> -> memref<1x32x512xf32, #tpu.memory_space<hbm>>
    %dma_start3A_892 = tpu.memref_squeeze %dma_start3A_891 : memref<1x32x512xf32, #tpu.memory_space<hbm>> -> memref<32x512xf32, #tpu.memory_space<hbm>>
    tpu.enqueue_dma source(%arg8 : memref<32x512xf32, #tpu.memory_space<vmem>>) target(%dma_start3A_892 : memref<32x512xf32, #tpu.memory_space<hbm>>) target_semaphore(%arg12 : memref<!tpu.dma_semaphore, #tpu.memory_space<semaphore_mem>>)
    %add3A_893 = arith.constant 1 : i32
    %add3A_894 = arith.addi %mul3A_2, %add3A_893 : i32
    %dma_start3A_895 = arith.constant 192 : i32
    %dma_start3A_896 = arith.constant 0 : i32
    %dma_start3A_897 = tpu.memref_slice %arg3[%add3A_894, %dma_start3A_895, %dma_start3A_896] : memref<64x512x512xi32, #tpu.memory_space<hbm>> -> memref<1x32x512xi32, #tpu.memory_space<hbm>>
    %dma_start3A_898 = tpu.memref_squeeze %dma_start3A_897 : memref<1x32x512xi32, #tpu.memory_space<hbm>> -> memref<32x512xi32, #tpu.memory_space<hbm>>
    %dma_start3A_899 = arith.constant 192 : i32
    %dma_start3A_900 = arith.constant 0 : i32
    %dma_start3A_901 = tpu.memref_slice %arg3[%add3A_894, %dma_start3A_899, %dma_start3A_900] : memref<64x512x512xi32, #tpu.memory_space<hbm>> -> memref<1x32x512xi32, #tpu.memory_space<hbm>>
    %dma_start3A_902 = tpu.memref_squeeze %dma_start3A_901 : memref<1x32x512xi32, #tpu.memory_space<hbm>> -> memref<32x512xi32, #tpu.memory_space<hbm>>
    tpu.enqueue_dma source(%dma_start3A_902 : memref<32x512xi32, #tpu.memory_space<hbm>>) target(%arg6 : memref<32x512xi32, #tpu.memory_space<vmem>>) target_semaphore(%arg10 : memref<!tpu.dma_semaphore, #tpu.memory_space<semaphore_mem>>)
    %add3A_903 = arith.constant 1 : i32
    %add3A_904 = arith.addi %mul3A_2, %add3A_903 : i32
    %dma_wait3A_905 = arith.constant 160 : i32
    %dma_wait3A_906 = arith.constant 0 : i32
    %dma_wait3A_907 = tpu.memref_slice %arg3[%add3A_904, %dma_wait3A_905, %dma_wait3A_906] : memref<64x512x512xi32, #tpu.memory_space<hbm>> -> memref<1x32x512xi32, #tpu.memory_space<hbm>>
    %dma_wait3A_908 = tpu.memref_squeeze %dma_wait3A_907 : memref<1x32x512xi32, #tpu.memory_space<hbm>> -> memref<32x512xi32, #tpu.memory_space<hbm>>
    %dma_wait3A_909 = arith.constant 160 : i32
    %dma_wait3A_910 = arith.constant 0 : i32
    %dma_wait3A_911 = tpu.memref_slice %arg3[%add3A_904, %dma_wait3A_909, %dma_wait3A_910] : memref<64x512x512xi32, #tpu.memory_space<hbm>> -> memref<1x32x512xi32, #tpu.memory_space<hbm>>
    %dma_wait3A_912 = tpu.memref_squeeze %dma_wait3A_911 : memref<1x32x512xi32, #tpu.memory_space<hbm>> -> memref<32x512xi32, #tpu.memory_space<hbm>>
    tpu.wait_dma2 semaphore(%arg11 : memref<!tpu.dma_semaphore, #tpu.memory_space<semaphore_mem>>) src(%dma_wait3A_912 : memref<32x512xi32, #tpu.memory_space<hbm>>) dst(%arg7 : memref<32x512xi32, #tpu.memory_space<vmem>>)
    %add3A_913 = arith.constant 1 : i32
    %add3A_914 = arith.addi %mul3A_2, %add3A_913 : i32
    %dma_wait3A_915 = arith.constant 96 : i32
    %dma_wait3A_916 = arith.constant 0 : i32
    %dma_wait3A_917 = tpu.memref_slice %arg4[%add3A_914, %dma_wait3A_915, %dma_wait3A_916] : memref<64x512x512xf32, #tpu.memory_space<hbm>> -> memref<1x32x512xf32, #tpu.memory_space<hbm>>
    %dma_wait3A_918 = tpu.memref_squeeze %dma_wait3A_917 : memref<1x32x512xf32, #tpu.memory_space<hbm>> -> memref<32x512xf32, #tpu.memory_space<hbm>>
    %dma_wait3A_919 = arith.constant 96 : i32
    %dma_wait3A_920 = arith.constant 0 : i32
    %dma_wait3A_921 = tpu.memref_slice %arg4[%add3A_914, %dma_wait3A_919, %dma_wait3A_920] : memref<64x512x512xf32, #tpu.memory_space<hbm>> -> memref<1x32x512xf32, #tpu.memory_space<hbm>>
    %dma_wait3A_922 = tpu.memref_squeeze %dma_wait3A_921 : memref<1x32x512xf32, #tpu.memory_space<hbm>> -> memref<32x512xf32, #tpu.memory_space<hbm>>
    tpu.wait_dma2 semaphore(%arg13 : memref<!tpu.dma_semaphore, #tpu.memory_space<semaphore_mem>>) src(%arg9 : memref<32x512xf32, #tpu.memory_space<vmem>>) dst(%dma_wait3A_922 : memref<32x512xf32, #tpu.memory_space<hbm>>)
    %parallel_loop3A_923 = arith.constant 0 : i32
    %parallel_loop3A_924 = arith.constant 16384 : i32
    %parallel_loop3A_925 = arith.constant 16 : i32
    scf.for %parallel_loop3A_1376 = %parallel_loop3A_923 to %parallel_loop3A_924 step %parallel_loop3A_925  : i32 {
      %parallel_loop3A_1377 = arith.constant 512 : i32
      %parallel_loop3A_1378 = arith.divsi %parallel_loop3A_1376, %parallel_loop3A_1377 : i32
      %parallel_loop3A_1379 = arith.constant 0 : i32
      %parallel_loop3A_1380 = arith.cmpi sgt, %parallel_loop3A_1376, %parallel_loop3A_1379 : i32
      %parallel_loop3A_1381 = arith.extui %parallel_loop3A_1380 : i1 to i32
      %parallel_loop3A_1382 = arith.constant 0 : i32
      %parallel_loop3A_1383 = arith.cmpi slt, %parallel_loop3A_1376, %parallel_loop3A_1382 : i32
      %parallel_loop3A_1384 = arith.extui %parallel_loop3A_1383 : i1 to i32
      %parallel_loop3A_1385 = arith.subi %parallel_loop3A_1381, %parallel_loop3A_1384 : i32
      %parallel_loop3A_1386 = arith.constant 0 : i32
      %parallel_loop3A_1387 = arith.cmpi sgt, %parallel_loop3A_1377, %parallel_loop3A_1386 : i32
      %parallel_loop3A_1388 = arith.extui %parallel_loop3A_1387 : i1 to i32
      %parallel_loop3A_1389 = arith.constant 0 : i32
      %parallel_loop3A_1390 = arith.cmpi slt, %parallel_loop3A_1377, %parallel_loop3A_1389 : i32
      %parallel_loop3A_1391 = arith.extui %parallel_loop3A_1390 : i1 to i32
      %parallel_loop3A_1392 = arith.subi %parallel_loop3A_1388, %parallel_loop3A_1391 : i32
      %parallel_loop3A_1393 = arith.cmpi ne, %parallel_loop3A_1385, %parallel_loop3A_1392 : i32
      %parallel_loop3A_1394 = arith.remsi %parallel_loop3A_1376, %parallel_loop3A_1377 : i32
      %parallel_loop3A_1395 = arith.constant 0 : i32
      %parallel_loop3A_1396 = arith.cmpi ne, %parallel_loop3A_1394, %parallel_loop3A_1395 : i32
      %parallel_loop3A_1397 = arith.andi %parallel_loop3A_1393, %parallel_loop3A_1396 : i1
      %parallel_loop3A_1398 = arith.constant 1 : i32
      %parallel_loop3A_1399 = arith.subi %parallel_loop3A_1378, %parallel_loop3A_1398 : i32
      %parallel_loop3A_1400 = arith.select %parallel_loop3A_1397, %parallel_loop3A_1399, %parallel_loop3A_1378 : i32
      %parallel_loop3A_1401 = arith.constant 512 : i32
      %parallel_loop3A_1402 = arith.constant 0 : i32
      %parallel_loop3A_1403 = arith.cmpi eq, %parallel_loop3A_1401, %parallel_loop3A_1402 : i32
      %parallel_loop3A_1404 = arith.constant 1 : i32
      %parallel_loop3A_1405 = arith.select %parallel_loop3A_1403, %parallel_loop3A_1404, %parallel_loop3A_1401 : i32
      %parallel_loop3A_1406 = arith.remsi %parallel_loop3A_1376, %parallel_loop3A_1405 : i32
      %parallel_loop3A_1407 = arith.constant 0 : i32
      %parallel_loop3A_1408 = arith.cmpi ne, %parallel_loop3A_1406, %parallel_loop3A_1407 : i32
      %parallel_loop3A_1409 = arith.constant 0 : i32
      %parallel_loop3A_1410 = arith.cmpi slt, %parallel_loop3A_1406, %parallel_loop3A_1409 : i32
      %parallel_loop3A_1411 = arith.constant 0 : i32
      %parallel_loop3A_1412 = arith.cmpi slt, %parallel_loop3A_1405, %parallel_loop3A_1411 : i32
      %parallel_loop3A_1413 = arith.xori %parallel_loop3A_1410, %parallel_loop3A_1412 : i1
      %parallel_loop3A_1414 = arith.andi %parallel_loop3A_1413, %parallel_loop3A_1408 : i1
      %parallel_loop3A_1415 = arith.addi %parallel_loop3A_1406, %parallel_loop3A_1405 : i32
      %parallel_loop3A_1416 = arith.select %parallel_loop3A_1414, %parallel_loop3A_1415, %parallel_loop3A_1406 : i32
      %parallel_loop3A_1417 = arith.index_cast %parallel_loop3A_1400 : i32 to index
      %parallel_loop3A_1418 = arith.index_cast %parallel_loop3A_1416 : i32 to index
      %parallel_loop3A_1419 = tpu.vector_load %arg7[%parallel_loop3A_1417, %parallel_loop3A_1418] {strides = array<i32>} : memref<32x512xi32, #tpu.memory_space<vmem>>, vector<16xi32>,
      %parallel_loop3A_1420 = tpu.vector_load_idx %arg5[%parallel_loop3A_1419] : memref<256xf32, #tpu.memory_space<vmem>>[vector<16xi32>], vector<16xf32>,
      %parallel_loop3A_1421 = arith.index_cast %parallel_loop3A_1400 : i32 to index
      %parallel_loop3A_1422 = arith.index_cast %parallel_loop3A_1416 : i32 to index
      %parallel_loop3A_1423 = tpu.vector_load %arg9[%parallel_loop3A_1421, %parallel_loop3A_1422] {strides = array<i32>} : memref<32x512xf32, #tpu.memory_space<vmem>>, vector<16xf32>,
      tpu.vector_store %arg9[%parallel_loop3A_1421, %parallel_loop3A_1422], %parallel_loop3A_1420 {strides = array<i32>} : memref<32x512xf32, #tpu.memory_space<vmem>>, vector<16xf32>,
    } {sc.loop_unroll_factor = 8 : i64, sc.parallel_access}
    %add3A_926 = arith.constant 1 : i32
    %add3A_927 = arith.addi %mul3A_2, %add3A_926 : i32
    %dma_start3A_928 = arith.constant 160 : i32
    %dma_start3A_929 = arith.constant 0 : i32
    %dma_start3A_930 = tpu.memref_slice %arg4[%add3A_927, %dma_start3A_928, %dma_start3A_929] : memref<64x512x512xf32, #tpu.memory_space<hbm>> -> memref<1x32x512xf32, #tpu.memory_space<hbm>>
    %dma_start3A_931 = tpu.memref_squeeze %dma_start3A_930 : memref<1x32x512xf32, #tpu.memory_space<hbm>> -> memref<32x512xf32, #tpu.memory_space<hbm>>
    %dma_start3A_932 = arith.constant 160 : i32
    %dma_start3A_933 = arith.constant 0 : i32
    %dma_start3A_934 = tpu.memref_slice %arg4[%add3A_927, %dma_start3A_932, %dma_start3A_933] : memref<64x512x512xf32, #tpu.memory_space<hbm>> -> memref<1x32x512xf32, #tpu.memory_space<hbm>>
    %dma_start3A_935 = tpu.memref_squeeze %dma_start3A_934 : memref<1x32x512xf32, #tpu.memory_space<hbm>> -> memref<32x512xf32, #tpu.memory_space<hbm>>
    tpu.enqueue_dma source(%arg9 : memref<32x512xf32, #tpu.memory_space<vmem>>) target(%dma_start3A_935 : memref<32x512xf32, #tpu.memory_space<hbm>>) target_semaphore(%arg13 : memref<!tpu.dma_semaphore, #tpu.memory_space<semaphore_mem>>)
    %add3A_936 = arith.constant 1 : i32
    %add3A_937 = arith.addi %mul3A_2, %add3A_936 : i32
    %dma_start3A_938 = arith.constant 224 : i32
    %dma_start3A_939 = arith.constant 0 : i32
    %dma_start3A_940 = tpu.memref_slice %arg3[%add3A_937, %dma_start3A_938, %dma_start3A_939] : memref<64x512x512xi32, #tpu.memory_space<hbm>> -> memref<1x32x512xi32, #tpu.memory_space<hbm>>
    %dma_start3A_941 = tpu.memref_squeeze %dma_start3A_940 : memref<1x32x512xi32, #tpu.memory_space<hbm>> -> memref<32x512xi32, #tpu.memory_space<hbm>>
    %dma_start3A_942 = arith.constant 224 : i32
    %dma_start3A_943 = arith.constant 0 : i32
    %dma_start3A_944 = tpu.memref_slice %arg3[%add3A_937, %dma_start3A_942, %dma_start3A_943] : memref<64x512x512xi32, #tpu.memory_space<hbm>> -> memref<1x32x512xi32, #tpu.memory_space<hbm>>
    %dma_start3A_945 = tpu.memref_squeeze %dma_start3A_944 : memref<1x32x512xi32, #tpu.memory_space<hbm>> -> memref<32x512xi32, #tpu.memory_space<hbm>>
    tpu.enqueue_dma source(%dma_start3A_945 : memref<32x512xi32, #tpu.memory_space<hbm>>) target(%arg7 : memref<32x512xi32, #tpu.memory_space<vmem>>) target_semaphore(%arg11 : memref<!tpu.dma_semaphore, #tpu.memory_space<semaphore_mem>>)
    %add3A_946 = arith.constant 1 : i32
    %add3A_947 = arith.addi %mul3A_2, %add3A_946 : i32
    %dma_wait3A_948 = arith.constant 192 : i32
    %dma_wait3A_949 = arith.constant 0 : i32
    %dma_wait3A_950 = tpu.memref_slice %arg3[%add3A_947, %dma_wait3A_948, %dma_wait3A_949] : memref<64x512x512xi32, #tpu.memory_space<hbm>> -> memref<1x32x512xi32, #tpu.memory_space<hbm>>
    %dma_wait3A_951 = tpu.memref_squeeze %dma_wait3A_950 : memref<1x32x512xi32, #tpu.memory_space<hbm>> -> memref<32x512xi32, #tpu.memory_space<hbm>>
    %dma_wait3A_952 = arith.constant 192 : i32
    %dma_wait3A_953 = arith.constant 0 : i32
    %dma_wait3A_954 = tpu.memref_slice %arg3[%add3A_947, %dma_wait3A_952, %dma_wait3A_953] : memref<64x512x512xi32, #tpu.memory_space<hbm>> -> memref<1x32x512xi32, #tpu.memory_space<hbm>>
    %dma_wait3A_955 = tpu.memref_squeeze %dma_wait3A_954 : memref<1x32x512xi32, #tpu.memory_space<hbm>> -> memref<32x512xi32, #tpu.memory_space<hbm>>
    tpu.wait_dma2 semaphore(%arg10 : memref<!tpu.dma_semaphore, #tpu.memory_space<semaphore_mem>>) src(%dma_wait3A_955 : memref<32x512xi32, #tpu.memory_space<hbm>>) dst(%arg6 : memref<32x512xi32, #tpu.memory_space<vmem>>)
    %add3A_956 = arith.constant 1 : i32
    %add3A_957 = arith.addi %mul3A_2, %add3A_956 : i32
    %dma_wait3A_958 = arith.constant 128 : i32
    %dma_wait3A_959 = arith.constant 0 : i32
    %dma_wait3A_960 = tpu.memref_slice %arg4[%add3A_957, %dma_wait3A_958, %dma_wait3A_959] : memref<64x512x512xf32, #tpu.memory_space<hbm>> -> memref<1x32x512xf32, #tpu.memory_space<hbm>>
    %dma_wait3A_961 = tpu.memref_squeeze %dma_wait3A_960 : memref<1x32x512xf32, #tpu.memory_space<hbm>> -> memref<32x512xf32, #tpu.memory_space<hbm>>
    %dma_wait3A_962 = arith.constant 128 : i32
    %dma_wait3A_963 = arith.constant 0 : i32
    %dma_wait3A_964 = tpu.memref_slice %arg4[%add3A_957, %dma_wait3A_962, %dma_wait3A_963] : memref<64x512x512xf32, #tpu.memory_space<hbm>> -> memref<1x32x512xf32, #tpu.memory_space<hbm>>
    %dma_wait3A_965 = tpu.memref_squeeze %dma_wait3A_964 : memref<1x32x512xf32, #tpu.memory_space<hbm>> -> memref<32x512xf32, #tpu.memory_space<hbm>>
    tpu.wait_dma2 semaphore(%arg12 : memref<!tpu.dma_semaphore, #tpu.memory_space<semaphore_mem>>) src(%arg8 : memref<32x512xf32, #tpu.memory_space<vmem>>) dst(%dma_wait3A_965 : memref<32x512xf32, #tpu.memory_space<hbm>>)
    %parallel_loop3A_966 = arith.constant 0 : i32
    %parallel_loop3A_967 = arith.constant 16384 : i32
    %parallel_loop3A_968 = arith.constant 16 : i32
    scf.for %parallel_loop3A_1376 = %parallel_loop3A_966 to %parallel_loop3A_967 step %parallel_loop3A_968  : i32 {
      %parallel_loop3A_1377 = arith.constant 512 : i32
      %parallel_loop3A_1378 = arith.divsi %parallel_loop3A_1376, %parallel_loop3A_1377 : i32
      %parallel_loop3A_1379 = arith.constant 0 : i32
      %parallel_loop3A_1380 = arith.cmpi sgt, %parallel_loop3A_1376, %parallel_loop3A_1379 : i32
      %parallel_loop3A_1381 = arith.extui %parallel_loop3A_1380 : i1 to i32
      %parallel_loop3A_1382 = arith.constant 0 : i32
      %parallel_loop3A_1383 = arith.cmpi slt, %parallel_loop3A_1376, %parallel_loop3A_1382 : i32
      %parallel_loop3A_1384 = arith.extui %parallel_loop3A_1383 : i1 to i32
      %parallel_loop3A_1385 = arith.subi %parallel_loop3A_1381, %parallel_loop3A_1384 : i32
      %parallel_loop3A_1386 = arith.constant 0 : i32
      %parallel_loop3A_1387 = arith.cmpi sgt, %parallel_loop3A_1377, %parallel_loop3A_1386 : i32
      %parallel_loop3A_1388 = arith.extui %parallel_loop3A_1387 : i1 to i32
      %parallel_loop3A_1389 = arith.constant 0 : i32
      %parallel_loop3A_1390 = arith.cmpi slt, %parallel_loop3A_1377, %parallel_loop3A_1389 : i32
      %parallel_loop3A_1391 = arith.extui %parallel_loop3A_1390 : i1 to i32
      %parallel_loop3A_1392 = arith.subi %parallel_loop3A_1388, %parallel_loop3A_1391 : i32
      %parallel_loop3A_1393 = arith.cmpi ne, %parallel_loop3A_1385, %parallel_loop3A_1392 : i32
      %parallel_loop3A_1394 = arith.remsi %parallel_loop3A_1376, %parallel_loop3A_1377 : i32
      %parallel_loop3A_1395 = arith.constant 0 : i32
      %parallel_loop3A_1396 = arith.cmpi ne, %parallel_loop3A_1394, %parallel_loop3A_1395 : i32
      %parallel_loop3A_1397 = arith.andi %parallel_loop3A_1393, %parallel_loop3A_1396 : i1
      %parallel_loop3A_1398 = arith.constant 1 : i32
      %parallel_loop3A_1399 = arith.subi %parallel_loop3A_1378, %parallel_loop3A_1398 : i32
      %parallel_loop3A_1400 = arith.select %parallel_loop3A_1397, %parallel_loop3A_1399, %parallel_loop3A_1378 : i32
      %parallel_loop3A_1401 = arith.constant 512 : i32
      %parallel_loop3A_1402 = arith.constant 0 : i32
      %parallel_loop3A_1403 = arith.cmpi eq, %parallel_loop3A_1401, %parallel_loop3A_1402 : i32
      %parallel_loop3A_1404 = arith.constant 1 : i32
      %parallel_loop3A_1405 = arith.select %parallel_loop3A_1403, %parallel_loop3A_1404, %parallel_loop3A_1401 : i32
      %parallel_loop3A_1406 = arith.remsi %parallel_loop3A_1376, %parallel_loop3A_1405 : i32
      %parallel_loop3A_1407 = arith.constant 0 : i32
      %parallel_loop3A_1408 = arith.cmpi ne, %parallel_loop3A_1406, %parallel_loop3A_1407 : i32
      %parallel_loop3A_1409 = arith.constant 0 : i32
      %parallel_loop3A_1410 = arith.cmpi slt, %parallel_loop3A_1406, %parallel_loop3A_1409 : i32
      %parallel_loop3A_1411 = arith.constant 0 : i32
      %parallel_loop3A_1412 = arith.cmpi slt, %parallel_loop3A_1405, %parallel_loop3A_1411 : i32
      %parallel_loop3A_1413 = arith.xori %parallel_loop3A_1410, %parallel_loop3A_1412 : i1
      %parallel_loop3A_1414 = arith.andi %parallel_loop3A_1413, %parallel_loop3A_1408 : i1
      %parallel_loop3A_1415 = arith.addi %parallel_loop3A_1406, %parallel_loop3A_1405 : i32
      %parallel_loop3A_1416 = arith.select %parallel_loop3A_1414, %parallel_loop3A_1415, %parallel_loop3A_1406 : i32
      %parallel_loop3A_1417 = arith.index_cast %parallel_loop3A_1400 : i32 to index
      %parallel_loop3A_1418 = arith.index_cast %parallel_loop3A_1416 : i32 to index
      %parallel_loop3A_1419 = tpu.vector_load %arg6[%parallel_loop3A_1417, %parallel_loop3A_1418] {strides = array<i32>} : memref<32x512xi32, #tpu.memory_space<vmem>>, vector<16xi32>,
      %parallel_loop3A_1420 = tpu.vector_load_idx %arg5[%parallel_loop3A_1419] : memref<256xf32, #tpu.memory_space<vmem>>[vector<16xi32>], vector<16xf32>,
      %parallel_loop3A_1421 = arith.index_cast %parallel_loop3A_1400 : i32 to index
      %parallel_loop3A_1422 = arith.index_cast %parallel_loop3A_1416 : i32 to index
      %parallel_loop3A_1423 = tpu.vector_load %arg8[%parallel_loop3A_1421, %parallel_loop3A_1422] {strides = array<i32>} : memref<32x512xf32, #tpu.memory_space<vmem>>, vector<16xf32>,
      tpu.vector_store %arg8[%parallel_loop3A_1421, %parallel_loop3A_1422], %parallel_loop3A_1420 {strides = array<i32>} : memref<32x512xf32, #tpu.memory_space<vmem>>, vector<16xf32>,
    } {sc.loop_unroll_factor = 8 : i64, sc.parallel_access}
    %add3A_969 = arith.constant 1 : i32
    %add3A_970 = arith.addi %mul3A_2, %add3A_969 : i32
    %dma_start3A_971 = arith.constant 192 : i32
    %dma_start3A_972 = arith.constant 0 : i32
    %dma_start3A_973 = tpu.memref_slice %arg4[%add3A_970, %dma_start3A_971, %dma_start3A_972] : memref<64x512x512xf32, #tpu.memory_space<hbm>> -> memref<1x32x512xf32, #tpu.memory_space<hbm>>
    %dma_start3A_974 = tpu.memref_squeeze %dma_start3A_973 : memref<1x32x512xf32, #tpu.memory_space<hbm>> -> memref<32x512xf32, #tpu.memory_space<hbm>>
    %dma_start3A_975 = arith.constant 192 : i32
    %dma_start3A_976 = arith.constant 0 : i32
    %dma_start3A_977 = tpu.memref_slice %arg4[%add3A_970, %dma_start3A_975, %dma_start3A_976] : memref<64x512x512xf32, #tpu.memory_space<hbm>> -> memref<1x32x512xf32, #tpu.memory_space<hbm>>
    %dma_start3A_978 = tpu.memref_squeeze %dma_start3A_977 : memref<1x32x512xf32, #tpu.memory_space<hbm>> -> memref<32x512xf32, #tpu.memory_space<hbm>>
    tpu.enqueue_dma source(%arg8 : memref<32x512xf32, #tpu.memory_space<vmem>>) target(%dma_start3A_978 : memref<32x512xf32, #tpu.memory_space<hbm>>) target_semaphore(%arg12 : memref<!tpu.dma_semaphore, #tpu.memory_space<semaphore_mem>>)
    %add3A_979 = arith.constant 1 : i32
    %add3A_980 = arith.addi %mul3A_2, %add3A_979 : i32
    %dma_start3A_981 = arith.constant 256 : i32
    %dma_start3A_982 = arith.constant 0 : i32
    %dma_start3A_983 = tpu.memref_slice %arg3[%add3A_980, %dma_start3A_981, %dma_start3A_982] : memref<64x512x512xi32, #tpu.memory_space<hbm>> -> memref<1x32x512xi32, #tpu.memory_space<hbm>>
    %dma_start3A_984 = tpu.memref_squeeze %dma_start3A_983 : memref<1x32x512xi32, #tpu.memory_space<hbm>> -> memref<32x512xi32, #tpu.memory_space<hbm>>
    %dma_start3A_985 = arith.constant 256 : i32
    %dma_start3A_986 = arith.constant 0 : i32
    %dma_start3A_987 = tpu.memref_slice %arg3[%add3A_980, %dma_start3A_985, %dma_start3A_986] : memref<64x512x512xi32, #tpu.memory_space<hbm>> -> memref<1x32x512xi32, #tpu.memory_space<hbm>>
    %dma_start3A_988 = tpu.memref_squeeze %dma_start3A_987 : memref<1x32x512xi32, #tpu.memory_space<hbm>> -> memref<32x512xi32, #tpu.memory_space<hbm>>
    tpu.enqueue_dma source(%dma_start3A_988 : memref<32x512xi32, #tpu.memory_space<hbm>>) target(%arg6 : memref<32x512xi32, #tpu.memory_space<vmem>>) target_semaphore(%arg10 : memref<!tpu.dma_semaphore, #tpu.memory_space<semaphore_mem>>)
    %add3A_989 = arith.constant 1 : i32
    %add3A_990 = arith.addi %mul3A_2, %add3A_989 : i32
    %dma_wait3A_991 = arith.constant 224 : i32
    %dma_wait3A_992 = arith.constant 0 : i32
    %dma_wait3A_993 = tpu.memref_slice %arg3[%add3A_990, %dma_wait3A_991, %dma_wait3A_992] : memref<64x512x512xi32, #tpu.memory_space<hbm>> -> memref<1x32x512xi32, #tpu.memory_space<hbm>>
    %dma_wait3A_994 = tpu.memref_squeeze %dma_wait3A_993 : memref<1x32x512xi32, #tpu.memory_space<hbm>> -> memref<32x512xi32, #tpu.memory_space<hbm>>
    %dma_wait3A_995 = arith.constant 224 : i32
    %dma_wait3A_996 = arith.constant 0 : i32
    %dma_wait3A_997 = tpu.memref_slice %arg3[%add3A_990, %dma_wait3A_995, %dma_wait3A_996] : memref<64x512x512xi32, #tpu.memory_space<hbm>> -> memref<1x32x512xi32, #tpu.memory_space<hbm>>
    %dma_wait3A_998 = tpu.memref_squeeze %dma_wait3A_997 : memref<1x32x512xi32, #tpu.memory_space<hbm>> -> memref<32x512xi32, #tpu.memory_space<hbm>>
    tpu.wait_dma2 semaphore(%arg11 : memref<!tpu.dma_semaphore, #tpu.memory_space<semaphore_mem>>) src(%dma_wait3A_998 : memref<32x512xi32, #tpu.memory_space<hbm>>) dst(%arg7 : memref<32x512xi32, #tpu.memory_space<vmem>>)
    %add3A_999 = arith.constant 1 : i32
    %add3A_1000 = arith.addi %mul3A_2, %add3A_999 : i32
    %dma_wait3A_1001 = arith.constant 160 : i32
    %dma_wait3A_1002 = arith.constant 0 : i32
    %dma_wait3A_1003 = tpu.memref_slice %arg4[%add3A_1000, %dma_wait3A_1001, %dma_wait3A_1002] : memref<64x512x512xf32, #tpu.memory_space<hbm>> -> memref<1x32x512xf32, #tpu.memory_space<hbm>>
    %dma_wait3A_1004 = tpu.memref_squeeze %dma_wait3A_1003 : memref<1x32x512xf32, #tpu.memory_space<hbm>> -> memref<32x512xf32, #tpu.memory_space<hbm>>
    %dma_wait3A_1005 = arith.constant 160 : i32
    %dma_wait3A_1006 = arith.constant 0 : i32
    %dma_wait3A_1007 = tpu.memref_slice %arg4[%add3A_1000, %dma_wait3A_1005, %dma_wait3A_1006] : memref<64x512x512xf32, #tpu.memory_space<hbm>> -> memref<1x32x512xf32, #tpu.memory_space<hbm>>
    %dma_wait3A_1008 = tpu.memref_squeeze %dma_wait3A_1007 : memref<1x32x512xf32, #tpu.memory_space<hbm>> -> memref<32x512xf32, #tpu.memory_space<hbm>>
    tpu.wait_dma2 semaphore(%arg13 : memref<!tpu.dma_semaphore, #tpu.memory_space<semaphore_mem>>) src(%arg9 : memref<32x512xf32, #tpu.memory_space<vmem>>) dst(%dma_wait3A_1008 : memref<32x512xf32, #tpu.memory_space<hbm>>)
    %parallel_loop3A_1009 = arith.constant 0 : i32
    %parallel_loop3A_1010 = arith.constant 16384 : i32
    %parallel_loop3A_1011 = arith.constant 16 : i32
    scf.for %parallel_loop3A_1376 = %parallel_loop3A_1009 to %parallel_loop3A_1010 step %parallel_loop3A_1011  : i32 {
      %parallel_loop3A_1377 = arith.constant 512 : i32
      %parallel_loop3A_1378 = arith.divsi %parallel_loop3A_1376, %parallel_loop3A_1377 : i32
      %parallel_loop3A_1379 = arith.constant 0 : i32
      %parallel_loop3A_1380 = arith.cmpi sgt, %parallel_loop3A_1376, %parallel_loop3A_1379 : i32
      %parallel_loop3A_1381 = arith.extui %parallel_loop3A_1380 : i1 to i32
      %parallel_loop3A_1382 = arith.constant 0 : i32
      %parallel_loop3A_1383 = arith.cmpi slt, %parallel_loop3A_1376, %parallel_loop3A_1382 : i32
      %parallel_loop3A_1384 = arith.extui %parallel_loop3A_1383 : i1 to i32
      %parallel_loop3A_1385 = arith.subi %parallel_loop3A_1381, %parallel_loop3A_1384 : i32
      %parallel_loop3A_1386 = arith.constant 0 : i32
      %parallel_loop3A_1387 = arith.cmpi sgt, %parallel_loop3A_1377, %parallel_loop3A_1386 : i32
      %parallel_loop3A_1388 = arith.extui %parallel_loop3A_1387 : i1 to i32
      %parallel_loop3A_1389 = arith.constant 0 : i32
      %parallel_loop3A_1390 = arith.cmpi slt, %parallel_loop3A_1377, %parallel_loop3A_1389 : i32
      %parallel_loop3A_1391 = arith.extui %parallel_loop3A_1390 : i1 to i32
      %parallel_loop3A_1392 = arith.subi %parallel_loop3A_1388, %parallel_loop3A_1391 : i32
      %parallel_loop3A_1393 = arith.cmpi ne, %parallel_loop3A_1385, %parallel_loop3A_1392 : i32
      %parallel_loop3A_1394 = arith.remsi %parallel_loop3A_1376, %parallel_loop3A_1377 : i32
      %parallel_loop3A_1395 = arith.constant 0 : i32
      %parallel_loop3A_1396 = arith.cmpi ne, %parallel_loop3A_1394, %parallel_loop3A_1395 : i32
      %parallel_loop3A_1397 = arith.andi %parallel_loop3A_1393, %parallel_loop3A_1396 : i1
      %parallel_loop3A_1398 = arith.constant 1 : i32
      %parallel_loop3A_1399 = arith.subi %parallel_loop3A_1378, %parallel_loop3A_1398 : i32
      %parallel_loop3A_1400 = arith.select %parallel_loop3A_1397, %parallel_loop3A_1399, %parallel_loop3A_1378 : i32
      %parallel_loop3A_1401 = arith.constant 512 : i32
      %parallel_loop3A_1402 = arith.constant 0 : i32
      %parallel_loop3A_1403 = arith.cmpi eq, %parallel_loop3A_1401, %parallel_loop3A_1402 : i32
      %parallel_loop3A_1404 = arith.constant 1 : i32
      %parallel_loop3A_1405 = arith.select %parallel_loop3A_1403, %parallel_loop3A_1404, %parallel_loop3A_1401 : i32
      %parallel_loop3A_1406 = arith.remsi %parallel_loop3A_1376, %parallel_loop3A_1405 : i32
      %parallel_loop3A_1407 = arith.constant 0 : i32
      %parallel_loop3A_1408 = arith.cmpi ne, %parallel_loop3A_1406, %parallel_loop3A_1407 : i32
      %parallel_loop3A_1409 = arith.constant 0 : i32
      %parallel_loop3A_1410 = arith.cmpi slt, %parallel_loop3A_1406, %parallel_loop3A_1409 : i32
      %parallel_loop3A_1411 = arith.constant 0 : i32
      %parallel_loop3A_1412 = arith.cmpi slt, %parallel_loop3A_1405, %parallel_loop3A_1411 : i32
      %parallel_loop3A_1413 = arith.xori %parallel_loop3A_1410, %parallel_loop3A_1412 : i1
      %parallel_loop3A_1414 = arith.andi %parallel_loop3A_1413, %parallel_loop3A_1408 : i1
      %parallel_loop3A_1415 = arith.addi %parallel_loop3A_1406, %parallel_loop3A_1405 : i32
      %parallel_loop3A_1416 = arith.select %parallel_loop3A_1414, %parallel_loop3A_1415, %parallel_loop3A_1406 : i32
      %parallel_loop3A_1417 = arith.index_cast %parallel_loop3A_1400 : i32 to index
      %parallel_loop3A_1418 = arith.index_cast %parallel_loop3A_1416 : i32 to index
      %parallel_loop3A_1419 = tpu.vector_load %arg7[%parallel_loop3A_1417, %parallel_loop3A_1418] {strides = array<i32>} : memref<32x512xi32, #tpu.memory_space<vmem>>, vector<16xi32>,
      %parallel_loop3A_1420 = tpu.vector_load_idx %arg5[%parallel_loop3A_1419] : memref<256xf32, #tpu.memory_space<vmem>>[vector<16xi32>], vector<16xf32>,
      %parallel_loop3A_1421 = arith.index_cast %parallel_loop3A_1400 : i32 to index
      %parallel_loop3A_1422 = arith.index_cast %parallel_loop3A_1416 : i32 to index
      %parallel_loop3A_1423 = tpu.vector_load %arg9[%parallel_loop3A_1421, %parallel_loop3A_1422] {strides = array<i32>} : memref<32x512xf32, #tpu.memory_space<vmem>>, vector<16xf32>,
      tpu.vector_store %arg9[%parallel_loop3A_1421, %parallel_loop3A_1422], %parallel_loop3A_1420 {strides = array<i32>} : memref<32x512xf32, #tpu.memory_space<vmem>>, vector<16xf32>,
    } {sc.loop_unroll_factor = 8 : i64, sc.parallel_access}
    %add3A_1012 = arith.constant 1 : i32
    %add3A_1013 = arith.addi %mul3A_2, %add3A_1012 : i32
    %dma_start3A_1014 = arith.constant 224 : i32
    %dma_start3A_1015 = arith.constant 0 : i32
    %dma_start3A_1016 = tpu.memref_slice %arg4[%add3A_1013, %dma_start3A_1014, %dma_start3A_1015] : memref<64x512x512xf32, #tpu.memory_space<hbm>> -> memref<1x32x512xf32, #tpu.memory_space<hbm>>
    %dma_start3A_1017 = tpu.memref_squeeze %dma_start3A_1016 : memref<1x32x512xf32, #tpu.memory_space<hbm>> -> memref<32x512xf32, #tpu.memory_space<hbm>>
    %dma_start3A_1018 = arith.constant 224 : i32
    %dma_start3A_1019 = arith.constant 0 : i32
    %dma_start3A_1020 = tpu.memref_slice %arg4[%add3A_1013, %dma_start3A_1018, %dma_start3A_1019] : memref<64x512x512xf32, #tpu.memory_space<hbm>> -> memref<1x32x512xf32, #tpu.memory_space<hbm>>
    %dma_start3A_1021 = tpu.memref_squeeze %dma_start3A_1020 : memref<1x32x512xf32, #tpu.memory_space<hbm>> -> memref<32x512xf32, #tpu.memory_space<hbm>>
    tpu.enqueue_dma source(%arg9 : memref<32x512xf32, #tpu.memory_space<vmem>>) target(%dma_start3A_1021 : memref<32x512xf32, #tpu.memory_space<hbm>>) target_semaphore(%arg13 : memref<!tpu.dma_semaphore, #tpu.memory_space<semaphore_mem>>)
    %add3A_1022 = arith.constant 1 : i32
    %add3A_1023 = arith.addi %mul3A_2, %add3A_1022 : i32
    %dma_start3A_1024 = arith.constant 288 : i32
    %dma_start3A_1025 = arith.constant 0 : i32
    %dma_start3A_1026 = tpu.memref_slice %arg3[%add3A_1023, %dma_start3A_1024, %dma_start3A_1025] : memref<64x512x512xi32, #tpu.memory_space<hbm>> -> memref<1x32x512xi32, #tpu.memory_space<hbm>>
    %dma_start3A_1027 = tpu.memref_squeeze %dma_start3A_1026 : memref<1x32x512xi32, #tpu.memory_space<hbm>> -> memref<32x512xi32, #tpu.memory_space<hbm>>
    %dma_start3A_1028 = arith.constant 288 : i32
    %dma_start3A_1029 = arith.constant 0 : i32
    %dma_start3A_1030 = tpu.memref_slice %arg3[%add3A_1023, %dma_start3A_1028, %dma_start3A_1029] : memref<64x512x512xi32, #tpu.memory_space<hbm>> -> memref<1x32x512xi32, #tpu.memory_space<hbm>>
    %dma_start3A_1031 = tpu.memref_squeeze %dma_start3A_1030 : memref<1x32x512xi32, #tpu.memory_space<hbm>> -> memref<32x512xi32, #tpu.memory_space<hbm>>
    tpu.enqueue_dma source(%dma_start3A_1031 : memref<32x512xi32, #tpu.memory_space<hbm>>) target(%arg7 : memref<32x512xi32, #tpu.memory_space<vmem>>) target_semaphore(%arg11 : memref<!tpu.dma_semaphore, #tpu.memory_space<semaphore_mem>>)
    %add3A_1032 = arith.constant 1 : i32
    %add3A_1033 = arith.addi %mul3A_2, %add3A_1032 : i32
    %dma_wait3A_1034 = arith.constant 256 : i32
    %dma_wait3A_1035 = arith.constant 0 : i32
    %dma_wait3A_1036 = tpu.memref_slice %arg3[%add3A_1033, %dma_wait3A_1034, %dma_wait3A_1035] : memref<64x512x512xi32, #tpu.memory_space<hbm>> -> memref<1x32x512xi32, #tpu.memory_space<hbm>>
    %dma_wait3A_1037 = tpu.memref_squeeze %dma_wait3A_1036 : memref<1x32x512xi32, #tpu.memory_space<hbm>> -> memref<32x512xi32, #tpu.memory_space<hbm>>
    %dma_wait3A_1038 = arith.constant 256 : i32
    %dma_wait3A_1039 = arith.constant 0 : i32
    %dma_wait3A_1040 = tpu.memref_slice %arg3[%add3A_1033, %dma_wait3A_1038, %dma_wait3A_1039] : memref<64x512x512xi32, #tpu.memory_space<hbm>> -> memref<1x32x512xi32, #tpu.memory_space<hbm>>
    %dma_wait3A_1041 = tpu.memref_squeeze %dma_wait3A_1040 : memref<1x32x512xi32, #tpu.memory_space<hbm>> -> memref<32x512xi32, #tpu.memory_space<hbm>>
    tpu.wait_dma2 semaphore(%arg10 : memref<!tpu.dma_semaphore, #tpu.memory_space<semaphore_mem>>) src(%dma_wait3A_1041 : memref<32x512xi32, #tpu.memory_space<hbm>>) dst(%arg6 : memref<32x512xi32, #tpu.memory_space<vmem>>)
    %add3A_1042 = arith.constant 1 : i32
    %add3A_1043 = arith.addi %mul3A_2, %add3A_1042 : i32
    %dma_wait3A_1044 = arith.constant 192 : i32
    %dma_wait3A_1045 = arith.constant 0 : i32
    %dma_wait3A_1046 = tpu.memref_slice %arg4[%add3A_1043, %dma_wait3A_1044, %dma_wait3A_1045] : memref<64x512x512xf32, #tpu.memory_space<hbm>> -> memref<1x32x512xf32, #tpu.memory_space<hbm>>
    %dma_wait3A_1047 = tpu.memref_squeeze %dma_wait3A_1046 : memref<1x32x512xf32, #tpu.memory_space<hbm>> -> memref<32x512xf32, #tpu.memory_space<hbm>>
    %dma_wait3A_1048 = arith.constant 192 : i32
    %dma_wait3A_1049 = arith.constant 0 : i32
    %dma_wait3A_1050 = tpu.memref_slice %arg4[%add3A_1043, %dma_wait3A_1048, %dma_wait3A_1049] : memref<64x512x512xf32, #tpu.memory_space<hbm>> -> memref<1x32x512xf32, #tpu.memory_space<hbm>>
    %dma_wait3A_1051 = tpu.memref_squeeze %dma_wait3A_1050 : memref<1x32x512xf32, #tpu.memory_space<hbm>> -> memref<32x512xf32, #tpu.memory_space<hbm>>
    tpu.wait_dma2 semaphore(%arg12 : memref<!tpu.dma_semaphore, #tpu.memory_space<semaphore_mem>>) src(%arg8 : memref<32x512xf32, #tpu.memory_space<vmem>>) dst(%dma_wait3A_1051 : memref<32x512xf32, #tpu.memory_space<hbm>>)
    %parallel_loop3A_1052 = arith.constant 0 : i32
    %parallel_loop3A_1053 = arith.constant 16384 : i32
    %parallel_loop3A_1054 = arith.constant 16 : i32
    scf.for %parallel_loop3A_1376 = %parallel_loop3A_1052 to %parallel_loop3A_1053 step %parallel_loop3A_1054  : i32 {
      %parallel_loop3A_1377 = arith.constant 512 : i32
      %parallel_loop3A_1378 = arith.divsi %parallel_loop3A_1376, %parallel_loop3A_1377 : i32
      %parallel_loop3A_1379 = arith.constant 0 : i32
      %parallel_loop3A_1380 = arith.cmpi sgt, %parallel_loop3A_1376, %parallel_loop3A_1379 : i32
      %parallel_loop3A_1381 = arith.extui %parallel_loop3A_1380 : i1 to i32
      %parallel_loop3A_1382 = arith.constant 0 : i32
      %parallel_loop3A_1383 = arith.cmpi slt, %parallel_loop3A_1376, %parallel_loop3A_1382 : i32
      %parallel_loop3A_1384 = arith.extui %parallel_loop3A_1383 : i1 to i32
      %parallel_loop3A_1385 = arith.subi %parallel_loop3A_1381, %parallel_loop3A_1384 : i32
      %parallel_loop3A_1386 = arith.constant 0 : i32
      %parallel_loop3A_1387 = arith.cmpi sgt, %parallel_loop3A_1377, %parallel_loop3A_1386 : i32
      %parallel_loop3A_1388 = arith.extui %parallel_loop3A_1387 : i1 to i32
      %parallel_loop3A_1389 = arith.constant 0 : i32
      %parallel_loop3A_1390 = arith.cmpi slt, %parallel_loop3A_1377, %parallel_loop3A_1389 : i32
      %parallel_loop3A_1391 = arith.extui %parallel_loop3A_1390 : i1 to i32
      %parallel_loop3A_1392 = arith.subi %parallel_loop3A_1388, %parallel_loop3A_1391 : i32
      %parallel_loop3A_1393 = arith.cmpi ne, %parallel_loop3A_1385, %parallel_loop3A_1392 : i32
      %parallel_loop3A_1394 = arith.remsi %parallel_loop3A_1376, %parallel_loop3A_1377 : i32
      %parallel_loop3A_1395 = arith.constant 0 : i32
      %parallel_loop3A_1396 = arith.cmpi ne, %parallel_loop3A_1394, %parallel_loop3A_1395 : i32
      %parallel_loop3A_1397 = arith.andi %parallel_loop3A_1393, %parallel_loop3A_1396 : i1
      %parallel_loop3A_1398 = arith.constant 1 : i32
      %parallel_loop3A_1399 = arith.subi %parallel_loop3A_1378, %parallel_loop3A_1398 : i32
      %parallel_loop3A_1400 = arith.select %parallel_loop3A_1397, %parallel_loop3A_1399, %parallel_loop3A_1378 : i32
      %parallel_loop3A_1401 = arith.constant 512 : i32
      %parallel_loop3A_1402 = arith.constant 0 : i32
      %parallel_loop3A_1403 = arith.cmpi eq, %parallel_loop3A_1401, %parallel_loop3A_1402 : i32
      %parallel_loop3A_1404 = arith.constant 1 : i32
      %parallel_loop3A_1405 = arith.select %parallel_loop3A_1403, %parallel_loop3A_1404, %parallel_loop3A_1401 : i32
      %parallel_loop3A_1406 = arith.remsi %parallel_loop3A_1376, %parallel_loop3A_1405 : i32
      %parallel_loop3A_1407 = arith.constant 0 : i32
      %parallel_loop3A_1408 = arith.cmpi ne, %parallel_loop3A_1406, %parallel_loop3A_1407 : i32
      %parallel_loop3A_1409 = arith.constant 0 : i32
      %parallel_loop3A_1410 = arith.cmpi slt, %parallel_loop3A_1406, %parallel_loop3A_1409 : i32
      %parallel_loop3A_1411 = arith.constant 0 : i32
      %parallel_loop3A_1412 = arith.cmpi slt, %parallel_loop3A_1405, %parallel_loop3A_1411 : i32
      %parallel_loop3A_1413 = arith.xori %parallel_loop3A_1410, %parallel_loop3A_1412 : i1
      %parallel_loop3A_1414 = arith.andi %parallel_loop3A_1413, %parallel_loop3A_1408 : i1
      %parallel_loop3A_1415 = arith.addi %parallel_loop3A_1406, %parallel_loop3A_1405 : i32
      %parallel_loop3A_1416 = arith.select %parallel_loop3A_1414, %parallel_loop3A_1415, %parallel_loop3A_1406 : i32
      %parallel_loop3A_1417 = arith.index_cast %parallel_loop3A_1400 : i32 to index
      %parallel_loop3A_1418 = arith.index_cast %parallel_loop3A_1416 : i32 to index
      %parallel_loop3A_1419 = tpu.vector_load %arg6[%parallel_loop3A_1417, %parallel_loop3A_1418] {strides = array<i32>} : memref<32x512xi32, #tpu.memory_space<vmem>>, vector<16xi32>,
      %parallel_loop3A_1420 = tpu.vector_load_idx %arg5[%parallel_loop3A_1419] : memref<256xf32, #tpu.memory_space<vmem>>[vector<16xi32>], vector<16xf32>,
      %parallel_loop3A_1421 = arith.index_cast %parallel_loop3A_1400 : i32 to index
      %parallel_loop3A_1422 = arith.index_cast %parallel_loop3A_1416 : i32 to index
      %parallel_loop3A_1423 = tpu.vector_load %arg8[%parallel_loop3A_1421, %parallel_loop3A_1422] {strides = array<i32>} : memref<32x512xf32, #tpu.memory_space<vmem>>, vector<16xf32>,
      tpu.vector_store %arg8[%parallel_loop3A_1421, %parallel_loop3A_1422], %parallel_loop3A_1420 {strides = array<i32>} : memref<32x512xf32, #tpu.memory_space<vmem>>, vector<16xf32>,
    } {sc.loop_unroll_factor = 8 : i64, sc.parallel_access}
    %add3A_1055 = arith.constant 1 : i32
    %add3A_1056 = arith.addi %mul3A_2, %add3A_1055 : i32
    %dma_start3A_1057 = arith.constant 256 : i32
    %dma_start3A_1058 = arith.constant 0 : i32
    %dma_start3A_1059 = tpu.memref_slice %arg4[%add3A_1056, %dma_start3A_1057, %dma_start3A_1058] : memref<64x512x512xf32, #tpu.memory_space<hbm>> -> memref<1x32x512xf32, #tpu.memory_space<hbm>>
    %dma_start3A_1060 = tpu.memref_squeeze %dma_start3A_1059 : memref<1x32x512xf32, #tpu.memory_space<hbm>> -> memref<32x512xf32, #tpu.memory_space<hbm>>
    %dma_start3A_1061 = arith.constant 256 : i32
    %dma_start3A_1062 = arith.constant 0 : i32
    %dma_start3A_1063 = tpu.memref_slice %arg4[%add3A_1056, %dma_start3A_1061, %dma_start3A_1062] : memref<64x512x512xf32, #tpu.memory_space<hbm>> -> memref<1x32x512xf32, #tpu.memory_space<hbm>>
    %dma_start3A_1064 = tpu.memref_squeeze %dma_start3A_1063 : memref<1x32x512xf32, #tpu.memory_space<hbm>> -> memref<32x512xf32, #tpu.memory_space<hbm>>
    tpu.enqueue_dma source(%arg8 : memref<32x512xf32, #tpu.memory_space<vmem>>) target(%dma_start3A_1064 : memref<32x512xf32, #tpu.memory_space<hbm>>) target_semaphore(%arg12 : memref<!tpu.dma_semaphore, #tpu.memory_space<semaphore_mem>>)
    %add3A_1065 = arith.constant 1 : i32
    %add3A_1066 = arith.addi %mul3A_2, %add3A_1065 : i32
    %dma_start3A_1067 = arith.constant 320 : i32
    %dma_start3A_1068 = arith.constant 0 : i32
    %dma_start3A_1069 = tpu.memref_slice %arg3[%add3A_1066, %dma_start3A_1067, %dma_start3A_1068] : memref<64x512x512xi32, #tpu.memory_space<hbm>> -> memref<1x32x512xi32, #tpu.memory_space<hbm>>
    %dma_start3A_1070 = tpu.memref_squeeze %dma_start3A_1069 : memref<1x32x512xi32, #tpu.memory_space<hbm>> -> memref<32x512xi32, #tpu.memory_space<hbm>>
    %dma_start3A_1071 = arith.constant 320 : i32
    %dma_start3A_1072 = arith.constant 0 : i32
    %dma_start3A_1073 = tpu.memref_slice %arg3[%add3A_1066, %dma_start3A_1071, %dma_start3A_1072] : memref<64x512x512xi32, #tpu.memory_space<hbm>> -> memref<1x32x512xi32, #tpu.memory_space<hbm>>
    %dma_start3A_1074 = tpu.memref_squeeze %dma_start3A_1073 : memref<1x32x512xi32, #tpu.memory_space<hbm>> -> memref<32x512xi32, #tpu.memory_space<hbm>>
    tpu.enqueue_dma source(%dma_start3A_1074 : memref<32x512xi32, #tpu.memory_space<hbm>>) target(%arg6 : memref<32x512xi32, #tpu.memory_space<vmem>>) target_semaphore(%arg10 : memref<!tpu.dma_semaphore, #tpu.memory_space<semaphore_mem>>)
    %add3A_1075 = arith.constant 1 : i32
    %add3A_1076 = arith.addi %mul3A_2, %add3A_1075 : i32
    %dma_wait3A_1077 = arith.constant 288 : i32
    %dma_wait3A_1078 = arith.constant 0 : i32
    %dma_wait3A_1079 = tpu.memref_slice %arg3[%add3A_1076, %dma_wait3A_1077, %dma_wait3A_1078] : memref<64x512x512xi32, #tpu.memory_space<hbm>> -> memref<1x32x512xi32, #tpu.memory_space<hbm>>
    %dma_wait3A_1080 = tpu.memref_squeeze %dma_wait3A_1079 : memref<1x32x512xi32, #tpu.memory_space<hbm>> -> memref<32x512xi32, #tpu.memory_space<hbm>>
    %dma_wait3A_1081 = arith.constant 288 : i32
    %dma_wait3A_1082 = arith.constant 0 : i32
    %dma_wait3A_1083 = tpu.memref_slice %arg3[%add3A_1076, %dma_wait3A_1081, %dma_wait3A_1082] : memref<64x512x512xi32, #tpu.memory_space<hbm>> -> memref<1x32x512xi32, #tpu.memory_space<hbm>>
    %dma_wait3A_1084 = tpu.memref_squeeze %dma_wait3A_1083 : memref<1x32x512xi32, #tpu.memory_space<hbm>> -> memref<32x512xi32, #tpu.memory_space<hbm>>
    tpu.wait_dma2 semaphore(%arg11 : memref<!tpu.dma_semaphore, #tpu.memory_space<semaphore_mem>>) src(%dma_wait3A_1084 : memref<32x512xi32, #tpu.memory_space<hbm>>) dst(%arg7 : memref<32x512xi32, #tpu.memory_space<vmem>>)
    %add3A_1085 = arith.constant 1 : i32
    %add3A_1086 = arith.addi %mul3A_2, %add3A_1085 : i32
    %dma_wait3A_1087 = arith.constant 224 : i32
    %dma_wait3A_1088 = arith.constant 0 : i32
    %dma_wait3A_1089 = tpu.memref_slice %arg4[%add3A_1086, %dma_wait3A_1087, %dma_wait3A_1088] : memref<64x512x512xf32, #tpu.memory_space<hbm>> -> memref<1x32x512xf32, #tpu.memory_space<hbm>>
    %dma_wait3A_1090 = tpu.memref_squeeze %dma_wait3A_1089 : memref<1x32x512xf32, #tpu.memory_space<hbm>> -> memref<32x512xf32, #tpu.memory_space<hbm>>
    %dma_wait3A_1091 = arith.constant 224 : i32
    %dma_wait3A_1092 = arith.constant 0 : i32
    %dma_wait3A_1093 = tpu.memref_slice %arg4[%add3A_1086, %dma_wait3A_1091, %dma_wait3A_1092] : memref<64x512x512xf32, #tpu.memory_space<hbm>> -> memref<1x32x512xf32, #tpu.memory_space<hbm>>
    %dma_wait3A_1094 = tpu.memref_squeeze %dma_wait3A_1093 : memref<1x32x512xf32, #tpu.memory_space<hbm>> -> memref<32x512xf32, #tpu.memory_space<hbm>>
    tpu.wait_dma2 semaphore(%arg13 : memref<!tpu.dma_semaphore, #tpu.memory_space<semaphore_mem>>) src(%arg9 : memref<32x512xf32, #tpu.memory_space<vmem>>) dst(%dma_wait3A_1094 : memref<32x512xf32, #tpu.memory_space<hbm>>)
    %parallel_loop3A_1095 = arith.constant 0 : i32
    %parallel_loop3A_1096 = arith.constant 16384 : i32
    %parallel_loop3A_1097 = arith.constant 16 : i32
    scf.for %parallel_loop3A_1376 = %parallel_loop3A_1095 to %parallel_loop3A_1096 step %parallel_loop3A_1097  : i32 {
      %parallel_loop3A_1377 = arith.constant 512 : i32
      %parallel_loop3A_1378 = arith.divsi %parallel_loop3A_1376, %parallel_loop3A_1377 : i32
      %parallel_loop3A_1379 = arith.constant 0 : i32
      %parallel_loop3A_1380 = arith.cmpi sgt, %parallel_loop3A_1376, %parallel_loop3A_1379 : i32
      %parallel_loop3A_1381 = arith.extui %parallel_loop3A_1380 : i1 to i32
      %parallel_loop3A_1382 = arith.constant 0 : i32
      %parallel_loop3A_1383 = arith.cmpi slt, %parallel_loop3A_1376, %parallel_loop3A_1382 : i32
      %parallel_loop3A_1384 = arith.extui %parallel_loop3A_1383 : i1 to i32
      %parallel_loop3A_1385 = arith.subi %parallel_loop3A_1381, %parallel_loop3A_1384 : i32
      %parallel_loop3A_1386 = arith.constant 0 : i32
      %parallel_loop3A_1387 = arith.cmpi sgt, %parallel_loop3A_1377, %parallel_loop3A_1386 : i32
      %parallel_loop3A_1388 = arith.extui %parallel_loop3A_1387 : i1 to i32
      %parallel_loop3A_1389 = arith.constant 0 : i32
      %parallel_loop3A_1390 = arith.cmpi slt, %parallel_loop3A_1377, %parallel_loop3A_1389 : i32
      %parallel_loop3A_1391 = arith.extui %parallel_loop3A_1390 : i1 to i32
      %parallel_loop3A_1392 = arith.subi %parallel_loop3A_1388, %parallel_loop3A_1391 : i32
      %parallel_loop3A_1393 = arith.cmpi ne, %parallel_loop3A_1385, %parallel_loop3A_1392 : i32
      %parallel_loop3A_1394 = arith.remsi %parallel_loop3A_1376, %parallel_loop3A_1377 : i32
      %parallel_loop3A_1395 = arith.constant 0 : i32
      %parallel_loop3A_1396 = arith.cmpi ne, %parallel_loop3A_1394, %parallel_loop3A_1395 : i32
      %parallel_loop3A_1397 = arith.andi %parallel_loop3A_1393, %parallel_loop3A_1396 : i1
      %parallel_loop3A_1398 = arith.constant 1 : i32
      %parallel_loop3A_1399 = arith.subi %parallel_loop3A_1378, %parallel_loop3A_1398 : i32
      %parallel_loop3A_1400 = arith.select %parallel_loop3A_1397, %parallel_loop3A_1399, %parallel_loop3A_1378 : i32
      %parallel_loop3A_1401 = arith.constant 512 : i32
      %parallel_loop3A_1402 = arith.constant 0 : i32
      %parallel_loop3A_1403 = arith.cmpi eq, %parallel_loop3A_1401, %parallel_loop3A_1402 : i32
      %parallel_loop3A_1404 = arith.constant 1 : i32
      %parallel_loop3A_1405 = arith.select %parallel_loop3A_1403, %parallel_loop3A_1404, %parallel_loop3A_1401 : i32
      %parallel_loop3A_1406 = arith.remsi %parallel_loop3A_1376, %parallel_loop3A_1405 : i32
      %parallel_loop3A_1407 = arith.constant 0 : i32
      %parallel_loop3A_1408 = arith.cmpi ne, %parallel_loop3A_1406, %parallel_loop3A_1407 : i32
      %parallel_loop3A_1409 = arith.constant 0 : i32
      %parallel_loop3A_1410 = arith.cmpi slt, %parallel_loop3A_1406, %parallel_loop3A_1409 : i32
      %parallel_loop3A_1411 = arith.constant 0 : i32
      %parallel_loop3A_1412 = arith.cmpi slt, %parallel_loop3A_1405, %parallel_loop3A_1411 : i32
      %parallel_loop3A_1413 = arith.xori %parallel_loop3A_1410, %parallel_loop3A_1412 : i1
      %parallel_loop3A_1414 = arith.andi %parallel_loop3A_1413, %parallel_loop3A_1408 : i1
      %parallel_loop3A_1415 = arith.addi %parallel_loop3A_1406, %parallel_loop3A_1405 : i32
      %parallel_loop3A_1416 = arith.select %parallel_loop3A_1414, %parallel_loop3A_1415, %parallel_loop3A_1406 : i32
      %parallel_loop3A_1417 = arith.index_cast %parallel_loop3A_1400 : i32 to index
      %parallel_loop3A_1418 = arith.index_cast %parallel_loop3A_1416 : i32 to index
      %parallel_loop3A_1419 = tpu.vector_load %arg7[%parallel_loop3A_1417, %parallel_loop3A_1418] {strides = array<i32>} : memref<32x512xi32, #tpu.memory_space<vmem>>, vector<16xi32>,
      %parallel_loop3A_1420 = tpu.vector_load_idx %arg5[%parallel_loop3A_1419] : memref<256xf32, #tpu.memory_space<vmem>>[vector<16xi32>], vector<16xf32>,
      %parallel_loop3A_1421 = arith.index_cast %parallel_loop3A_1400 : i32 to index
      %parallel_loop3A_1422 = arith.index_cast %parallel_loop3A_1416 : i32 to index
      %parallel_loop3A_1423 = tpu.vector_load %arg9[%parallel_loop3A_1421, %parallel_loop3A_1422] {strides = array<i32>} : memref<32x512xf32, #tpu.memory_space<vmem>>, vector<16xf32>,
      tpu.vector_store %arg9[%parallel_loop3A_1421, %parallel_loop3A_1422], %parallel_loop3A_1420 {strides = array<i32>} : memref<32x512xf32, #tpu.memory_space<vmem>>, vector<16xf32>,
    } {sc.loop_unroll_factor = 8 : i64, sc.parallel_access}
    %add3A_1098 = arith.constant 1 : i32
    %add3A_1099 = arith.addi %mul3A_2, %add3A_1098 : i32
    %dma_start3A_1100 = arith.constant 288 : i32
    %dma_start3A_1101 = arith.constant 0 : i32
    %dma_start3A_1102 = tpu.memref_slice %arg4[%add3A_1099, %dma_start3A_1100, %dma_start3A_1101] : memref<64x512x512xf32, #tpu.memory_space<hbm>> -> memref<1x32x512xf32, #tpu.memory_space<hbm>>
    %dma_start3A_1103 = tpu.memref_squeeze %dma_start3A_1102 : memref<1x32x512xf32, #tpu.memory_space<hbm>> -> memref<32x512xf32, #tpu.memory_space<hbm>>
    %dma_start3A_1104 = arith.constant 288 : i32
    %dma_start3A_1105 = arith.constant 0 : i32
    %dma_start3A_1106 = tpu.memref_slice %arg4[%add3A_1099, %dma_start3A_1104, %dma_start3A_1105] : memref<64x512x512xf32, #tpu.memory_space<hbm>> -> memref<1x32x512xf32, #tpu.memory_space<hbm>>
    %dma_start3A_1107 = tpu.memref_squeeze %dma_start3A_1106 : memref<1x32x512xf32, #tpu.memory_space<hbm>> -> memref<32x512xf32, #tpu.memory_space<hbm>>
    tpu.enqueue_dma source(%arg9 : memref<32x512xf32, #tpu.memory_space<vmem>>) target(%dma_start3A_1107 : memref<32x512xf32, #tpu.memory_space<hbm>>) target_semaphore(%arg13 : memref<!tpu.dma_semaphore, #tpu.memory_space<semaphore_mem>>)
    %add3A_1108 = arith.constant 1 : i32
    %add3A_1109 = arith.addi %mul3A_2, %add3A_1108 : i32
    %dma_start3A_1110 = arith.constant 352 : i32
    %dma_start3A_1111 = arith.constant 0 : i32
    %dma_start3A_1112 = tpu.memref_slice %arg3[%add3A_1109, %dma_start3A_1110, %dma_start3A_1111] : memref<64x512x512xi32, #tpu.memory_space<hbm>> -> memref<1x32x512xi32, #tpu.memory_space<hbm>>
    %dma_start3A_1113 = tpu.memref_squeeze %dma_start3A_1112 : memref<1x32x512xi32, #tpu.memory_space<hbm>> -> memref<32x512xi32, #tpu.memory_space<hbm>>
    %dma_start3A_1114 = arith.constant 352 : i32
    %dma_start3A_1115 = arith.constant 0 : i32
    %dma_start3A_1116 = tpu.memref_slice %arg3[%add3A_1109, %dma_start3A_1114, %dma_start3A_1115] : memref<64x512x512xi32, #tpu.memory_space<hbm>> -> memref<1x32x512xi32, #tpu.memory_space<hbm>>
    %dma_start3A_1117 = tpu.memref_squeeze %dma_start3A_1116 : memref<1x32x512xi32, #tpu.memory_space<hbm>> -> memref<32x512xi32, #tpu.memory_space<hbm>>
    tpu.enqueue_dma source(%dma_start3A_1117 : memref<32x512xi32, #tpu.memory_space<hbm>>) target(%arg7 : memref<32x512xi32, #tpu.memory_space<vmem>>) target_semaphore(%arg11 : memref<!tpu.dma_semaphore, #tpu.memory_space<semaphore_mem>>)
    %add3A_1118 = arith.constant 1 : i32
    %add3A_1119 = arith.addi %mul3A_2, %add3A_1118 : i32
    %dma_wait3A_1120 = arith.constant 320 : i32
    %dma_wait3A_1121 = arith.constant 0 : i32
    %dma_wait3A_1122 = tpu.memref_slice %arg3[%add3A_1119, %dma_wait3A_1120, %dma_wait3A_1121] : memref<64x512x512xi32, #tpu.memory_space<hbm>> -> memref<1x32x512xi32, #tpu.memory_space<hbm>>
    %dma_wait3A_1123 = tpu.memref_squeeze %dma_wait3A_1122 : memref<1x32x512xi32, #tpu.memory_space<hbm>> -> memref<32x512xi32, #tpu.memory_space<hbm>>
    %dma_wait3A_1124 = arith.constant 320 : i32
    %dma_wait3A_1125 = arith.constant 0 : i32
    %dma_wait3A_1126 = tpu.memref_slice %arg3[%add3A_1119, %dma_wait3A_1124, %dma_wait3A_1125] : memref<64x512x512xi32, #tpu.memory_space<hbm>> -> memref<1x32x512xi32, #tpu.memory_space<hbm>>
    %dma_wait3A_1127 = tpu.memref_squeeze %dma_wait3A_1126 : memref<1x32x512xi32, #tpu.memory_space<hbm>> -> memref<32x512xi32, #tpu.memory_space<hbm>>
    tpu.wait_dma2 semaphore(%arg10 : memref<!tpu.dma_semaphore, #tpu.memory_space<semaphore_mem>>) src(%dma_wait3A_1127 : memref<32x512xi32, #tpu.memory_space<hbm>>) dst(%arg6 : memref<32x512xi32, #tpu.memory_space<vmem>>)
    %add3A_1128 = arith.constant 1 : i32
    %add3A_1129 = arith.addi %mul3A_2, %add3A_1128 : i32
    %dma_wait3A_1130 = arith.constant 256 : i32
    %dma_wait3A_1131 = arith.constant 0 : i32
    %dma_wait3A_1132 = tpu.memref_slice %arg4[%add3A_1129, %dma_wait3A_1130, %dma_wait3A_1131] : memref<64x512x512xf32, #tpu.memory_space<hbm>> -> memref<1x32x512xf32, #tpu.memory_space<hbm>>
    %dma_wait3A_1133 = tpu.memref_squeeze %dma_wait3A_1132 : memref<1x32x512xf32, #tpu.memory_space<hbm>> -> memref<32x512xf32, #tpu.memory_space<hbm>>
    %dma_wait3A_1134 = arith.constant 256 : i32
    %dma_wait3A_1135 = arith.constant 0 : i32
    %dma_wait3A_1136 = tpu.memref_slice %arg4[%add3A_1129, %dma_wait3A_1134, %dma_wait3A_1135] : memref<64x512x512xf32, #tpu.memory_space<hbm>> -> memref<1x32x512xf32, #tpu.memory_space<hbm>>
    %dma_wait3A_1137 = tpu.memref_squeeze %dma_wait3A_1136 : memref<1x32x512xf32, #tpu.memory_space<hbm>> -> memref<32x512xf32, #tpu.memory_space<hbm>>
    tpu.wait_dma2 semaphore(%arg12 : memref<!tpu.dma_semaphore, #tpu.memory_space<semaphore_mem>>) src(%arg8 : memref<32x512xf32, #tpu.memory_space<vmem>>) dst(%dma_wait3A_1137 : memref<32x512xf32, #tpu.memory_space<hbm>>)
    %parallel_loop3A_1138 = arith.constant 0 : i32
    %parallel_loop3A_1139 = arith.constant 16384 : i32
    %parallel_loop3A_1140 = arith.constant 16 : i32
    scf.for %parallel_loop3A_1376 = %parallel_loop3A_1138 to %parallel_loop3A_1139 step %parallel_loop3A_1140  : i32 {
      %parallel_loop3A_1377 = arith.constant 512 : i32
      %parallel_loop3A_1378 = arith.divsi %parallel_loop3A_1376, %parallel_loop3A_1377 : i32
      %parallel_loop3A_1379 = arith.constant 0 : i32
      %parallel_loop3A_1380 = arith.cmpi sgt, %parallel_loop3A_1376, %parallel_loop3A_1379 : i32
      %parallel_loop3A_1381 = arith.extui %parallel_loop3A_1380 : i1 to i32
      %parallel_loop3A_1382 = arith.constant 0 : i32
      %parallel_loop3A_1383 = arith.cmpi slt, %parallel_loop3A_1376, %parallel_loop3A_1382 : i32
      %parallel_loop3A_1384 = arith.extui %parallel_loop3A_1383 : i1 to i32
      %parallel_loop3A_1385 = arith.subi %parallel_loop3A_1381, %parallel_loop3A_1384 : i32
      %parallel_loop3A_1386 = arith.constant 0 : i32
      %parallel_loop3A_1387 = arith.cmpi sgt, %parallel_loop3A_1377, %parallel_loop3A_1386 : i32
      %parallel_loop3A_1388 = arith.extui %parallel_loop3A_1387 : i1 to i32
      %parallel_loop3A_1389 = arith.constant 0 : i32
      %parallel_loop3A_1390 = arith.cmpi slt, %parallel_loop3A_1377, %parallel_loop3A_1389 : i32
      %parallel_loop3A_1391 = arith.extui %parallel_loop3A_1390 : i1 to i32
      %parallel_loop3A_1392 = arith.subi %parallel_loop3A_1388, %parallel_loop3A_1391 : i32
      %parallel_loop3A_1393 = arith.cmpi ne, %parallel_loop3A_1385, %parallel_loop3A_1392 : i32
      %parallel_loop3A_1394 = arith.remsi %parallel_loop3A_1376, %parallel_loop3A_1377 : i32
      %parallel_loop3A_1395 = arith.constant 0 : i32
      %parallel_loop3A_1396 = arith.cmpi ne, %parallel_loop3A_1394, %parallel_loop3A_1395 : i32
      %parallel_loop3A_1397 = arith.andi %parallel_loop3A_1393, %parallel_loop3A_1396 : i1
      %parallel_loop3A_1398 = arith.constant 1 : i32
      %parallel_loop3A_1399 = arith.subi %parallel_loop3A_1378, %parallel_loop3A_1398 : i32
      %parallel_loop3A_1400 = arith.select %parallel_loop3A_1397, %parallel_loop3A_1399, %parallel_loop3A_1378 : i32
      %parallel_loop3A_1401 = arith.constant 512 : i32
      %parallel_loop3A_1402 = arith.constant 0 : i32
      %parallel_loop3A_1403 = arith.cmpi eq, %parallel_loop3A_1401, %parallel_loop3A_1402 : i32
      %parallel_loop3A_1404 = arith.constant 1 : i32
      %parallel_loop3A_1405 = arith.select %parallel_loop3A_1403, %parallel_loop3A_1404, %parallel_loop3A_1401 : i32
      %parallel_loop3A_1406 = arith.remsi %parallel_loop3A_1376, %parallel_loop3A_1405 : i32
      %parallel_loop3A_1407 = arith.constant 0 : i32
      %parallel_loop3A_1408 = arith.cmpi ne, %parallel_loop3A_1406, %parallel_loop3A_1407 : i32
      %parallel_loop3A_1409 = arith.constant 0 : i32
      %parallel_loop3A_1410 = arith.cmpi slt, %parallel_loop3A_1406, %parallel_loop3A_1409 : i32
      %parallel_loop3A_1411 = arith.constant 0 : i32
      %parallel_loop3A_1412 = arith.cmpi slt, %parallel_loop3A_1405, %parallel_loop3A_1411 : i32
      %parallel_loop3A_1413 = arith.xori %parallel_loop3A_1410, %parallel_loop3A_1412 : i1
      %parallel_loop3A_1414 = arith.andi %parallel_loop3A_1413, %parallel_loop3A_1408 : i1
      %parallel_loop3A_1415 = arith.addi %parallel_loop3A_1406, %parallel_loop3A_1405 : i32
      %parallel_loop3A_1416 = arith.select %parallel_loop3A_1414, %parallel_loop3A_1415, %parallel_loop3A_1406 : i32
      %parallel_loop3A_1417 = arith.index_cast %parallel_loop3A_1400 : i32 to index
      %parallel_loop3A_1418 = arith.index_cast %parallel_loop3A_1416 : i32 to index
      %parallel_loop3A_1419 = tpu.vector_load %arg6[%parallel_loop3A_1417, %parallel_loop3A_1418] {strides = array<i32>} : memref<32x512xi32, #tpu.memory_space<vmem>>, vector<16xi32>,
      %parallel_loop3A_1420 = tpu.vector_load_idx %arg5[%parallel_loop3A_1419] : memref<256xf32, #tpu.memory_space<vmem>>[vector<16xi32>], vector<16xf32>,
      %parallel_loop3A_1421 = arith.index_cast %parallel_loop3A_1400 : i32 to index
      %parallel_loop3A_1422 = arith.index_cast %parallel_loop3A_1416 : i32 to index
      %parallel_loop3A_1423 = tpu.vector_load %arg8[%parallel_loop3A_1421, %parallel_loop3A_1422] {strides = array<i32>} : memref<32x512xf32, #tpu.memory_space<vmem>>, vector<16xf32>,
      tpu.vector_store %arg8[%parallel_loop3A_1421, %parallel_loop3A_1422], %parallel_loop3A_1420 {strides = array<i32>} : memref<32x512xf32, #tpu.memory_space<vmem>>, vector<16xf32>,
    } {sc.loop_unroll_factor = 8 : i64, sc.parallel_access}
    %add3A_1141 = arith.constant 1 : i32
    %add3A_1142 = arith.addi %mul3A_2, %add3A_1141 : i32
    %dma_start3A_1143 = arith.constant 320 : i32
    %dma_start3A_1144 = arith.constant 0 : i32
    %dma_start3A_1145 = tpu.memref_slice %arg4[%add3A_1142, %dma_start3A_1143, %dma_start3A_1144] : memref<64x512x512xf32, #tpu.memory_space<hbm>> -> memref<1x32x512xf32, #tpu.memory_space<hbm>>
    %dma_start3A_1146 = tpu.memref_squeeze %dma_start3A_1145 : memref<1x32x512xf32, #tpu.memory_space<hbm>> -> memref<32x512xf32, #tpu.memory_space<hbm>>
    %dma_start3A_1147 = arith.constant 320 : i32
    %dma_start3A_1148 = arith.constant 0 : i32
    %dma_start3A_1149 = tpu.memref_slice %arg4[%add3A_1142, %dma_start3A_1147, %dma_start3A_1148] : memref<64x512x512xf32, #tpu.memory_space<hbm>> -> memref<1x32x512xf32, #tpu.memory_space<hbm>>
    %dma_start3A_1150 = tpu.memref_squeeze %dma_start3A_1149 : memref<1x32x512xf32, #tpu.memory_space<hbm>> -> memref<32x512xf32, #tpu.memory_space<hbm>>
    tpu.enqueue_dma source(%arg8 : memref<32x512xf32, #tpu.memory_space<vmem>>) target(%dma_start3A_1150 : memref<32x512xf32, #tpu.memory_space<hbm>>) target_semaphore(%arg12 : memref<!tpu.dma_semaphore, #tpu.memory_space<semaphore_mem>>)
    %add3A_1151 = arith.constant 1 : i32
    %add3A_1152 = arith.addi %mul3A_2, %add3A_1151 : i32
    %dma_start3A_1153 = arith.constant 384 : i32
    %dma_start3A_1154 = arith.constant 0 : i32
    %dma_start3A_1155 = tpu.memref_slice %arg3[%add3A_1152, %dma_start3A_1153, %dma_start3A_1154] : memref<64x512x512xi32, #tpu.memory_space<hbm>> -> memref<1x32x512xi32, #tpu.memory_space<hbm>>
    %dma_start3A_1156 = tpu.memref_squeeze %dma_start3A_1155 : memref<1x32x512xi32, #tpu.memory_space<hbm>> -> memref<32x512xi32, #tpu.memory_space<hbm>>
    %dma_start3A_1157 = arith.constant 384 : i32
    %dma_start3A_1158 = arith.constant 0 : i32
    %dma_start3A_1159 = tpu.memref_slice %arg3[%add3A_1152, %dma_start3A_1157, %dma_start3A_1158] : memref<64x512x512xi32, #tpu.memory_space<hbm>> -> memref<1x32x512xi32, #tpu.memory_space<hbm>>
    %dma_start3A_1160 = tpu.memref_squeeze %dma_start3A_1159 : memref<1x32x512xi32, #tpu.memory_space<hbm>> -> memref<32x512xi32, #tpu.memory_space<hbm>>
    tpu.enqueue_dma source(%dma_start3A_1160 : memref<32x512xi32, #tpu.memory_space<hbm>>) target(%arg6 : memref<32x512xi32, #tpu.memory_space<vmem>>) target_semaphore(%arg10 : memref<!tpu.dma_semaphore, #tpu.memory_space<semaphore_mem>>)
    %add3A_1161 = arith.constant 1 : i32
    %add3A_1162 = arith.addi %mul3A_2, %add3A_1161 : i32
    %dma_wait3A_1163 = arith.constant 352 : i32
    %dma_wait3A_1164 = arith.constant 0 : i32
    %dma_wait3A_1165 = tpu.memref_slice %arg3[%add3A_1162, %dma_wait3A_1163, %dma_wait3A_1164] : memref<64x512x512xi32, #tpu.memory_space<hbm>> -> memref<1x32x512xi32, #tpu.memory_space<hbm>>
    %dma_wait3A_1166 = tpu.memref_squeeze %dma_wait3A_1165 : memref<1x32x512xi32, #tpu.memory_space<hbm>> -> memref<32x512xi32, #tpu.memory_space<hbm>>
    %dma_wait3A_1167 = arith.constant 352 : i32
    %dma_wait3A_1168 = arith.constant 0 : i32
    %dma_wait3A_1169 = tpu.memref_slice %arg3[%add3A_1162, %dma_wait3A_1167, %dma_wait3A_1168] : memref<64x512x512xi32, #tpu.memory_space<hbm>> -> memref<1x32x512xi32, #tpu.memory_space<hbm>>
    %dma_wait3A_1170 = tpu.memref_squeeze %dma_wait3A_1169 : memref<1x32x512xi32, #tpu.memory_space<hbm>> -> memref<32x512xi32, #tpu.memory_space<hbm>>
    tpu.wait_dma2 semaphore(%arg11 : memref<!tpu.dma_semaphore, #tpu.memory_space<semaphore_mem>>) src(%dma_wait3A_1170 : memref<32x512xi32, #tpu.memory_space<hbm>>) dst(%arg7 : memref<32x512xi32, #tpu.memory_space<vmem>>)
    %add3A_1171 = arith.constant 1 : i32
    %add3A_1172 = arith.addi %mul3A_2, %add3A_1171 : i32
    %dma_wait3A_1173 = arith.constant 288 : i32
    %dma_wait3A_1174 = arith.constant 0 : i32
    %dma_wait3A_1175 = tpu.memref_slice %arg4[%add3A_1172, %dma_wait3A_1173, %dma_wait3A_1174] : memref<64x512x512xf32, #tpu.memory_space<hbm>> -> memref<1x32x512xf32, #tpu.memory_space<hbm>>
    %dma_wait3A_1176 = tpu.memref_squeeze %dma_wait3A_1175 : memref<1x32x512xf32, #tpu.memory_space<hbm>> -> memref<32x512xf32, #tpu.memory_space<hbm>>
    %dma_wait3A_1177 = arith.constant 288 : i32
    %dma_wait3A_1178 = arith.constant 0 : i32
    %dma_wait3A_1179 = tpu.memref_slice %arg4[%add3A_1172, %dma_wait3A_1177, %dma_wait3A_1178] : memref<64x512x512xf32, #tpu.memory_space<hbm>> -> memref<1x32x512xf32, #tpu.memory_space<hbm>>
    %dma_wait3A_1180 = tpu.memref_squeeze %dma_wait3A_1179 : memref<1x32x512xf32, #tpu.memory_space<hbm>> -> memref<32x512xf32, #tpu.memory_space<hbm>>
    tpu.wait_dma2 semaphore(%arg13 : memref<!tpu.dma_semaphore, #tpu.memory_space<semaphore_mem>>) src(%arg9 : memref<32x512xf32, #tpu.memory_space<vmem>>) dst(%dma_wait3A_1180 : memref<32x512xf32, #tpu.memory_space<hbm>>)
    %parallel_loop3A_1181 = arith.constant 0 : i32
    %parallel_loop3A_1182 = arith.constant 16384 : i32
    %parallel_loop3A_1183 = arith.constant 16 : i32
    scf.for %parallel_loop3A_1376 = %parallel_loop3A_1181 to %parallel_loop3A_1182 step %parallel_loop3A_1183  : i32 {
      %parallel_loop3A_1377 = arith.constant 512 : i32
      %parallel_loop3A_1378 = arith.divsi %parallel_loop3A_1376, %parallel_loop3A_1377 : i32
      %parallel_loop3A_1379 = arith.constant 0 : i32
      %parallel_loop3A_1380 = arith.cmpi sgt, %parallel_loop3A_1376, %parallel_loop3A_1379 : i32
      %parallel_loop3A_1381 = arith.extui %parallel_loop3A_1380 : i1 to i32
      %parallel_loop3A_1382 = arith.constant 0 : i32
      %parallel_loop3A_1383 = arith.cmpi slt, %parallel_loop3A_1376, %parallel_loop3A_1382 : i32
      %parallel_loop3A_1384 = arith.extui %parallel_loop3A_1383 : i1 to i32
      %parallel_loop3A_1385 = arith.subi %parallel_loop3A_1381, %parallel_loop3A_1384 : i32
      %parallel_loop3A_1386 = arith.constant 0 : i32
      %parallel_loop3A_1387 = arith.cmpi sgt, %parallel_loop3A_1377, %parallel_loop3A_1386 : i32
      %parallel_loop3A_1388 = arith.extui %parallel_loop3A_1387 : i1 to i32
      %parallel_loop3A_1389 = arith.constant 0 : i32
      %parallel_loop3A_1390 = arith.cmpi slt, %parallel_loop3A_1377, %parallel_loop3A_1389 : i32
      %parallel_loop3A_1391 = arith.extui %parallel_loop3A_1390 : i1 to i32
      %parallel_loop3A_1392 = arith.subi %parallel_loop3A_1388, %parallel_loop3A_1391 : i32
      %parallel_loop3A_1393 = arith.cmpi ne, %parallel_loop3A_1385, %parallel_loop3A_1392 : i32
      %parallel_loop3A_1394 = arith.remsi %parallel_loop3A_1376, %parallel_loop3A_1377 : i32
      %parallel_loop3A_1395 = arith.constant 0 : i32
      %parallel_loop3A_1396 = arith.cmpi ne, %parallel_loop3A_1394, %parallel_loop3A_1395 : i32
      %parallel_loop3A_1397 = arith.andi %parallel_loop3A_1393, %parallel_loop3A_1396 : i1
      %parallel_loop3A_1398 = arith.constant 1 : i32
      %parallel_loop3A_1399 = arith.subi %parallel_loop3A_1378, %parallel_loop3A_1398 : i32
      %parallel_loop3A_1400 = arith.select %parallel_loop3A_1397, %parallel_loop3A_1399, %parallel_loop3A_1378 : i32
      %parallel_loop3A_1401 = arith.constant 512 : i32
      %parallel_loop3A_1402 = arith.constant 0 : i32
      %parallel_loop3A_1403 = arith.cmpi eq, %parallel_loop3A_1401, %parallel_loop3A_1402 : i32
      %parallel_loop3A_1404 = arith.constant 1 : i32
      %parallel_loop3A_1405 = arith.select %parallel_loop3A_1403, %parallel_loop3A_1404, %parallel_loop3A_1401 : i32
      %parallel_loop3A_1406 = arith.remsi %parallel_loop3A_1376, %parallel_loop3A_1405 : i32
      %parallel_loop3A_1407 = arith.constant 0 : i32
      %parallel_loop3A_1408 = arith.cmpi ne, %parallel_loop3A_1406, %parallel_loop3A_1407 : i32
      %parallel_loop3A_1409 = arith.constant 0 : i32
      %parallel_loop3A_1410 = arith.cmpi slt, %parallel_loop3A_1406, %parallel_loop3A_1409 : i32
      %parallel_loop3A_1411 = arith.constant 0 : i32
      %parallel_loop3A_1412 = arith.cmpi slt, %parallel_loop3A_1405, %parallel_loop3A_1411 : i32
      %parallel_loop3A_1413 = arith.xori %parallel_loop3A_1410, %parallel_loop3A_1412 : i1
      %parallel_loop3A_1414 = arith.andi %parallel_loop3A_1413, %parallel_loop3A_1408 : i1
      %parallel_loop3A_1415 = arith.addi %parallel_loop3A_1406, %parallel_loop3A_1405 : i32
      %parallel_loop3A_1416 = arith.select %parallel_loop3A_1414, %parallel_loop3A_1415, %parallel_loop3A_1406 : i32
      %parallel_loop3A_1417 = arith.index_cast %parallel_loop3A_1400 : i32 to index
      %parallel_loop3A_1418 = arith.index_cast %parallel_loop3A_1416 : i32 to index
      %parallel_loop3A_1419 = tpu.vector_load %arg7[%parallel_loop3A_1417, %parallel_loop3A_1418] {strides = array<i32>} : memref<32x512xi32, #tpu.memory_space<vmem>>, vector<16xi32>,
      %parallel_loop3A_1420 = tpu.vector_load_idx %arg5[%parallel_loop3A_1419] : memref<256xf32, #tpu.memory_space<vmem>>[vector<16xi32>], vector<16xf32>,
      %parallel_loop3A_1421 = arith.index_cast %parallel_loop3A_1400 : i32 to index
      %parallel_loop3A_1422 = arith.index_cast %parallel_loop3A_1416 : i32 to index
      %parallel_loop3A_1423 = tpu.vector_load %arg9[%parallel_loop3A_1421, %parallel_loop3A_1422] {strides = array<i32>} : memref<32x512xf32, #tpu.memory_space<vmem>>, vector<16xf32>,
      tpu.vector_store %arg9[%parallel_loop3A_1421, %parallel_loop3A_1422], %parallel_loop3A_1420 {strides = array<i32>} : memref<32x512xf32, #tpu.memory_space<vmem>>, vector<16xf32>,
    } {sc.loop_unroll_factor = 8 : i64, sc.parallel_access}
    %add3A_1184 = arith.constant 1 : i32
    %add3A_1185 = arith.addi %mul3A_2, %add3A_1184 : i32
    %dma_start3A_1186 = arith.constant 352 : i32
    %dma_start3A_1187 = arith.constant 0 : i32
    %dma_start3A_1188 = tpu.memref_slice %arg4[%add3A_1185, %dma_start3A_1186, %dma_start3A_1187] : memref<64x512x512xf32, #tpu.memory_space<hbm>> -> memref<1x32x512xf32, #tpu.memory_space<hbm>>
    %dma_start3A_1189 = tpu.memref_squeeze %dma_start3A_1188 : memref<1x32x512xf32, #tpu.memory_space<hbm>> -> memref<32x512xf32, #tpu.memory_space<hbm>>
    %dma_start3A_1190 = arith.constant 352 : i32
    %dma_start3A_1191 = arith.constant 0 : i32
    %dma_start3A_1192 = tpu.memref_slice %arg4[%add3A_1185, %dma_start3A_1190, %dma_start3A_1191] : memref<64x512x512xf32, #tpu.memory_space<hbm>> -> memref<1x32x512xf32, #tpu.memory_space<hbm>>
    %dma_start3A_1193 = tpu.memref_squeeze %dma_start3A_1192 : memref<1x32x512xf32, #tpu.memory_space<hbm>> -> memref<32x512xf32, #tpu.memory_space<hbm>>
    tpu.enqueue_dma source(%arg9 : memref<32x512xf32, #tpu.memory_space<vmem>>) target(%dma_start3A_1193 : memref<32x512xf32, #tpu.memory_space<hbm>>) target_semaphore(%arg13 : memref<!tpu.dma_semaphore, #tpu.memory_space<semaphore_mem>>)
    %add3A_1194 = arith.constant 1 : i32
    %add3A_1195 = arith.addi %mul3A_2, %add3A_1194 : i32
    %dma_start3A_1196 = arith.constant 416 : i32
    %dma_start3A_1197 = arith.constant 0 : i32
    %dma_start3A_1198 = tpu.memref_slice %arg3[%add3A_1195, %dma_start3A_1196, %dma_start3A_1197] : memref<64x512x512xi32, #tpu.memory_space<hbm>> -> memref<1x32x512xi32, #tpu.memory_space<hbm>>
    %dma_start3A_1199 = tpu.memref_squeeze %dma_start3A_1198 : memref<1x32x512xi32, #tpu.memory_space<hbm>> -> memref<32x512xi32, #tpu.memory_space<hbm>>
    %dma_start3A_1200 = arith.constant 416 : i32
    %dma_start3A_1201 = arith.constant 0 : i32
    %dma_start3A_1202 = tpu.memref_slice %arg3[%add3A_1195, %dma_start3A_1200, %dma_start3A_1201] : memref<64x512x512xi32, #tpu.memory_space<hbm>> -> memref<1x32x512xi32, #tpu.memory_space<hbm>>
    %dma_start3A_1203 = tpu.memref_squeeze %dma_start3A_1202 : memref<1x32x512xi32, #tpu.memory_space<hbm>> -> memref<32x512xi32, #tpu.memory_space<hbm>>
    tpu.enqueue_dma source(%dma_start3A_1203 : memref<32x512xi32, #tpu.memory_space<hbm>>) target(%arg7 : memref<32x512xi32, #tpu.memory_space<vmem>>) target_semaphore(%arg11 : memref<!tpu.dma_semaphore, #tpu.memory_space<semaphore_mem>>)
    %add3A_1204 = arith.constant 1 : i32
    %add3A_1205 = arith.addi %mul3A_2, %add3A_1204 : i32
    %dma_wait3A_1206 = arith.constant 384 : i32
    %dma_wait3A_1207 = arith.constant 0 : i32
    %dma_wait3A_1208 = tpu.memref_slice %arg3[%add3A_1205, %dma_wait3A_1206, %dma_wait3A_1207] : memref<64x512x512xi32, #tpu.memory_space<hbm>> -> memref<1x32x512xi32, #tpu.memory_space<hbm>>
    %dma_wait3A_1209 = tpu.memref_squeeze %dma_wait3A_1208 : memref<1x32x512xi32, #tpu.memory_space<hbm>> -> memref<32x512xi32, #tpu.memory_space<hbm>>
    %dma_wait3A_1210 = arith.constant 384 : i32
    %dma_wait3A_1211 = arith.constant 0 : i32
    %dma_wait3A_1212 = tpu.memref_slice %arg3[%add3A_1205, %dma_wait3A_1210, %dma_wait3A_1211] : memref<64x512x512xi32, #tpu.memory_space<hbm>> -> memref<1x32x512xi32, #tpu.memory_space<hbm>>
    %dma_wait3A_1213 = tpu.memref_squeeze %dma_wait3A_1212 : memref<1x32x512xi32, #tpu.memory_space<hbm>> -> memref<32x512xi32, #tpu.memory_space<hbm>>
    tpu.wait_dma2 semaphore(%arg10 : memref<!tpu.dma_semaphore, #tpu.memory_space<semaphore_mem>>) src(%dma_wait3A_1213 : memref<32x512xi32, #tpu.memory_space<hbm>>) dst(%arg6 : memref<32x512xi32, #tpu.memory_space<vmem>>)
    %add3A_1214 = arith.constant 1 : i32
    %add3A_1215 = arith.addi %mul3A_2, %add3A_1214 : i32
    %dma_wait3A_1216 = arith.constant 320 : i32
    %dma_wait3A_1217 = arith.constant 0 : i32
    %dma_wait3A_1218 = tpu.memref_slice %arg4[%add3A_1215, %dma_wait3A_1216, %dma_wait3A_1217] : memref<64x512x512xf32, #tpu.memory_space<hbm>> -> memref<1x32x512xf32, #tpu.memory_space<hbm>>
    %dma_wait3A_1219 = tpu.memref_squeeze %dma_wait3A_1218 : memref<1x32x512xf32, #tpu.memory_space<hbm>> -> memref<32x512xf32, #tpu.memory_space<hbm>>
    %dma_wait3A_1220 = arith.constant 320 : i32
    %dma_wait3A_1221 = arith.constant 0 : i32
    %dma_wait3A_1222 = tpu.memref_slice %arg4[%add3A_1215, %dma_wait3A_1220, %dma_wait3A_1221] : memref<64x512x512xf32, #tpu.memory_space<hbm>> -> memref<1x32x512xf32, #tpu.memory_space<hbm>>
    %dma_wait3A_1223 = tpu.memref_squeeze %dma_wait3A_1222 : memref<1x32x512xf32, #tpu.memory_space<hbm>> -> memref<32x512xf32, #tpu.memory_space<hbm>>
    tpu.wait_dma2 semaphore(%arg12 : memref<!tpu.dma_semaphore, #tpu.memory_space<semaphore_mem>>) src(%arg8 : memref<32x512xf32, #tpu.memory_space<vmem>>) dst(%dma_wait3A_1223 : memref<32x512xf32, #tpu.memory_space<hbm>>)
    %parallel_loop3A_1224 = arith.constant 0 : i32
    %parallel_loop3A_1225 = arith.constant 16384 : i32
    %parallel_loop3A_1226 = arith.constant 16 : i32
    scf.for %parallel_loop3A_1376 = %parallel_loop3A_1224 to %parallel_loop3A_1225 step %parallel_loop3A_1226  : i32 {
      %parallel_loop3A_1377 = arith.constant 512 : i32
      %parallel_loop3A_1378 = arith.divsi %parallel_loop3A_1376, %parallel_loop3A_1377 : i32
      %parallel_loop3A_1379 = arith.constant 0 : i32
      %parallel_loop3A_1380 = arith.cmpi sgt, %parallel_loop3A_1376, %parallel_loop3A_1379 : i32
      %parallel_loop3A_1381 = arith.extui %parallel_loop3A_1380 : i1 to i32
      %parallel_loop3A_1382 = arith.constant 0 : i32
      %parallel_loop3A_1383 = arith.cmpi slt, %parallel_loop3A_1376, %parallel_loop3A_1382 : i32
      %parallel_loop3A_1384 = arith.extui %parallel_loop3A_1383 : i1 to i32
      %parallel_loop3A_1385 = arith.subi %parallel_loop3A_1381, %parallel_loop3A_1384 : i32
      %parallel_loop3A_1386 = arith.constant 0 : i32
      %parallel_loop3A_1387 = arith.cmpi sgt, %parallel_loop3A_1377, %parallel_loop3A_1386 : i32
      %parallel_loop3A_1388 = arith.extui %parallel_loop3A_1387 : i1 to i32
      %parallel_loop3A_1389 = arith.constant 0 : i32
      %parallel_loop3A_1390 = arith.cmpi slt, %parallel_loop3A_1377, %parallel_loop3A_1389 : i32
      %parallel_loop3A_1391 = arith.extui %parallel_loop3A_1390 : i1 to i32
      %parallel_loop3A_1392 = arith.subi %parallel_loop3A_1388, %parallel_loop3A_1391 : i32
      %parallel_loop3A_1393 = arith.cmpi ne, %parallel_loop3A_1385, %parallel_loop3A_1392 : i32
      %parallel_loop3A_1394 = arith.remsi %parallel_loop3A_1376, %parallel_loop3A_1377 : i32
      %parallel_loop3A_1395 = arith.constant 0 : i32
      %parallel_loop3A_1396 = arith.cmpi ne, %parallel_loop3A_1394, %parallel_loop3A_1395 : i32
      %parallel_loop3A_1397 = arith.andi %parallel_loop3A_1393, %parallel_loop3A_1396 : i1
      %parallel_loop3A_1398 = arith.constant 1 : i32
      %parallel_loop3A_1399 = arith.subi %parallel_loop3A_1378, %parallel_loop3A_1398 : i32
      %parallel_loop3A_1400 = arith.select %parallel_loop3A_1397, %parallel_loop3A_1399, %parallel_loop3A_1378 : i32
      %parallel_loop3A_1401 = arith.constant 512 : i32
      %parallel_loop3A_1402 = arith.constant 0 : i32
      %parallel_loop3A_1403 = arith.cmpi eq, %parallel_loop3A_1401, %parallel_loop3A_1402 : i32
      %parallel_loop3A_1404 = arith.constant 1 : i32
      %parallel_loop3A_1405 = arith.select %parallel_loop3A_1403, %parallel_loop3A_1404, %parallel_loop3A_1401 : i32
      %parallel_loop3A_1406 = arith.remsi %parallel_loop3A_1376, %parallel_loop3A_1405 : i32
      %parallel_loop3A_1407 = arith.constant 0 : i32
      %parallel_loop3A_1408 = arith.cmpi ne, %parallel_loop3A_1406, %parallel_loop3A_1407 : i32
      %parallel_loop3A_1409 = arith.constant 0 : i32
      %parallel_loop3A_1410 = arith.cmpi slt, %parallel_loop3A_1406, %parallel_loop3A_1409 : i32
      %parallel_loop3A_1411 = arith.constant 0 : i32
      %parallel_loop3A_1412 = arith.cmpi slt, %parallel_loop3A_1405, %parallel_loop3A_1411 : i32
      %parallel_loop3A_1413 = arith.xori %parallel_loop3A_1410, %parallel_loop3A_1412 : i1
      %parallel_loop3A_1414 = arith.andi %parallel_loop3A_1413, %parallel_loop3A_1408 : i1
      %parallel_loop3A_1415 = arith.addi %parallel_loop3A_1406, %parallel_loop3A_1405 : i32
      %parallel_loop3A_1416 = arith.select %parallel_loop3A_1414, %parallel_loop3A_1415, %parallel_loop3A_1406 : i32
      %parallel_loop3A_1417 = arith.index_cast %parallel_loop3A_1400 : i32 to index
      %parallel_loop3A_1418 = arith.index_cast %parallel_loop3A_1416 : i32 to index
      %parallel_loop3A_1419 = tpu.vector_load %arg6[%parallel_loop3A_1417, %parallel_loop3A_1418] {strides = array<i32>} : memref<32x512xi32, #tpu.memory_space<vmem>>, vector<16xi32>,
      %parallel_loop3A_1420 = tpu.vector_load_idx %arg5[%parallel_loop3A_1419] : memref<256xf32, #tpu.memory_space<vmem>>[vector<16xi32>], vector<16xf32>,
      %parallel_loop3A_1421 = arith.index_cast %parallel_loop3A_1400 : i32 to index
      %parallel_loop3A_1422 = arith.index_cast %parallel_loop3A_1416 : i32 to index
      %parallel_loop3A_1423 = tpu.vector_load %arg8[%parallel_loop3A_1421, %parallel_loop3A_1422] {strides = array<i32>} : memref<32x512xf32, #tpu.memory_space<vmem>>, vector<16xf32>,
      tpu.vector_store %arg8[%parallel_loop3A_1421, %parallel_loop3A_1422], %parallel_loop3A_1420 {strides = array<i32>} : memref<32x512xf32, #tpu.memory_space<vmem>>, vector<16xf32>,
    } {sc.loop_unroll_factor = 8 : i64, sc.parallel_access}
    %add3A_1227 = arith.constant 1 : i32
    %add3A_1228 = arith.addi %mul3A_2, %add3A_1227 : i32
    %dma_start3A_1229 = arith.constant 384 : i32
    %dma_start3A_1230 = arith.constant 0 : i32
    %dma_start3A_1231 = tpu.memref_slice %arg4[%add3A_1228, %dma_start3A_1229, %dma_start3A_1230] : memref<64x512x512xf32, #tpu.memory_space<hbm>> -> memref<1x32x512xf32, #tpu.memory_space<hbm>>
    %dma_start3A_1232 = tpu.memref_squeeze %dma_start3A_1231 : memref<1x32x512xf32, #tpu.memory_space<hbm>> -> memref<32x512xf32, #tpu.memory_space<hbm>>
    %dma_start3A_1233 = arith.constant 384 : i32
    %dma_start3A_1234 = arith.constant 0 : i32
    %dma_start3A_1235 = tpu.memref_slice %arg4[%add3A_1228, %dma_start3A_1233, %dma_start3A_1234] : memref<64x512x512xf32, #tpu.memory_space<hbm>> -> memref<1x32x512xf32, #tpu.memory_space<hbm>>
    %dma_start3A_1236 = tpu.memref_squeeze %dma_start3A_1235 : memref<1x32x512xf32, #tpu.memory_space<hbm>> -> memref<32x512xf32, #tpu.memory_space<hbm>>
    tpu.enqueue_dma source(%arg8 : memref<32x512xf32, #tpu.memory_space<vmem>>) target(%dma_start3A_1236 : memref<32x512xf32, #tpu.memory_space<hbm>>) target_semaphore(%arg12 : memref<!tpu.dma_semaphore, #tpu.memory_space<semaphore_mem>>)
    %add3A_1237 = arith.constant 1 : i32
    %add3A_1238 = arith.addi %mul3A_2, %add3A_1237 : i32
    %dma_start3A_1239 = arith.constant 448 : i32
    %dma_start3A_1240 = arith.constant 0 : i32
    %dma_start3A_1241 = tpu.memref_slice %arg3[%add3A_1238, %dma_start3A_1239, %dma_start3A_1240] : memref<64x512x512xi32, #tpu.memory_space<hbm>> -> memref<1x32x512xi32, #tpu.memory_space<hbm>>
    %dma_start3A_1242 = tpu.memref_squeeze %dma_start3A_1241 : memref<1x32x512xi32, #tpu.memory_space<hbm>> -> memref<32x512xi32, #tpu.memory_space<hbm>>
    %dma_start3A_1243 = arith.constant 448 : i32
    %dma_start3A_1244 = arith.constant 0 : i32
    %dma_start3A_1245 = tpu.memref_slice %arg3[%add3A_1238, %dma_start3A_1243, %dma_start3A_1244] : memref<64x512x512xi32, #tpu.memory_space<hbm>> -> memref<1x32x512xi32, #tpu.memory_space<hbm>>
    %dma_start3A_1246 = tpu.memref_squeeze %dma_start3A_1245 : memref<1x32x512xi32, #tpu.memory_space<hbm>> -> memref<32x512xi32, #tpu.memory_space<hbm>>
    tpu.enqueue_dma source(%dma_start3A_1246 : memref<32x512xi32, #tpu.memory_space<hbm>>) target(%arg6 : memref<32x512xi32, #tpu.memory_space<vmem>>) target_semaphore(%arg10 : memref<!tpu.dma_semaphore, #tpu.memory_space<semaphore_mem>>)
    %add3A_1247 = arith.constant 1 : i32
    %add3A_1248 = arith.addi %mul3A_2, %add3A_1247 : i32
    %dma_wait3A_1249 = arith.constant 416 : i32
    %dma_wait3A_1250 = arith.constant 0 : i32
    %dma_wait3A_1251 = tpu.memref_slice %arg3[%add3A_1248, %dma_wait3A_1249, %dma_wait3A_1250] : memref<64x512x512xi32, #tpu.memory_space<hbm>> -> memref<1x32x512xi32, #tpu.memory_space<hbm>>
    %dma_wait3A_1252 = tpu.memref_squeeze %dma_wait3A_1251 : memref<1x32x512xi32, #tpu.memory_space<hbm>> -> memref<32x512xi32, #tpu.memory_space<hbm>>
    %dma_wait3A_1253 = arith.constant 416 : i32
    %dma_wait3A_1254 = arith.constant 0 : i32
    %dma_wait3A_1255 = tpu.memref_slice %arg3[%add3A_1248, %dma_wait3A_1253, %dma_wait3A_1254] : memref<64x512x512xi32, #tpu.memory_space<hbm>> -> memref<1x32x512xi32, #tpu.memory_space<hbm>>
    %dma_wait3A_1256 = tpu.memref_squeeze %dma_wait3A_1255 : memref<1x32x512xi32, #tpu.memory_space<hbm>> -> memref<32x512xi32, #tpu.memory_space<hbm>>
    tpu.wait_dma2 semaphore(%arg11 : memref<!tpu.dma_semaphore, #tpu.memory_space<semaphore_mem>>) src(%dma_wait3A_1256 : memref<32x512xi32, #tpu.memory_space<hbm>>) dst(%arg7 : memref<32x512xi32, #tpu.memory_space<vmem>>)
    %add3A_1257 = arith.constant 1 : i32
    %add3A_1258 = arith.addi %mul3A_2, %add3A_1257 : i32
    %dma_wait3A_1259 = arith.constant 352 : i32
    %dma_wait3A_1260 = arith.constant 0 : i32
    %dma_wait3A_1261 = tpu.memref_slice %arg4[%add3A_1258, %dma_wait3A_1259, %dma_wait3A_1260] : memref<64x512x512xf32, #tpu.memory_space<hbm>> -> memref<1x32x512xf32, #tpu.memory_space<hbm>>
    %dma_wait3A_1262 = tpu.memref_squeeze %dma_wait3A_1261 : memref<1x32x512xf32, #tpu.memory_space<hbm>> -> memref<32x512xf32, #tpu.memory_space<hbm>>
    %dma_wait3A_1263 = arith.constant 352 : i32
    %dma_wait3A_1264 = arith.constant 0 : i32
    %dma_wait3A_1265 = tpu.memref_slice %arg4[%add3A_1258, %dma_wait3A_1263, %dma_wait3A_1264] : memref<64x512x512xf32, #tpu.memory_space<hbm>> -> memref<1x32x512xf32, #tpu.memory_space<hbm>>
    %dma_wait3A_1266 = tpu.memref_squeeze %dma_wait3A_1265 : memref<1x32x512xf32, #tpu.memory_space<hbm>> -> memref<32x512xf32, #tpu.memory_space<hbm>>
    tpu.wait_dma2 semaphore(%arg13 : memref<!tpu.dma_semaphore, #tpu.memory_space<semaphore_mem>>) src(%arg9 : memref<32x512xf32, #tpu.memory_space<vmem>>) dst(%dma_wait3A_1266 : memref<32x512xf32, #tpu.memory_space<hbm>>)
    %parallel_loop3A_1267 = arith.constant 0 : i32
    %parallel_loop3A_1268 = arith.constant 16384 : i32
    %parallel_loop3A_1269 = arith.constant 16 : i32
    scf.for %parallel_loop3A_1376 = %parallel_loop3A_1267 to %parallel_loop3A_1268 step %parallel_loop3A_1269  : i32 {
      %parallel_loop3A_1377 = arith.constant 512 : i32
      %parallel_loop3A_1378 = arith.divsi %parallel_loop3A_1376, %parallel_loop3A_1377 : i32
      %parallel_loop3A_1379 = arith.constant 0 : i32
      %parallel_loop3A_1380 = arith.cmpi sgt, %parallel_loop3A_1376, %parallel_loop3A_1379 : i32
      %parallel_loop3A_1381 = arith.extui %parallel_loop3A_1380 : i1 to i32
      %parallel_loop3A_1382 = arith.constant 0 : i32
      %parallel_loop3A_1383 = arith.cmpi slt, %parallel_loop3A_1376, %parallel_loop3A_1382 : i32
      %parallel_loop3A_1384 = arith.extui %parallel_loop3A_1383 : i1 to i32
      %parallel_loop3A_1385 = arith.subi %parallel_loop3A_1381, %parallel_loop3A_1384 : i32
      %parallel_loop3A_1386 = arith.constant 0 : i32
      %parallel_loop3A_1387 = arith.cmpi sgt, %parallel_loop3A_1377, %parallel_loop3A_1386 : i32
      %parallel_loop3A_1388 = arith.extui %parallel_loop3A_1387 : i1 to i32
      %parallel_loop3A_1389 = arith.constant 0 : i32
      %parallel_loop3A_1390 = arith.cmpi slt, %parallel_loop3A_1377, %parallel_loop3A_1389 : i32
      %parallel_loop3A_1391 = arith.extui %parallel_loop3A_1390 : i1 to i32
      %parallel_loop3A_1392 = arith.subi %parallel_loop3A_1388, %parallel_loop3A_1391 : i32
      %parallel_loop3A_1393 = arith.cmpi ne, %parallel_loop3A_1385, %parallel_loop3A_1392 : i32
      %parallel_loop3A_1394 = arith.remsi %parallel_loop3A_1376, %parallel_loop3A_1377 : i32
      %parallel_loop3A_1395 = arith.constant 0 : i32
      %parallel_loop3A_1396 = arith.cmpi ne, %parallel_loop3A_1394, %parallel_loop3A_1395 : i32
      %parallel_loop3A_1397 = arith.andi %parallel_loop3A_1393, %parallel_loop3A_1396 : i1
      %parallel_loop3A_1398 = arith.constant 1 : i32
      %parallel_loop3A_1399 = arith.subi %parallel_loop3A_1378, %parallel_loop3A_1398 : i32
      %parallel_loop3A_1400 = arith.select %parallel_loop3A_1397, %parallel_loop3A_1399, %parallel_loop3A_1378 : i32
      %parallel_loop3A_1401 = arith.constant 512 : i32
      %parallel_loop3A_1402 = arith.constant 0 : i32
      %parallel_loop3A_1403 = arith.cmpi eq, %parallel_loop3A_1401, %parallel_loop3A_1402 : i32
      %parallel_loop3A_1404 = arith.constant 1 : i32
      %parallel_loop3A_1405 = arith.select %parallel_loop3A_1403, %parallel_loop3A_1404, %parallel_loop3A_1401 : i32
      %parallel_loop3A_1406 = arith.remsi %parallel_loop3A_1376, %parallel_loop3A_1405 : i32
      %parallel_loop3A_1407 = arith.constant 0 : i32
      %parallel_loop3A_1408 = arith.cmpi ne, %parallel_loop3A_1406, %parallel_loop3A_1407 : i32
      %parallel_loop3A_1409 = arith.constant 0 : i32
      %parallel_loop3A_1410 = arith.cmpi slt, %parallel_loop3A_1406, %parallel_loop3A_1409 : i32
      %parallel_loop3A_1411 = arith.constant 0 : i32
      %parallel_loop3A_1412 = arith.cmpi slt, %parallel_loop3A_1405, %parallel_loop3A_1411 : i32
      %parallel_loop3A_1413 = arith.xori %parallel_loop3A_1410, %parallel_loop3A_1412 : i1
      %parallel_loop3A_1414 = arith.andi %parallel_loop3A_1413, %parallel_loop3A_1408 : i1
      %parallel_loop3A_1415 = arith.addi %parallel_loop3A_1406, %parallel_loop3A_1405 : i32
      %parallel_loop3A_1416 = arith.select %parallel_loop3A_1414, %parallel_loop3A_1415, %parallel_loop3A_1406 : i32
      %parallel_loop3A_1417 = arith.index_cast %parallel_loop3A_1400 : i32 to index
      %parallel_loop3A_1418 = arith.index_cast %parallel_loop3A_1416 : i32 to index
      %parallel_loop3A_1419 = tpu.vector_load %arg7[%parallel_loop3A_1417, %parallel_loop3A_1418] {strides = array<i32>} : memref<32x512xi32, #tpu.memory_space<vmem>>, vector<16xi32>,
      %parallel_loop3A_1420 = tpu.vector_load_idx %arg5[%parallel_loop3A_1419] : memref<256xf32, #tpu.memory_space<vmem>>[vector<16xi32>], vector<16xf32>,
      %parallel_loop3A_1421 = arith.index_cast %parallel_loop3A_1400 : i32 to index
      %parallel_loop3A_1422 = arith.index_cast %parallel_loop3A_1416 : i32 to index
      %parallel_loop3A_1423 = tpu.vector_load %arg9[%parallel_loop3A_1421, %parallel_loop3A_1422] {strides = array<i32>} : memref<32x512xf32, #tpu.memory_space<vmem>>, vector<16xf32>,
      tpu.vector_store %arg9[%parallel_loop3A_1421, %parallel_loop3A_1422], %parallel_loop3A_1420 {strides = array<i32>} : memref<32x512xf32, #tpu.memory_space<vmem>>, vector<16xf32>,
    } {sc.loop_unroll_factor = 8 : i64, sc.parallel_access}
    %add3A_1270 = arith.constant 1 : i32
    %add3A_1271 = arith.addi %mul3A_2, %add3A_1270 : i32
    %dma_start3A_1272 = arith.constant 416 : i32
    %dma_start3A_1273 = arith.constant 0 : i32
    %dma_start3A_1274 = tpu.memref_slice %arg4[%add3A_1271, %dma_start3A_1272, %dma_start3A_1273] : memref<64x512x512xf32, #tpu.memory_space<hbm>> -> memref<1x32x512xf32, #tpu.memory_space<hbm>>
    %dma_start3A_1275 = tpu.memref_squeeze %dma_start3A_1274 : memref<1x32x512xf32, #tpu.memory_space<hbm>> -> memref<32x512xf32, #tpu.memory_space<hbm>>
    %dma_start3A_1276 = arith.constant 416 : i32
    %dma_start3A_1277 = arith.constant 0 : i32
    %dma_start3A_1278 = tpu.memref_slice %arg4[%add3A_1271, %dma_start3A_1276, %dma_start3A_1277] : memref<64x512x512xf32, #tpu.memory_space<hbm>> -> memref<1x32x512xf32, #tpu.memory_space<hbm>>
    %dma_start3A_1279 = tpu.memref_squeeze %dma_start3A_1278 : memref<1x32x512xf32, #tpu.memory_space<hbm>> -> memref<32x512xf32, #tpu.memory_space<hbm>>
    tpu.enqueue_dma source(%arg9 : memref<32x512xf32, #tpu.memory_space<vmem>>) target(%dma_start3A_1279 : memref<32x512xf32, #tpu.memory_space<hbm>>) target_semaphore(%arg13 : memref<!tpu.dma_semaphore, #tpu.memory_space<semaphore_mem>>)
    %add3A_1280 = arith.constant 1 : i32
    %add3A_1281 = arith.addi %mul3A_2, %add3A_1280 : i32
    %dma_start3A_1282 = arith.constant 480 : i32
    %dma_start3A_1283 = arith.constant 0 : i32
    %dma_start3A_1284 = tpu.memref_slice %arg3[%add3A_1281, %dma_start3A_1282, %dma_start3A_1283] : memref<64x512x512xi32, #tpu.memory_space<hbm>> -> memref<1x32x512xi32, #tpu.memory_space<hbm>>
    %dma_start3A_1285 = tpu.memref_squeeze %dma_start3A_1284 : memref<1x32x512xi32, #tpu.memory_space<hbm>> -> memref<32x512xi32, #tpu.memory_space<hbm>>
    %dma_start3A_1286 = arith.constant 480 : i32
    %dma_start3A_1287 = arith.constant 0 : i32
    %dma_start3A_1288 = tpu.memref_slice %arg3[%add3A_1281, %dma_start3A_1286, %dma_start3A_1287] : memref<64x512x512xi32, #tpu.memory_space<hbm>> -> memref<1x32x512xi32, #tpu.memory_space<hbm>>
    %dma_start3A_1289 = tpu.memref_squeeze %dma_start3A_1288 : memref<1x32x512xi32, #tpu.memory_space<hbm>> -> memref<32x512xi32, #tpu.memory_space<hbm>>
    tpu.enqueue_dma source(%dma_start3A_1289 : memref<32x512xi32, #tpu.memory_space<hbm>>) target(%arg7 : memref<32x512xi32, #tpu.memory_space<vmem>>) target_semaphore(%arg11 : memref<!tpu.dma_semaphore, #tpu.memory_space<semaphore_mem>>)
    %add3A_1290 = arith.constant 1 : i32
    %add3A_1291 = arith.addi %mul3A_2, %add3A_1290 : i32
    %dma_wait3A_1292 = arith.constant 448 : i32
    %dma_wait3A_1293 = arith.constant 0 : i32
    %dma_wait3A_1294 = tpu.memref_slice %arg3[%add3A_1291, %dma_wait3A_1292, %dma_wait3A_1293] : memref<64x512x512xi32, #tpu.memory_space<hbm>> -> memref<1x32x512xi32, #tpu.memory_space<hbm>>
    %dma_wait3A_1295 = tpu.memref_squeeze %dma_wait3A_1294 : memref<1x32x512xi32, #tpu.memory_space<hbm>> -> memref<32x512xi32, #tpu.memory_space<hbm>>
    %dma_wait3A_1296 = arith.constant 448 : i32
    %dma_wait3A_1297 = arith.constant 0 : i32
    %dma_wait3A_1298 = tpu.memref_slice %arg3[%add3A_1291, %dma_wait3A_1296, %dma_wait3A_1297] : memref<64x512x512xi32, #tpu.memory_space<hbm>> -> memref<1x32x512xi32, #tpu.memory_space<hbm>>
    %dma_wait3A_1299 = tpu.memref_squeeze %dma_wait3A_1298 : memref<1x32x512xi32, #tpu.memory_space<hbm>> -> memref<32x512xi32, #tpu.memory_space<hbm>>
    tpu.wait_dma2 semaphore(%arg10 : memref<!tpu.dma_semaphore, #tpu.memory_space<semaphore_mem>>) src(%dma_wait3A_1299 : memref<32x512xi32, #tpu.memory_space<hbm>>) dst(%arg6 : memref<32x512xi32, #tpu.memory_space<vmem>>)
    %add3A_1300 = arith.constant 1 : i32
    %add3A_1301 = arith.addi %mul3A_2, %add3A_1300 : i32
    %dma_wait3A_1302 = arith.constant 384 : i32
    %dma_wait3A_1303 = arith.constant 0 : i32
    %dma_wait3A_1304 = tpu.memref_slice %arg4[%add3A_1301, %dma_wait3A_1302, %dma_wait3A_1303] : memref<64x512x512xf32, #tpu.memory_space<hbm>> -> memref<1x32x512xf32, #tpu.memory_space<hbm>>
    %dma_wait3A_1305 = tpu.memref_squeeze %dma_wait3A_1304 : memref<1x32x512xf32, #tpu.memory_space<hbm>> -> memref<32x512xf32, #tpu.memory_space<hbm>>
    %dma_wait3A_1306 = arith.constant 384 : i32
    %dma_wait3A_1307 = arith.constant 0 : i32
    %dma_wait3A_1308 = tpu.memref_slice %arg4[%add3A_1301, %dma_wait3A_1306, %dma_wait3A_1307] : memref<64x512x512xf32, #tpu.memory_space<hbm>> -> memref<1x32x512xf32, #tpu.memory_space<hbm>>
    %dma_wait3A_1309 = tpu.memref_squeeze %dma_wait3A_1308 : memref<1x32x512xf32, #tpu.memory_space<hbm>> -> memref<32x512xf32, #tpu.memory_space<hbm>>
    tpu.wait_dma2 semaphore(%arg12 : memref<!tpu.dma_semaphore, #tpu.memory_space<semaphore_mem>>) src(%arg8 : memref<32x512xf32, #tpu.memory_space<vmem>>) dst(%dma_wait3A_1309 : memref<32x512xf32, #tpu.memory_space<hbm>>)
    %parallel_loop3A_1310 = arith.constant 0 : i32
    %parallel_loop3A_1311 = arith.constant 16384 : i32
    %parallel_loop3A_1312 = arith.constant 16 : i32
    scf.for %parallel_loop3A_1376 = %parallel_loop3A_1310 to %parallel_loop3A_1311 step %parallel_loop3A_1312  : i32 {
      %parallel_loop3A_1377 = arith.constant 512 : i32
      %parallel_loop3A_1378 = arith.divsi %parallel_loop3A_1376, %parallel_loop3A_1377 : i32
      %parallel_loop3A_1379 = arith.constant 0 : i32
      %parallel_loop3A_1380 = arith.cmpi sgt, %parallel_loop3A_1376, %parallel_loop3A_1379 : i32
      %parallel_loop3A_1381 = arith.extui %parallel_loop3A_1380 : i1 to i32
      %parallel_loop3A_1382 = arith.constant 0 : i32
      %parallel_loop3A_1383 = arith.cmpi slt, %parallel_loop3A_1376, %parallel_loop3A_1382 : i32
      %parallel_loop3A_1384 = arith.extui %parallel_loop3A_1383 : i1 to i32
      %parallel_loop3A_1385 = arith.subi %parallel_loop3A_1381, %parallel_loop3A_1384 : i32
      %parallel_loop3A_1386 = arith.constant 0 : i32
      %parallel_loop3A_1387 = arith.cmpi sgt, %parallel_loop3A_1377, %parallel_loop3A_1386 : i32
      %parallel_loop3A_1388 = arith.extui %parallel_loop3A_1387 : i1 to i32
      %parallel_loop3A_1389 = arith.constant 0 : i32
      %parallel_loop3A_1390 = arith.cmpi slt, %parallel_loop3A_1377, %parallel_loop3A_1389 : i32
      %parallel_loop3A_1391 = arith.extui %parallel_loop3A_1390 : i1 to i32
      %parallel_loop3A_1392 = arith.subi %parallel_loop3A_1388, %parallel_loop3A_1391 : i32
      %parallel_loop3A_1393 = arith.cmpi ne, %parallel_loop3A_1385, %parallel_loop3A_1392 : i32
      %parallel_loop3A_1394 = arith.remsi %parallel_loop3A_1376, %parallel_loop3A_1377 : i32
      %parallel_loop3A_1395 = arith.constant 0 : i32
      %parallel_loop3A_1396 = arith.cmpi ne, %parallel_loop3A_1394, %parallel_loop3A_1395 : i32
      %parallel_loop3A_1397 = arith.andi %parallel_loop3A_1393, %parallel_loop3A_1396 : i1
      %parallel_loop3A_1398 = arith.constant 1 : i32
      %parallel_loop3A_1399 = arith.subi %parallel_loop3A_1378, %parallel_loop3A_1398 : i32
      %parallel_loop3A_1400 = arith.select %parallel_loop3A_1397, %parallel_loop3A_1399, %parallel_loop3A_1378 : i32
      %parallel_loop3A_1401 = arith.constant 512 : i32
      %parallel_loop3A_1402 = arith.constant 0 : i32
      %parallel_loop3A_1403 = arith.cmpi eq, %parallel_loop3A_1401, %parallel_loop3A_1402 : i32
      %parallel_loop3A_1404 = arith.constant 1 : i32
      %parallel_loop3A_1405 = arith.select %parallel_loop3A_1403, %parallel_loop3A_1404, %parallel_loop3A_1401 : i32
      %parallel_loop3A_1406 = arith.remsi %parallel_loop3A_1376, %parallel_loop3A_1405 : i32
      %parallel_loop3A_1407 = arith.constant 0 : i32
      %parallel_loop3A_1408 = arith.cmpi ne, %parallel_loop3A_1406, %parallel_loop3A_1407 : i32
      %parallel_loop3A_1409 = arith.constant 0 : i32
      %parallel_loop3A_1410 = arith.cmpi slt, %parallel_loop3A_1406, %parallel_loop3A_1409 : i32
      %parallel_loop3A_1411 = arith.constant 0 : i32
      %parallel_loop3A_1412 = arith.cmpi slt, %parallel_loop3A_1405, %parallel_loop3A_1411 : i32
      %parallel_loop3A_1413 = arith.xori %parallel_loop3A_1410, %parallel_loop3A_1412 : i1
      %parallel_loop3A_1414 = arith.andi %parallel_loop3A_1413, %parallel_loop3A_1408 : i1
      %parallel_loop3A_1415 = arith.addi %parallel_loop3A_1406, %parallel_loop3A_1405 : i32
      %parallel_loop3A_1416 = arith.select %parallel_loop3A_1414, %parallel_loop3A_1415, %parallel_loop3A_1406 : i32
      %parallel_loop3A_1417 = arith.index_cast %parallel_loop3A_1400 : i32 to index
      %parallel_loop3A_1418 = arith.index_cast %parallel_loop3A_1416 : i32 to index
      %parallel_loop3A_1419 = tpu.vector_load %arg6[%parallel_loop3A_1417, %parallel_loop3A_1418] {strides = array<i32>} : memref<32x512xi32, #tpu.memory_space<vmem>>, vector<16xi32>,
      %parallel_loop3A_1420 = tpu.vector_load_idx %arg5[%parallel_loop3A_1419] : memref<256xf32, #tpu.memory_space<vmem>>[vector<16xi32>], vector<16xf32>,
      %parallel_loop3A_1421 = arith.index_cast %parallel_loop3A_1400 : i32 to index
      %parallel_loop3A_1422 = arith.index_cast %parallel_loop3A_1416 : i32 to index
      %parallel_loop3A_1423 = tpu.vector_load %arg8[%parallel_loop3A_1421, %parallel_loop3A_1422] {strides = array<i32>} : memref<32x512xf32, #tpu.memory_space<vmem>>, vector<16xf32>,
      tpu.vector_store %arg8[%parallel_loop3A_1421, %parallel_loop3A_1422], %parallel_loop3A_1420 {strides = array<i32>} : memref<32x512xf32, #tpu.memory_space<vmem>>, vector<16xf32>,
    } {sc.loop_unroll_factor = 8 : i64, sc.parallel_access}
    %add3A_1313 = arith.constant 1 : i32
    %add3A_1314 = arith.addi %mul3A_2, %add3A_1313 : i32
    %dma_start3A_1315 = arith.constant 448 : i32
    %dma_start3A_1316 = arith.constant 0 : i32
    %dma_start3A_1317 = tpu.memref_slice %arg4[%add3A_1314, %dma_start3A_1315, %dma_start3A_1316] : memref<64x512x512xf32, #tpu.memory_space<hbm>> -> memref<1x32x512xf32, #tpu.memory_space<hbm>>
    %dma_start3A_1318 = tpu.memref_squeeze %dma_start3A_1317 : memref<1x32x512xf32, #tpu.memory_space<hbm>> -> memref<32x512xf32, #tpu.memory_space<hbm>>
    %dma_start3A_1319 = arith.constant 448 : i32
    %dma_start3A_1320 = arith.constant 0 : i32
    %dma_start3A_1321 = tpu.memref_slice %arg4[%add3A_1314, %dma_start3A_1319, %dma_start3A_1320] : memref<64x512x512xf32, #tpu.memory_space<hbm>> -> memref<1x32x512xf32, #tpu.memory_space<hbm>>
    %dma_start3A_1322 = tpu.memref_squeeze %dma_start3A_1321 : memref<1x32x512xf32, #tpu.memory_space<hbm>> -> memref<32x512xf32, #tpu.memory_space<hbm>>
    tpu.enqueue_dma source(%arg8 : memref<32x512xf32, #tpu.memory_space<vmem>>) target(%dma_start3A_1322 : memref<32x512xf32, #tpu.memory_space<hbm>>) target_semaphore(%arg12 : memref<!tpu.dma_semaphore, #tpu.memory_space<semaphore_mem>>)
    %add3A_1323 = arith.constant 1 : i32
    %add3A_1324 = arith.addi %mul3A_2, %add3A_1323 : i32
    %dma_wait3A_1325 = arith.constant 480 : i32
    %dma_wait3A_1326 = arith.constant 0 : i32
    %dma_wait3A_1327 = tpu.memref_slice %arg3[%add3A_1324, %dma_wait3A_1325, %dma_wait3A_1326] : memref<64x512x512xi32, #tpu.memory_space<hbm>> -> memref<1x32x512xi32, #tpu.memory_space<hbm>>
    %dma_wait3A_1328 = tpu.memref_squeeze %dma_wait3A_1327 : memref<1x32x512xi32, #tpu.memory_space<hbm>> -> memref<32x512xi32, #tpu.memory_space<hbm>>
    %dma_wait3A_1329 = arith.constant 480 : i32
    %dma_wait3A_1330 = arith.constant 0 : i32
    %dma_wait3A_1331 = tpu.memref_slice %arg3[%add3A_1324, %dma_wait3A_1329, %dma_wait3A_1330] : memref<64x512x512xi32, #tpu.memory_space<hbm>> -> memref<1x32x512xi32, #tpu.memory_space<hbm>>
    %dma_wait3A_1332 = tpu.memref_squeeze %dma_wait3A_1331 : memref<1x32x512xi32, #tpu.memory_space<hbm>> -> memref<32x512xi32, #tpu.memory_space<hbm>>
    tpu.wait_dma2 semaphore(%arg11 : memref<!tpu.dma_semaphore, #tpu.memory_space<semaphore_mem>>) src(%dma_wait3A_1332 : memref<32x512xi32, #tpu.memory_space<hbm>>) dst(%arg7 : memref<32x512xi32, #tpu.memory_space<vmem>>)
    %add3A_1333 = arith.constant 1 : i32
    %add3A_1334 = arith.addi %mul3A_2, %add3A_1333 : i32
    %dma_wait3A_1335 = arith.constant 416 : i32
    %dma_wait3A_1336 = arith.constant 0 : i32
    %dma_wait3A_1337 = tpu.memref_slice %arg4[%add3A_1334, %dma_wait3A_1335, %dma_wait3A_1336] : memref<64x512x512xf32, #tpu.memory_space<hbm>> -> memref<1x32x512xf32, #tpu.memory_space<hbm>>
    %dma_wait3A_1338 = tpu.memref_squeeze %dma_wait3A_1337 : memref<1x32x512xf32, #tpu.memory_space<hbm>> -> memref<32x512xf32, #tpu.memory_space<hbm>>
    %dma_wait3A_1339 = arith.constant 416 : i32
    %dma_wait3A_1340 = arith.constant 0 : i32
    %dma_wait3A_1341 = tpu.memref_slice %arg4[%add3A_1334, %dma_wait3A_1339, %dma_wait3A_1340] : memref<64x512x512xf32, #tpu.memory_space<hbm>> -> memref<1x32x512xf32, #tpu.memory_space<hbm>>
    %dma_wait3A_1342 = tpu.memref_squeeze %dma_wait3A_1341 : memref<1x32x512xf32, #tpu.memory_space<hbm>> -> memref<32x512xf32, #tpu.memory_space<hbm>>
    tpu.wait_dma2 semaphore(%arg13 : memref<!tpu.dma_semaphore, #tpu.memory_space<semaphore_mem>>) src(%arg9 : memref<32x512xf32, #tpu.memory_space<vmem>>) dst(%dma_wait3A_1342 : memref<32x512xf32, #tpu.memory_space<hbm>>)
    %parallel_loop3A_1343 = arith.constant 0 : i32
    %parallel_loop3A_1344 = arith.constant 16384 : i32
    %parallel_loop3A_1345 = arith.constant 16 : i32
    scf.for %parallel_loop3A_1376 = %parallel_loop3A_1343 to %parallel_loop3A_1344 step %parallel_loop3A_1345  : i32 {
      %parallel_loop3A_1377 = arith.constant 512 : i32
      %parallel_loop3A_1378 = arith.divsi %parallel_loop3A_1376, %parallel_loop3A_1377 : i32
      %parallel_loop3A_1379 = arith.constant 0 : i32
      %parallel_loop3A_1380 = arith.cmpi sgt, %parallel_loop3A_1376, %parallel_loop3A_1379 : i32
      %parallel_loop3A_1381 = arith.extui %parallel_loop3A_1380 : i1 to i32
      %parallel_loop3A_1382 = arith.constant 0 : i32
      %parallel_loop3A_1383 = arith.cmpi slt, %parallel_loop3A_1376, %parallel_loop3A_1382 : i32
      %parallel_loop3A_1384 = arith.extui %parallel_loop3A_1383 : i1 to i32
      %parallel_loop3A_1385 = arith.subi %parallel_loop3A_1381, %parallel_loop3A_1384 : i32
      %parallel_loop3A_1386 = arith.constant 0 : i32
      %parallel_loop3A_1387 = arith.cmpi sgt, %parallel_loop3A_1377, %parallel_loop3A_1386 : i32
      %parallel_loop3A_1388 = arith.extui %parallel_loop3A_1387 : i1 to i32
      %parallel_loop3A_1389 = arith.constant 0 : i32
      %parallel_loop3A_1390 = arith.cmpi slt, %parallel_loop3A_1377, %parallel_loop3A_1389 : i32
      %parallel_loop3A_1391 = arith.extui %parallel_loop3A_1390 : i1 to i32
      %parallel_loop3A_1392 = arith.subi %parallel_loop3A_1388, %parallel_loop3A_1391 : i32
      %parallel_loop3A_1393 = arith.cmpi ne, %parallel_loop3A_1385, %parallel_loop3A_1392 : i32
      %parallel_loop3A_1394 = arith.remsi %parallel_loop3A_1376, %parallel_loop3A_1377 : i32
      %parallel_loop3A_1395 = arith.constant 0 : i32
      %parallel_loop3A_1396 = arith.cmpi ne, %parallel_loop3A_1394, %parallel_loop3A_1395 : i32
      %parallel_loop3A_1397 = arith.andi %parallel_loop3A_1393, %parallel_loop3A_1396 : i1
      %parallel_loop3A_1398 = arith.constant 1 : i32
      %parallel_loop3A_1399 = arith.subi %parallel_loop3A_1378, %parallel_loop3A_1398 : i32
      %parallel_loop3A_1400 = arith.select %parallel_loop3A_1397, %parallel_loop3A_1399, %parallel_loop3A_1378 : i32
      %parallel_loop3A_1401 = arith.constant 512 : i32
      %parallel_loop3A_1402 = arith.constant 0 : i32
      %parallel_loop3A_1403 = arith.cmpi eq, %parallel_loop3A_1401, %parallel_loop3A_1402 : i32
      %parallel_loop3A_1404 = arith.constant 1 : i32
      %parallel_loop3A_1405 = arith.select %parallel_loop3A_1403, %parallel_loop3A_1404, %parallel_loop3A_1401 : i32
      %parallel_loop3A_1406 = arith.remsi %parallel_loop3A_1376, %parallel_loop3A_1405 : i32
      %parallel_loop3A_1407 = arith.constant 0 : i32
      %parallel_loop3A_1408 = arith.cmpi ne, %parallel_loop3A_1406, %parallel_loop3A_1407 : i32
      %parallel_loop3A_1409 = arith.constant 0 : i32
      %parallel_loop3A_1410 = arith.cmpi slt, %parallel_loop3A_1406, %parallel_loop3A_1409 : i32
      %parallel_loop3A_1411 = arith.constant 0 : i32
      %parallel_loop3A_1412 = arith.cmpi slt, %parallel_loop3A_1405, %parallel_loop3A_1411 : i32
      %parallel_loop3A_1413 = arith.xori %parallel_loop3A_1410, %parallel_loop3A_1412 : i1
      %parallel_loop3A_1414 = arith.andi %parallel_loop3A_1413, %parallel_loop3A_1408 : i1
      %parallel_loop3A_1415 = arith.addi %parallel_loop3A_1406, %parallel_loop3A_1405 : i32
      %parallel_loop3A_1416 = arith.select %parallel_loop3A_1414, %parallel_loop3A_1415, %parallel_loop3A_1406 : i32
      %parallel_loop3A_1417 = arith.index_cast %parallel_loop3A_1400 : i32 to index
      %parallel_loop3A_1418 = arith.index_cast %parallel_loop3A_1416 : i32 to index
      %parallel_loop3A_1419 = tpu.vector_load %arg7[%parallel_loop3A_1417, %parallel_loop3A_1418] {strides = array<i32>} : memref<32x512xi32, #tpu.memory_space<vmem>>, vector<16xi32>,
      %parallel_loop3A_1420 = tpu.vector_load_idx %arg5[%parallel_loop3A_1419] : memref<256xf32, #tpu.memory_space<vmem>>[vector<16xi32>], vector<16xf32>,
      %parallel_loop3A_1421 = arith.index_cast %parallel_loop3A_1400 : i32 to index
      %parallel_loop3A_1422 = arith.index_cast %parallel_loop3A_1416 : i32 to index
      %parallel_loop3A_1423 = tpu.vector_load %arg9[%parallel_loop3A_1421, %parallel_loop3A_1422] {strides = array<i32>} : memref<32x512xf32, #tpu.memory_space<vmem>>, vector<16xf32>,
      tpu.vector_store %arg9[%parallel_loop3A_1421, %parallel_loop3A_1422], %parallel_loop3A_1420 {strides = array<i32>} : memref<32x512xf32, #tpu.memory_space<vmem>>, vector<16xf32>,
    } {sc.loop_unroll_factor = 8 : i64, sc.parallel_access}
    %add3A_1346 = arith.constant 1 : i32
    %add3A_1347 = arith.addi %mul3A_2, %add3A_1346 : i32
    %dma_start3A_1348 = arith.constant 480 : i32
    %dma_start3A_1349 = arith.constant 0 : i32
    %dma_start3A_1350 = tpu.memref_slice %arg4[%add3A_1347, %dma_start3A_1348, %dma_start3A_1349] : memref<64x512x512xf32, #tpu.memory_space<hbm>> -> memref<1x32x512xf32, #tpu.memory_space<hbm>>
    %dma_start3A_1351 = tpu.memref_squeeze %dma_start3A_1350 : memref<1x32x512xf32, #tpu.memory_space<hbm>> -> memref<32x512xf32, #tpu.memory_space<hbm>>
    %dma_start3A_1352 = arith.constant 480 : i32
    %dma_start3A_1353 = arith.constant 0 : i32
    %dma_start3A_1354 = tpu.memref_slice %arg4[%add3A_1347, %dma_start3A_1352, %dma_start3A_1353] : memref<64x512x512xf32, #tpu.memory_space<hbm>> -> memref<1x32x512xf32, #tpu.memory_space<hbm>>
    %dma_start3A_1355 = tpu.memref_squeeze %dma_start3A_1354 : memref<1x32x512xf32, #tpu.memory_space<hbm>> -> memref<32x512xf32, #tpu.memory_space<hbm>>
    tpu.enqueue_dma source(%arg9 : memref<32x512xf32, #tpu.memory_space<vmem>>) target(%dma_start3A_1355 : memref<32x512xf32, #tpu.memory_space<hbm>>) target_semaphore(%arg13 : memref<!tpu.dma_semaphore, #tpu.memory_space<semaphore_mem>>)
    %add3A_1356 = arith.constant 1 : i32
    %add3A_1357 = arith.addi %mul3A_2, %add3A_1356 : i32
    %dma_wait3A_1358 = arith.constant 448 : i32
    %dma_wait3A_1359 = arith.constant 0 : i32
    %dma_wait3A_1360 = tpu.memref_slice %arg4[%add3A_1357, %dma_wait3A_1358, %dma_wait3A_1359] : memref<64x512x512xf32, #tpu.memory_space<hbm>> -> memref<1x32x512xf32, #tpu.memory_space<hbm>>
    %dma_wait3A_1361 = tpu.memref_squeeze %dma_wait3A_1360 : memref<1x32x512xf32, #tpu.memory_space<hbm>> -> memref<32x512xf32, #tpu.memory_space<hbm>>
    %dma_wait3A_1362 = arith.constant 448 : i32
    %dma_wait3A_1363 = arith.constant 0 : i32
    %dma_wait3A_1364 = tpu.memref_slice %arg4[%add3A_1357, %dma_wait3A_1362, %dma_wait3A_1363] : memref<64x512x512xf32, #tpu.memory_space<hbm>> -> memref<1x32x512xf32, #tpu.memory_space<hbm>>
    %dma_wait3A_1365 = tpu.memref_squeeze %dma_wait3A_1364 : memref<1x32x512xf32, #tpu.memory_space<hbm>> -> memref<32x512xf32, #tpu.memory_space<hbm>>
    tpu.wait_dma2 semaphore(%arg12 : memref<!tpu.dma_semaphore, #tpu.memory_space<semaphore_mem>>) src(%arg8 : memref<32x512xf32, #tpu.memory_space<vmem>>) dst(%dma_wait3A_1365 : memref<32x512xf32, #tpu.memory_space<hbm>>)
    %add3A_1366 = arith.constant 1 : i32
    %add3A_1367 = arith.addi %mul3A_2, %add3A_1366 : i32
    %dma_wait3A_1368 = arith.constant 480 : i32
    %dma_wait3A_1369 = arith.constant 0 : i32
    %dma_wait3A_1370 = tpu.memref_slice %arg4[%add3A_1367, %dma_wait3A_1368, %dma_wait3A_1369] : memref<64x512x512xf32, #tpu.memory_space<hbm>> -> memref<1x32x512xf32, #tpu.memory_space<hbm>>
    %dma_wait3A_1371 = tpu.memref_squeeze %dma_wait3A_1370 : memref<1x32x512xf32, #tpu.memory_space<hbm>> -> memref<32x512xf32, #tpu.memory_space<hbm>>
    %dma_wait3A_1372 = arith.constant 480 : i32
    %dma_wait3A_1373 = arith.constant 0 : i32
    %dma_wait3A_1374 = tpu.memref_slice %arg4[%add3A_1367, %dma_wait3A_1372, %dma_wait3A_1373] : memref<64x512x512xf32, #tpu.memory_space<hbm>> -> memref<1x32x512xf32, #tpu.memory_space<hbm>>
    %dma_wait3A_1375 = tpu.memref_squeeze %dma_wait3A_1374 : memref<1x32x512xf32, #tpu.memory_space<hbm>> -> memref<32x512xf32, #tpu.memory_space<hbm>>
    tpu.wait_dma2 semaphore(%arg13 : memref<!tpu.dma_semaphore, #tpu.memory_space<semaphore_mem>>) src(%arg9 : memref<32x512xf32, #tpu.memory_space<vmem>>) dst(%dma_wait3A_1375 : memref<32x512xf32, #tpu.memory_space<hbm>>)
    return
  }
}

</mosaic_0001>

<sc_bundles>
// kernel: kernel.3.cloned.1.call-start
scs
__scs_entry_jumppad:
0x0: {  	(pc) =	sbr.rel $0x88, $3  }
0x1: {  	(tag) =	ssettag $0x0;
	lr =	simm.s32 $0x1  }
0x2: {  	[smem:$0x3F9F] =	sst lr;
	_ =	strace $0xD0000000  }
0x3: {  	_ = 	snop  }
0x4: {  	_ = 	snop  }
0x5: {  	_ = 	snop  }
0x6: {  	_ = 	snop  }
0x7: {  	_ = 	snop  }
__scs_overlays_trampoline_lowered:
0x8: {  	[smem:$0x3FAE] =	sst s0  }
0x9: {  	[smem:$0x3FAF] =	sst s1  }
0xa: {  	[smem:$0x3FB0] =	sst s2  }
0xb: {  	[smem:$0x3FB1] =	sst s3  }
0xc: {  	[smem:$0x3FB2] =	sst s4  }
0xd: {  	[smem:$0x3FB3] =	sst s5  }
0xe: {  	[smem:$0x3FB4] =	sst s6  }
0xf: {  	[smem:$0x3FB5] =	sst s7  }
0x10: {  	[smem:$0x3FB6] =	sst s8  }
0x11: {  	[smem:$0x3FB7] =	sst s9;
	s0 =	simm.s32 @!p0 $0x0  }
0x12: {  	s1 =	sld [smem:$0x3F9D];
	s0 =	simm.s32 @p0 $0x1  }
0x13: {  	[smem:$0x3FB8] =	sst s0;
	s0 =	simm.s32 @!p1 $0x0  }
0x14: {  	s2 =	sld [smem:$0x3F9C];
	s0 =	simm.s32 @p1 $0x1  }
0x15: {  	[smem:$0x3FB9] =	sst s0;
	s0 =	simm.s32 @!p2 $0x0  }
0x16: {  	s3 =	sld [smem:$0x3FDB];
	s0 =	simm.s32 @p2 $0x1  }
0x17: {  	s4 =	simm.s32 $0x1BF5;
	[smem:$0x3FBB] =	sst s0  }
0x18: {  	s0 =	sld [smem:$0x3F9E];
	_ =	swait.ge [sflag:s4], $0x0  }
0x19: {  	s7 =	sld [smem:$0x3F9F]  }
0x1a: {  	s8 =	sadd.s32 $0xFFFFE003, lr  }
0x1b: {  	s9 =	sadd.s32 $0xFFFFFEF7, lr;
	s5 =	simm.s32 $0xFFFFFFFF;
	p2 =	slt.u32 s8, $0xFFFFF086  }
0x1c: {  	p1 =	slt.u32 s9, $0xF7A;
	s5 =	simm.s32 @!p2 $0x0  }
0x1d: {  	s5 =	simm.s32 @p1 $0x1;
	p0 =	seq.s32 s7, s2  }
0x1e: {  	s7 =	smul.u32 @!p0 $0xF7A, s2;
	p2 =	seq.s32 @!p0 s5, $0x0  }
0x1f: {  	s9 =	smul.u32 $0xF7A, s1;
	s8 =	simm.s32 @!p0 $0x1BF5;
	p2 =	por !p2, p0  }
0x20: {  	[sflag:s8] =	ssyncset.s32 @!p0 $0xFFFFF086;
	s6 =	sadd.s32 @!p0 s3, s7;
	s7 =	simm.s32 @!p0 $0x108  }
0x21: {  	s3 =	sadd.s32 s3, s9;
	s6 =	sadd.s32 @!p0 $0x88, s6;
	s7 =	simm.s32 @p2 $0x1082  }
0x22: {  	[simem:s7], [sflag:s8] =	dma.local @!p0 [hbm:s6], $0xF7A  }
0x23: {  	s9 =	sor.u32 $0xD0000000, s2;
	s6 =	simm.s32 $0x108;
	_ =	swait.ge @!p0 [sflag:s8], $0x0  }
0x24: {  	s3 =	sadd.s32 $0x88, s3;
	s6 =	simm.s32 @!p1 $0x1082;
	[sflag:s4] =	ssyncset.s32 $0xFFFFF086  }
0x25: {  	[simem:s6], [sflag:s4] =	dma.local [hbm:s3], $0xF7A  }
0x26: {  	[smem:$0x3F9F] =	sst s1;
	(tag) =	ssettag s2;
	_ =	strace s9  }
0x27: {  	s1 =	sld [smem:$0x3FAF]  }
0x28: {  	s2 =	sld [smem:$0x3FB0]  }
0x29: {  	s4 =	sld [smem:$0x3FB2]  }
0x2a: {  	p0 =	seq.s32 s5, $0x0;
	s5 =	sld [smem:$0x3FB3]  }
0x2b: {  	s6 =	sld [smem:$0x3FB4]  }
0x2c: {  	s7 =	sld [smem:$0x3FB5]  }
0x2d: {  	s3 =	simm.s32 $0x108;
	s8 =	sld [smem:$0x3FB6]  }
0x2e: {  	s3 =	simm.s32 @!p0 $0x1082;
	s9 =	sld [smem:$0x3FB7]  }
0x2f: {  	lr =	sadd.s32 s0, s3;
	s0 =	sld [smem:$0x3FAE]  }
0x30: {  	s3 =	sld [smem:$0x3FB1]  }
0x31: {  	[smem:$0x3FBA] =	sst s10  }
0x32: {  	s10 =	sld [smem:$0x3FB8];
	_ =	sdelay $0x3  }
0x33: {  	p0 =	seq.s32 s10, $0x1;
	s10 =	sld [smem:$0x3FBA];
	_ =	sdelay $0x3  }
0x34: {  	[smem:$0x3FBA] =	sst s10  }
0x35: {  	s10 =	sld [smem:$0x3FB9];
	_ =	sdelay $0x3  }
0x36: {  	p1 =	seq.s32 s10, $0x1;
	s10 =	sld [smem:$0x3FBA];
	_ =	sdelay $0x3  }
0x37: {  	[smem:$0x3FBA] =	sst s10  }
0x38: {  	s10 =	sld [smem:$0x3FBB]  }
0x39: {  	_ = 	snop;
	(pc) =	sbr.ind lr, $3  }
0x3a: {  	_ = 	snop  }
0x3b: {  	_ = 	snop  }
0x3c: {  	p2 =	seq.s32 s10, $0x1;
	s10 =	sld [smem:$0x3FBA]  }
0x3d: {  	_ =	shalt  }
0x3e: {  	_ =	shalt  }
0x3f: {  	_ =	shalt  }
0x40: {  	_ =	shalt  }
0x41: {  	_ =	shalt  }
0x42: {  	_ =	shalt  }
0x43: {  	_ =	shalt  }
0x44: {  	_ =	shalt  }
0x45: {  	_ =	shalt  }
0x46: {  	_ =	shalt  }
0x47: {  	_ =	shalt  }
0x48: {  	_ =	shalt  }
0x49: {  	_ =	shalt  }
0x4a: {  	_ =	shalt  }
0x4b: {  	_ =	shalt  }
0x4c: {  	_ =	shalt  }
0x4d: {  	_ =	shalt  }
0x4e: {  	_ =	shalt  }
0x4f: {  	_ =	shalt  }
0x50: {  	_ =	shalt  }
0x51: {  	_ =	shalt  }
0x52: {  	_ =	shalt  }
0x53: {  	_ =	shalt  }
0x54: {  	_ =	shalt  }
0x55: {  	_ =	shalt  }
0x56: {  	_ =	shalt  }
0x57: {  	_ =	shalt  }
0x58: {  	_ =	shalt  }
0x59: {  	_ =	shalt  }
0x5a: {  	_ =	shalt  }
0x5b: {  	_ =	shalt  }
0x5c: {  	_ =	shalt  }
0x5d: {  	_ =	shalt  }
0x5e: {  	_ =	shalt  }
0x5f: {  	_ =	shalt  }
0x60: {  	_ =	shalt  }
0x61: {  	_ =	shalt  }
0x62: {  	_ =	shalt  }
0x63: {  	_ =	shalt  }
0x64: {  	_ =	shalt  }
0x65: {  	_ =	shalt  }
0x66: {  	_ =	shalt  }
0x67: {  	_ =	shalt  }
0x68: {  	_ =	shalt  }
0x69: {  	_ =	shalt  }
0x6a: {  	_ =	shalt  }
0x6b: {  	_ =	shalt  }
0x6c: {  	_ =	shalt  }
0x6d: {  	_ =	shalt  }
0x6e: {  	_ =	shalt  }
0x6f: {  	_ =	shalt  }
0x70: {  	_ =	shalt  }
0x71: {  	_ =	shalt  }
0x72: {  	_ =	shalt  }
0x73: {  	_ =	shalt  }
0x74: {  	_ =	shalt  }
0x75: {  	_ =	shalt  }
0x76: {  	_ =	shalt  }
0x77: {  	_ =	shalt  }
0x78: {  	_ =	shalt  }
0x79: {  	_ =	shalt  }
0x7a: {  	_ =	shalt  }
0x7b: {  	_ =	shalt  }
0x7c: {  	_ =	shalt  }
0x7d: {  	_ =	shalt  }
0x7e: {  	_ =	shalt  }
0x7f: {  	_ =	shalt  }
0x80: {  	_ =	shalt  }
0x81: {  	_ =	shalt  }
0x82: {  	_ =	shalt  }
0x83: {  	_ =	shalt  }
0x84: {  	_ =	shalt  }
0x85: {  	_ =	shalt  }
0x86: {  	_ =	shalt  }
0x87: {  	_ =	shalt  }
.Lfunc_end0:
.L_simem_size_0:
called_computation_lowered:
.L_overlay_start_0:
0x88: {  	s2 =	sld [smem:$0x3FD9]  }
0x89: {  	s3 =	sld [smem:$0x3FFE];
	_ =	sdelay $0x1  }
0x8a: {  	s1 =	srdreg.scid  }
0x8b: {  	s0 =	sand.u32 $0x1, s1  }
0x8c: {  	s18 =	sshll.u32 s0, $0xA;
	s2 =	sadd.s32 s3, s2  }
0x8d: {  	s2 =	sadd.s32 s2, s18  }
0x8e: {  	[smem:$0x3FC6] =	sst s2  }
0x8f: {  	_ = 	snop  }
0x90: {  	s2 =	sld [smem:$0x3FC9]  }
0x91: {  	s19 =	sld [smem:$0x3FC8]  }
0x92: {  	s4 =	sld [smem:$0x3FD0];
	(tm) =	ssettm $0x1  }
0x93: {  	s5 =	sld [smem:$0x3FFB];
	_ =	sdelay $0x3  }
0x94: {  	_ =	strace s5  }
0x95: {  	s5 =	sld [smem:$0x3FFC];
	_ =	sdelay $0x3  }
0x96: {  	_ =	strace s5  }
0x97: {  	s5 =	sld [smem:$0x3FFD];
	_ =	sdelay $0x3  }
0x98: {  	_ =	strace s5  }
0x99: {  	_ =	strace $0x8FFFFFFF  }
0x9a: {  	s20 =	sld [smem:$0x3FDB];
	_ =	sdelay $0x1  }
0x9b: {  	s6 =	simm.s32 $_scs_section_size  }
0x9c: {  	s7 =	simm.s32 $_size__tile_overlayer_lowered;
	s8 =	simm.s32 $_tile_overlayer_lowered  }
0x9d: {  	s23 =	simm.s32 $0x1BFF;
	s22 =	sshll.u32 s8, $0x1;
	s5 =	sadd.s32 s6, s20  }
0x9e: {  	s9 =	simm.s32 $0x0;
	s21 =	sshll.u32 s7, $0x1;
	s7 =	sadd.s32 s22, s5  }
0x9f: {  	[timem:s9], [sflag:s23] =	dma.local [hbm:s7], s21  }
0xa0: {  	_ =	swait.ge [sflag:s23], s21  }
0xa1: {  	s6 =	ssub.s32 $0x0, s21;
	[sflag:s23] =	ssyncset.done $0x0  }
0xa2: {  	[sflag:s23] =	ssyncadd.s32 s6;
	_ =	sdelay $0x1  }
0xa3: {  	s24 =	simm.s32 $0x1B8B  }
0xa4: {  	_ =	swait.ge [sflag:s24], $0x1  }
0xa5: {  	[sflag:s24] =	ssyncset.done $0x0  }
0xa6: {  	s25 =	simm.s32 $0x1B8E;
	[sflag:s24] =	ssyncadd.s32 $0xFFFFFFFF  }
0xa7: {  	s26 =	simm.s32 $execute0_lowered;
	[smem:$0x3FD2] =	sst s25  }
0xa8: {  	s6 =	sshll.u32 s26, $0x1;
	_ =	strace $0x80000046;
	[dreg:$0x1] =	wrdreg $0xFFFFFFFF  }
0xa9: {  	s28 =	simm.s32 $_size_execute0_lowered;
	s5 =	sadd.s32 s5, s6;
	[dreg:$0x0] =	wrdreg $0x0  }
0xaa: {  	s6 =	sshll.u32 s28, $0x1;
	[dreg:$0x2] =	wrdreg s5  }
0xab: {  	[dreg:$0x3] =	wrdreg s6  }
0xac: {  	[dreg:$0x4] =	wrdreg $0xC0  }
0xad: {  	_ =	task [dreg:s9], $0x5FFFF  }
0xae: {  	[dreg:$0x1] =	wrdreg $0xFFFFFFFF  }
0xaf: {  	[dreg:$0x0] =	wrdreg $0x60  }
0xb0: {  	[dreg:$0x2] =	wrdreg s2  }
0xb1: {  	[dreg:$0x3] =	wrdreg s19  }
0xb2: {  	[dreg:$0x4] =	wrdreg s4  }
0xb3: {  	[dreg:$0x5] =	wrdreg $0x9  }
0xb4: {  	_ =	task.clear_ibuf [dreg:s9], $0x6FFFF;
	_ =	strace $0x90000046  }
0xb5: {  	s29 =	simm.s32 $0x9;
	_ =	strace $0x80000048  }
0xb6: {  	_ =	swait.ge [sflag:s29], $0x1  }
0xb7: {  	[sflag:s29] =	ssyncadd.s32 $0xFFFFFFFF  }
0xb8: {  	_ =	strace $0x90000048  }
0xb9: {  	_ =	sfence  }
0xba: {  	s30 =	sld [smem:$0x0];
	_ =	sdelay $0x2  }
0xbb: {  	s31 =	sshll.u32 s1, $0xD;
	s1 =	sshrl.u32 s1, $0x2  }
0xbc: {  	s3 =	sand.u32 $0x4000, s31;
	s1 =	sadd.s32 s1, s30  }
0xbd: {  	s0 =	sor.u32 s3, s0;
	s1 =	sshll.u32 s1, $0x11  }
0xbe: {  	s0 =	sor.u32 s1, s0  }
0xbf: {  	s0 =	sadd.s32 $0x8F2B, s0  }
0xc0: {  	[sflag:s0] =	ssyncadd.remote.s32 $0x1  }
0xc1: {  	_ =	sfence.sel $0xFFFF  }
0xc2: {  	[dreg:$0x0] =	wrdreg $0xFFFFFFFF;
	(pc) =	sbr.abs _section_cstart, $3  }
0xc3: {  	[dreg:$0x1] =	wrdreg $0xFFFFFFFF  }
0xc4: {  	_ =	task.clear_ibuf [dreg:s9], $0x2FFFF;
	_ =	strace $0x9FFFFFFF  }
0xc5: {  	(tm) =	ssettm $0x7FFFFFFF  }
tec
execute0_lowered:
.L_overlay_start_1:
0x0: {  	(tag) =	ssettag $0x1  }
0x1: {  	s0 =	srdreg.scid  }
0x2: {  	s2 =	stileid.u32;
	s0 =	sand.u32 $0x1, s0  }
0x3: {  	s2 =	sshll.u32 s2, $0x11;
	s4 =	sshll.u32 s0, $0x10  }
0x4: {  	s3 =	rddreg [dreg:$0x1];
	s2 =	sor.u32 s4, s2  }
0x5: {  	s5 =	rddreg [dreg:$0x2];
	s1 =	simm.s32 $0x0;
	s7 =	sor.u32 $0x800, s2  }
0x6: {  	[smem:$0x7FF] =	sst s1;
	s8 =	sor.u32 $0x1000, s2;
	s24 =	sadd.s32 s3, s7  }
0x7: {  	s0 =	ssub.s32 $0x2, s0;
	s25 =	sadd.s32 s3, s8;
	[dreg:$0x4] =	wrdreg s24  }
0x8: {  	s4 =	sor.u32 $0x1800, s2;
	s26 =	sadd.s32 s5, s7;
	[dreg:$0x5] =	wrdreg s25  }
0x9: {  	s23 =	sshrl.u32 s0, $0x1;
	s10 =	sadd.s32 s3, s4;
	[dreg:$0x6] =	wrdreg s26  }
0xa: {  	s9 =	sor.u32 $0x2000, s2;
	s11 =	sadd.s32 s5, s8;
	[dreg:$0x7] =	wrdreg s10  }
0xb: {  	s6 =	ssub.s32 s0, s23;
	s12 =	sadd.s32 s3, s9;
	[dreg:$0x8] =	wrdreg s11  }
0xc: {  	s13 =	sor.u32 $0x2800, s2;
	s0 =	sadd.s32 s5, s4;
	[dreg:$0x9] =	wrdreg s12  }
0xd: {  	s15 =	sadd.s32 s3, s13;
	[dreg:$0xa] =	wrdreg s0  }
0xe: {  	s14 =	sor.u32 $0x3000, s2;
	s4 =	sadd.s32 s5, s9;
	[dreg:$0xb] =	wrdreg s15  }
0xf: {  	s17 =	sor.u32 $0x3800, s2;
	s16 =	sadd.s32 s3, s14;
	[dreg:$0xc] =	wrdreg s4  }
0x10: {  	s19 =	sadd.s32 s3, s17;
	[dreg:$0xd] =	wrdreg s16  }
0x11: {  	s18 =	sor.u32 $0x4000, s2;
	s7 =	sadd.s32 s5, s14;
	[dreg:$0xf] =	wrdreg s19  }
0x12: {  	s21 =	sor.u32 $0x4800, s2;
	s20 =	sadd.s32 s3, s18;
	[dreg:$0x10] =	wrdreg s7  }
0x13: {  	s23 =	sadd.s32 s3, s21;
	[dreg:$0x11] =	wrdreg s20  }
0x14: {  	s0 =	sadd.s32 s5, s13;
	[dreg:$0x13] =	wrdreg s23  }
0x15: {  	s22 =	sor.u32 $0x5000, s2;
	s4 =	sadd.s32 s5, s18;
	[dreg:$0xe] =	wrdreg s0  }
0x16: {  	s31 =	sadd.s32 s3, s2;
	s24 =	sadd.s32 s3, s22;
	[dreg:$0x14] =	wrdreg s4  }
0x17: {  	s8 =	sor.u32 $0x6000, s2;
	s25 =	sadd.s32 s5, s22;
	[dreg:$0x15] =	wrdreg s24  }
0x18: {  	s14 =	sor.u32 $0x7800, s2;
	s9 =	sadd.s32 s3, s8;
	[dreg:$0x17] =	wrdreg s25  }
0x19: {  	s6 =	smax.u32 s6, $0x1;
	s15 =	sadd.s32 s3, s14;
	[dreg:$0x1a] =	wrdreg s9  }
0x1a: {  	s26 =	sor.u32 $0x5800, s2;
	s0 =	sadd.s32 s5, s17;
	[smem:$0x7E7] =	sst s15  }
0x1b: {  	s10 =	sor.u32 $0x6800, s2;
	s7 =	sadd.s32 s3, s26;
	[dreg:$0x12] =	wrdreg s0  }
0x1c: {  	s12 =	sor.u32 $0x7000, s2;
	s11 =	sadd.s32 s3, s10;
	[dreg:$0x18] =	wrdreg s7  }
0x1d: {  	s16 =	sor.u32 $0x8000, s2;
	s13 =	sadd.s32 s3, s12;
	[dreg:$0x1c] =	wrdreg s11  }
0x1e: {  	s18 =	sor.u32 $0x8800, s2;
	s17 =	sadd.s32 s3, s16;
	[dreg:$0x1e] =	wrdreg s13  }
0x1f: {  	s22 =	sor.u32 $0x9800, s2;
	s19 =	sadd.s32 s3, s18;
	[smem:$0x7E9] =	sst s17  }
0x20: {  	s20 =	sor.u32 $0x9000, s2;
	s23 =	sadd.s32 s3, s22;
	[smem:$0x7EB] =	sst s19  }
0x21: {  	s24 =	sor.u32 $0xA000, s2;
	s0 =	sadd.s32 s5, s21;
	[smem:$0x7EF] =	sst s23  }
0x22: {  	s21 =	sadd.s32 s3, s20;
	s25 =	sadd.s32 s3, s24;
	[dreg:$0x16] =	wrdreg s0  }
0x23: {  	s19 =	sor.u32 $0xE000, s2;
	s0 =	sadd.s32 s5, s26;
	[smem:$0x7ED] =	sst s21  }
0x24: {  	[smem:$0x7F1] =	sst s25;
	s26 =	sor.u32 $0xA800, s2;
	s28 =	sadd.s32 s5, s19  }
0x25: {  	s21 =	sor.u32 $0xF000, s2;
	[dreg:$0x19] =	wrdreg s0;
	s0 =	sadd.s32 s5, s8  }
0x26: {  	s7 =	sadd.s32 s3, s26;
	s8 =	sor.u32 $0xB000, s2;
	[dreg:$0x1b] =	wrdreg s0  }
0x27: {  	s4 =	sadd.s32 s5, s21;
	s0 =	sadd.s32 s5, s10;
	[smem:$0x7F3] =	sst s7  }
0x28: {  	s9 =	sadd.s32 s3, s8;
	s10 =	sor.u32 $0xB800, s2;
	[dreg:$0x1d] =	wrdreg s0  }
0x29: {  	s7 =	simm.s32 $0x5;
	s0 =	sadd.s32 s5, s12;
	[smem:$0x7F5] =	sst s9  }
0x2a: {  	s11 =	sadd.s32 s3, s10;
	s12 =	sor.u32 $0xC000, s2;
	[dreg:$0x1f] =	wrdreg s0  }
0x2b: {  	s9 =	simm.s32 $0x4100;
	s0 =	sadd.s32 s5, s14;
	[smem:$0x7F7] =	sst s11  }
0x2c: {  	s13 =	sadd.s32 s3, s12;
	s14 =	sor.u32 $0xC800, s2;
	[smem:$0x7E8] =	sst s0  }
0x2d: {  	s11 =	simm.s32 $0x8100;
	s0 =	sadd.s32 s5, s16;
	[smem:$0x7F9] =	sst s13  }
0x2e: {  	s15 =	sadd.s32 s3, s14;
	s16 =	sor.u32 $0xD000, s2;
	[smem:$0x7EA] =	sst s0  }
0x2f: {  	s13 =	simm.s32 $0xC100;
	s0 =	sadd.s32 s5, s18;
	[smem:$0x7FB] =	sst s15  }
0x30: {  	s17 =	sadd.s32 s3, s16;
	s23 =	sadd.s32 s5, s16;
	s18 =	sor.u32 $0xD800, s2  }
0x31: {  	s15 =	simm.s32 $0x4;
	s16 =	simm.s32 $0x0;
	[smem:$0x7EC] =	sst s0  }
0x32: {  	s0 =	sadd.s32 s5, s20;
	[smem:$0x7FD] =	sst s17;
	s25 =	sadd.s32 s5, s18  }
0x33: {  	s20 =	sor.u32 $0xE800, s2;
	[smem:$0x7EE] =	sst s0;
	s0 =	sadd.s32 s5, s22  }
0x34: {  	s29 =	sadd.s32 s3, s20;
	s30 =	sadd.s32 s5, s20;
	s22 =	sor.u32 $0xF800, s2  }
0x35: {  	[smem:$0x7F0] =	sst s0;
	s0 =	sadd.s32 s5, s24;
	s24 =	sadd.s32 s3, s18  }
0x36: {  	[smem:$0x7F2] =	sst s0;
	s0 =	sadd.s32 s5, s26;
	s26 =	sadd.s32 s3, s19  }
0x37: {  	[smem:$0x7F4] =	sst s0;
	s0 =	sadd.s32 s5, s8;
	s8 =	simm.s32 $0x100  }
0x38: {  	[smem:$0x7F6] =	sst s0;
	s0 =	sadd.s32 s5, s10;
	s10 =	simm.s32 $0x1  }
0x39: {  	[smem:$0x7F8] =	sst s0;
	s0 =	sadd.s32 s5, s12;
	s12 =	simm.s32 $0x2  }
0x3a: {  	[smem:$0x7FA] =	sst s0;
	s0 =	sadd.s32 s5, s14;
	s14 =	simm.s32 $0x3  }
0x3b: {  	[smem:$0x7FC] =	sst s0;
	s0 =	sadd.s32 s5, s2;
	s2 =	sadd.s32 s3, s21  }
0x3c: {  	s3 =	sadd.s32 s3, s22;
	s5 =	sadd.s32 s5, s22;
	_ =	strace $0x80000047  }
.LBB2_1:
0x3d: {  	s17 =	rddreg [dreg:$0x0]  }
0x3e: {  	[tilespmem:s1], [sflag:$0x5] =	stream.linear.gather [hbm4b:s17+s1], $0x100, $0x38;
	[tilespmem:$0x10100] =	vst v63  }
0x3f: {  	_ =	swait.ge [sflag:s7], $0x100  }
0x40: {  	[sflag:s7] =	ssyncset.done $0x0  }
0x41: {  	[sflag:s7] =	ssyncadd.s32 $0xFFFFFF00  }
0x42: {  	[tilespmem:s8], [sflag:$0x1] =	stream.linear.gather [hbm4b:s31+s1], $0x4000, $0x38;
	[tilespmem:$0x10100] =	vst v63  }
0x43: {  	s18 =	simm.s32 $0x0;
	s20 =	rddreg [dreg:$0x4]  }
0x44: {  	[tilespmem:s9], [sflag:$0x2] =	stream.linear.gather [hbm4b:s20+s1], $0x4000, $0x38;
	[tilespmem:$0x10100] =	vst v63  }
0x45: {  	s19 =	sand.u32 $0xC00, s1;
	s21 =	sand.u32 $0x3000, s18;
	_ =	swait.ge [sflag:s10], $0x4000  }
0x46: {  	s22 =	sand.u32 $0x380, s1;
	s17 =	sor.u32 s21, s19;
	[sflag:s10] =	ssyncset.done $0x0  }
0x47: {  	s17 =	sor.u32 s22, s17;
	[sflag:s10] =	ssyncadd.s32 $0xFFFFC000  }
0x48: {  	v2 =	vld [tilespmem:s17+$0x170]  }
0x49: {  	v3 =	vld [tilespmem:s17+$0x100]  }
0x4a: {  	v8 =	vld [tilespmem:s17+$0x110]  }
0x4b: {  	v9 =	vld [tilespmem:s17+$0x120]  }
0x4c: {  	v6 =	vld [tilespmem:s17+$0x130]  }
0x4d: {  	v4 =	vld [tilespmem:s17+$0x140]  }
0x4e: {  	v1 =	vld [tilespmem:s17+$0x150]  }
0x4f: {  	v0 =	vld [tilespmem:s17+$0x160]  }
0x50: {  	v7 =	vld.idx.msk [tilespmem:v2+s1+$0x0], $0xffff  }
0x51: {  	v5 =	vld.idx.msk [tilespmem:v3+s1+$0x0], $0xffff  }
0x52: {  	v3 =	vld.idx.msk [tilespmem:v8+s1+$0x0], $0xffff  }
0x53: {  	s19 =	simm.s32 $0x0;
	s20 =	simm.s32 $0x0;
	v2 =	vld.idx.msk [tilespmem:v9+s1+$0x0], $0xffff  }
.LBB2_2:
0x54: {  	s18 =	sadd.s32 $0x80, s18;
	v6 =	vld.idx.msk [tilespmem:v6+s1+$0x0], $0xffff;
	s19 =	sadd.s32 $0x400, s19  }
0x55: {  	s20 =	sadd.s32 $0x20, s20;
	s21 =	sand.u32 $0x3000, s18;
	s22 =	sand.u32 $0xC00, s19;
	v4 =	vld.idx.msk [tilespmem:v4+s1+$0x0], $0xffff  }
0x56: {  	p0 =	slt.u32 s18, $0x3F80;
	s21 =	sor.u32 s21, s22;
	s22 =	sand.u32 $0x380, s20;
	v1 =	vld.idx.msk [tilespmem:v1+s1+$0x0], $0xffff;
	[tilespmem:s17+$0x8170] =	vst v7  }
0x57: {  	s21 =	sor.u32 s22, s21;
	[tilespmem:s17+$0x8100] =	vst v5;
	v0 =	vld.idx.msk [tilespmem:v0+s1+$0x0], $0xffff  }
0x58: {  	v5 =	vld [tilespmem:s21+$0x170];
	[tilespmem:s17+$0x8110] =	vst v3  }
0x59: {  	v3 =	vld [tilespmem:s21+$0x100];
	[tilespmem:s17+$0x8120] =	vst v2  }
0x5a: {  	v2 =	vld [tilespmem:s21+$0x110];
	[tilespmem:s17+$0x8130] =	vst v6  }
0x5b: {  	v8 =	vld [tilespmem:s21+$0x120];
	[tilespmem:s17+$0x8140] =	vst v4  }
0x5c: {  	v6 =	vld [tilespmem:s21+$0x130];
	[tilespmem:s17+$0x8150] =	vst v1  }
0x5d: {  	v4 =	vld [tilespmem:s21+$0x140];
	[tilespmem:s17+$0x8160] =	vst v0;
	s17 =	smov.u32 s21  }
0x5e: {  	v1 =	vld [tilespmem:s17+$0x150]  }
.Ltmp0:
0x5f: {  	v0 =	vld [tilespmem:s17+$0x160];
	(pc) =	sbr.rel @p0 .LBB2_2-.Ltmp0, $4  }
0x60: {  	v7 =	vld.idx.msk [tilespmem:v5+s1+$0x0], $0xffff  }
0x61: {  	v5 =	vld.idx.msk [tilespmem:v3+s1+$0x0], $0xffff  }
0x62: {  	v3 =	vld.idx.msk [tilespmem:v2+s1+$0x0], $0xffff  }
0x63: {  	v2 =	vld.idx.msk [tilespmem:v8+s1+$0x0], $0xffff  }
0x64: {  	_ =	sdelay $0x3  }
0x65: {  	v6 =	vld.idx.msk [tilespmem:v6+s1+$0x0], $0xffff  }
0x66: {  	v4 =	vld.idx.msk [tilespmem:v4+s1+$0x0], $0xffff;
	[tilespmem:s17+$0x8170] =	vst v7  }
0x67: {  	v1 =	vld.idx.msk [tilespmem:v1+s1+$0x0], $0xffff;
	[tilespmem:s17+$0x8100] =	vst v5  }
0x68: {  	v0 =	vld.idx.msk [tilespmem:v0+s1+$0x0], $0xffff;
	[tilespmem:s17+$0x8110] =	vst v3  }
0x69: {  	[tilespmem:s17+$0x8120] =	vst v2  }
0x6a: {  	[tilespmem:s17+$0x8130] =	vst v6  }
0x6b: {  	[tilespmem:s17+$0x8140] =	vst v4  }
0x6c: {  	[tilespmem:s17+$0x8150] =	vst v1  }
0x6d: {  	s18 =	simm.s32 $0x0;
	[tilespmem:s17+$0x8160] =	vst v0  }
0x6e: {  	[hbm4b:s0+s18] =	stream.linear.scatter [tilespmem:s11], [sflag:$0x3], $0x4000, $0x38;
	[tilespmem:$0x10100] =	vst v63  }
0x6f: {  	s19 =	simm.s32 $0x0;
	s17 =	rddreg [dreg:$0x5]  }
0x70: {  	[tilespmem:s8], [sflag:$0x1] =	stream.linear.gather [hbm4b:s17+s18], $0x4000, $0x38;
	[tilespmem:$0x10100] =	vst v63  }
0x71: {  	s21 =	sand.u32 $0x3000, s19;
	s20 =	sand.u32 $0xC00, s18;
	_ =	swait.ge [sflag:s12], $0x4000  }
0x72: {  	s22 =	sand.u32 $0x380, s18;
	s17 =	sor.u32 s21, s20;
	[sflag:s12] =	ssyncset.done $0x0  }
0x73: {  	s17 =	sor.u32 s22, s17;
	[sflag:s12] =	ssyncadd.s32 $0xFFFFC000  }
0x74: {  	v2 =	vld [tilespmem:s17+$0x4170]  }
0x75: {  	v3 =	vld [tilespmem:s17+$0x4100]  }
0x76: {  	v8 =	vld [tilespmem:s17+$0x4110]  }
0x77: {  	v9 =	vld [tilespmem:s17+$0x4120]  }
0x78: {  	v6 =	vld [tilespmem:s17+$0x4130]  }
0x79: {  	v4 =	vld [tilespmem:s17+$0x4140]  }
0x7a: {  	v1 =	vld [tilespmem:s17+$0x4150]  }
0x7b: {  	v0 =	vld [tilespmem:s17+$0x4160]  }
0x7c: {  	v7 =	vld.idx.msk [tilespmem:v2+s1+$0x0], $0xffff  }
0x7d: {  	v5 =	vld.idx.msk [tilespmem:v3+s1+$0x0], $0xffff  }
0x7e: {  	v3 =	vld.idx.msk [tilespmem:v8+s1+$0x0], $0xffff  }
0x7f: {  	s20 =	simm.s32 $0x0;
	v2 =	vld.idx.msk [tilespmem:v9+s1+$0x0], $0xffff  }
.LBB2_4:
0x80: {  	s19 =	sadd.s32 $0x80, s19;
	v6 =	vld.idx.msk [tilespmem:v6+s1+$0x0], $0xffff;
	s18 =	sadd.s32 $0x400, s18  }
0x81: {  	s20 =	sadd.s32 $0x20, s20;
	s21 =	sand.u32 $0x3000, s19;
	s22 =	sand.u32 $0xC00, s18;
	v4 =	vld.idx.msk [tilespmem:v4+s1+$0x0], $0xffff  }
0x82: {  	p0 =	slt.u32 s19, $0x3F80;
	s21 =	sor.u32 s21, s22;
	s22 =	sand.u32 $0x380, s20;
	v1 =	vld.idx.msk [tilespmem:v1+s1+$0x0], $0xffff;
	[tilespmem:s17+$0xC170] =	vst v7  }
0x83: {  	s21 =	sor.u32 s22, s21;
	[tilespmem:s17+$0xC100] =	vst v5;
	v0 =	vld.idx.msk [tilespmem:v0+s1+$0x0], $0xffff  }
0x84: {  	v5 =	vld [tilespmem:s21+$0x4170];
	[tilespmem:s17+$0xC110] =	vst v3  }
0x85: {  	v3 =	vld [tilespmem:s21+$0x4100];
	[tilespmem:s17+$0xC120] =	vst v2  }
0x86: {  	v2 =	vld [tilespmem:s21+$0x4110];
	[tilespmem:s17+$0xC130] =	vst v6  }
0x87: {  	v8 =	vld [tilespmem:s21+$0x4120];
	[tilespmem:s17+$0xC140] =	vst v4  }
0x88: {  	v6 =	vld [tilespmem:s21+$0x4130];
	[tilespmem:s17+$0xC150] =	vst v1  }
0x89: {  	v4 =	vld [tilespmem:s21+$0x4140];
	[tilespmem:s17+$0xC160] =	vst v0;
	s17 =	smov.u32 s21  }
0x8a: {  	v1 =	vld [tilespmem:s17+$0x4150]  }
.Ltmp1:
0x8b: {  	v0 =	vld [tilespmem:s17+$0x4160];
	(pc) =	sbr.rel @p0 .LBB2_4-.Ltmp1, $4  }
0x8c: {  	v7 =	vld.idx.msk [tilespmem:v5+s1+$0x0], $0xffff  }
0x8d: {  	v5 =	vld.idx.msk [tilespmem:v3+s1+$0x0], $0xffff  }
0x8e: {  	v3 =	vld.idx.msk [tilespmem:v2+s1+$0x0], $0xffff  }
0x8f: {  	v2 =	vld.idx.msk [tilespmem:v8+s1+$0x0], $0xffff  }
0x90: {  	_ =	sdelay $0x3  }
0x91: {  	v6 =	vld.idx.msk [tilespmem:v6+s1+$0x0], $0xffff  }
0x92: {  	v4 =	vld.idx.msk [tilespmem:v4+s1+$0x0], $0xffff;
	[tilespmem:s17+$0xC170] =	vst v7  }
0x93: {  	v1 =	vld.idx.msk [tilespmem:v1+s1+$0x0], $0xffff;
	[tilespmem:s17+$0xC100] =	vst v5  }
0x94: {  	v0 =	vld.idx.msk [tilespmem:v0+s1+$0x0], $0xffff;
	[tilespmem:s17+$0xC110] =	vst v3  }
0x95: {  	[tilespmem:s17+$0xC120] =	vst v2  }
0x96: {  	[tilespmem:s17+$0xC130] =	vst v6  }
0x97: {  	[tilespmem:s17+$0xC140] =	vst v4  }
0x98: {  	[tilespmem:s17+$0xC150] =	vst v1  }
0x99: {  	[tilespmem:s17+$0xC160] =	vst v0  }
0x9a: {  	s17 =	simm.s32 $0x0;
	s18 =	rddreg [dreg:$0x6]  }
0x9b: {  	[hbm4b:s18+s17] =	stream.linear.scatter [tilespmem:s13], [sflag:$0x4], $0x4000, $0x38;
	[tilespmem:$0x10100] =	vst v63  }
0x9c: {  	s20 =	rddreg [dreg:$0x7]  }
0x9d: {  	[tilespmem:s9], [sflag:$0x2] =	stream.linear.gather [hbm4b:s20+s17], $0x4000, $0x38;
	[tilespmem:$0x10100] =	vst v63  }
0x9e: {  	_ =	swait.ge [sflag:s10], $0x4000  }
0x9f: {  	[sflag:s10] =	ssyncset.done $0x0  }
0xa0: {  	s19 =	simm.s32 $0x0;
	[sflag:s10] =	ssyncadd.s32 $0xFFFFC000  }
0xa1: {  	s21 =	sand.u32 $0x3000, s19;
	s20 =	sand.u32 $0xC00, s17;
	_ =	swait.ge [sflag:s14], $0x4000  }
0xa2: {  	s22 =	sand.u32 $0x380, s17;
	s18 =	sor.u32 s21, s20;
	[sflag:s14] =	ssyncset.done $0x0  }
0xa3: {  	s18 =	sor.u32 s22, s18;
	[sflag:s14] =	ssyncadd.s32 $0xFFFFC000  }
0xa4: {  	v2 =	vld [tilespmem:s18+$0x170]  }
0xa5: {  	v3 =	vld [tilespmem:s18+$0x100]  }
0xa6: {  	v8 =	vld [tilespmem:s18+$0x110]  }
0xa7: {  	v9 =	vld [tilespmem:s18+$0x120]  }
0xa8: {  	v6 =	vld [tilespmem:s18+$0x130]  }
0xa9: {  	v4 =	vld [tilespmem:s18+$0x140]  }
0xaa: {  	v1 =	vld [tilespmem:s18+$0x150]  }
0xab: {  	v0 =	vld [tilespmem:s18+$0x160]  }
0xac: {  	v7 =	vld.idx.msk [tilespmem:v2+s1+$0x0], $0xffff  }
0xad: {  	v5 =	vld.idx.msk [tilespmem:v3+s1+$0x0], $0xffff  }
0xae: {  	v3 =	vld.idx.msk [tilespmem:v8+s1+$0x0], $0xffff  }
0xaf: {  	s20 =	simm.s32 $0x0;
	v2 =	vld.idx.msk [tilespmem:v9+s1+$0x0], $0xffff  }
.LBB2_6:
0xb0: {  	s19 =	sadd.s32 $0x80, s19;
	v6 =	vld.idx.msk [tilespmem:v6+s1+$0x0], $0xffff;
	s17 =	sadd.s32 $0x400, s17  }
0xb1: {  	s20 =	sadd.s32 $0x20, s20;
	s21 =	sand.u32 $0x3000, s19;
	s22 =	sand.u32 $0xC00, s17;
	v4 =	vld.idx.msk [tilespmem:v4+s1+$0x0], $0xffff  }
0xb2: {  	p0 =	slt.u32 s19, $0x3F80;
	s21 =	sor.u32 s21, s22;
	s22 =	sand.u32 $0x380, s20;
	v1 =	vld.idx.msk [tilespmem:v1+s1+$0x0], $0xffff;
	[tilespmem:s18+$0x8170] =	vst v7  }
0xb3: {  	s21 =	sor.u32 s22, s21;
	[tilespmem:s18+$0x8100] =	vst v5;
	v0 =	vld.idx.msk [tilespmem:v0+s1+$0x0], $0xffff  }
0xb4: {  	v5 =	vld [tilespmem:s21+$0x170];
	[tilespmem:s18+$0x8110] =	vst v3  }
0xb5: {  	v3 =	vld [tilespmem:s21+$0x100];
	[tilespmem:s18+$0x8120] =	vst v2  }
0xb6: {  	v2 =	vld [tilespmem:s21+$0x110];
	[tilespmem:s18+$0x8130] =	vst v6  }
0xb7: {  	v8 =	vld [tilespmem:s21+$0x120];
	[tilespmem:s18+$0x8140] =	vst v4  }
0xb8: {  	v6 =	vld [tilespmem:s21+$0x130];
	[tilespmem:s18+$0x8150] =	vst v1  }
0xb9: {  	v4 =	vld [tilespmem:s21+$0x140];
	[tilespmem:s18+$0x8160] =	vst v0;
	s18 =	smov.u32 s21  }
0xba: {  	v1 =	vld [tilespmem:s18+$0x150]  }
.Ltmp2:
0xbb: {  	v0 =	vld [tilespmem:s18+$0x160];
	(pc) =	sbr.rel @p0 .LBB2_6-.Ltmp2, $4  }
0xbc: {  	v7 =	vld.idx.msk [tilespmem:v5+s1+$0x0], $0xffff  }
0xbd: {  	v5 =	vld.idx.msk [tilespmem:v3+s1+$0x0], $0xffff  }
0xbe: {  	v3 =	vld.idx.msk [tilespmem:v2+s1+$0x0], $0xffff  }
0xbf: {  	v2 =	vld.idx.msk [tilespmem:v8+s1+$0x0], $0xffff  }
0xc0: {  	_ =	sdelay $0x3  }
0xc1: {  	v6 =	vld.idx.msk [tilespmem:v6+s1+$0x0], $0xffff  }
0xc2: {  	v4 =	vld.idx.msk [tilespmem:v4+s1+$0x0], $0xffff;
	[tilespmem:s18+$0x8170] =	vst v7  }
0xc3: {  	v1 =	vld.idx.msk [tilespmem:v1+s1+$0x0], $0xffff;
	[tilespmem:s18+$0x8100] =	vst v5  }
0xc4: {  	v0 =	vld.idx.msk [tilespmem:v0+s1+$0x0], $0xffff;
	[tilespmem:s18+$0x8110] =	vst v3  }
0xc5: {  	[tilespmem:s18+$0x8120] =	vst v2  }
0xc6: {  	[tilespmem:s18+$0x8130] =	vst v6  }
0xc7: {  	[tilespmem:s18+$0x8140] =	vst v4  }
0xc8: {  	[tilespmem:s18+$0x8150] =	vst v1  }
0xc9: {  	[tilespmem:s18+$0x8160] =	vst v0  }
0xca: {  	s17 =	simm.s32 $0x0;
	s18 =	rddreg [dreg:$0x8]  }
0xcb: {  	[hbm4b:s18+s17] =	stream.linear.scatter [tilespmem:s11], [sflag:$0x3], $0x4000, $0x38;
	[tilespmem:$0x10100] =	vst v63  }
0xcc: {  	s20 =	rddreg [dreg:$0x9]  }
0xcd: {  	[tilespmem:s8], [sflag:$0x1] =	stream.linear.gather [hbm4b:s20+s17], $0x4000, $0x38;
	[tilespmem:$0x10100] =	vst v63  }
0xce: {  	_ =	swait.ge [sflag:s12], $0x4000  }
0xcf: {  	[sflag:s12] =	ssyncset.done $0x0  }
0xd0: {  	s19 =	simm.s32 $0x0;
	[sflag:s12] =	ssyncadd.s32 $0xFFFFC000  }
0xd1: {  	s21 =	sand.u32 $0x3000, s19;
	s20 =	sand.u32 $0xC00, s17;
	_ =	swait.ge [sflag:s15], $0x4000  }
0xd2: {  	s22 =	sand.u32 $0x380, s17;
	s18 =	sor.u32 s21, s20;
	[sflag:s15] =	ssyncset.done $0x0  }
0xd3: {  	s18 =	sor.u32 s22, s18;
	[sflag:s15] =	ssyncadd.s32 $0xFFFFC000  }
0xd4: {  	v2 =	vld [tilespmem:s18+$0x4170]  }
0xd5: {  	v3 =	vld [tilespmem:s18+$0x4100]  }
0xd6: {  	v8 =	vld [tilespmem:s18+$0x4110]  }
0xd7: {  	v9 =	vld [tilespmem:s18+$0x4120]  }
0xd8: {  	v6 =	vld [tilespmem:s18+$0x4130]  }
0xd9: {  	v4 =	vld [tilespmem:s18+$0x4140]  }
0xda: {  	v1 =	vld [tilespmem:s18+$0x4150]  }
0xdb: {  	v0 =	vld [tilespmem:s18+$0x4160]  }
0xdc: {  	v7 =	vld.idx.msk [tilespmem:v2+s1+$0x0], $0xffff  }
0xdd: {  	v5 =	vld.idx.msk [tilespmem:v3+s1+$0x0], $0xffff  }
0xde: {  	v3 =	vld.idx.msk [tilespmem:v8+s1+$0x0], $0xffff  }
0xdf: {  	s20 =	simm.s32 $0x0;
	v2 =	vld.idx.msk [tilespmem:v9+s1+$0x0], $0xffff  }
.LBB2_8:
0xe0: {  	s19 =	sadd.s32 $0x80, s19;
	v6 =	vld.idx.msk [tilespmem:v6+s1+$0x0], $0xffff;
	s17 =	sadd.s32 $0x400, s17  }
0xe1: {  	s20 =	sadd.s32 $0x20, s20;
	s21 =	sand.u32 $0x3000, s19;
	s22 =	sand.u32 $0xC00, s17;
	v4 =	vld.idx.msk [tilespmem:v4+s1+$0x0], $0xffff  }
0xe2: {  	p0 =	slt.u32 s19, $0x3F80;
	s21 =	sor.u32 s21, s22;
	s22 =	sand.u32 $0x380, s20;
	v1 =	vld.idx.msk [tilespmem:v1+s1+$0x0], $0xffff;
	[tilespmem:s18+$0xC170] =	vst v7  }
0xe3: {  	s21 =	sor.u32 s22, s21;
	[tilespmem:s18+$0xC100] =	vst v5;
	v0 =	vld.idx.msk [tilespmem:v0+s1+$0x0], $0xffff  }
0xe4: {  	v5 =	vld [tilespmem:s21+$0x4170];
	[tilespmem:s18+$0xC110] =	vst v3  }
0xe5: {  	v3 =	vld [tilespmem:s21+$0x4100];
	[tilespmem:s18+$0xC120] =	vst v2  }
0xe6: {  	v2 =	vld [tilespmem:s21+$0x4110];
	[tilespmem:s18+$0xC130] =	vst v6  }
0xe7: {  	v8 =	vld [tilespmem:s21+$0x4120];
	[tilespmem:s18+$0xC140] =	vst v4  }
0xe8: {  	v6 =	vld [tilespmem:s21+$0x4130];
	[tilespmem:s18+$0xC150] =	vst v1  }
0xe9: {  	v4 =	vld [tilespmem:s21+$0x4140];
	[tilespmem:s18+$0xC160] =	vst v0;
	s18 =	smov.u32 s21  }
0xea: {  	v1 =	vld [tilespmem:s18+$0x4150]  }
.Ltmp3:
0xeb: {  	v0 =	vld [tilespmem:s18+$0x4160];
	(pc) =	sbr.rel @p0 .LBB2_8-.Ltmp3, $4  }
0xec: {  	v7 =	vld.idx.msk [tilespmem:v5+s1+$0x0], $0xffff  }
0xed: {  	v5 =	vld.idx.msk [tilespmem:v3+s1+$0x0], $0xffff  }
0xee: {  	v3 =	vld.idx.msk [tilespmem:v2+s1+$0x0], $0xffff  }
0xef: {  	v2 =	vld.idx.msk [tilespmem:v8+s1+$0x0], $0xffff  }
0xf0: {  	_ =	sdelay $0x3  }
0xf1: {  	v6 =	vld.idx.msk [tilespmem:v6+s1+$0x0], $0xffff  }
0xf2: {  	v4 =	vld.idx.msk [tilespmem:v4+s1+$0x0], $0xffff;
	[tilespmem:s18+$0xC170] =	vst v7  }
0xf3: {  	v1 =	vld.idx.msk [tilespmem:v1+s1+$0x0], $0xffff;
	[tilespmem:s18+$0xC100] =	vst v5  }
0xf4: {  	v0 =	vld.idx.msk [tilespmem:v0+s1+$0x0], $0xffff;
	[tilespmem:s18+$0xC110] =	vst v3  }
0xf5: {  	[tilespmem:s18+$0xC120] =	vst v2  }
0xf6: {  	[tilespmem:s18+$0xC130] =	vst v6  }
0xf7: {  	[tilespmem:s18+$0xC140] =	vst v4  }
0xf8: {  	[tilespmem:s18+$0xC150] =	vst v1  }
0xf9: {  	[tilespmem:s18+$0xC160] =	vst v0  }
0xfa: {  	s17 =	simm.s32 $0x0;
	s18 =	rddreg [dreg:$0xa]  }
0xfb: {  	[hbm4b:s18+s17] =	stream.linear.scatter [tilespmem:s13], [sflag:$0x4], $0x4000, $0x38;
	[tilespmem:$0x10100] =	vst v63  }
0xfc: {  	s20 =	rddreg [dreg:$0xb]  }
0xfd: {  	[tilespmem:s9], [sflag:$0x2] =	stream.linear.gather [hbm4b:s20+s17], $0x4000, $0x38;
	[tilespmem:$0x10100] =	vst v63  }
0xfe: {  	_ =	swait.ge [sflag:s10], $0x4000  }
0xff: {  	[sflag:s10] =	ssyncset.done $0x0  }
0x100: {  	s19 =	simm.s32 $0x0;
	[sflag:s10] =	ssyncadd.s32 $0xFFFFC000  }
0x101: {  	s21 =	sand.u32 $0x3000, s19;
	s20 =	sand.u32 $0xC00, s17;
	_ =	swait.ge [sflag:s14], $0x4000  }
0x102: {  	s22 =	sand.u32 $0x380, s17;
	s18 =	sor.u32 s21, s20;
	[sflag:s14] =	ssyncset.done $0x0  }
0x103: {  	s18 =	sor.u32 s22, s18;
	[sflag:s14] =	ssyncadd.s32 $0xFFFFC000  }
0x104: {  	v2 =	vld [tilespmem:s18+$0x170]  }
0x105: {  	v3 =	vld [tilespmem:s18+$0x100]  }
0x106: {  	v8 =	vld [tilespmem:s18+$0x110]  }
0x107: {  	v9 =	vld [tilespmem:s18+$0x120]  }
0x108: {  	v6 =	vld [tilespmem:s18+$0x130]  }
0x109: {  	v4 =	vld [tilespmem:s18+$0x140]  }
0x10a: {  	v1 =	vld [tilespmem:s18+$0x150]  }
0x10b: {  	v0 =	vld [tilespmem:s18+$0x160]  }
0x10c: {  	v7 =	vld.idx.msk [tilespmem:v2+s1+$0x0], $0xffff  }
0x10d: {  	v5 =	vld.idx.msk [tilespmem:v3+s1+$0x0], $0xffff  }
0x10e: {  	v3 =	vld.idx.msk [tilespmem:v8+s1+$0x0], $0xffff  }
0x10f: {  	s20 =	simm.s32 $0x0;
	v2 =	vld.idx.msk [tilespmem:v9+s1+$0x0], $0xffff  }
.LBB2_10:
0x110: {  	s19 =	sadd.s32 $0x80, s19;
	v6 =	vld.idx.msk [tilespmem:v6+s1+$0x0], $0xffff;
	s17 =	sadd.s32 $0x400, s17  }
0x111: {  	s20 =	sadd.s32 $0x20, s20;
	s21 =	sand.u32 $0x3000, s19;
	s22 =	sand.u32 $0xC00, s17;
	v4 =	vld.idx.msk [tilespmem:v4+s1+$0x0], $0xffff  }
0x112: {  	p0 =	slt.u32 s19, $0x3F80;
	s21 =	sor.u32 s21, s22;
	s22 =	sand.u32 $0x380, s20;
	v1 =	vld.idx.msk [tilespmem:v1+s1+$0x0], $0xffff;
	[tilespmem:s18+$0x8170] =	vst v7  }
0x113: {  	s21 =	sor.u32 s22, s21;
	[tilespmem:s18+$0x8100] =	vst v5;
	v0 =	vld.idx.msk [tilespmem:v0+s1+$0x0], $0xffff  }
0x114: {  	v5 =	vld [tilespmem:s21+$0x170];
	[tilespmem:s18+$0x8110] =	vst v3  }
0x115: {  	v3 =	vld [tilespmem:s21+$0x100];
	[tilespmem:s18+$0x8120] =	vst v2  }
0x116: {  	v2 =	vld [tilespmem:s21+$0x110];
	[tilespmem:s18+$0x8130] =	vst v6  }
0x117: {  	v8 =	vld [tilespmem:s21+$0x120];
	[tilespmem:s18+$0x8140] =	vst v4  }
0x118: {  	v6 =	vld [tilespmem:s21+$0x130];
	[tilespmem:s18+$0x8150] =	vst v1  }
0x119: {  	v4 =	vld [tilespmem:s21+$0x140];
	[tilespmem:s18+$0x8160] =	vst v0;
	s18 =	smov.u32 s21  }
0x11a: {  	v1 =	vld [tilespmem:s18+$0x150]  }
.Ltmp4:
0x11b: {  	v0 =	vld [tilespmem:s18+$0x160];
	(pc) =	sbr.rel @p0 .LBB2_10-.Ltmp4, $4  }
0x11c: {  	v7 =	vld.idx.msk [tilespmem:v5+s1+$0x0], $0xffff  }
0x11d: {  	v5 =	vld.idx.msk [tilespmem:v3+s1+$0x0], $0xffff  }
0x11e: {  	v3 =	vld.idx.msk [tilespmem:v2+s1+$0x0], $0xffff  }
0x11f: {  	v2 =	vld.idx.msk [tilespmem:v8+s1+$0x0], $0xffff  }
0x120: {  	_ =	sdelay $0x3  }
0x121: {  	v6 =	vld.idx.msk [tilespmem:v6+s1+$0x0], $0xffff  }
0x122: {  	v4 =	vld.idx.msk [tilespmem:v4+s1+$0x0], $0xffff;
	[tilespmem:s18+$0x8170] =	vst v7  }
0x123: {  	v1 =	vld.idx.msk [tilespmem:v1+s1+$0x0], $0xffff;
	[tilespmem:s18+$0x8100] =	vst v5  }
0x124: {  	v0 =	vld.idx.msk [tilespmem:v0+s1+$0x0], $0xffff;
	[tilespmem:s18+$0x8110] =	vst v3  }
0x125: {  	[tilespmem:s18+$0x8120] =	vst v2  }
0x126: {  	[tilespmem:s18+$0x8130] =	vst v6  }
0x127: {  	[tilespmem:s18+$0x8140] =	vst v4  }
0x128: {  	[tilespmem:s18+$0x8150] =	vst v1  }
0x129: {  	[tilespmem:s18+$0x8160] =	vst v0  }
0x12a: {  	s17 =	simm.s32 $0x0;
	s18 =	rddreg [dreg:$0xc]  }
0x12b: {  	[hbm4b:s18+s17] =	stream.linear.scatter [tilespmem:s11], [sflag:$0x3], $0x4000, $0x38;
	[tilespmem:$0x10100] =	vst v63  }
0x12c: {  	s20 =	rddreg [dreg:$0xd]  }
0x12d: {  	[tilespmem:s8], [sflag:$0x1] =	stream.linear.gather [hbm4b:s20+s17], $0x4000, $0x38;
	[tilespmem:$0x10100] =	vst v63  }
0x12e: {  	_ =	swait.ge [sflag:s12], $0x4000  }
0x12f: {  	[sflag:s12] =	ssyncset.done $0x0  }
0x130: {  	s19 =	simm.s32 $0x0;
	[sflag:s12] =	ssyncadd.s32 $0xFFFFC000  }
0x131: {  	s21 =	sand.u32 $0x3000, s19;
	s20 =	sand.u32 $0xC00, s17;
	_ =	swait.ge [sflag:s15], $0x4000  }
0x132: {  	s22 =	sand.u32 $0x380, s17;
	s18 =	sor.u32 s21, s20;
	[sflag:s15] =	ssyncset.done $0x0  }
0x133: {  	s18 =	sor.u32 s22, s18;
	[sflag:s15] =	ssyncadd.s32 $0xFFFFC000  }
0x134: {  	v2 =	vld [tilespmem:s18+$0x4170]  }
0x135: {  	v3 =	vld [tilespmem:s18+$0x4100]  }
0x136: {  	v8 =	vld [tilespmem:s18+$0x4110]  }
0x137: {  	v9 =	vld [tilespmem:s18+$0x4120]  }
0x138: {  	v6 =	vld [tilespmem:s18+$0x4130]  }
0x139: {  	v4 =	vld [tilespmem:s18+$0x4140]  }
0x13a: {  	v1 =	vld [tilespmem:s18+$0x4150]  }
0x13b: {  	v0 =	vld [tilespmem:s18+$0x4160]  }
0x13c: {  	v7 =	vld.idx.msk [tilespmem:v2+s1+$0x0], $0xffff  }
0x13d: {  	v5 =	vld.idx.msk [tilespmem:v3+s1+$0x0], $0xffff  }
0x13e: {  	v3 =	vld.idx.msk [tilespmem:v8+s1+$0x0], $0xffff  }
0x13f: {  	s20 =	simm.s32 $0x0;
	v2 =	vld.idx.msk [tilespmem:v9+s1+$0x0], $0xffff  }
.LBB2_12:
0x140: {  	s19 =	sadd.s32 $0x80, s19;
	v6 =	vld.idx.msk [tilespmem:v6+s1+$0x0], $0xffff;
	s17 =	sadd.s32 $0x400, s17  }
0x141: {  	s20 =	sadd.s32 $0x20, s20;
	s21 =	sand.u32 $0x3000, s19;
	s22 =	sand.u32 $0xC00, s17;
	v4 =	vld.idx.msk [tilespmem:v4+s1+$0x0], $0xffff  }
0x142: {  	p0 =	slt.u32 s19, $0x3F80;
	s21 =	sor.u32 s21, s22;
	s22 =	sand.u32 $0x380, s20;
	v1 =	vld.idx.msk [tilespmem:v1+s1+$0x0], $0xffff;
	[tilespmem:s18+$0xC170] =	vst v7  }
0x143: {  	s21 =	sor.u32 s22, s21;
	[tilespmem:s18+$0xC100] =	vst v5;
	v0 =	vld.idx.msk [tilespmem:v0+s1+$0x0], $0xffff  }
0x144: {  	v5 =	vld [tilespmem:s21+$0x4170];
	[tilespmem:s18+$0xC110] =	vst v3  }
0x145: {  	v3 =	vld [tilespmem:s21+$0x4100];
	[tilespmem:s18+$0xC120] =	vst v2  }
0x146: {  	v2 =	vld [tilespmem:s21+$0x4110];
	[tilespmem:s18+$0xC130] =	vst v6  }
0x147: {  	v8 =	vld [tilespmem:s21+$0x4120];
	[tilespmem:s18+$0xC140] =	vst v4  }
0x148: {  	v6 =	vld [tilespmem:s21+$0x4130];
	[tilespmem:s18+$0xC150] =	vst v1  }
0x149: {  	v4 =	vld [tilespmem:s21+$0x4140];
	[tilespmem:s18+$0xC160] =	vst v0;
	s18 =	smov.u32 s21  }
0x14a: {  	v1 =	vld [tilespmem:s18+$0x4150]  }
.Ltmp5:
0x14b: {  	v0 =	vld [tilespmem:s18+$0x4160];
	(pc) =	sbr.rel @p0 .LBB2_12-.Ltmp5, $4  }
0x14c: {  	v7 =	vld.idx.msk [tilespmem:v5+s1+$0x0], $0xffff  }
0x14d: {  	v5 =	vld.idx.msk [tilespmem:v3+s1+$0x0], $0xffff  }
0x14e: {  	v3 =	vld.idx.msk [tilespmem:v2+s1+$0x0], $0xffff  }
0x14f: {  	v2 =	vld.idx.msk [tilespmem:v8+s1+$0x0], $0xffff  }
0x150: {  	_ =	sdelay $0x3  }
0x151: {  	v6 =	vld.idx.msk [tilespmem:v6+s1+$0x0], $0xffff  }
0x152: {  	v4 =	vld.idx.msk [tilespmem:v4+s1+$0x0], $0xffff;
	[tilespmem:s18+$0xC170] =	vst v7  }
0x153: {  	v1 =	vld.idx.msk [tilespmem:v1+s1+$0x0], $0xffff;
	[tilespmem:s18+$0xC100] =	vst v5  }
0x154: {  	v0 =	vld.idx.msk [tilespmem:v0+s1+$0x0], $0xffff;
	[tilespmem:s18+$0xC110] =	vst v3  }
0x155: {  	[tilespmem:s18+$0xC120] =	vst v2  }
0x156: {  	[tilespmem:s18+$0xC130] =	vst v6  }
0x157: {  	[tilespmem:s18+$0xC140] =	vst v4  }
0x158: {  	[tilespmem:s18+$0xC150] =	vst v1  }
0x159: {  	[tilespmem:s18+$0xC160] =	vst v0  }
0x15a: {  	s17 =	simm.s32 $0x0;
	s18 =	rddreg [dreg:$0xe]  }
0x15b: {  	[hbm4b:s18+s17] =	stream.linear.scatter [tilespmem:s13], [sflag:$0x4], $0x4000, $0x38;
	[tilespmem:$0x10100] =	vst v63  }
0x15c: {  	s20 =	rddreg [dreg:$0xf]  }
0x15d: {  	[tilespmem:s9], [sflag:$0x2] =	stream.linear.gather [hbm4b:s20+s17], $0x4000, $0x38;
	[tilespmem:$0x10100] =	vst v63  }
0x15e: {  	_ =	swait.ge [sflag:s10], $0x4000  }
0x15f: {  	[sflag:s10] =	ssyncset.done $0x0  }
0x160: {  	s19 =	simm.s32 $0x0;
	[sflag:s10] =	ssyncadd.s32 $0xFFFFC000  }
0x161: {  	s21 =	sand.u32 $0x3000, s19;
	s20 =	sand.u32 $0xC00, s17;
	_ =	swait.ge [sflag:s14], $0x4000  }
0x162: {  	s22 =	sand.u32 $0x380, s17;
	s18 =	sor.u32 s21, s20;
	[sflag:s14] =	ssyncset.done $0x0  }
0x163: {  	s18 =	sor.u32 s22, s18;
	[sflag:s14] =	ssyncadd.s32 $0xFFFFC000  }
0x164: {  	v2 =	vld [tilespmem:s18+$0x170]  }
0x165: {  	v3 =	vld [tilespmem:s18+$0x100]  }
0x166: {  	v8 =	vld [tilespmem:s18+$0x110]  }
0x167: {  	v9 =	vld [tilespmem:s18+$0x120]  }
0x168: {  	v6 =	vld [tilespmem:s18+$0x130]  }
0x169: {  	v4 =	vld [tilespmem:s18+$0x140]  }
0x16a: {  	v1 =	vld [tilespmem:s18+$0x150]  }
0x16b: {  	v0 =	vld [tilespmem:s18+$0x160]  }
0x16c: {  	v7 =	vld.idx.msk [tilespmem:v2+s1+$0x0], $0xffff  }
0x16d: {  	v5 =	vld.idx.msk [tilespmem:v3+s1+$0x0], $0xffff  }
0x16e: {  	v3 =	vld.idx.msk [tilespmem:v8+s1+$0x0], $0xffff  }
0x16f: {  	s20 =	simm.s32 $0x0;
	v2 =	vld.idx.msk [tilespmem:v9+s1+$0x0], $0xffff  }
.LBB2_14:
0x170: {  	s19 =	sadd.s32 $0x80, s19;
	v6 =	vld.idx.msk [tilespmem:v6+s1+$0x0], $0xffff;
	s17 =	sadd.s32 $0x400, s17  }
0x171: {  	s20 =	sadd.s32 $0x20, s20;
	s21 =	sand.u32 $0x3000, s19;
	s22 =	sand.u32 $0xC00, s17;
	v4 =	vld.idx.msk [tilespmem:v4+s1+$0x0], $0xffff  }
0x172: {  	p0 =	slt.u32 s19, $0x3F80;
	s21 =	sor.u32 s21, s22;
	s22 =	sand.u32 $0x380, s20;
	v1 =	vld.idx.msk [tilespmem:v1+s1+$0x0], $0xffff;
	[tilespmem:s18+$0x8170] =	vst v7  }
0x173: {  	s21 =	sor.u32 s22, s21;
	[tilespmem:s18+$0x8100] =	vst v5;
	v0 =	vld.idx.msk [tilespmem:v0+s1+$0x0], $0xffff  }
0x174: {  	v5 =	vld [tilespmem:s21+$0x170];
	[tilespmem:s18+$0x8110] =	vst v3  }
0x175: {  	v3 =	vld [tilespmem:s21+$0x100];
	[tilespmem:s18+$0x8120] =	vst v2  }
0x176: {  	v2 =	vld [tilespmem:s21+$0x110];
	[tilespmem:s18+$0x8130] =	vst v6  }
0x177: {  	v8 =	vld [tilespmem:s21+$0x120];
	[tilespmem:s18+$0x8140] =	vst v4  }
0x178: {  	v6 =	vld [tilespmem:s21+$0x130];
	[tilespmem:s18+$0x8150] =	vst v1  }
0x179: {  	v4 =	vld [tilespmem:s21+$0x140];
	[tilespmem:s18+$0x8160] =	vst v0;
	s18 =	smov.u32 s21  }
0x17a: {  	v1 =	vld [tilespmem:s18+$0x150]  }
.Ltmp6:
0x17b: {  	v0 =	vld [tilespmem:s18+$0x160];
	(pc) =	sbr.rel @p0 .LBB2_14-.Ltmp6, $4  }
0x17c: {  	v7 =	vld.idx.msk [tilespmem:v5+s1+$0x0], $0xffff  }
0x17d: {  	v5 =	vld.idx.msk [tilespmem:v3+s1+$0x0], $0xffff  }
0x17e: {  	v3 =	vld.idx.msk [tilespmem:v2+s1+$0x0], $0xffff  }
0x17f: {  	v2 =	vld.idx.msk [tilespmem:v8+s1+$0x0], $0xffff  }
0x180: {  	_ =	sdelay $0x3  }
0x181: {  	v6 =	vld.idx.msk [tilespmem:v6+s1+$0x0], $0xffff  }
0x182: {  	v4 =	vld.idx.msk [tilespmem:v4+s1+$0x0], $0xffff;
	[tilespmem:s18+$0x8170] =	vst v7  }
0x183: {  	v1 =	vld.idx.msk [tilespmem:v1+s1+$0x0], $0xffff;
	[tilespmem:s18+$0x8100] =	vst v5  }
0x184: {  	v0 =	vld.idx.msk [tilespmem:v0+s1+$0x0], $0xffff;
	[tilespmem:s18+$0x8110] =	vst v3  }
0x185: {  	[tilespmem:s18+$0x8120] =	vst v2  }
0x186: {  	[tilespmem:s18+$0x8130] =	vst v6  }
0x187: {  	[tilespmem:s18+$0x8140] =	vst v4  }
0x188: {  	[tilespmem:s18+$0x8150] =	vst v1  }
0x189: {  	[tilespmem:s18+$0x8160] =	vst v0  }
0x18a: {  	s17 =	simm.s32 $0x0;
	s18 =	rddreg [dreg:$0x10]  }
0x18b: {  	[hbm4b:s18+s17] =	stream.linear.scatter [tilespmem:s11], [sflag:$0x3], $0x4000, $0x38;
	[tilespmem:$0x10100] =	vst v63  }
0x18c: {  	s20 =	rddreg [dreg:$0x11]  }
0x18d: {  	[tilespmem:s8], [sflag:$0x1] =	stream.linear.gather [hbm4b:s20+s17], $0x4000, $0x38;
	[tilespmem:$0x10100] =	vst v63  }
0x18e: {  	_ =	swait.ge [sflag:s12], $0x4000  }
0x18f: {  	[sflag:s12] =	ssyncset.done $0x0  }
0x190: {  	s19 =	simm.s32 $0x0;
	[sflag:s12] =	ssyncadd.s32 $0xFFFFC000  }
0x191: {  	s21 =	sand.u32 $0x3000, s19;
	s20 =	sand.u32 $0xC00, s17;
	_ =	swait.ge [sflag:s15], $0x4000  }
0x192: {  	s22 =	sand.u32 $0x380, s17;
	s18 =	sor.u32 s21, s20;
	[sflag:s15] =	ssyncset.done $0x0  }
0x193: {  	s18 =	sor.u32 s22, s18;
	[sflag:s15] =	ssyncadd.s32 $0xFFFFC000  }
0x194: {  	v2 =	vld [tilespmem:s18+$0x4170]  }
0x195: {  	v3 =	vld [tilespmem:s18+$0x4100]  }
0x196: {  	v8 =	vld [tilespmem:s18+$0x4110]  }
0x197: {  	v9 =	vld [tilespmem:s18+$0x4120]  }
0x198: {  	v6 =	vld [tilespmem:s18+$0x4130]  }
0x199: {  	v4 =	vld [tilespmem:s18+$0x4140]  }
0x19a: {  	v1 =	vld [tilespmem:s18+$0x4150]  }
0x19b: {  	v0 =	vld [tilespmem:s18+$0x4160]  }
0x19c: {  	v7 =	vld.idx.msk [tilespmem:v2+s1+$0x0], $0xffff  }
0x19d: {  	v5 =	vld.idx.msk [tilespmem:v3+s1+$0x0], $0xffff  }
0x19e: {  	v3 =	vld.idx.msk [tilespmem:v8+s1+$0x0], $0xffff  }
0x19f: {  	s20 =	simm.s32 $0x0;
	v2 =	vld.idx.msk [tilespmem:v9+s1+$0x0], $0xffff  }
.LBB2_16:
0x1a0: {  	s19 =	sadd.s32 $0x80, s19;
	v6 =	vld.idx.msk [tilespmem:v6+s1+$0x0], $0xffff;
	s17 =	sadd.s32 $0x400, s17  }
0x1a1: {  	s20 =	sadd.s32 $0x20, s20;
	s21 =	sand.u32 $0x3000, s19;
	s22 =	sand.u32 $0xC00, s17;
	v4 =	vld.idx.msk [tilespmem:v4+s1+$0x0], $0xffff  }
0x1a2: {  	p0 =	slt.u32 s19, $0x3F80;
	s21 =	sor.u32 s21, s22;
	s22 =	sand.u32 $0x380, s20;
	v1 =	vld.idx.msk [tilespmem:v1+s1+$0x0], $0xffff;
	[tilespmem:s18+$0xC170] =	vst v7  }
0x1a3: {  	s21 =	sor.u32 s22, s21;
	[tilespmem:s18+$0xC100] =	vst v5;
	v0 =	vld.idx.msk [tilespmem:v0+s1+$0x0], $0xffff  }
0x1a4: {  	v5 =	vld [tilespmem:s21+$0x4170];
	[tilespmem:s18+$0xC110] =	vst v3  }
0x1a5: {  	v3 =	vld [tilespmem:s21+$0x4100];
	[tilespmem:s18+$0xC120] =	vst v2  }
0x1a6: {  	v2 =	vld [tilespmem:s21+$0x4110];
	[tilespmem:s18+$0xC130] =	vst v6  }
0x1a7: {  	v8 =	vld [tilespmem:s21+$0x4120];
	[tilespmem:s18+$0xC140] =	vst v4  }
0x1a8: {  	v6 =	vld [tilespmem:s21+$0x4130];
	[tilespmem:s18+$0xC150] =	vst v1  }
0x1a9: {  	v4 =	vld [tilespmem:s21+$0x4140];
	[tilespmem:s18+$0xC160] =	vst v0;
	s18 =	smov.u32 s21  }
0x1aa: {  	v1 =	vld [tilespmem:s18+$0x4150]  }
.Ltmp7:
0x1ab: {  	v0 =	vld [tilespmem:s18+$0x4160];
	(pc) =	sbr.rel @p0 .LBB2_16-.Ltmp7, $4  }
0x1ac: {  	v7 =	vld.idx.msk [tilespmem:v5+s1+$0x0], $0xffff  }
0x1ad: {  	v5 =	vld.idx.msk [tilespmem:v3+s1+$0x0], $0xffff  }
0x1ae: {  	v3 =	vld.idx.msk [tilespmem:v2+s1+$0x0], $0xffff  }
0x1af: {  	v2 =	vld.idx.msk [tilespmem:v8+s1+$0x0], $0xffff  }
0x1b0: {  	_ =	sdelay $0x3  }
0x1b1: {  	v6 =	vld.idx.msk [tilespmem:v6+s1+$0x0], $0xffff  }
0x1b2: {  	v4 =	vld.idx.msk [tilespmem:v4+s1+$0x0], $0xffff;
	[tilespmem:s18+$0xC170] =	vst v7  }
0x1b3: {  	v1 =	vld.idx.msk [tilespmem:v1+s1+$0x0], $0xffff;
	[tilespmem:s18+$0xC100] =	vst v5  }
0x1b4: {  	v0 =	vld.idx.msk [tilespmem:v0+s1+$0x0], $0xffff;
	[tilespmem:s18+$0xC110] =	vst v3  }
0x1b5: {  	[tilespmem:s18+$0xC120] =	vst v2  }
0x1b6: {  	[tilespmem:s18+$0xC130] =	vst v6  }
0x1b7: {  	[tilespmem:s18+$0xC140] =	vst v4  }
0x1b8: {  	[tilespmem:s18+$0xC150] =	vst v1  }
0x1b9: {  	[tilespmem:s18+$0xC160] =	vst v0  }
0x1ba: {  	s17 =	simm.s32 $0x0;
	s18 =	rddreg [dreg:$0x12]  }
0x1bb: {  	[hbm4b:s18+s17] =	stream.linear.scatter [tilespmem:s13], [sflag:$0x4], $0x4000, $0x38;
	[tilespmem:$0x10100] =	vst v63  }
0x1bc: {  	s20 =	rddreg [dreg:$0x13]  }
0x1bd: {  	[tilespmem:s9], [sflag:$0x2] =	stream.linear.gather [hbm4b:s20+s17], $0x4000, $0x38;
	[tilespmem:$0x10100] =	vst v63  }
0x1be: {  	_ =	swait.ge [sflag:s10], $0x4000  }
0x1bf: {  	[sflag:s10] =	ssyncset.done $0x0  }
0x1c0: {  	s19 =	simm.s32 $0x0;
	[sflag:s10] =	ssyncadd.s32 $0xFFFFC000  }
0x1c1: {  	s21 =	sand.u32 $0x3000, s19;
	s20 =	sand.u32 $0xC00, s17;
	_ =	swait.ge [sflag:s14], $0x4000  }
0x1c2: {  	s22 =	sand.u32 $0x380, s17;
	s18 =	sor.u32 s21, s20;
	[sflag:s14] =	ssyncset.done $0x0  }
0x1c3: {  	s18 =	sor.u32 s22, s18;
	[sflag:s14] =	ssyncadd.s32 $0xFFFFC000  }
0x1c4: {  	v2 =	vld [tilespmem:s18+$0x170]  }
0x1c5: {  	v3 =	vld [tilespmem:s18+$0x100]  }
0x1c6: {  	v8 =	vld [tilespmem:s18+$0x110]  }
0x1c7: {  	v9 =	vld [tilespmem:s18+$0x120]  }
0x1c8: {  	v6 =	vld [tilespmem:s18+$0x130]  }
0x1c9: {  	v4 =	vld [tilespmem:s18+$0x140]  }
0x1ca: {  	v1 =	vld [tilespmem:s18+$0x150]  }
0x1cb: {  	v0 =	vld [tilespmem:s18+$0x160]  }
0x1cc: {  	v7 =	vld.idx.msk [tilespmem:v2+s1+$0x0], $0xffff  }
0x1cd: {  	v5 =	vld.idx.msk [tilespmem:v3+s1+$0x0], $0xffff  }
0x1ce: {  	v3 =	vld.idx.msk [tilespmem:v8+s1+$0x0], $0xffff  }
0x1cf: {  	s20 =	simm.s32 $0x0;
	v2 =	vld.idx.msk [tilespmem:v9+s1+$0x0], $0xffff  }
.LBB2_18:
0x1d0: {  	s19 =	sadd.s32 $0x80, s19;
	v6 =	vld.idx.msk [tilespmem:v6+s1+$0x0], $0xffff;
	s17 =	sadd.s32 $0x400, s17  }
0x1d1: {  	s20 =	sadd.s32 $0x20, s20;
	s21 =	sand.u32 $0x3000, s19;
	s22 =	sand.u32 $0xC00, s17;
	v4 =	vld.idx.msk [tilespmem:v4+s1+$0x0], $0xffff  }
0x1d2: {  	p0 =	slt.u32 s19, $0x3F80;
	s21 =	sor.u32 s21, s22;
	s22 =	sand.u32 $0x380, s20;
	v1 =	vld.idx.msk [tilespmem:v1+s1+$0x0], $0xffff;
	[tilespmem:s18+$0x8170] =	vst v7  }
0x1d3: {  	s21 =	sor.u32 s22, s21;
	[tilespmem:s18+$0x8100] =	vst v5;
	v0 =	vld.idx.msk [tilespmem:v0+s1+$0x0], $0xffff  }
0x1d4: {  	v5 =	vld [tilespmem:s21+$0x170];
	[tilespmem:s18+$0x8110] =	vst v3  }
0x1d5: {  	v3 =	vld [tilespmem:s21+$0x100];
	[tilespmem:s18+$0x8120] =	vst v2  }
0x1d6: {  	v2 =	vld [tilespmem:s21+$0x110];
	[tilespmem:s18+$0x8130] =	vst v6  }
0x1d7: {  	v8 =	vld [tilespmem:s21+$0x120];
	[tilespmem:s18+$0x8140] =	vst v4  }
0x1d8: {  	v6 =	vld [tilespmem:s21+$0x130];
	[tilespmem:s18+$0x8150] =	vst v1  }
0x1d9: {  	v4 =	vld [tilespmem:s21+$0x140];
	[tilespmem:s18+$0x8160] =	vst v0;
	s18 =	smov.u32 s21  }
0x1da: {  	v1 =	vld [tilespmem:s18+$0x150]  }
.Ltmp8:
0x1db: {  	v0 =	vld [tilespmem:s18+$0x160];
	(pc) =	sbr.rel @p0 .LBB2_18-.Ltmp8, $4  }
0x1dc: {  	v7 =	vld.idx.msk [tilespmem:v5+s1+$0x0], $0xffff  }
0x1dd: {  	v5 =	vld.idx.msk [tilespmem:v3+s1+$0x0], $0xffff  }
0x1de: {  	v3 =	vld.idx.msk [tilespmem:v2+s1+$0x0], $0xffff  }
0x1df: {  	v2 =	vld.idx.msk [tilespmem:v8+s1+$0x0], $0xffff  }
0x1e0: {  	_ =	sdelay $0x3  }
0x1e1: {  	v6 =	vld.idx.msk [tilespmem:v6+s1+$0x0], $0xffff  }
0x1e2: {  	v4 =	vld.idx.msk [tilespmem:v4+s1+$0x0], $0xffff;
	[tilespmem:s18+$0x8170] =	vst v7  }
0x1e3: {  	v1 =	vld.idx.msk [tilespmem:v1+s1+$0x0], $0xffff;
	[tilespmem:s18+$0x8100] =	vst v5  }
0x1e4: {  	v0 =	vld.idx.msk [tilespmem:v0+s1+$0x0], $0xffff;
	[tilespmem:s18+$0x8110] =	vst v3  }
0x1e5: {  	[tilespmem:s18+$0x8120] =	vst v2  }
0x1e6: {  	[tilespmem:s18+$0x8130] =	vst v6  }
0x1e7: {  	[tilespmem:s18+$0x8140] =	vst v4  }
0x1e8: {  	[tilespmem:s18+$0x8150] =	vst v1  }
0x1e9: {  	[tilespmem:s18+$0x8160] =	vst v0  }
0x1ea: {  	s17 =	simm.s32 $0x0;
	s18 =	rddreg [dreg:$0x14]  }
0x1eb: {  	[hbm4b:s18+s17] =	stream.linear.scatter [tilespmem:s11], [sflag:$0x3], $0x4000, $0x38;
	[tilespmem:$0x10100] =	vst v63  }
0x1ec: {  	s20 =	rddreg [dreg:$0x15]  }
0x1ed: {  	[tilespmem:s8], [sflag:$0x1] =	stream.linear.gather [hbm4b:s20+s17], $0x4000, $0x38;
	[tilespmem:$0x10100] =	vst v63  }
0x1ee: {  	_ =	swait.ge [sflag:s12], $0x4000  }
0x1ef: {  	[sflag:s12] =	ssyncset.done $0x0  }
0x1f0: {  	s19 =	simm.s32 $0x0;
	[sflag:s12] =	ssyncadd.s32 $0xFFFFC000  }
0x1f1: {  	s21 =	sand.u32 $0x3000, s19;
	s20 =	sand.u32 $0xC00, s17;
	_ =	swait.ge [sflag:s15], $0x4000  }
0x1f2: {  	s22 =	sand.u32 $0x380, s17;
	s18 =	sor.u32 s21, s20;
	[sflag:s15] =	ssyncset.done $0x0  }
0x1f3: {  	s18 =	sor.u32 s22, s18;
	[sflag:s15] =	ssyncadd.s32 $0xFFFFC000  }
0x1f4: {  	v2 =	vld [tilespmem:s18+$0x4170]  }
0x1f5: {  	v3 =	vld [tilespmem:s18+$0x4100]  }
0x1f6: {  	v8 =	vld [tilespmem:s18+$0x4110]  }
0x1f7: {  	v9 =	vld [tilespmem:s18+$0x4120]  }
0x1f8: {  	v6 =	vld [tilespmem:s18+$0x4130]  }
0x1f9: {  	v4 =	vld [tilespmem:s18+$0x4140]  }
0x1fa: {  	v1 =	vld [tilespmem:s18+$0x4150]  }
0x1fb: {  	v0 =	vld [tilespmem:s18+$0x4160]  }
0x1fc: {  	v7 =	vld.idx.msk [tilespmem:v2+s1+$0x0], $0xffff  }
0x1fd: {  	v5 =	vld.idx.msk [tilespmem:v3+s1+$0x0], $0xffff  }
0x1fe: {  	v3 =	vld.idx.msk [tilespmem:v8+s1+$0x0], $0xffff  }
0x1ff: {  	s20 =	simm.s32 $0x0;
	v2 =	vld.idx.msk [tilespmem:v9+s1+$0x0], $0xffff  }
.LBB2_20:
0x200: {  	s19 =	sadd.s32 $0x80, s19;
	v6 =	vld.idx.msk [tilespmem:v6+s1+$0x0], $0xffff;
	s17 =	sadd.s32 $0x400, s17  }
0x201: {  	s20 =	sadd.s32 $0x20, s20;
	s21 =	sand.u32 $0x3000, s19;
	s22 =	sand.u32 $0xC00, s17;
	v4 =	vld.idx.msk [tilespmem:v4+s1+$0x0], $0xffff  }
0x202: {  	p0 =	slt.u32 s19, $0x3F80;
	s21 =	sor.u32 s21, s22;
	s22 =	sand.u32 $0x380, s20;
	v1 =	vld.idx.msk [tilespmem:v1+s1+$0x0], $0xffff;
	[tilespmem:s18+$0xC170] =	vst v7  }
0x203: {  	s21 =	sor.u32 s22, s21;
	[tilespmem:s18+$0xC100] =	vst v5;
	v0 =	vld.idx.msk [tilespmem:v0+s1+$0x0], $0xffff  }
0x204: {  	v5 =	vld [tilespmem:s21+$0x4170];
	[tilespmem:s18+$0xC110] =	vst v3  }
0x205: {  	v3 =	vld [tilespmem:s21+$0x4100];
	[tilespmem:s18+$0xC120] =	vst v2  }
0x206: {  	v2 =	vld [tilespmem:s21+$0x4110];
	[tilespmem:s18+$0xC130] =	vst v6  }
0x207: {  	v8 =	vld [tilespmem:s21+$0x4120];
	[tilespmem:s18+$0xC140] =	vst v4  }
0x208: {  	v6 =	vld [tilespmem:s21+$0x4130];
	[tilespmem:s18+$0xC150] =	vst v1  }
0x209: {  	v4 =	vld [tilespmem:s21+$0x4140];
	[tilespmem:s18+$0xC160] =	vst v0;
	s18 =	smov.u32 s21  }
0x20a: {  	v1 =	vld [tilespmem:s18+$0x4150]  }
.Ltmp9:
0x20b: {  	v0 =	vld [tilespmem:s18+$0x4160];
	(pc) =	sbr.rel @p0 .LBB2_20-.Ltmp9, $4  }
0x20c: {  	v7 =	vld.idx.msk [tilespmem:v5+s1+$0x0], $0xffff  }
0x20d: {  	v5 =	vld.idx.msk [tilespmem:v3+s1+$0x0], $0xffff  }
0x20e: {  	v3 =	vld.idx.msk [tilespmem:v2+s1+$0x0], $0xffff  }
0x20f: {  	v2 =	vld.idx.msk [tilespmem:v8+s1+$0x0], $0xffff  }
0x210: {  	_ =	sdelay $0x3  }
0x211: {  	v6 =	vld.idx.msk [tilespmem:v6+s1+$0x0], $0xffff  }
0x212: {  	v4 =	vld.idx.msk [tilespmem:v4+s1+$0x0], $0xffff;
	[tilespmem:s18+$0xC170] =	vst v7  }
0x213: {  	v1 =	vld.idx.msk [tilespmem:v1+s1+$0x0], $0xffff;
	[tilespmem:s18+$0xC100] =	vst v5  }
0x214: {  	v0 =	vld.idx.msk [tilespmem:v0+s1+$0x0], $0xffff;
	[tilespmem:s18+$0xC110] =	vst v3  }
0x215: {  	[tilespmem:s18+$0xC120] =	vst v2  }
0x216: {  	[tilespmem:s18+$0xC130] =	vst v6  }
0x217: {  	[tilespmem:s18+$0xC140] =	vst v4  }
0x218: {  	[tilespmem:s18+$0xC150] =	vst v1  }
0x219: {  	[tilespmem:s18+$0xC160] =	vst v0  }
0x21a: {  	s17 =	simm.s32 $0x0;
	s18 =	rddreg [dreg:$0x16]  }
0x21b: {  	[hbm4b:s18+s17] =	stream.linear.scatter [tilespmem:s13], [sflag:$0x4], $0x4000, $0x38;
	[tilespmem:$0x10100] =	vst v63  }
0x21c: {  	s20 =	rddreg [dreg:$0x18]  }
0x21d: {  	[tilespmem:s9], [sflag:$0x2] =	stream.linear.gather [hbm4b:s20+s17], $0x4000, $0x38;
	[tilespmem:$0x10100] =	vst v63  }
0x21e: {  	_ =	swait.ge [sflag:s10], $0x4000  }
0x21f: {  	[sflag:s10] =	ssyncset.done $0x0  }
0x220: {  	s19 =	simm.s32 $0x0;
	[sflag:s10] =	ssyncadd.s32 $0xFFFFC000  }
0x221: {  	s21 =	sand.u32 $0x3000, s19;
	s20 =	sand.u32 $0xC00, s17;
	_ =	swait.ge [sflag:s14], $0x4000  }
0x222: {  	s22 =	sand.u32 $0x380, s17;
	s18 =	sor.u32 s21, s20;
	[sflag:s14] =	ssyncset.done $0x0  }
0x223: {  	s18 =	sor.u32 s22, s18;
	[sflag:s14] =	ssyncadd.s32 $0xFFFFC000  }
0x224: {  	v2 =	vld [tilespmem:s18+$0x170]  }
0x225: {  	v3 =	vld [tilespmem:s18+$0x100]  }
0x226: {  	v8 =	vld [tilespmem:s18+$0x110]  }
0x227: {  	v9 =	vld [tilespmem:s18+$0x120]  }
0x228: {  	v6 =	vld [tilespmem:s18+$0x130]  }
0x229: {  	v4 =	vld [tilespmem:s18+$0x140]  }
0x22a: {  	v1 =	vld [tilespmem:s18+$0x150]  }
0x22b: {  	v0 =	vld [tilespmem:s18+$0x160]  }
0x22c: {  	v7 =	vld.idx.msk [tilespmem:v2+s1+$0x0], $0xffff  }
0x22d: {  	v5 =	vld.idx.msk [tilespmem:v3+s1+$0x0], $0xffff  }
0x22e: {  	v3 =	vld.idx.msk [tilespmem:v8+s1+$0x0], $0xffff  }
0x22f: {  	s20 =	simm.s32 $0x0;
	v2 =	vld.idx.msk [tilespmem:v9+s1+$0x0], $0xffff  }
.LBB2_22:
0x230: {  	s19 =	sadd.s32 $0x80, s19;
	v6 =	vld.idx.msk [tilespmem:v6+s1+$0x0], $0xffff;
	s17 =	sadd.s32 $0x400, s17  }
0x231: {  	s20 =	sadd.s32 $0x20, s20;
	s21 =	sand.u32 $0x3000, s19;
	s22 =	sand.u32 $0xC00, s17;
	v4 =	vld.idx.msk [tilespmem:v4+s1+$0x0], $0xffff  }
0x232: {  	p0 =	slt.u32 s19, $0x3F80;
	s21 =	sor.u32 s21, s22;
	s22 =	sand.u32 $0x380, s20;
	v1 =	vld.idx.msk [tilespmem:v1+s1+$0x0], $0xffff;
	[tilespmem:s18+$0x8170] =	vst v7  }
0x233: {  	s21 =	sor.u32 s22, s21;
	[tilespmem:s18+$0x8100] =	vst v5;
	v0 =	vld.idx.msk [tilespmem:v0+s1+$0x0], $0xffff  }
0x234: {  	v5 =	vld [tilespmem:s21+$0x170];
	[tilespmem:s18+$0x8110] =	vst v3  }
0x235: {  	v3 =	vld [tilespmem:s21+$0x100];
	[tilespmem:s18+$0x8120] =	vst v2  }
0x236: {  	v2 =	vld [tilespmem:s21+$0x110];
	[tilespmem:s18+$0x8130] =	vst v6  }
0x237: {  	v8 =	vld [tilespmem:s21+$0x120];
	[tilespmem:s18+$0x8140] =	vst v4  }
0x238: {  	v6 =	vld [tilespmem:s21+$0x130];
	[tilespmem:s18+$0x8150] =	vst v1  }
0x239: {  	v4 =	vld [tilespmem:s21+$0x140];
	[tilespmem:s18+$0x8160] =	vst v0;
	s18 =	smov.u32 s21  }
0x23a: {  	v1 =	vld [tilespmem:s18+$0x150]  }
.Ltmp10:
0x23b: {  	v0 =	vld [tilespmem:s18+$0x160];
	(pc) =	sbr.rel @p0 .LBB2_22-.Ltmp10, $4  }
0x23c: {  	v7 =	vld.idx.msk [tilespmem:v5+s1+$0x0], $0xffff  }
0x23d: {  	v5 =	vld.idx.msk [tilespmem:v3+s1+$0x0], $0xffff  }
0x23e: {  	v3 =	vld.idx.msk [tilespmem:v2+s1+$0x0], $0xffff  }
0x23f: {  	v2 =	vld.idx.msk [tilespmem:v8+s1+$0x0], $0xffff  }
0x240: {  	_ =	sdelay $0x3  }
0x241: {  	v6 =	vld.idx.msk [tilespmem:v6+s1+$0x0], $0xffff  }
0x242: {  	v4 =	vld.idx.msk [tilespmem:v4+s1+$0x0], $0xffff;
	[tilespmem:s18+$0x8170] =	vst v7  }
0x243: {  	v1 =	vld.idx.msk [tilespmem:v1+s1+$0x0], $0xffff;
	[tilespmem:s18+$0x8100] =	vst v5  }
0x244: {  	v0 =	vld.idx.msk [tilespmem:v0+s1+$0x0], $0xffff;
	[tilespmem:s18+$0x8110] =	vst v3  }
0x245: {  	[tilespmem:s18+$0x8120] =	vst v2  }
0x246: {  	[tilespmem:s18+$0x8130] =	vst v6  }
0x247: {  	[tilespmem:s18+$0x8140] =	vst v4  }
0x248: {  	[tilespmem:s18+$0x8150] =	vst v1  }
0x249: {  	[tilespmem:s18+$0x8160] =	vst v0  }
0x24a: {  	s17 =	simm.s32 $0x0;
	s18 =	rddreg [dreg:$0x17]  }
0x24b: {  	[hbm4b:s18+s17] =	stream.linear.scatter [tilespmem:s11], [sflag:$0x3], $0x4000, $0x38;
	[tilespmem:$0x10100] =	vst v63  }
0x24c: {  	s20 =	rddreg [dreg:$0x1a]  }
0x24d: {  	[tilespmem:s8], [sflag:$0x1] =	stream.linear.gather [hbm4b:s20+s17], $0x4000, $0x38;
	[tilespmem:$0x10100] =	vst v63  }
0x24e: {  	_ =	swait.ge [sflag:s12], $0x4000  }
0x24f: {  	[sflag:s12] =	ssyncset.done $0x0  }
0x250: {  	s19 =	simm.s32 $0x0;
	[sflag:s12] =	ssyncadd.s32 $0xFFFFC000  }
0x251: {  	s21 =	sand.u32 $0x3000, s19;
	s20 =	sand.u32 $0xC00, s17;
	_ =	swait.ge [sflag:s15], $0x4000  }
0x252: {  	s22 =	sand.u32 $0x380, s17;
	s18 =	sor.u32 s21, s20;
	[sflag:s15] =	ssyncset.done $0x0  }
0x253: {  	s18 =	sor.u32 s22, s18;
	[sflag:s15] =	ssyncadd.s32 $0xFFFFC000  }
0x254: {  	v2 =	vld [tilespmem:s18+$0x4170]  }
0x255: {  	v3 =	vld [tilespmem:s18+$0x4100]  }
0x256: {  	v8 =	vld [tilespmem:s18+$0x4110]  }
0x257: {  	v9 =	vld [tilespmem:s18+$0x4120]  }
0x258: {  	v6 =	vld [tilespmem:s18+$0x4130]  }
0x259: {  	v4 =	vld [tilespmem:s18+$0x4140]  }
0x25a: {  	v1 =	vld [tilespmem:s18+$0x4150]  }
0x25b: {  	v0 =	vld [tilespmem:s18+$0x4160]  }
0x25c: {  	v7 =	vld.idx.msk [tilespmem:v2+s1+$0x0], $0xffff  }
0x25d: {  	v5 =	vld.idx.msk [tilespmem:v3+s1+$0x0], $0xffff  }
0x25e: {  	v3 =	vld.idx.msk [tilespmem:v8+s1+$0x0], $0xffff  }
0x25f: {  	s20 =	simm.s32 $0x0;
	v2 =	vld.idx.msk [tilespmem:v9+s1+$0x0], $0xffff  }
.LBB2_24:
0x260: {  	s19 =	sadd.s32 $0x80, s19;
	v6 =	vld.idx.msk [tilespmem:v6+s1+$0x0], $0xffff;
	s17 =	sadd.s32 $0x400, s17  }
0x261: {  	s20 =	sadd.s32 $0x20, s20;
	s21 =	sand.u32 $0x3000, s19;
	s22 =	sand.u32 $0xC00, s17;
	v4 =	vld.idx.msk [tilespmem:v4+s1+$0x0], $0xffff  }
0x262: {  	p0 =	slt.u32 s19, $0x3F80;
	s21 =	sor.u32 s21, s22;
	s22 =	sand.u32 $0x380, s20;
	v1 =	vld.idx.msk [tilespmem:v1+s1+$0x0], $0xffff;
	[tilespmem:s18+$0xC170] =	vst v7  }
0x263: {  	s21 =	sor.u32 s22, s21;
	[tilespmem:s18+$0xC100] =	vst v5;
	v0 =	vld.idx.msk [tilespmem:v0+s1+$0x0], $0xffff  }
0x264: {  	v5 =	vld [tilespmem:s21+$0x4170];
	[tilespmem:s18+$0xC110] =	vst v3  }
0x265: {  	v3 =	vld [tilespmem:s21+$0x4100];
	[tilespmem:s18+$0xC120] =	vst v2  }
0x266: {  	v2 =	vld [tilespmem:s21+$0x4110];
	[tilespmem:s18+$0xC130] =	vst v6  }
0x267: {  	v8 =	vld [tilespmem:s21+$0x4120];
	[tilespmem:s18+$0xC140] =	vst v4  }
0x268: {  	v6 =	vld [tilespmem:s21+$0x4130];
	[tilespmem:s18+$0xC150] =	vst v1  }
0x269: {  	v4 =	vld [tilespmem:s21+$0x4140];
	[tilespmem:s18+$0xC160] =	vst v0;
	s18 =	smov.u32 s21  }
0x26a: {  	v1 =	vld [tilespmem:s18+$0x4150]  }
.Ltmp11:
0x26b: {  	v0 =	vld [tilespmem:s18+$0x4160];
	(pc) =	sbr.rel @p0 .LBB2_24-.Ltmp11, $4  }
0x26c: {  	v7 =	vld.idx.msk [tilespmem:v5+s1+$0x0], $0xffff  }
0x26d: {  	v5 =	vld.idx.msk [tilespmem:v3+s1+$0x0], $0xffff  }
0x26e: {  	v3 =	vld.idx.msk [tilespmem:v2+s1+$0x0], $0xffff  }
0x26f: {  	v2 =	vld.idx.msk [tilespmem:v8+s1+$0x0], $0xffff  }
0x270: {  	_ =	sdelay $0x3  }
0x271: {  	v6 =	vld.idx.msk [tilespmem:v6+s1+$0x0], $0xffff  }
0x272: {  	v4 =	vld.idx.msk [tilespmem:v4+s1+$0x0], $0xffff;
	[tilespmem:s18+$0xC170] =	vst v7  }
0x273: {  	v1 =	vld.idx.msk [tilespmem:v1+s1+$0x0], $0xffff;
	[tilespmem:s18+$0xC100] =	vst v5  }
0x274: {  	v0 =	vld.idx.msk [tilespmem:v0+s1+$0x0], $0xffff;
	[tilespmem:s18+$0xC110] =	vst v3  }
0x275: {  	[tilespmem:s18+$0xC120] =	vst v2  }
0x276: {  	[tilespmem:s18+$0xC130] =	vst v6  }
0x277: {  	[tilespmem:s18+$0xC140] =	vst v4  }
0x278: {  	[tilespmem:s18+$0xC150] =	vst v1  }
0x279: {  	[tilespmem:s18+$0xC160] =	vst v0  }
0x27a: {  	s17 =	simm.s32 $0x0;
	s18 =	rddreg [dreg:$0x19]  }
0x27b: {  	[hbm4b:s18+s17] =	stream.linear.scatter [tilespmem:s13], [sflag:$0x4], $0x4000, $0x38;
	[tilespmem:$0x10100] =	vst v63  }
0x27c: {  	s20 =	rddreg [dreg:$0x1c]  }
0x27d: {  	[tilespmem:s9], [sflag:$0x2] =	stream.linear.gather [hbm4b:s20+s17], $0x4000, $0x38;
	[tilespmem:$0x10100] =	vst v63  }
0x27e: {  	_ =	swait.ge [sflag:s10], $0x4000  }
0x27f: {  	[sflag:s10] =	ssyncset.done $0x0  }
0x280: {  	s19 =	simm.s32 $0x0;
	[sflag:s10] =	ssyncadd.s32 $0xFFFFC000  }
0x281: {  	s21 =	sand.u32 $0x3000, s19;
	s20 =	sand.u32 $0xC00, s17;
	_ =	swait.ge [sflag:s14], $0x4000  }
0x282: {  	s22 =	sand.u32 $0x380, s17;
	s18 =	sor.u32 s21, s20;
	[sflag:s14] =	ssyncset.done $0x0  }
0x283: {  	s18 =	sor.u32 s22, s18;
	[sflag:s14] =	ssyncadd.s32 $0xFFFFC000  }
0x284: {  	v2 =	vld [tilespmem:s18+$0x170]  }
0x285: {  	v3 =	vld [tilespmem:s18+$0x100]  }
0x286: {  	v8 =	vld [tilespmem:s18+$0x110]  }
0x287: {  	v9 =	vld [tilespmem:s18+$0x120]  }
0x288: {  	v6 =	vld [tilespmem:s18+$0x130]  }
0x289: {  	v4 =	vld [tilespmem:s18+$0x140]  }
0x28a: {  	v1 =	vld [tilespmem:s18+$0x150]  }
0x28b: {  	v0 =	vld [tilespmem:s18+$0x160]  }
0x28c: {  	v7 =	vld.idx.msk [tilespmem:v2+s1+$0x0], $0xffff  }
0x28d: {  	v5 =	vld.idx.msk [tilespmem:v3+s1+$0x0], $0xffff  }
0x28e: {  	v3 =	vld.idx.msk [tilespmem:v8+s1+$0x0], $0xffff  }
0x28f: {  	s20 =	simm.s32 $0x0;
	v2 =	vld.idx.msk [tilespmem:v9+s1+$0x0], $0xffff  }
.LBB2_26:
0x290: {  	s19 =	sadd.s32 $0x80, s19;
	v6 =	vld.idx.msk [tilespmem:v6+s1+$0x0], $0xffff;
	s17 =	sadd.s32 $0x400, s17  }
0x291: {  	s20 =	sadd.s32 $0x20, s20;
	s21 =	sand.u32 $0x3000, s19;
	s22 =	sand.u32 $0xC00, s17;
	v4 =	vld.idx.msk [tilespmem:v4+s1+$0x0], $0xffff  }
0x292: {  	p0 =	slt.u32 s19, $0x3F80;
	s21 =	sor.u32 s21, s22;
	s22 =	sand.u32 $0x380, s20;
	v1 =	vld.idx.msk [tilespmem:v1+s1+$0x0], $0xffff;
	[tilespmem:s18+$0x8170] =	vst v7  }
0x293: {  	s21 =	sor.u32 s22, s21;
	[tilespmem:s18+$0x8100] =	vst v5;
	v0 =	vld.idx.msk [tilespmem:v0+s1+$0x0], $0xffff  }
0x294: {  	v5 =	vld [tilespmem:s21+$0x170];
	[tilespmem:s18+$0x8110] =	vst v3  }
0x295: {  	v3 =	vld [tilespmem:s21+$0x100];
	[tilespmem:s18+$0x8120] =	vst v2  }
0x296: {  	v2 =	vld [tilespmem:s21+$0x110];
	[tilespmem:s18+$0x8130] =	vst v6  }
0x297: {  	v8 =	vld [tilespmem:s21+$0x120];
	[tilespmem:s18+$0x8140] =	vst v4  }
0x298: {  	v6 =	vld [tilespmem:s21+$0x130];
	[tilespmem:s18+$0x8150] =	vst v1  }
0x299: {  	v4 =	vld [tilespmem:s21+$0x140];
	[tilespmem:s18+$0x8160] =	vst v0;
	s18 =	smov.u32 s21  }
0x29a: {  	v1 =	vld [tilespmem:s18+$0x150]  }
.Ltmp12:
0x29b: {  	v0 =	vld [tilespmem:s18+$0x160];
	(pc) =	sbr.rel @p0 .LBB2_26-.Ltmp12, $4  }
0x29c: {  	v7 =	vld.idx.msk [tilespmem:v5+s1+$0x0], $0xffff  }
0x29d: {  	v5 =	vld.idx.msk [tilespmem:v3+s1+$0x0], $0xffff  }
0x29e: {  	v3 =	vld.idx.msk [tilespmem:v2+s1+$0x0], $0xffff  }
0x29f: {  	v2 =	vld.idx.msk [tilespmem:v8+s1+$0x0], $0xffff  }
0x2a0: {  	_ =	sdelay $0x3  }
0x2a1: {  	v6 =	vld.idx.msk [tilespmem:v6+s1+$0x0], $0xffff  }
0x2a2: {  	v4 =	vld.idx.msk [tilespmem:v4+s1+$0x0], $0xffff;
	[tilespmem:s18+$0x8170] =	vst v7  }
0x2a3: {  	v1 =	vld.idx.msk [tilespmem:v1+s1+$0x0], $0xffff;
	[tilespmem:s18+$0x8100] =	vst v5  }
0x2a4: {  	v0 =	vld.idx.msk [tilespmem:v0+s1+$0x0], $0xffff;
	[tilespmem:s18+$0x8110] =	vst v3  }
0x2a5: {  	[tilespmem:s18+$0x8120] =	vst v2  }
0x2a6: {  	[tilespmem:s18+$0x8130] =	vst v6  }
0x2a7: {  	[tilespmem:s18+$0x8140] =	vst v4  }
0x2a8: {  	[tilespmem:s18+$0x8150] =	vst v1  }
0x2a9: {  	[tilespmem:s18+$0x8160] =	vst v0  }
0x2aa: {  	s17 =	simm.s32 $0x0;
	s18 =	rddreg [dreg:$0x1b]  }
0x2ab: {  	[hbm4b:s18+s17] =	stream.linear.scatter [tilespmem:s11], [sflag:$0x3], $0x4000, $0x38;
	[tilespmem:$0x10100] =	vst v63  }
0x2ac: {  	s20 =	rddreg [dreg:$0x1e]  }
0x2ad: {  	[tilespmem:s8], [sflag:$0x1] =	stream.linear.gather [hbm4b:s20+s17], $0x4000, $0x38;
	[tilespmem:$0x10100] =	vst v63  }
0x2ae: {  	_ =	swait.ge [sflag:s12], $0x4000  }
0x2af: {  	[sflag:s12] =	ssyncset.done $0x0  }
0x2b0: {  	s19 =	simm.s32 $0x0;
	[sflag:s12] =	ssyncadd.s32 $0xFFFFC000  }
0x2b1: {  	s21 =	sand.u32 $0x3000, s19;
	s20 =	sand.u32 $0xC00, s17;
	_ =	swait.ge [sflag:s15], $0x4000  }
0x2b2: {  	s22 =	sand.u32 $0x380, s17;
	s18 =	sor.u32 s21, s20;
	[sflag:s15] =	ssyncset.done $0x0  }
0x2b3: {  	s18 =	sor.u32 s22, s18;
	[sflag:s15] =	ssyncadd.s32 $0xFFFFC000  }
0x2b4: {  	v2 =	vld [tilespmem:s18+$0x4170]  }
0x2b5: {  	v3 =	vld [tilespmem:s18+$0x4100]  }
0x2b6: {  	v8 =	vld [tilespmem:s18+$0x4110]  }
0x2b7: {  	v9 =	vld [tilespmem:s18+$0x4120]  }
0x2b8: {  	v6 =	vld [tilespmem:s18+$0x4130]  }
0x2b9: {  	v4 =	vld [tilespmem:s18+$0x4140]  }
0x2ba: {  	v1 =	vld [tilespmem:s18+$0x4150]  }
0x2bb: {  	v0 =	vld [tilespmem:s18+$0x4160]  }
0x2bc: {  	v7 =	vld.idx.msk [tilespmem:v2+s1+$0x0], $0xffff  }
0x2bd: {  	v5 =	vld.idx.msk [tilespmem:v3+s1+$0x0], $0xffff  }
0x2be: {  	v3 =	vld.idx.msk [tilespmem:v8+s1+$0x0], $0xffff  }
0x2bf: {  	s20 =	simm.s32 $0x0;
	v2 =	vld.idx.msk [tilespmem:v9+s1+$0x0], $0xffff  }
.LBB2_28:
0x2c0: {  	s19 =	sadd.s32 $0x80, s19;
	v6 =	vld.idx.msk [tilespmem:v6+s1+$0x0], $0xffff;
	s17 =	sadd.s32 $0x400, s17  }
0x2c1: {  	s20 =	sadd.s32 $0x20, s20;
	s21 =	sand.u32 $0x3000, s19;
	s22 =	sand.u32 $0xC00, s17;
	v4 =	vld.idx.msk [tilespmem:v4+s1+$0x0], $0xffff  }
0x2c2: {  	p0 =	slt.u32 s19, $0x3F80;
	s21 =	sor.u32 s21, s22;
	s22 =	sand.u32 $0x380, s20;
	v1 =	vld.idx.msk [tilespmem:v1+s1+$0x0], $0xffff;
	[tilespmem:s18+$0xC170] =	vst v7  }
0x2c3: {  	s21 =	sor.u32 s22, s21;
	[tilespmem:s18+$0xC100] =	vst v5;
	v0 =	vld.idx.msk [tilespmem:v0+s1+$0x0], $0xffff  }
0x2c4: {  	v5 =	vld [tilespmem:s21+$0x4170];
	[tilespmem:s18+$0xC110] =	vst v3  }
0x2c5: {  	v3 =	vld [tilespmem:s21+$0x4100];
	[tilespmem:s18+$0xC120] =	vst v2  }
0x2c6: {  	v2 =	vld [tilespmem:s21+$0x4110];
	[tilespmem:s18+$0xC130] =	vst v6  }
0x2c7: {  	v8 =	vld [tilespmem:s21+$0x4120];
	[tilespmem:s18+$0xC140] =	vst v4  }
0x2c8: {  	v6 =	vld [tilespmem:s21+$0x4130];
	[tilespmem:s18+$0xC150] =	vst v1  }
0x2c9: {  	v4 =	vld [tilespmem:s21+$0x4140];
	[tilespmem:s18+$0xC160] =	vst v0;
	s18 =	smov.u32 s21  }
0x2ca: {  	v1 =	vld [tilespmem:s18+$0x4150]  }
.Ltmp13:
0x2cb: {  	v0 =	vld [tilespmem:s18+$0x4160];
	(pc) =	sbr.rel @p0 .LBB2_28-.Ltmp13, $4  }
0x2cc: {  	v7 =	vld.idx.msk [tilespmem:v5+s1+$0x0], $0xffff  }
0x2cd: {  	v5 =	vld.idx.msk [tilespmem:v3+s1+$0x0], $0xffff  }
0x2ce: {  	v3 =	vld.idx.msk [tilespmem:v2+s1+$0x0], $0xffff  }
0x2cf: {  	v2 =	vld.idx.msk [tilespmem:v8+s1+$0x0], $0xffff  }
0x2d0: {  	_ =	sdelay $0x3  }
0x2d1: {  	v6 =	vld.idx.msk [tilespmem:v6+s1+$0x0], $0xffff  }
0x2d2: {  	v4 =	vld.idx.msk [tilespmem:v4+s1+$0x0], $0xffff;
	[tilespmem:s18+$0xC170] =	vst v7  }
0x2d3: {  	v1 =	vld.idx.msk [tilespmem:v1+s1+$0x0], $0xffff;
	[tilespmem:s18+$0xC100] =	vst v5  }
0x2d4: {  	v0 =	vld.idx.msk [tilespmem:v0+s1+$0x0], $0xffff;
	[tilespmem:s18+$0xC110] =	vst v3  }
0x2d5: {  	[tilespmem:s18+$0xC120] =	vst v2  }
0x2d6: {  	[tilespmem:s18+$0xC130] =	vst v6  }
0x2d7: {  	[tilespmem:s18+$0xC140] =	vst v4  }
0x2d8: {  	[tilespmem:s18+$0xC150] =	vst v1  }
0x2d9: {  	[tilespmem:s18+$0xC160] =	vst v0  }
0x2da: {  	s18 =	rddreg [dreg:$0x1d]  }
0x2db: {  	s17 =	simm.s32 $0x0;
	s20 =	sld [smem:$0x7E7]  }
0x2dc: {  	[hbm4b:s18+s17] =	stream.linear.scatter [tilespmem:s13], [sflag:$0x4], $0x4000, $0x38;
	[tilespmem:$0x10100] =	vst v63  }
0x2dd: {  	_ = 	snop  }
0x2de: {  	[tilespmem:s9], [sflag:$0x2] =	stream.linear.gather [hbm4b:s20+s17], $0x4000, $0x38;
	[tilespmem:$0x10100] =	vst v63  }
0x2df: {  	_ =	swait.ge [sflag:s10], $0x4000  }
0x2e0: {  	[sflag:s10] =	ssyncset.done $0x0  }
0x2e1: {  	s19 =	simm.s32 $0x0;
	[sflag:s10] =	ssyncadd.s32 $0xFFFFC000  }
0x2e2: {  	s21 =	sand.u32 $0x3000, s19;
	s20 =	sand.u32 $0xC00, s17;
	_ =	swait.ge [sflag:s14], $0x4000  }
0x2e3: {  	s22 =	sand.u32 $0x380, s17;
	s18 =	sor.u32 s21, s20;
	[sflag:s14] =	ssyncset.done $0x0  }
0x2e4: {  	s18 =	sor.u32 s22, s18;
	[sflag:s14] =	ssyncadd.s32 $0xFFFFC000  }
0x2e5: {  	v2 =	vld [tilespmem:s18+$0x170]  }
0x2e6: {  	v3 =	vld [tilespmem:s18+$0x100]  }
0x2e7: {  	v8 =	vld [tilespmem:s18+$0x110]  }
0x2e8: {  	v9 =	vld [tilespmem:s18+$0x120]  }
0x2e9: {  	v6 =	vld [tilespmem:s18+$0x130]  }
0x2ea: {  	v4 =	vld [tilespmem:s18+$0x140]  }
0x2eb: {  	v1 =	vld [tilespmem:s18+$0x150]  }
0x2ec: {  	v0 =	vld [tilespmem:s18+$0x160]  }
0x2ed: {  	v7 =	vld.idx.msk [tilespmem:v2+s1+$0x0], $0xffff  }
0x2ee: {  	v5 =	vld.idx.msk [tilespmem:v3+s1+$0x0], $0xffff  }
0x2ef: {  	v3 =	vld.idx.msk [tilespmem:v8+s1+$0x0], $0xffff  }
0x2f0: {  	s20 =	simm.s32 $0x0;
	v2 =	vld.idx.msk [tilespmem:v9+s1+$0x0], $0xffff  }
.LBB2_30:
0x2f1: {  	s19 =	sadd.s32 $0x80, s19;
	v6 =	vld.idx.msk [tilespmem:v6+s1+$0x0], $0xffff;
	s17 =	sadd.s32 $0x400, s17  }
0x2f2: {  	s20 =	sadd.s32 $0x20, s20;
	s21 =	sand.u32 $0x3000, s19;
	s22 =	sand.u32 $0xC00, s17;
	v4 =	vld.idx.msk [tilespmem:v4+s1+$0x0], $0xffff  }
0x2f3: {  	p0 =	slt.u32 s19, $0x3F80;
	s21 =	sor.u32 s21, s22;
	s22 =	sand.u32 $0x380, s20;
	v1 =	vld.idx.msk [tilespmem:v1+s1+$0x0], $0xffff;
	[tilespmem:s18+$0x8170] =	vst v7  }
0x2f4: {  	s21 =	sor.u32 s22, s21;
	[tilespmem:s18+$0x8100] =	vst v5;
	v0 =	vld.idx.msk [tilespmem:v0+s1+$0x0], $0xffff  }
0x2f5: {  	v5 =	vld [tilespmem:s21+$0x170];
	[tilespmem:s18+$0x8110] =	vst v3  }
0x2f6: {  	v3 =	vld [tilespmem:s21+$0x100];
	[tilespmem:s18+$0x8120] =	vst v2  }
0x2f7: {  	v2 =	vld [tilespmem:s21+$0x110];
	[tilespmem:s18+$0x8130] =	vst v6  }
0x2f8: {  	v8 =	vld [tilespmem:s21+$0x120];
	[tilespmem:s18+$0x8140] =	vst v4  }
0x2f9: {  	v6 =	vld [tilespmem:s21+$0x130];
	[tilespmem:s18+$0x8150] =	vst v1  }
0x2fa: {  	v4 =	vld [tilespmem:s21+$0x140];
	[tilespmem:s18+$0x8160] =	vst v0;
	s18 =	smov.u32 s21  }
0x2fb: {  	v1 =	vld [tilespmem:s18+$0x150]  }
.Ltmp14:
0x2fc: {  	v0 =	vld [tilespmem:s18+$0x160];
	(pc) =	sbr.rel @p0 .LBB2_30-.Ltmp14, $4  }
0x2fd: {  	v7 =	vld.idx.msk [tilespmem:v5+s1+$0x0], $0xffff  }
0x2fe: {  	v5 =	vld.idx.msk [tilespmem:v3+s1+$0x0], $0xffff  }
0x2ff: {  	v3 =	vld.idx.msk [tilespmem:v2+s1+$0x0], $0xffff  }
0x300: {  	v2 =	vld.idx.msk [tilespmem:v8+s1+$0x0], $0xffff  }
0x301: {  	_ =	sdelay $0x3  }
0x302: {  	v6 =	vld.idx.msk [tilespmem:v6+s1+$0x0], $0xffff  }
0x303: {  	v4 =	vld.idx.msk [tilespmem:v4+s1+$0x0], $0xffff;
	[tilespmem:s18+$0x8170] =	vst v7  }
0x304: {  	v1 =	vld.idx.msk [tilespmem:v1+s1+$0x0], $0xffff;
	[tilespmem:s18+$0x8100] =	vst v5  }
0x305: {  	v0 =	vld.idx.msk [tilespmem:v0+s1+$0x0], $0xffff;
	[tilespmem:s18+$0x8110] =	vst v3  }
0x306: {  	[tilespmem:s18+$0x8120] =	vst v2  }
0x307: {  	[tilespmem:s18+$0x8130] =	vst v6  }
0x308: {  	[tilespmem:s18+$0x8140] =	vst v4  }
0x309: {  	[tilespmem:s18+$0x8150] =	vst v1  }
0x30a: {  	[tilespmem:s18+$0x8160] =	vst v0  }
0x30b: {  	s18 =	rddreg [dreg:$0x1f]  }
0x30c: {  	s17 =	simm.s32 $0x0;
	s20 =	sld [smem:$0x7E9]  }
0x30d: {  	[hbm4b:s18+s17] =	stream.linear.scatter [tilespmem:s11], [sflag:$0x3], $0x4000, $0x38;
	[tilespmem:$0x10100] =	vst v63  }
0x30e: {  	_ = 	snop  }
0x30f: {  	[tilespmem:s8], [sflag:$0x1] =	stream.linear.gather [hbm4b:s20+s17], $0x4000, $0x38;
	[tilespmem:$0x10100] =	vst v63  }
0x310: {  	_ =	swait.ge [sflag:s12], $0x4000  }
0x311: {  	[sflag:s12] =	ssyncset.done $0x0  }
0x312: {  	s19 =	simm.s32 $0x0;
	[sflag:s12] =	ssyncadd.s32 $0xFFFFC000  }
0x313: {  	s21 =	sand.u32 $0x3000, s19;
	s20 =	sand.u32 $0xC00, s17;
	_ =	swait.ge [sflag:s15], $0x4000  }
0x314: {  	s22 =	sand.u32 $0x380, s17;
	s18 =	sor.u32 s21, s20;
	[sflag:s15] =	ssyncset.done $0x0  }
0x315: {  	s18 =	sor.u32 s22, s18;
	[sflag:s15] =	ssyncadd.s32 $0xFFFFC000  }
0x316: {  	v2 =	vld [tilespmem:s18+$0x4170]  }
0x317: {  	v3 =	vld [tilespmem:s18+$0x4100]  }
0x318: {  	v8 =	vld [tilespmem:s18+$0x4110]  }
0x319: {  	v9 =	vld [tilespmem:s18+$0x4120]  }
0x31a: {  	v6 =	vld [tilespmem:s18+$0x4130]  }
0x31b: {  	v4 =	vld [tilespmem:s18+$0x4140]  }
0x31c: {  	v1 =	vld [tilespmem:s18+$0x4150]  }
0x31d: {  	v0 =	vld [tilespmem:s18+$0x4160]  }
0x31e: {  	v7 =	vld.idx.msk [tilespmem:v2+s1+$0x0], $0xffff  }
0x31f: {  	v5 =	vld.idx.msk [tilespmem:v3+s1+$0x0], $0xffff  }
0x320: {  	v3 =	vld.idx.msk [tilespmem:v8+s1+$0x0], $0xffff  }
0x321: {  	s20 =	simm.s32 $0x0;
	v2 =	vld.idx.msk [tilespmem:v9+s1+$0x0], $0xffff  }
.LBB2_32:
0x322: {  	s19 =	sadd.s32 $0x80, s19;
	v6 =	vld.idx.msk [tilespmem:v6+s1+$0x0], $0xffff;
	s17 =	sadd.s32 $0x400, s17  }
0x323: {  	s20 =	sadd.s32 $0x20, s20;
	s21 =	sand.u32 $0x3000, s19;
	s22 =	sand.u32 $0xC00, s17;
	v4 =	vld.idx.msk [tilespmem:v4+s1+$0x0], $0xffff  }
0x324: {  	p0 =	slt.u32 s19, $0x3F80;
	s21 =	sor.u32 s21, s22;
	s22 =	sand.u32 $0x380, s20;
	v1 =	vld.idx.msk [tilespmem:v1+s1+$0x0], $0xffff;
	[tilespmem:s18+$0xC170] =	vst v7  }
0x325: {  	s21 =	sor.u32 s22, s21;
	[tilespmem:s18+$0xC100] =	vst v5;
	v0 =	vld.idx.msk [tilespmem:v0+s1+$0x0], $0xffff  }
0x326: {  	v5 =	vld [tilespmem:s21+$0x4170];
	[tilespmem:s18+$0xC110] =	vst v3  }
0x327: {  	v3 =	vld [tilespmem:s21+$0x4100];
	[tilespmem:s18+$0xC120] =	vst v2  }
0x328: {  	v2 =	vld [tilespmem:s21+$0x4110];
	[tilespmem:s18+$0xC130] =	vst v6  }
0x329: {  	v8 =	vld [tilespmem:s21+$0x4120];
	[tilespmem:s18+$0xC140] =	vst v4  }
0x32a: {  	v6 =	vld [tilespmem:s21+$0x4130];
	[tilespmem:s18+$0xC150] =	vst v1  }
0x32b: {  	v4 =	vld [tilespmem:s21+$0x4140];
	[tilespmem:s18+$0xC160] =	vst v0;
	s18 =	smov.u32 s21  }
0x32c: {  	v1 =	vld [tilespmem:s18+$0x4150]  }
.Ltmp15:
0x32d: {  	v0 =	vld [tilespmem:s18+$0x4160];
	(pc) =	sbr.rel @p0 .LBB2_32-.Ltmp15, $4  }
0x32e: {  	v7 =	vld.idx.msk [tilespmem:v5+s1+$0x0], $0xffff  }
0x32f: {  	v5 =	vld.idx.msk [tilespmem:v3+s1+$0x0], $0xffff  }
0x330: {  	v3 =	vld.idx.msk [tilespmem:v2+s1+$0x0], $0xffff  }
0x331: {  	v2 =	vld.idx.msk [tilespmem:v8+s1+$0x0], $0xffff  }
0x332: {  	_ =	sdelay $0x3  }
0x333: {  	v6 =	vld.idx.msk [tilespmem:v6+s1+$0x0], $0xffff  }
0x334: {  	v4 =	vld.idx.msk [tilespmem:v4+s1+$0x0], $0xffff;
	[tilespmem:s18+$0xC170] =	vst v7  }
0x335: {  	v1 =	vld.idx.msk [tilespmem:v1+s1+$0x0], $0xffff;
	[tilespmem:s18+$0xC100] =	vst v5  }
0x336: {  	v0 =	vld.idx.msk [tilespmem:v0+s1+$0x0], $0xffff;
	[tilespmem:s18+$0xC110] =	vst v3  }
0x337: {  	[tilespmem:s18+$0xC120] =	vst v2  }
0x338: {  	[tilespmem:s18+$0xC130] =	vst v6  }
0x339: {  	[tilespmem:s18+$0xC140] =	vst v4  }
0x33a: {  	[tilespmem:s18+$0xC150] =	vst v1  }
0x33b: {  	[tilespmem:s18+$0xC160] =	vst v0  }
0x33c: {  	s18 =	sld [smem:$0x7E8];
	_ =	sdelay $0x1  }
0x33d: {  	s17 =	simm.s32 $0x0;
	s20 =	sld [smem:$0x7EB]  }
0x33e: {  	[hbm4b:s18+s17] =	stream.linear.scatter [tilespmem:s13], [sflag:$0x4], $0x4000, $0x38;
	[tilespmem:$0x10100] =	vst v63  }
0x33f: {  	_ = 	snop  }
0x340: {  	[tilespmem:s9], [sflag:$0x2] =	stream.linear.gather [hbm4b:s20+s17], $0x4000, $0x38;
	[tilespmem:$0x10100] =	vst v63  }
0x341: {  	_ =	swait.ge [sflag:s10], $0x4000  }
0x342: {  	[sflag:s10] =	ssyncset.done $0x0  }
0x343: {  	s19 =	simm.s32 $0x0;
	[sflag:s10] =	ssyncadd.s32 $0xFFFFC000  }
0x344: {  	s21 =	sand.u32 $0x3000, s19;
	s20 =	sand.u32 $0xC00, s17;
	_ =	swait.ge [sflag:s14], $0x4000  }
0x345: {  	s22 =	sand.u32 $0x380, s17;
	s18 =	sor.u32 s21, s20;
	[sflag:s14] =	ssyncset.done $0x0  }
0x346: {  	s18 =	sor.u32 s22, s18;
	[sflag:s14] =	ssyncadd.s32 $0xFFFFC000  }
0x347: {  	v2 =	vld [tilespmem:s18+$0x170]  }
0x348: {  	v3 =	vld [tilespmem:s18+$0x100]  }
0x349: {  	v8 =	vld [tilespmem:s18+$0x110]  }
0x34a: {  	v9 =	vld [tilespmem:s18+$0x120]  }
0x34b: {  	v6 =	vld [tilespmem:s18+$0x130]  }
0x34c: {  	v4 =	vld [tilespmem:s18+$0x140]  }
0x34d: {  	v1 =	vld [tilespmem:s18+$0x150]  }
0x34e: {  	v0 =	vld [tilespmem:s18+$0x160]  }
0x34f: {  	v7 =	vld.idx.msk [tilespmem:v2+s1+$0x0], $0xffff  }
0x350: {  	v5 =	vld.idx.msk [tilespmem:v3+s1+$0x0], $0xffff  }
0x351: {  	v3 =	vld.idx.msk [tilespmem:v8+s1+$0x0], $0xffff  }
0x352: {  	s20 =	simm.s32 $0x0;
	v2 =	vld.idx.msk [tilespmem:v9+s1+$0x0], $0xffff  }
.LBB2_34:
0x353: {  	s19 =	sadd.s32 $0x80, s19;
	v6 =	vld.idx.msk [tilespmem:v6+s1+$0x0], $0xffff;
	s17 =	sadd.s32 $0x400, s17  }
0x354: {  	s20 =	sadd.s32 $0x20, s20;
	s21 =	sand.u32 $0x3000, s19;
	s22 =	sand.u32 $0xC00, s17;
	v4 =	vld.idx.msk [tilespmem:v4+s1+$0x0], $0xffff  }
0x355: {  	p0 =	slt.u32 s19, $0x3F80;
	s21 =	sor.u32 s21, s22;
	s22 =	sand.u32 $0x380, s20;
	v1 =	vld.idx.msk [tilespmem:v1+s1+$0x0], $0xffff;
	[tilespmem:s18+$0x8170] =	vst v7  }
0x356: {  	s21 =	sor.u32 s22, s21;
	[tilespmem:s18+$0x8100] =	vst v5;
	v0 =	vld.idx.msk [tilespmem:v0+s1+$0x0], $0xffff  }
0x357: {  	v5 =	vld [tilespmem:s21+$0x170];
	[tilespmem:s18+$0x8110] =	vst v3  }
0x358: {  	v3 =	vld [tilespmem:s21+$0x100];
	[tilespmem:s18+$0x8120] =	vst v2  }
0x359: {  	v2 =	vld [tilespmem:s21+$0x110];
	[tilespmem:s18+$0x8130] =	vst v6  }
0x35a: {  	v8 =	vld [tilespmem:s21+$0x120];
	[tilespmem:s18+$0x8140] =	vst v4  }
0x35b: {  	v6 =	vld [tilespmem:s21+$0x130];
	[tilespmem:s18+$0x8150] =	vst v1  }
0x35c: {  	v4 =	vld [tilespmem:s21+$0x140];
	[tilespmem:s18+$0x8160] =	vst v0;
	s18 =	smov.u32 s21  }
0x35d: {  	v1 =	vld [tilespmem:s18+$0x150]  }
.Ltmp16:
0x35e: {  	v0 =	vld [tilespmem:s18+$0x160];
	(pc) =	sbr.rel @p0 .LBB2_34-.Ltmp16, $4  }
0x35f: {  	v7 =	vld.idx.msk [tilespmem:v5+s1+$0x0], $0xffff  }
0x360: {  	v5 =	vld.idx.msk [tilespmem:v3+s1+$0x0], $0xffff  }
0x361: {  	v3 =	vld.idx.msk [tilespmem:v2+s1+$0x0], $0xffff  }
0x362: {  	v2 =	vld.idx.msk [tilespmem:v8+s1+$0x0], $0xffff  }
0x363: {  	_ =	sdelay $0x3  }
0x364: {  	v6 =	vld.idx.msk [tilespmem:v6+s1+$0x0], $0xffff  }
0x365: {  	v4 =	vld.idx.msk [tilespmem:v4+s1+$0x0], $0xffff;
	[tilespmem:s18+$0x8170] =	vst v7  }
0x366: {  	v1 =	vld.idx.msk [tilespmem:v1+s1+$0x0], $0xffff;
	[tilespmem:s18+$0x8100] =	vst v5  }
0x367: {  	v0 =	vld.idx.msk [tilespmem:v0+s1+$0x0], $0xffff;
	[tilespmem:s18+$0x8110] =	vst v3  }
0x368: {  	[tilespmem:s18+$0x8120] =	vst v2  }
0x369: {  	[tilespmem:s18+$0x8130] =	vst v6  }
0x36a: {  	[tilespmem:s18+$0x8140] =	vst v4  }
0x36b: {  	[tilespmem:s18+$0x8150] =	vst v1  }
0x36c: {  	[tilespmem:s18+$0x8160] =	vst v0  }
0x36d: {  	s18 =	sld [smem:$0x7EA];
	_ =	sdelay $0x1  }
0x36e: {  	s17 =	simm.s32 $0x0;
	s20 =	sld [smem:$0x7ED]  }
0x36f: {  	[hbm4b:s18+s17] =	stream.linear.scatter [tilespmem:s11], [sflag:$0x3], $0x4000, $0x38;
	[tilespmem:$0x10100] =	vst v63  }
0x370: {  	_ = 	snop  }
0x371: {  	[tilespmem:s8], [sflag:$0x1] =	stream.linear.gather [hbm4b:s20+s17], $0x4000, $0x38;
	[tilespmem:$0x10100] =	vst v63  }
0x372: {  	_ =	swait.ge [sflag:s12], $0x4000  }
0x373: {  	[sflag:s12] =	ssyncset.done $0x0  }
0x374: {  	s19 =	simm.s32 $0x0;
	[sflag:s12] =	ssyncadd.s32 $0xFFFFC000  }
0x375: {  	s21 =	sand.u32 $0x3000, s19;
	s20 =	sand.u32 $0xC00, s17;
	_ =	swait.ge [sflag:s15], $0x4000  }
0x376: {  	s22 =	sand.u32 $0x380, s17;
	s18 =	sor.u32 s21, s20;
	[sflag:s15] =	ssyncset.done $0x0  }
0x377: {  	s18 =	sor.u32 s22, s18;
	[sflag:s15] =	ssyncadd.s32 $0xFFFFC000  }
0x378: {  	v2 =	vld [tilespmem:s18+$0x4170]  }
0x379: {  	v3 =	vld [tilespmem:s18+$0x4100]  }
0x37a: {  	v8 =	vld [tilespmem:s18+$0x4110]  }
0x37b: {  	v9 =	vld [tilespmem:s18+$0x4120]  }
0x37c: {  	v6 =	vld [tilespmem:s18+$0x4130]  }
0x37d: {  	v4 =	vld [tilespmem:s18+$0x4140]  }
0x37e: {  	v1 =	vld [tilespmem:s18+$0x4150]  }
0x37f: {  	v0 =	vld [tilespmem:s18+$0x4160]  }
0x380: {  	v7 =	vld.idx.msk [tilespmem:v2+s1+$0x0], $0xffff  }
0x381: {  	v5 =	vld.idx.msk [tilespmem:v3+s1+$0x0], $0xffff  }
0x382: {  	v3 =	vld.idx.msk [tilespmem:v8+s1+$0x0], $0xffff  }
0x383: {  	s20 =	simm.s32 $0x0;
	v2 =	vld.idx.msk [tilespmem:v9+s1+$0x0], $0xffff  }
.LBB2_36:
0x384: {  	s19 =	sadd.s32 $0x80, s19;
	v6 =	vld.idx.msk [tilespmem:v6+s1+$0x0], $0xffff;
	s17 =	sadd.s32 $0x400, s17  }
0x385: {  	s20 =	sadd.s32 $0x20, s20;
	s21 =	sand.u32 $0x3000, s19;
	s22 =	sand.u32 $0xC00, s17;
	v4 =	vld.idx.msk [tilespmem:v4+s1+$0x0], $0xffff  }
0x386: {  	p0 =	slt.u32 s19, $0x3F80;
	s21 =	sor.u32 s21, s22;
	s22 =	sand.u32 $0x380, s20;
	v1 =	vld.idx.msk [tilespmem:v1+s1+$0x0], $0xffff;
	[tilespmem:s18+$0xC170] =	vst v7  }
0x387: {  	s21 =	sor.u32 s22, s21;
	[tilespmem:s18+$0xC100] =	vst v5;
	v0 =	vld.idx.msk [tilespmem:v0+s1+$0x0], $0xffff  }
0x388: {  	v5 =	vld [tilespmem:s21+$0x4170];
	[tilespmem:s18+$0xC110] =	vst v3  }
0x389: {  	v3 =	vld [tilespmem:s21+$0x4100];
	[tilespmem:s18+$0xC120] =	vst v2  }
0x38a: {  	v2 =	vld [tilespmem:s21+$0x4110];
	[tilespmem:s18+$0xC130] =	vst v6  }
0x38b: {  	v8 =	vld [tilespmem:s21+$0x4120];
	[tilespmem:s18+$0xC140] =	vst v4  }
0x38c: {  	v6 =	vld [tilespmem:s21+$0x4130];
	[tilespmem:s18+$0xC150] =	vst v1  }
0x38d: {  	v4 =	vld [tilespmem:s21+$0x4140];
	[tilespmem:s18+$0xC160] =	vst v0;
	s18 =	smov.u32 s21  }
0x38e: {  	v1 =	vld [tilespmem:s18+$0x4150]  }
.Ltmp17:
0x38f: {  	v0 =	vld [tilespmem:s18+$0x4160];
	(pc) =	sbr.rel @p0 .LBB2_36-.Ltmp17, $4  }
0x390: {  	v7 =	vld.idx.msk [tilespmem:v5+s1+$0x0], $0xffff  }
0x391: {  	v5 =	vld.idx.msk [tilespmem:v3+s1+$0x0], $0xffff  }
0x392: {  	v3 =	vld.idx.msk [tilespmem:v2+s1+$0x0], $0xffff  }
0x393: {  	v2 =	vld.idx.msk [tilespmem:v8+s1+$0x0], $0xffff  }
0x394: {  	_ =	sdelay $0x3  }
0x395: {  	v6 =	vld.idx.msk [tilespmem:v6+s1+$0x0], $0xffff  }
0x396: {  	v4 =	vld.idx.msk [tilespmem:v4+s1+$0x0], $0xffff;
	[tilespmem:s18+$0xC170] =	vst v7  }
0x397: {  	v1 =	vld.idx.msk [tilespmem:v1+s1+$0x0], $0xffff;
	[tilespmem:s18+$0xC100] =	vst v5  }
0x398: {  	v0 =	vld.idx.msk [tilespmem:v0+s1+$0x0], $0xffff;
	[tilespmem:s18+$0xC110] =	vst v3  }
0x399: {  	[tilespmem:s18+$0xC120] =	vst v2  }
0x39a: {  	[tilespmem:s18+$0xC130] =	vst v6  }
0x39b: {  	[tilespmem:s18+$0xC140] =	vst v4  }
0x39c: {  	[tilespmem:s18+$0xC150] =	vst v1  }
0x39d: {  	[tilespmem:s18+$0xC160] =	vst v0  }
0x39e: {  	s18 =	sld [smem:$0x7EC];
	_ =	sdelay $0x1  }
0x39f: {  	s17 =	simm.s32 $0x0;
	s20 =	sld [smem:$0x7EF]  }
0x3a0: {  	[hbm4b:s18+s17] =	stream.linear.scatter [tilespmem:s13], [sflag:$0x4], $0x4000, $0x38;
	[tilespmem:$0x10100] =	vst v63  }
0x3a1: {  	_ = 	snop  }
0x3a2: {  	[tilespmem:s9], [sflag:$0x2] =	stream.linear.gather [hbm4b:s20+s17], $0x4000, $0x38;
	[tilespmem:$0x10100] =	vst v63  }
0x3a3: {  	_ =	swait.ge [sflag:s10], $0x4000  }
0x3a4: {  	[sflag:s10] =	ssyncset.done $0x0  }
0x3a5: {  	s19 =	simm.s32 $0x0;
	[sflag:s10] =	ssyncadd.s32 $0xFFFFC000  }
0x3a6: {  	s21 =	sand.u32 $0x3000, s19;
	s20 =	sand.u32 $0xC00, s17;
	_ =	swait.ge [sflag:s14], $0x4000  }
0x3a7: {  	s22 =	sand.u32 $0x380, s17;
	s18 =	sor.u32 s21, s20;
	[sflag:s14] =	ssyncset.done $0x0  }
0x3a8: {  	s18 =	sor.u32 s22, s18;
	[sflag:s14] =	ssyncadd.s32 $0xFFFFC000  }
0x3a9: {  	v2 =	vld [tilespmem:s18+$0x170]  }
0x3aa: {  	v3 =	vld [tilespmem:s18+$0x100]  }
0x3ab: {  	v8 =	vld [tilespmem:s18+$0x110]  }
0x3ac: {  	v9 =	vld [tilespmem:s18+$0x120]  }
0x3ad: {  	v6 =	vld [tilespmem:s18+$0x130]  }
0x3ae: {  	v4 =	vld [tilespmem:s18+$0x140]  }
0x3af: {  	v1 =	vld [tilespmem:s18+$0x150]  }
0x3b0: {  	v0 =	vld [tilespmem:s18+$0x160]  }
0x3b1: {  	v7 =	vld.idx.msk [tilespmem:v2+s1+$0x0], $0xffff  }
0x3b2: {  	v5 =	vld.idx.msk [tilespmem:v3+s1+$0x0], $0xffff  }
0x3b3: {  	v3 =	vld.idx.msk [tilespmem:v8+s1+$0x0], $0xffff  }
0x3b4: {  	s20 =	simm.s32 $0x0;
	v2 =	vld.idx.msk [tilespmem:v9+s1+$0x0], $0xffff  }
.LBB2_38:
0x3b5: {  	s19 =	sadd.s32 $0x80, s19;
	v6 =	vld.idx.msk [tilespmem:v6+s1+$0x0], $0xffff;
	s17 =	sadd.s32 $0x400, s17  }
0x3b6: {  	s20 =	sadd.s32 $0x20, s20;
	s21 =	sand.u32 $0x3000, s19;
	s22 =	sand.u32 $0xC00, s17;
	v4 =	vld.idx.msk [tilespmem:v4+s1+$0x0], $0xffff  }
0x3b7: {  	p0 =	slt.u32 s19, $0x3F80;
	s21 =	sor.u32 s21, s22;
	s22 =	sand.u32 $0x380, s20;
	v1 =	vld.idx.msk [tilespmem:v1+s1+$0x0], $0xffff;
	[tilespmem:s18+$0x8170] =	vst v7  }
0x3b8: {  	s21 =	sor.u32 s22, s21;
	[tilespmem:s18+$0x8100] =	vst v5;
	v0 =	vld.idx.msk [tilespmem:v0+s1+$0x0], $0xffff  }
0x3b9: {  	v5 =	vld [tilespmem:s21+$0x170];
	[tilespmem:s18+$0x8110] =	vst v3  }
0x3ba: {  	v3 =	vld [tilespmem:s21+$0x100];
	[tilespmem:s18+$0x8120] =	vst v2  }
0x3bb: {  	v2 =	vld [tilespmem:s21+$0x110];
	[tilespmem:s18+$0x8130] =	vst v6  }
0x3bc: {  	v8 =	vld [tilespmem:s21+$0x120];
	[tilespmem:s18+$0x8140] =	vst v4  }
0x3bd: {  	v6 =	vld [tilespmem:s21+$0x130];
	[tilespmem:s18+$0x8150] =	vst v1  }
0x3be: {  	v4 =	vld [tilespmem:s21+$0x140];
	[tilespmem:s18+$0x8160] =	vst v0;
	s18 =	smov.u32 s21  }
0x3bf: {  	v1 =	vld [tilespmem:s18+$0x150]  }
.Ltmp18:
0x3c0: {  	v0 =	vld [tilespmem:s18+$0x160];
	(pc) =	sbr.rel @p0 .LBB2_38-.Ltmp18, $4  }
0x3c1: {  	v7 =	vld.idx.msk [tilespmem:v5+s1+$0x0], $0xffff  }
0x3c2: {  	v5 =	vld.idx.msk [tilespmem:v3+s1+$0x0], $0xffff  }
0x3c3: {  	v3 =	vld.idx.msk [tilespmem:v2+s1+$0x0], $0xffff  }
0x3c4: {  	v2 =	vld.idx.msk [tilespmem:v8+s1+$0x0], $0xffff  }
0x3c5: {  	_ =	sdelay $0x3  }
0x3c6: {  	v6 =	vld.idx.msk [tilespmem:v6+s1+$0x0], $0xffff  }
0x3c7: {  	v4 =	vld.idx.msk [tilespmem:v4+s1+$0x0], $0xffff;
	[tilespmem:s18+$0x8170] =	vst v7  }
0x3c8: {  	v1 =	vld.idx.msk [tilespmem:v1+s1+$0x0], $0xffff;
	[tilespmem:s18+$0x8100] =	vst v5  }
0x3c9: {  	v0 =	vld.idx.msk [tilespmem:v0+s1+$0x0], $0xffff;
	[tilespmem:s18+$0x8110] =	vst v3  }
0x3ca: {  	[tilespmem:s18+$0x8120] =	vst v2  }
0x3cb: {  	[tilespmem:s18+$0x8130] =	vst v6  }
0x3cc: {  	[tilespmem:s18+$0x8140] =	vst v4  }
0x3cd: {  	[tilespmem:s18+$0x8150] =	vst v1  }
0x3ce: {  	[tilespmem:s18+$0x8160] =	vst v0  }
0x3cf: {  	s18 =	sld [smem:$0x7EE];
	_ =	sdelay $0x1  }
0x3d0: {  	s17 =	simm.s32 $0x0;
	s20 =	sld [smem:$0x7F1]  }
0x3d1: {  	[hbm4b:s18+s17] =	stream.linear.scatter [tilespmem:s11], [sflag:$0x3], $0x4000, $0x38;
	[tilespmem:$0x10100] =	vst v63  }
0x3d2: {  	_ = 	snop  }
0x3d3: {  	[tilespmem:s8], [sflag:$0x1] =	stream.linear.gather [hbm4b:s20+s17], $0x4000, $0x38;
	[tilespmem:$0x10100] =	vst v63  }
0x3d4: {  	_ =	swait.ge [sflag:s12], $0x4000  }
0x3d5: {  	[sflag:s12] =	ssyncset.done $0x0  }
0x3d6: {  	s19 =	simm.s32 $0x0;
	[sflag:s12] =	ssyncadd.s32 $0xFFFFC000  }
0x3d7: {  	s21 =	sand.u32 $0x3000, s19;
	s20 =	sand.u32 $0xC00, s17;
	_ =	swait.ge [sflag:s15], $0x4000  }
0x3d8: {  	s22 =	sand.u32 $0x380, s17;
	s18 =	sor.u32 s21, s20;
	[sflag:s15] =	ssyncset.done $0x0  }
0x3d9: {  	s18 =	sor.u32 s22, s18;
	[sflag:s15] =	ssyncadd.s32 $0xFFFFC000  }
0x3da: {  	v2 =	vld [tilespmem:s18+$0x4170]  }
0x3db: {  	v3 =	vld [tilespmem:s18+$0x4100]  }
0x3dc: {  	v8 =	vld [tilespmem:s18+$0x4110]  }
0x3dd: {  	v9 =	vld [tilespmem:s18+$0x4120]  }
0x3de: {  	v6 =	vld [tilespmem:s18+$0x4130]  }
0x3df: {  	v4 =	vld [tilespmem:s18+$0x4140]  }
0x3e0: {  	v1 =	vld [tilespmem:s18+$0x4150]  }
0x3e1: {  	v0 =	vld [tilespmem:s18+$0x4160]  }
0x3e2: {  	v7 =	vld.idx.msk [tilespmem:v2+s1+$0x0], $0xffff  }
0x3e3: {  	v5 =	vld.idx.msk [tilespmem:v3+s1+$0x0], $0xffff  }
0x3e4: {  	v3 =	vld.idx.msk [tilespmem:v8+s1+$0x0], $0xffff  }
0x3e5: {  	s20 =	simm.s32 $0x0;
	v2 =	vld.idx.msk [tilespmem:v9+s1+$0x0], $0xffff  }
.LBB2_40:
0x3e6: {  	s19 =	sadd.s32 $0x80, s19;
	v6 =	vld.idx.msk [tilespmem:v6+s1+$0x0], $0xffff;
	s17 =	sadd.s32 $0x400, s17  }
0x3e7: {  	s20 =	sadd.s32 $0x20, s20;
	s21 =	sand.u32 $0x3000, s19;
	s22 =	sand.u32 $0xC00, s17;
	v4 =	vld.idx.msk [tilespmem:v4+s1+$0x0], $0xffff  }
0x3e8: {  	p0 =	slt.u32 s19, $0x3F80;
	s21 =	sor.u32 s21, s22;
	s22 =	sand.u32 $0x380, s20;
	v1 =	vld.idx.msk [tilespmem:v1+s1+$0x0], $0xffff;
	[tilespmem:s18+$0xC170] =	vst v7  }
0x3e9: {  	s21 =	sor.u32 s22, s21;
	[tilespmem:s18+$0xC100] =	vst v5;
	v0 =	vld.idx.msk [tilespmem:v0+s1+$0x0], $0xffff  }
0x3ea: {  	v5 =	vld [tilespmem:s21+$0x4170];
	[tilespmem:s18+$0xC110] =	vst v3  }
0x3eb: {  	v3 =	vld [tilespmem:s21+$0x4100];
	[tilespmem:s18+$0xC120] =	vst v2  }
0x3ec: {  	v2 =	vld [tilespmem:s21+$0x4110];
	[tilespmem:s18+$0xC130] =	vst v6  }
0x3ed: {  	v8 =	vld [tilespmem:s21+$0x4120];
	[tilespmem:s18+$0xC140] =	vst v4  }
0x3ee: {  	v6 =	vld [tilespmem:s21+$0x4130];
	[tilespmem:s18+$0xC150] =	vst v1  }
0x3ef: {  	v4 =	vld [tilespmem:s21+$0x4140];
	[tilespmem:s18+$0xC160] =	vst v0;
	s18 =	smov.u32 s21  }
0x3f0: {  	v1 =	vld [tilespmem:s18+$0x4150]  }
.Ltmp19:
0x3f1: {  	v0 =	vld [tilespmem:s18+$0x4160];
	(pc) =	sbr.rel @p0 .LBB2_40-.Ltmp19, $4  }
0x3f2: {  	v7 =	vld.idx.msk [tilespmem:v5+s1+$0x0], $0xffff  }
0x3f3: {  	v5 =	vld.idx.msk [tilespmem:v3+s1+$0x0], $0xffff  }
0x3f4: {  	v3 =	vld.idx.msk [tilespmem:v2+s1+$0x0], $0xffff  }
0x3f5: {  	v2 =	vld.idx.msk [tilespmem:v8+s1+$0x0], $0xffff  }
0x3f6: {  	_ =	sdelay $0x3  }
0x3f7: {  	v6 =	vld.idx.msk [tilespmem:v6+s1+$0x0], $0xffff  }
0x3f8: {  	v4 =	vld.idx.msk [tilespmem:v4+s1+$0x0], $0xffff;
	[tilespmem:s18+$0xC170] =	vst v7  }
0x3f9: {  	v1 =	vld.idx.msk [tilespmem:v1+s1+$0x0], $0xffff;
	[tilespmem:s18+$0xC100] =	vst v5  }
0x3fa: {  	v0 =	vld.idx.msk [tilespmem:v0+s1+$0x0], $0xffff;
	[tilespmem:s18+$0xC110] =	vst v3  }
0x3fb: {  	[tilespmem:s18+$0xC120] =	vst v2  }
0x3fc: {  	[tilespmem:s18+$0xC130] =	vst v6  }
0x3fd: {  	[tilespmem:s18+$0xC140] =	vst v4  }
0x3fe: {  	[tilespmem:s18+$0xC150] =	vst v1  }
0x3ff: {  	[tilespmem:s18+$0xC160] =	vst v0  }
0x400: {  	s18 =	sld [smem:$0x7F0];
	_ =	sdelay $0x1  }
0x401: {  	s17 =	simm.s32 $0x0;
	s20 =	sld [smem:$0x7F3]  }
0x402: {  	[hbm4b:s18+s17] =	stream.linear.scatter [tilespmem:s13], [sflag:$0x4], $0x4000, $0x38;
	[tilespmem:$0x10100] =	vst v63  }
0x403: {  	_ = 	snop  }
0x404: {  	[tilespmem:s9], [sflag:$0x2] =	stream.linear.gather [hbm4b:s20+s17], $0x4000, $0x38;
	[tilespmem:$0x10100] =	vst v63  }
0x405: {  	_ =	swait.ge [sflag:s10], $0x4000  }
0x406: {  	[sflag:s10] =	ssyncset.done $0x0  }
0x407: {  	s19 =	simm.s32 $0x0;
	[sflag:s10] =	ssyncadd.s32 $0xFFFFC000  }
0x408: {  	s21 =	sand.u32 $0x3000, s19;
	s20 =	sand.u32 $0xC00, s17;
	_ =	swait.ge [sflag:s14], $0x4000  }
0x409: {  	s22 =	sand.u32 $0x380, s17;
	s18 =	sor.u32 s21, s20;
	[sflag:s14] =	ssyncset.done $0x0  }
0x40a: {  	s18 =	sor.u32 s22, s18;
	[sflag:s14] =	ssyncadd.s32 $0xFFFFC000  }
0x40b: {  	v2 =	vld [tilespmem:s18+$0x170]  }
0x40c: {  	v3 =	vld [tilespmem:s18+$0x100]  }
0x40d: {  	v8 =	vld [tilespmem:s18+$0x110]  }
0x40e: {  	v9 =	vld [tilespmem:s18+$0x120]  }
0x40f: {  	v6 =	vld [tilespmem:s18+$0x130]  }
0x410: {  	v4 =	vld [tilespmem:s18+$0x140]  }
0x411: {  	v1 =	vld [tilespmem:s18+$0x150]  }
0x412: {  	v0 =	vld [tilespmem:s18+$0x160]  }
0x413: {  	v7 =	vld.idx.msk [tilespmem:v2+s1+$0x0], $0xffff  }
0x414: {  	v5 =	vld.idx.msk [tilespmem:v3+s1+$0x0], $0xffff  }
0x415: {  	v3 =	vld.idx.msk [tilespmem:v8+s1+$0x0], $0xffff  }
0x416: {  	s20 =	simm.s32 $0x0;
	v2 =	vld.idx.msk [tilespmem:v9+s1+$0x0], $0xffff  }
.LBB2_42:
0x417: {  	s19 =	sadd.s32 $0x80, s19;
	v6 =	vld.idx.msk [tilespmem:v6+s1+$0x0], $0xffff;
	s17 =	sadd.s32 $0x400, s17  }
0x418: {  	s20 =	sadd.s32 $0x20, s20;
	s21 =	sand.u32 $0x3000, s19;
	s22 =	sand.u32 $0xC00, s17;
	v4 =	vld.idx.msk [tilespmem:v4+s1+$0x0], $0xffff  }
0x419: {  	p0 =	slt.u32 s19, $0x3F80;
	s21 =	sor.u32 s21, s22;
	s22 =	sand.u32 $0x380, s20;
	v1 =	vld.idx.msk [tilespmem:v1+s1+$0x0], $0xffff;
	[tilespmem:s18+$0x8170] =	vst v7  }
0x41a: {  	s21 =	sor.u32 s22, s21;
	[tilespmem:s18+$0x8100] =	vst v5;
	v0 =	vld.idx.msk [tilespmem:v0+s1+$0x0], $0xffff  }
0x41b: {  	v5 =	vld [tilespmem:s21+$0x170];
	[tilespmem:s18+$0x8110] =	vst v3  }
0x41c: {  	v3 =	vld [tilespmem:s21+$0x100];
	[tilespmem:s18+$0x8120] =	vst v2  }
0x41d: {  	v2 =	vld [tilespmem:s21+$0x110];
	[tilespmem:s18+$0x8130] =	vst v6  }
0x41e: {  	v8 =	vld [tilespmem:s21+$0x120];
	[tilespmem:s18+$0x8140] =	vst v4  }
0x41f: {  	v6 =	vld [tilespmem:s21+$0x130];
	[tilespmem:s18+$0x8150] =	vst v1  }
0x420: {  	v4 =	vld [tilespmem:s21+$0x140];
	[tilespmem:s18+$0x8160] =	vst v0;
	s18 =	smov.u32 s21  }
0x421: {  	v1 =	vld [tilespmem:s18+$0x150]  }
.Ltmp20:
0x422: {  	v0 =	vld [tilespmem:s18+$0x160];
	(pc) =	sbr.rel @p0 .LBB2_42-.Ltmp20, $4  }
0x423: {  	v7 =	vld.idx.msk [tilespmem:v5+s1+$0x0], $0xffff  }
0x424: {  	v5 =	vld.idx.msk [tilespmem:v3+s1+$0x0], $0xffff  }
0x425: {  	v3 =	vld.idx.msk [tilespmem:v2+s1+$0x0], $0xffff  }
0x426: {  	v2 =	vld.idx.msk [tilespmem:v8+s1+$0x0], $0xffff  }
0x427: {  	_ =	sdelay $0x3  }
0x428: {  	v6 =	vld.idx.msk [tilespmem:v6+s1+$0x0], $0xffff  }
0x429: {  	v4 =	vld.idx.msk [tilespmem:v4+s1+$0x0], $0xffff;
	[tilespmem:s18+$0x8170] =	vst v7  }
0x42a: {  	v1 =	vld.idx.msk [tilespmem:v1+s1+$0x0], $0xffff;
	[tilespmem:s18+$0x8100] =	vst v5  }
0x42b: {  	v0 =	vld.idx.msk [tilespmem:v0+s1+$0x0], $0xffff;
	[tilespmem:s18+$0x8110] =	vst v3  }
0x42c: {  	[tilespmem:s18+$0x8120] =	vst v2  }
0x42d: {  	[tilespmem:s18+$0x8130] =	vst v6  }
0x42e: {  	[tilespmem:s18+$0x8140] =	vst v4  }
0x42f: {  	[tilespmem:s18+$0x8150] =	vst v1  }
0x430: {  	[tilespmem:s18+$0x8160] =	vst v0  }
0x431: {  	s18 =	sld [smem:$0x7F2];
	_ =	sdelay $0x1  }
0x432: {  	s17 =	simm.s32 $0x0;
	s20 =	sld [smem:$0x7F5]  }
0x433: {  	[hbm4b:s18+s17] =	stream.linear.scatter [tilespmem:s11], [sflag:$0x3], $0x4000, $0x38;
	[tilespmem:$0x10100] =	vst v63  }
0x434: {  	_ = 	snop  }
0x435: {  	[tilespmem:s8], [sflag:$0x1] =	stream.linear.gather [hbm4b:s20+s17], $0x4000, $0x38;
	[tilespmem:$0x10100] =	vst v63  }
0x436: {  	_ =	swait.ge [sflag:s12], $0x4000  }
0x437: {  	[sflag:s12] =	ssyncset.done $0x0  }
0x438: {  	s19 =	simm.s32 $0x0;
	[sflag:s12] =	ssyncadd.s32 $0xFFFFC000  }
0x439: {  	s21 =	sand.u32 $0x3000, s19;
	s20 =	sand.u32 $0xC00, s17;
	_ =	swait.ge [sflag:s15], $0x4000  }
0x43a: {  	s22 =	sand.u32 $0x380, s17;
	s18 =	sor.u32 s21, s20;
	[sflag:s15] =	ssyncset.done $0x0  }
0x43b: {  	s18 =	sor.u32 s22, s18;
	[sflag:s15] =	ssyncadd.s32 $0xFFFFC000  }
0x43c: {  	v2 =	vld [tilespmem:s18+$0x4170]  }
0x43d: {  	v3 =	vld [tilespmem:s18+$0x4100]  }
0x43e: {  	v8 =	vld [tilespmem:s18+$0x4110]  }
0x43f: {  	v9 =	vld [tilespmem:s18+$0x4120]  }
0x440: {  	v6 =	vld [tilespmem:s18+$0x4130]  }
0x441: {  	v4 =	vld [tilespmem:s18+$0x4140]  }
0x442: {  	v1 =	vld [tilespmem:s18+$0x4150]  }
0x443: {  	v0 =	vld [tilespmem:s18+$0x4160]  }
0x444: {  	v7 =	vld.idx.msk [tilespmem:v2+s1+$0x0], $0xffff  }
0x445: {  	v5 =	vld.idx.msk [tilespmem:v3+s1+$0x0], $0xffff  }
0x446: {  	v3 =	vld.idx.msk [tilespmem:v8+s1+$0x0], $0xffff  }
0x447: {  	s20 =	simm.s32 $0x0;
	v2 =	vld.idx.msk [tilespmem:v9+s1+$0x0], $0xffff  }
.LBB2_44:
0x448: {  	s19 =	sadd.s32 $0x80, s19;
	v6 =	vld.idx.msk [tilespmem:v6+s1+$0x0], $0xffff;
	s17 =	sadd.s32 $0x400, s17  }
0x449: {  	s20 =	sadd.s32 $0x20, s20;
	s21 =	sand.u32 $0x3000, s19;
	s22 =	sand.u32 $0xC00, s17;
	v4 =	vld.idx.msk [tilespmem:v4+s1+$0x0], $0xffff  }
0x44a: {  	p0 =	slt.u32 s19, $0x3F80;
	s21 =	sor.u32 s21, s22;
	s22 =	sand.u32 $0x380, s20;
	v1 =	vld.idx.msk [tilespmem:v1+s1+$0x0], $0xffff;
	[tilespmem:s18+$0xC170] =	vst v7  }
0x44b: {  	s21 =	sor.u32 s22, s21;
	[tilespmem:s18+$0xC100] =	vst v5;
	v0 =	vld.idx.msk [tilespmem:v0+s1+$0x0], $0xffff  }
0x44c: {  	v5 =	vld [tilespmem:s21+$0x4170];
	[tilespmem:s18+$0xC110] =	vst v3  }
0x44d: {  	v3 =	vld [tilespmem:s21+$0x4100];
	[tilespmem:s18+$0xC120] =	vst v2  }
0x44e: {  	v2 =	vld [tilespmem:s21+$0x4110];
	[tilespmem:s18+$0xC130] =	vst v6  }
0x44f: {  	v8 =	vld [tilespmem:s21+$0x4120];
	[tilespmem:s18+$0xC140] =	vst v4  }
0x450: {  	v6 =	vld [tilespmem:s21+$0x4130];
	[tilespmem:s18+$0xC150] =	vst v1  }
0x451: {  	v4 =	vld [tilespmem:s21+$0x4140];
	[tilespmem:s18+$0xC160] =	vst v0;
	s18 =	smov.u32 s21  }
0x452: {  	v1 =	vld [tilespmem:s18+$0x4150]  }
.Ltmp21:
0x453: {  	v0 =	vld [tilespmem:s18+$0x4160];
	(pc) =	sbr.rel @p0 .LBB2_44-.Ltmp21, $4  }
0x454: {  	v7 =	vld.idx.msk [tilespmem:v5+s1+$0x0], $0xffff  }
0x455: {  	v5 =	vld.idx.msk [tilespmem:v3+s1+$0x0], $0xffff  }
0x456: {  	v3 =	vld.idx.msk [tilespmem:v2+s1+$0x0], $0xffff  }
0x457: {  	v2 =	vld.idx.msk [tilespmem:v8+s1+$0x0], $0xffff  }
0x458: {  	_ =	sdelay $0x3  }
0x459: {  	v6 =	vld.idx.msk [tilespmem:v6+s1+$0x0], $0xffff  }
0x45a: {  	v4 =	vld.idx.msk [tilespmem:v4+s1+$0x0], $0xffff;
	[tilespmem:s18+$0xC170] =	vst v7  }
0x45b: {  	v1 =	vld.idx.msk [tilespmem:v1+s1+$0x0], $0xffff;
	[tilespmem:s18+$0xC100] =	vst v5  }
0x45c: {  	v0 =	vld.idx.msk [tilespmem:v0+s1+$0x0], $0xffff;
	[tilespmem:s18+$0xC110] =	vst v3  }
0x45d: {  	[tilespmem:s18+$0xC120] =	vst v2  }
0x45e: {  	[tilespmem:s18+$0xC130] =	vst v6  }
0x45f: {  	[tilespmem:s18+$0xC140] =	vst v4  }
0x460: {  	[tilespmem:s18+$0xC150] =	vst v1  }
0x461: {  	[tilespmem:s18+$0xC160] =	vst v0  }
0x462: {  	s18 =	sld [smem:$0x7F4];
	_ =	sdelay $0x1  }
0x463: {  	s17 =	simm.s32 $0x0;
	s20 =	sld [smem:$0x7F7]  }
0x464: {  	[hbm4b:s18+s17] =	stream.linear.scatter [tilespmem:s13], [sflag:$0x4], $0x4000, $0x38;
	[tilespmem:$0x10100] =	vst v63  }
0x465: {  	_ = 	snop  }
0x466: {  	[tilespmem:s9], [sflag:$0x2] =	stream.linear.gather [hbm4b:s20+s17], $0x4000, $0x38;
	[tilespmem:$0x10100] =	vst v63  }
0x467: {  	_ =	swait.ge [sflag:s10], $0x4000  }
0x468: {  	[sflag:s10] =	ssyncset.done $0x0  }
0x469: {  	s19 =	simm.s32 $0x0;
	[sflag:s10] =	ssyncadd.s32 $0xFFFFC000  }
0x46a: {  	s21 =	sand.u32 $0x3000, s19;
	s20 =	sand.u32 $0xC00, s17;
	_ =	swait.ge [sflag:s14], $0x4000  }
0x46b: {  	s22 =	sand.u32 $0x380, s17;
	s18 =	sor.u32 s21, s20;
	[sflag:s14] =	ssyncset.done $0x0  }
0x46c: {  	s18 =	sor.u32 s22, s18;
	[sflag:s14] =	ssyncadd.s32 $0xFFFFC000  }
0x46d: {  	v2 =	vld [tilespmem:s18+$0x170]  }
0x46e: {  	v3 =	vld [tilespmem:s18+$0x100]  }
0x46f: {  	v8 =	vld [tilespmem:s18+$0x110]  }
0x470: {  	v9 =	vld [tilespmem:s18+$0x120]  }
0x471: {  	v6 =	vld [tilespmem:s18+$0x130]  }
0x472: {  	v4 =	vld [tilespmem:s18+$0x140]  }
0x473: {  	v1 =	vld [tilespmem:s18+$0x150]  }
0x474: {  	v0 =	vld [tilespmem:s18+$0x160]  }
0x475: {  	v7 =	vld.idx.msk [tilespmem:v2+s1+$0x0], $0xffff  }
0x476: {  	v5 =	vld.idx.msk [tilespmem:v3+s1+$0x0], $0xffff  }
0x477: {  	v3 =	vld.idx.msk [tilespmem:v8+s1+$0x0], $0xffff  }
0x478: {  	s20 =	simm.s32 $0x0;
	v2 =	vld.idx.msk [tilespmem:v9+s1+$0x0], $0xffff  }
.LBB2_46:
0x479: {  	s19 =	sadd.s32 $0x80, s19;
	v6 =	vld.idx.msk [tilespmem:v6+s1+$0x0], $0xffff;
	s17 =	sadd.s32 $0x400, s17  }
0x47a: {  	s20 =	sadd.s32 $0x20, s20;
	s21 =	sand.u32 $0x3000, s19;
	s22 =	sand.u32 $0xC00, s17;
	v4 =	vld.idx.msk [tilespmem:v4+s1+$0x0], $0xffff  }
0x47b: {  	p0 =	slt.u32 s19, $0x3F80;
	s21 =	sor.u32 s21, s22;
	s22 =	sand.u32 $0x380, s20;
	v1 =	vld.idx.msk [tilespmem:v1+s1+$0x0], $0xffff;
	[tilespmem:s18+$0x8170] =	vst v7  }
0x47c: {  	s21 =	sor.u32 s22, s21;
	[tilespmem:s18+$0x8100] =	vst v5;
	v0 =	vld.idx.msk [tilespmem:v0+s1+$0x0], $0xffff  }
0x47d: {  	v5 =	vld [tilespmem:s21+$0x170];
	[tilespmem:s18+$0x8110] =	vst v3  }
0x47e: {  	v3 =	vld [tilespmem:s21+$0x100];
	[tilespmem:s18+$0x8120] =	vst v2  }
0x47f: {  	v2 =	vld [tilespmem:s21+$0x110];
	[tilespmem:s18+$0x8130] =	vst v6  }
0x480: {  	v8 =	vld [tilespmem:s21+$0x120];
	[tilespmem:s18+$0x8140] =	vst v4  }
0x481: {  	v6 =	vld [tilespmem:s21+$0x130];
	[tilespmem:s18+$0x8150] =	vst v1  }
0x482: {  	v4 =	vld [tilespmem:s21+$0x140];
	[tilespmem:s18+$0x8160] =	vst v0;
	s18 =	smov.u32 s21  }
0x483: {  	v1 =	vld [tilespmem:s18+$0x150]  }
.Ltmp22:
0x484: {  	v0 =	vld [tilespmem:s18+$0x160];
	(pc) =	sbr.rel @p0 .LBB2_46-.Ltmp22, $4  }
0x485: {  	v7 =	vld.idx.msk [tilespmem:v5+s1+$0x0], $0xffff  }
0x486: {  	v5 =	vld.idx.msk [tilespmem:v3+s1+$0x0], $0xffff  }
0x487: {  	v3 =	vld.idx.msk [tilespmem:v2+s1+$0x0], $0xffff  }
0x488: {  	v2 =	vld.idx.msk [tilespmem:v8+s1+$0x0], $0xffff  }
0x489: {  	_ =	sdelay $0x3  }
0x48a: {  	v6 =	vld.idx.msk [tilespmem:v6+s1+$0x0], $0xffff  }
0x48b: {  	v4 =	vld.idx.msk [tilespmem:v4+s1+$0x0], $0xffff;
	[tilespmem:s18+$0x8170] =	vst v7  }
0x48c: {  	v1 =	vld.idx.msk [tilespmem:v1+s1+$0x0], $0xffff;
	[tilespmem:s18+$0x8100] =	vst v5  }
0x48d: {  	v0 =	vld.idx.msk [tilespmem:v0+s1+$0x0], $0xffff;
	[tilespmem:s18+$0x8110] =	vst v3  }
0x48e: {  	[tilespmem:s18+$0x8120] =	vst v2  }
0x48f: {  	[tilespmem:s18+$0x8130] =	vst v6  }
0x490: {  	[tilespmem:s18+$0x8140] =	vst v4  }
0x491: {  	[tilespmem:s18+$0x8150] =	vst v1  }
0x492: {  	[tilespmem:s18+$0x8160] =	vst v0  }
0x493: {  	s18 =	sld [smem:$0x7F6];
	_ =	sdelay $0x1  }
0x494: {  	s17 =	simm.s32 $0x0;
	s20 =	sld [smem:$0x7F9]  }
0x495: {  	[hbm4b:s18+s17] =	stream.linear.scatter [tilespmem:s11], [sflag:$0x3], $0x4000, $0x38;
	[tilespmem:$0x10100] =	vst v63  }
0x496: {  	_ = 	snop  }
0x497: {  	[tilespmem:s8], [sflag:$0x1] =	stream.linear.gather [hbm4b:s20+s17], $0x4000, $0x38;
	[tilespmem:$0x10100] =	vst v63  }
0x498: {  	_ =	swait.ge [sflag:s12], $0x4000  }
0x499: {  	[sflag:s12] =	ssyncset.done $0x0  }
0x49a: {  	s19 =	simm.s32 $0x0;
	[sflag:s12] =	ssyncadd.s32 $0xFFFFC000  }
0x49b: {  	s21 =	sand.u32 $0x3000, s19;
	s20 =	sand.u32 $0xC00, s17;
	_ =	swait.ge [sflag:s15], $0x4000  }
0x49c: {  	s22 =	sand.u32 $0x380, s17;
	s18 =	sor.u32 s21, s20;
	[sflag:s15] =	ssyncset.done $0x0  }
0x49d: {  	s18 =	sor.u32 s22, s18;
	[sflag:s15] =	ssyncadd.s32 $0xFFFFC000  }
0x49e: {  	v2 =	vld [tilespmem:s18+$0x4170]  }
0x49f: {  	v3 =	vld [tilespmem:s18+$0x4100]  }
0x4a0: {  	v8 =	vld [tilespmem:s18+$0x4110]  }
0x4a1: {  	v9 =	vld [tilespmem:s18+$0x4120]  }
0x4a2: {  	v6 =	vld [tilespmem:s18+$0x4130]  }
0x4a3: {  	v4 =	vld [tilespmem:s18+$0x4140]  }
0x4a4: {  	v1 =	vld [tilespmem:s18+$0x4150]  }
0x4a5: {  	v0 =	vld [tilespmem:s18+$0x4160]  }
0x4a6: {  	v7 =	vld.idx.msk [tilespmem:v2+s1+$0x0], $0xffff  }
0x4a7: {  	v5 =	vld.idx.msk [tilespmem:v3+s1+$0x0], $0xffff  }
0x4a8: {  	v3 =	vld.idx.msk [tilespmem:v8+s1+$0x0], $0xffff  }
0x4a9: {  	s20 =	simm.s32 $0x0;
	v2 =	vld.idx.msk [tilespmem:v9+s1+$0x0], $0xffff  }
.LBB2_48:
0x4aa: {  	s19 =	sadd.s32 $0x80, s19;
	v6 =	vld.idx.msk [tilespmem:v6+s1+$0x0], $0xffff;
	s17 =	sadd.s32 $0x400, s17  }
0x4ab: {  	s20 =	sadd.s32 $0x20, s20;
	s21 =	sand.u32 $0x3000, s19;
	s22 =	sand.u32 $0xC00, s17;
	v4 =	vld.idx.msk [tilespmem:v4+s1+$0x0], $0xffff  }
0x4ac: {  	p0 =	slt.u32 s19, $0x3F80;
	s21 =	sor.u32 s21, s22;
	s22 =	sand.u32 $0x380, s20;
	v1 =	vld.idx.msk [tilespmem:v1+s1+$0x0], $0xffff;
	[tilespmem:s18+$0xC170] =	vst v7  }
0x4ad: {  	s21 =	sor.u32 s22, s21;
	[tilespmem:s18+$0xC100] =	vst v5;
	v0 =	vld.idx.msk [tilespmem:v0+s1+$0x0], $0xffff  }
0x4ae: {  	v5 =	vld [tilespmem:s21+$0x4170];
	[tilespmem:s18+$0xC110] =	vst v3  }
0x4af: {  	v3 =	vld [tilespmem:s21+$0x4100];
	[tilespmem:s18+$0xC120] =	vst v2  }
0x4b0: {  	v2 =	vld [tilespmem:s21+$0x4110];
	[tilespmem:s18+$0xC130] =	vst v6  }
0x4b1: {  	v8 =	vld [tilespmem:s21+$0x4120];
	[tilespmem:s18+$0xC140] =	vst v4  }
0x4b2: {  	v6 =	vld [tilespmem:s21+$0x4130];
	[tilespmem:s18+$0xC150] =	vst v1  }
0x4b3: {  	v4 =	vld [tilespmem:s21+$0x4140];
	[tilespmem:s18+$0xC160] =	vst v0;
	s18 =	smov.u32 s21  }
0x4b4: {  	v1 =	vld [tilespmem:s18+$0x4150]  }
.Ltmp23:
0x4b5: {  	v0 =	vld [tilespmem:s18+$0x4160];
	(pc) =	sbr.rel @p0 .LBB2_48-.Ltmp23, $4  }
0x4b6: {  	v7 =	vld.idx.msk [tilespmem:v5+s1+$0x0], $0xffff  }
0x4b7: {  	v5 =	vld.idx.msk [tilespmem:v3+s1+$0x0], $0xffff  }
0x4b8: {  	v3 =	vld.idx.msk [tilespmem:v2+s1+$0x0], $0xffff  }
0x4b9: {  	v2 =	vld.idx.msk [tilespmem:v8+s1+$0x0], $0xffff  }
0x4ba: {  	_ =	sdelay $0x3  }
0x4bb: {  	v6 =	vld.idx.msk [tilespmem:v6+s1+$0x0], $0xffff  }
0x4bc: {  	v4 =	vld.idx.msk [tilespmem:v4+s1+$0x0], $0xffff;
	[tilespmem:s18+$0xC170] =	vst v7  }
0x4bd: {  	v1 =	vld.idx.msk [tilespmem:v1+s1+$0x0], $0xffff;
	[tilespmem:s18+$0xC100] =	vst v5  }
0x4be: {  	v0 =	vld.idx.msk [tilespmem:v0+s1+$0x0], $0xffff;
	[tilespmem:s18+$0xC110] =	vst v3  }
0x4bf: {  	[tilespmem:s18+$0xC120] =	vst v2  }
0x4c0: {  	[tilespmem:s18+$0xC130] =	vst v6  }
0x4c1: {  	[tilespmem:s18+$0xC140] =	vst v4  }
0x4c2: {  	[tilespmem:s18+$0xC150] =	vst v1  }
0x4c3: {  	[tilespmem:s18+$0xC160] =	vst v0  }
0x4c4: {  	s18 =	sld [smem:$0x7F8];
	_ =	sdelay $0x1  }
0x4c5: {  	s17 =	simm.s32 $0x0;
	s20 =	sld [smem:$0x7FB]  }
0x4c6: {  	[hbm4b:s18+s17] =	stream.linear.scatter [tilespmem:s13], [sflag:$0x4], $0x4000, $0x38;
	[tilespmem:$0x10100] =	vst v63  }
0x4c7: {  	_ = 	snop  }
0x4c8: {  	[tilespmem:s9], [sflag:$0x2] =	stream.linear.gather [hbm4b:s20+s17], $0x4000, $0x38;
	[tilespmem:$0x10100] =	vst v63  }
0x4c9: {  	_ =	swait.ge [sflag:s10], $0x4000  }
0x4ca: {  	[sflag:s10] =	ssyncset.done $0x0  }
0x4cb: {  	s19 =	simm.s32 $0x0;
	[sflag:s10] =	ssyncadd.s32 $0xFFFFC000  }
0x4cc: {  	s21 =	sand.u32 $0x3000, s19;
	s20 =	sand.u32 $0xC00, s17;
	_ =	swait.ge [sflag:s14], $0x4000  }
0x4cd: {  	s22 =	sand.u32 $0x380, s17;
	s18 =	sor.u32 s21, s20;
	[sflag:s14] =	ssyncset.done $0x0  }
0x4ce: {  	s18 =	sor.u32 s22, s18;
	[sflag:s14] =	ssyncadd.s32 $0xFFFFC000  }
0x4cf: {  	v2 =	vld [tilespmem:s18+$0x170]  }
0x4d0: {  	v3 =	vld [tilespmem:s18+$0x100]  }
0x4d1: {  	v8 =	vld [tilespmem:s18+$0x110]  }
0x4d2: {  	v9 =	vld [tilespmem:s18+$0x120]  }
0x4d3: {  	v6 =	vld [tilespmem:s18+$0x130]  }
0x4d4: {  	v4 =	vld [tilespmem:s18+$0x140]  }
0x4d5: {  	v1 =	vld [tilespmem:s18+$0x150]  }
0x4d6: {  	v0 =	vld [tilespmem:s18+$0x160]  }
0x4d7: {  	v7 =	vld.idx.msk [tilespmem:v2+s1+$0x0], $0xffff  }
0x4d8: {  	v5 =	vld.idx.msk [tilespmem:v3+s1+$0x0], $0xffff  }
0x4d9: {  	v3 =	vld.idx.msk [tilespmem:v8+s1+$0x0], $0xffff  }
0x4da: {  	s20 =	simm.s32 $0x0;
	v2 =	vld.idx.msk [tilespmem:v9+s1+$0x0], $0xffff  }
.LBB2_50:
0x4db: {  	s19 =	sadd.s32 $0x80, s19;
	v6 =	vld.idx.msk [tilespmem:v6+s1+$0x0], $0xffff;
	s17 =	sadd.s32 $0x400, s17  }
0x4dc: {  	s20 =	sadd.s32 $0x20, s20;
	s21 =	sand.u32 $0x3000, s19;
	s22 =	sand.u32 $0xC00, s17;
	v4 =	vld.idx.msk [tilespmem:v4+s1+$0x0], $0xffff  }
0x4dd: {  	p0 =	slt.u32 s19, $0x3F80;
	s21 =	sor.u32 s21, s22;
	s22 =	sand.u32 $0x380, s20;
	v1 =	vld.idx.msk [tilespmem:v1+s1+$0x0], $0xffff;
	[tilespmem:s18+$0x8170] =	vst v7  }
0x4de: {  	s21 =	sor.u32 s22, s21;
	[tilespmem:s18+$0x8100] =	vst v5;
	v0 =	vld.idx.msk [tilespmem:v0+s1+$0x0], $0xffff  }
0x4df: {  	v5 =	vld [tilespmem:s21+$0x170];
	[tilespmem:s18+$0x8110] =	vst v3  }
0x4e0: {  	v3 =	vld [tilespmem:s21+$0x100];
	[tilespmem:s18+$0x8120] =	vst v2  }
0x4e1: {  	v2 =	vld [tilespmem:s21+$0x110];
	[tilespmem:s18+$0x8130] =	vst v6  }
0x4e2: {  	v8 =	vld [tilespmem:s21+$0x120];
	[tilespmem:s18+$0x8140] =	vst v4  }
0x4e3: {  	v6 =	vld [tilespmem:s21+$0x130];
	[tilespmem:s18+$0x8150] =	vst v1  }
0x4e4: {  	v4 =	vld [tilespmem:s21+$0x140];
	[tilespmem:s18+$0x8160] =	vst v0;
	s18 =	smov.u32 s21  }
0x4e5: {  	v1 =	vld [tilespmem:s18+$0x150]  }
.Ltmp24:
0x4e6: {  	v0 =	vld [tilespmem:s18+$0x160];
	(pc) =	sbr.rel @p0 .LBB2_50-.Ltmp24, $4  }
0x4e7: {  	v7 =	vld.idx.msk [tilespmem:v5+s1+$0x0], $0xffff  }
0x4e8: {  	v5 =	vld.idx.msk [tilespmem:v3+s1+$0x0], $0xffff  }
0x4e9: {  	v3 =	vld.idx.msk [tilespmem:v2+s1+$0x0], $0xffff  }
0x4ea: {  	v2 =	vld.idx.msk [tilespmem:v8+s1+$0x0], $0xffff  }
0x4eb: {  	_ =	sdelay $0x3  }
0x4ec: {  	v6 =	vld.idx.msk [tilespmem:v6+s1+$0x0], $0xffff  }
0x4ed: {  	v4 =	vld.idx.msk [tilespmem:v4+s1+$0x0], $0xffff;
	[tilespmem:s18+$0x8170] =	vst v7  }
0x4ee: {  	v1 =	vld.idx.msk [tilespmem:v1+s1+$0x0], $0xffff;
	[tilespmem:s18+$0x8100] =	vst v5  }
0x4ef: {  	v0 =	vld.idx.msk [tilespmem:v0+s1+$0x0], $0xffff;
	[tilespmem:s18+$0x8110] =	vst v3  }
0x4f0: {  	[tilespmem:s18+$0x8120] =	vst v2  }
0x4f1: {  	[tilespmem:s18+$0x8130] =	vst v6  }
0x4f2: {  	[tilespmem:s18+$0x8140] =	vst v4  }
0x4f3: {  	[tilespmem:s18+$0x8150] =	vst v1  }
0x4f4: {  	[tilespmem:s18+$0x8160] =	vst v0  }
0x4f5: {  	s18 =	sld [smem:$0x7FA];
	_ =	sdelay $0x1  }
0x4f6: {  	s17 =	simm.s32 $0x0;
	s20 =	sld [smem:$0x7FD]  }
0x4f7: {  	[hbm4b:s18+s17] =	stream.linear.scatter [tilespmem:s11], [sflag:$0x3], $0x4000, $0x38;
	[tilespmem:$0x10100] =	vst v63  }
0x4f8: {  	_ = 	snop  }
0x4f9: {  	[tilespmem:s8], [sflag:$0x1] =	stream.linear.gather [hbm4b:s20+s17], $0x4000, $0x38;
	[tilespmem:$0x10100] =	vst v63  }
0x4fa: {  	_ =	swait.ge [sflag:s12], $0x4000  }
0x4fb: {  	[sflag:s12] =	ssyncset.done $0x0  }
0x4fc: {  	s19 =	simm.s32 $0x0;
	[sflag:s12] =	ssyncadd.s32 $0xFFFFC000  }
0x4fd: {  	s21 =	sand.u32 $0x3000, s19;
	s20 =	sand.u32 $0xC00, s17;
	_ =	swait.ge [sflag:s15], $0x4000  }
0x4fe: {  	s22 =	sand.u32 $0x380, s17;
	s18 =	sor.u32 s21, s20;
	[sflag:s15] =	ssyncset.done $0x0  }
0x4ff: {  	s18 =	sor.u32 s22, s18;
	[sflag:s15] =	ssyncadd.s32 $0xFFFFC000  }
0x500: {  	v2 =	vld [tilespmem:s18+$0x4170]  }
0x501: {  	v3 =	vld [tilespmem:s18+$0x4100]  }
0x502: {  	v8 =	vld [tilespmem:s18+$0x4110]  }
0x503: {  	v9 =	vld [tilespmem:s18+$0x4120]  }
0x504: {  	v6 =	vld [tilespmem:s18+$0x4130]  }
0x505: {  	v4 =	vld [tilespmem:s18+$0x4140]  }
0x506: {  	v1 =	vld [tilespmem:s18+$0x4150]  }
0x507: {  	v0 =	vld [tilespmem:s18+$0x4160]  }
0x508: {  	v7 =	vld.idx.msk [tilespmem:v2+s1+$0x0], $0xffff  }
0x509: {  	v5 =	vld.idx.msk [tilespmem:v3+s1+$0x0], $0xffff  }
0x50a: {  	v3 =	vld.idx.msk [tilespmem:v8+s1+$0x0], $0xffff  }
0x50b: {  	s20 =	simm.s32 $0x0;
	v2 =	vld.idx.msk [tilespmem:v9+s1+$0x0], $0xffff  }
.LBB2_52:
0x50c: {  	s19 =	sadd.s32 $0x80, s19;
	v6 =	vld.idx.msk [tilespmem:v6+s1+$0x0], $0xffff;
	s17 =	sadd.s32 $0x400, s17  }
0x50d: {  	s20 =	sadd.s32 $0x20, s20;
	s21 =	sand.u32 $0x3000, s19;
	s22 =	sand.u32 $0xC00, s17;
	v4 =	vld.idx.msk [tilespmem:v4+s1+$0x0], $0xffff  }
0x50e: {  	p0 =	slt.u32 s19, $0x3F80;
	s21 =	sor.u32 s21, s22;
	s22 =	sand.u32 $0x380, s20;
	v1 =	vld.idx.msk [tilespmem:v1+s1+$0x0], $0xffff;
	[tilespmem:s18+$0xC170] =	vst v7  }
0x50f: {  	s21 =	sor.u32 s22, s21;
	[tilespmem:s18+$0xC100] =	vst v5;
	v0 =	vld.idx.msk [tilespmem:v0+s1+$0x0], $0xffff  }
0x510: {  	v5 =	vld [tilespmem:s21+$0x4170];
	[tilespmem:s18+$0xC110] =	vst v3  }
0x511: {  	v3 =	vld [tilespmem:s21+$0x4100];
	[tilespmem:s18+$0xC120] =	vst v2  }
0x512: {  	v2 =	vld [tilespmem:s21+$0x4110];
	[tilespmem:s18+$0xC130] =	vst v6  }
0x513: {  	v8 =	vld [tilespmem:s21+$0x4120];
	[tilespmem:s18+$0xC140] =	vst v4  }
0x514: {  	v6 =	vld [tilespmem:s21+$0x4130];
	[tilespmem:s18+$0xC150] =	vst v1  }
0x515: {  	v4 =	vld [tilespmem:s21+$0x4140];
	[tilespmem:s18+$0xC160] =	vst v0;
	s18 =	smov.u32 s21  }
0x516: {  	v1 =	vld [tilespmem:s18+$0x4150]  }
.Ltmp25:
0x517: {  	v0 =	vld [tilespmem:s18+$0x4160];
	(pc) =	sbr.rel @p0 .LBB2_52-.Ltmp25, $4  }
0x518: {  	v7 =	vld.idx.msk [tilespmem:v5+s1+$0x0], $0xffff  }
0x519: {  	v5 =	vld.idx.msk [tilespmem:v3+s1+$0x0], $0xffff  }
0x51a: {  	v3 =	vld.idx.msk [tilespmem:v2+s1+$0x0], $0xffff  }
0x51b: {  	v2 =	vld.idx.msk [tilespmem:v8+s1+$0x0], $0xffff  }
0x51c: {  	_ =	sdelay $0x3  }
0x51d: {  	v6 =	vld.idx.msk [tilespmem:v6+s1+$0x0], $0xffff  }
0x51e: {  	v4 =	vld.idx.msk [tilespmem:v4+s1+$0x0], $0xffff;
	[tilespmem:s18+$0xC170] =	vst v7  }
0x51f: {  	v1 =	vld.idx.msk [tilespmem:v1+s1+$0x0], $0xffff;
	[tilespmem:s18+$0xC100] =	vst v5  }
0x520: {  	v0 =	vld.idx.msk [tilespmem:v0+s1+$0x0], $0xffff;
	[tilespmem:s18+$0xC110] =	vst v3  }
0x521: {  	[tilespmem:s18+$0xC120] =	vst v2  }
0x522: {  	[tilespmem:s18+$0xC130] =	vst v6  }
0x523: {  	[tilespmem:s18+$0xC140] =	vst v4  }
0x524: {  	[tilespmem:s18+$0xC150] =	vst v1  }
0x525: {  	[tilespmem:s18+$0xC160] =	vst v0  }
0x526: {  	s18 =	sld [smem:$0x7FC];
	_ =	sdelay $0x1  }
0x527: {  	s17 =	simm.s32 $0x0  }
0x528: {  	[hbm4b:s18+s17] =	stream.linear.scatter [tilespmem:s13], [sflag:$0x4], $0x4000, $0x38;
	[tilespmem:$0x10100] =	vst v63  }
0x529: {  	_ = 	snop  }
0x52a: {  	[tilespmem:s9], [sflag:$0x2] =	stream.linear.gather [hbm4b:s24+s17], $0x4000, $0x38;
	[tilespmem:$0x10100] =	vst v63  }
0x52b: {  	_ =	swait.ge [sflag:s10], $0x4000  }
0x52c: {  	[sflag:s10] =	ssyncset.done $0x0  }
0x52d: {  	s19 =	simm.s32 $0x0;
	[sflag:s10] =	ssyncadd.s32 $0xFFFFC000  }
0x52e: {  	s21 =	sand.u32 $0x3000, s19;
	s20 =	sand.u32 $0xC00, s17;
	_ =	swait.ge [sflag:s14], $0x4000  }
0x52f: {  	s22 =	sand.u32 $0x380, s17;
	s18 =	sor.u32 s21, s20;
	[sflag:s14] =	ssyncset.done $0x0  }
0x530: {  	s18 =	sor.u32 s22, s18;
	[sflag:s14] =	ssyncadd.s32 $0xFFFFC000  }
0x531: {  	v2 =	vld [tilespmem:s18+$0x170]  }
0x532: {  	v3 =	vld [tilespmem:s18+$0x100]  }
0x533: {  	v8 =	vld [tilespmem:s18+$0x110]  }
0x534: {  	v9 =	vld [tilespmem:s18+$0x120]  }
0x535: {  	v6 =	vld [tilespmem:s18+$0x130]  }
0x536: {  	v4 =	vld [tilespmem:s18+$0x140]  }
0x537: {  	v1 =	vld [tilespmem:s18+$0x150]  }
0x538: {  	v0 =	vld [tilespmem:s18+$0x160]  }
0x539: {  	v7 =	vld.idx.msk [tilespmem:v2+s1+$0x0], $0xffff  }
0x53a: {  	v5 =	vld.idx.msk [tilespmem:v3+s1+$0x0], $0xffff  }
0x53b: {  	v3 =	vld.idx.msk [tilespmem:v8+s1+$0x0], $0xffff  }
0x53c: {  	s20 =	simm.s32 $0x0;
	v2 =	vld.idx.msk [tilespmem:v9+s1+$0x0], $0xffff  }
.LBB2_54:
0x53d: {  	s19 =	sadd.s32 $0x80, s19;
	v6 =	vld.idx.msk [tilespmem:v6+s1+$0x0], $0xffff;
	s17 =	sadd.s32 $0x400, s17  }
0x53e: {  	s20 =	sadd.s32 $0x20, s20;
	s21 =	sand.u32 $0x3000, s19;
	s22 =	sand.u32 $0xC00, s17;
	v4 =	vld.idx.msk [tilespmem:v4+s1+$0x0], $0xffff  }
0x53f: {  	p0 =	slt.u32 s19, $0x3F80;
	s21 =	sor.u32 s21, s22;
	s22 =	sand.u32 $0x380, s20;
	v1 =	vld.idx.msk [tilespmem:v1+s1+$0x0], $0xffff;
	[tilespmem:s18+$0x8170] =	vst v7  }
0x540: {  	s21 =	sor.u32 s22, s21;
	[tilespmem:s18+$0x8100] =	vst v5;
	v0 =	vld.idx.msk [tilespmem:v0+s1+$0x0], $0xffff  }
0x541: {  	v5 =	vld [tilespmem:s21+$0x170];
	[tilespmem:s18+$0x8110] =	vst v3  }
0x542: {  	v3 =	vld [tilespmem:s21+$0x100];
	[tilespmem:s18+$0x8120] =	vst v2  }
0x543: {  	v2 =	vld [tilespmem:s21+$0x110];
	[tilespmem:s18+$0x8130] =	vst v6  }
0x544: {  	v8 =	vld [tilespmem:s21+$0x120];
	[tilespmem:s18+$0x8140] =	vst v4  }
0x545: {  	v6 =	vld [tilespmem:s21+$0x130];
	[tilespmem:s18+$0x8150] =	vst v1  }
0x546: {  	v4 =	vld [tilespmem:s21+$0x140];
	[tilespmem:s18+$0x8160] =	vst v0;
	s18 =	smov.u32 s21  }
0x547: {  	v1 =	vld [tilespmem:s18+$0x150]  }
.Ltmp26:
0x548: {  	v0 =	vld [tilespmem:s18+$0x160];
	(pc) =	sbr.rel @p0 .LBB2_54-.Ltmp26, $4  }
0x549: {  	v7 =	vld.idx.msk [tilespmem:v5+s1+$0x0], $0xffff  }
0x54a: {  	v5 =	vld.idx.msk [tilespmem:v3+s1+$0x0], $0xffff  }
0x54b: {  	v3 =	vld.idx.msk [tilespmem:v2+s1+$0x0], $0xffff  }
0x54c: {  	v2 =	vld.idx.msk [tilespmem:v8+s1+$0x0], $0xffff  }
0x54d: {  	_ =	sdelay $0x3  }
0x54e: {  	v6 =	vld.idx.msk [tilespmem:v6+s1+$0x0], $0xffff  }
0x54f: {  	v4 =	vld.idx.msk [tilespmem:v4+s1+$0x0], $0xffff;
	[tilespmem:s18+$0x8170] =	vst v7  }
0x550: {  	v1 =	vld.idx.msk [tilespmem:v1+s1+$0x0], $0xffff;
	[tilespmem:s18+$0x8100] =	vst v5  }
0x551: {  	v0 =	vld.idx.msk [tilespmem:v0+s1+$0x0], $0xffff;
	[tilespmem:s18+$0x8110] =	vst v3  }
0x552: {  	[tilespmem:s18+$0x8120] =	vst v2  }
0x553: {  	[tilespmem:s18+$0x8130] =	vst v6  }
0x554: {  	[tilespmem:s18+$0x8140] =	vst v4  }
0x555: {  	[tilespmem:s18+$0x8150] =	vst v1  }
0x556: {  	s17 =	simm.s32 $0x0;
	[tilespmem:s18+$0x8160] =	vst v0  }
0x557: {  	[hbm4b:s23+s17] =	stream.linear.scatter [tilespmem:s11], [sflag:$0x3], $0x4000, $0x38;
	[tilespmem:$0x10100] =	vst v63  }
0x558: {  	_ = 	snop  }
0x559: {  	[tilespmem:s8], [sflag:$0x1] =	stream.linear.gather [hbm4b:s26+s17], $0x4000, $0x38;
	[tilespmem:$0x10100] =	vst v63  }
0x55a: {  	_ =	swait.ge [sflag:s12], $0x4000  }
0x55b: {  	[sflag:s12] =	ssyncset.done $0x0  }
0x55c: {  	s19 =	simm.s32 $0x0;
	[sflag:s12] =	ssyncadd.s32 $0xFFFFC000  }
0x55d: {  	s21 =	sand.u32 $0x3000, s19;
	s20 =	sand.u32 $0xC00, s17;
	_ =	swait.ge [sflag:s15], $0x4000  }
0x55e: {  	s22 =	sand.u32 $0x380, s17;
	s18 =	sor.u32 s21, s20;
	[sflag:s15] =	ssyncset.done $0x0  }
0x55f: {  	s18 =	sor.u32 s22, s18;
	[sflag:s15] =	ssyncadd.s32 $0xFFFFC000  }
0x560: {  	v2 =	vld [tilespmem:s18+$0x4170]  }
0x561: {  	v3 =	vld [tilespmem:s18+$0x4100]  }
0x562: {  	v8 =	vld [tilespmem:s18+$0x4110]  }
0x563: {  	v9 =	vld [tilespmem:s18+$0x4120]  }
0x564: {  	v6 =	vld [tilespmem:s18+$0x4130]  }
0x565: {  	v4 =	vld [tilespmem:s18+$0x4140]  }
0x566: {  	v1 =	vld [tilespmem:s18+$0x4150]  }
0x567: {  	v0 =	vld [tilespmem:s18+$0x4160]  }
0x568: {  	v7 =	vld.idx.msk [tilespmem:v2+s1+$0x0], $0xffff  }
0x569: {  	v5 =	vld.idx.msk [tilespmem:v3+s1+$0x0], $0xffff  }
0x56a: {  	v3 =	vld.idx.msk [tilespmem:v8+s1+$0x0], $0xffff  }
0x56b: {  	s20 =	simm.s32 $0x0;
	v2 =	vld.idx.msk [tilespmem:v9+s1+$0x0], $0xffff  }
.LBB2_56:
0x56c: {  	s19 =	sadd.s32 $0x80, s19;
	v6 =	vld.idx.msk [tilespmem:v6+s1+$0x0], $0xffff;
	s17 =	sadd.s32 $0x400, s17  }
0x56d: {  	s20 =	sadd.s32 $0x20, s20;
	s21 =	sand.u32 $0x3000, s19;
	s22 =	sand.u32 $0xC00, s17;
	v4 =	vld.idx.msk [tilespmem:v4+s1+$0x0], $0xffff  }
0x56e: {  	p0 =	slt.u32 s19, $0x3F80;
	s21 =	sor.u32 s21, s22;
	s22 =	sand.u32 $0x380, s20;
	v1 =	vld.idx.msk [tilespmem:v1+s1+$0x0], $0xffff;
	[tilespmem:s18+$0xC170] =	vst v7  }
0x56f: {  	s21 =	sor.u32 s22, s21;
	[tilespmem:s18+$0xC100] =	vst v5;
	v0 =	vld.idx.msk [tilespmem:v0+s1+$0x0], $0xffff  }
0x570: {  	v5 =	vld [tilespmem:s21+$0x4170];
	[tilespmem:s18+$0xC110] =	vst v3  }
0x571: {  	v3 =	vld [tilespmem:s21+$0x4100];
	[tilespmem:s18+$0xC120] =	vst v2  }
0x572: {  	v2 =	vld [tilespmem:s21+$0x4110];
	[tilespmem:s18+$0xC130] =	vst v6  }
0x573: {  	v8 =	vld [tilespmem:s21+$0x4120];
	[tilespmem:s18+$0xC140] =	vst v4  }
0x574: {  	v6 =	vld [tilespmem:s21+$0x4130];
	[tilespmem:s18+$0xC150] =	vst v1  }
0x575: {  	v4 =	vld [tilespmem:s21+$0x4140];
	[tilespmem:s18+$0xC160] =	vst v0;
	s18 =	smov.u32 s21  }
0x576: {  	v1 =	vld [tilespmem:s18+$0x4150]  }
.Ltmp27:
0x577: {  	v0 =	vld [tilespmem:s18+$0x4160];
	(pc) =	sbr.rel @p0 .LBB2_56-.Ltmp27, $4  }
0x578: {  	v7 =	vld.idx.msk [tilespmem:v5+s1+$0x0], $0xffff  }
0x579: {  	v5 =	vld.idx.msk [tilespmem:v3+s1+$0x0], $0xffff  }
0x57a: {  	v3 =	vld.idx.msk [tilespmem:v2+s1+$0x0], $0xffff  }
0x57b: {  	v2 =	vld.idx.msk [tilespmem:v8+s1+$0x0], $0xffff  }
0x57c: {  	_ =	sdelay $0x3  }
0x57d: {  	v6 =	vld.idx.msk [tilespmem:v6+s1+$0x0], $0xffff  }
0x57e: {  	v4 =	vld.idx.msk [tilespmem:v4+s1+$0x0], $0xffff;
	[tilespmem:s18+$0xC170] =	vst v7  }
0x57f: {  	v1 =	vld.idx.msk [tilespmem:v1+s1+$0x0], $0xffff;
	[tilespmem:s18+$0xC100] =	vst v5  }
0x580: {  	v0 =	vld.idx.msk [tilespmem:v0+s1+$0x0], $0xffff;
	[tilespmem:s18+$0xC110] =	vst v3  }
0x581: {  	[tilespmem:s18+$0xC120] =	vst v2  }
0x582: {  	[tilespmem:s18+$0xC130] =	vst v6  }
0x583: {  	[tilespmem:s18+$0xC140] =	vst v4  }
0x584: {  	[tilespmem:s18+$0xC150] =	vst v1  }
0x585: {  	s17 =	simm.s32 $0x0;
	[tilespmem:s18+$0xC160] =	vst v0  }
0x586: {  	[hbm4b:s25+s17] =	stream.linear.scatter [tilespmem:s13], [sflag:$0x4], $0x4000, $0x38;
	[tilespmem:$0x10100] =	vst v63  }
0x587: {  	_ = 	snop  }
0x588: {  	[tilespmem:s9], [sflag:$0x2] =	stream.linear.gather [hbm4b:s29+s17], $0x4000, $0x38;
	[tilespmem:$0x10100] =	vst v63  }
0x589: {  	_ =	swait.ge [sflag:s10], $0x4000  }
0x58a: {  	[sflag:s10] =	ssyncset.done $0x0  }
0x58b: {  	s19 =	simm.s32 $0x0;
	[sflag:s10] =	ssyncadd.s32 $0xFFFFC000  }
0x58c: {  	s21 =	sand.u32 $0x3000, s19;
	s20 =	sand.u32 $0xC00, s17;
	_ =	swait.ge [sflag:s14], $0x4000  }
0x58d: {  	s22 =	sand.u32 $0x380, s17;
	s18 =	sor.u32 s21, s20;
	[sflag:s14] =	ssyncset.done $0x0  }
0x58e: {  	s18 =	sor.u32 s22, s18;
	[sflag:s14] =	ssyncadd.s32 $0xFFFFC000  }
0x58f: {  	v2 =	vld [tilespmem:s18+$0x170]  }
0x590: {  	v3 =	vld [tilespmem:s18+$0x100]  }
0x591: {  	v8 =	vld [tilespmem:s18+$0x110]  }
0x592: {  	v9 =	vld [tilespmem:s18+$0x120]  }
0x593: {  	v6 =	vld [tilespmem:s18+$0x130]  }
0x594: {  	v4 =	vld [tilespmem:s18+$0x140]  }
0x595: {  	v1 =	vld [tilespmem:s18+$0x150]  }
0x596: {  	v0 =	vld [tilespmem:s18+$0x160]  }
0x597: {  	v7 =	vld.idx.msk [tilespmem:v2+s1+$0x0], $0xffff  }
0x598: {  	v5 =	vld.idx.msk [tilespmem:v3+s1+$0x0], $0xffff  }
0x599: {  	v3 =	vld.idx.msk [tilespmem:v8+s1+$0x0], $0xffff  }
0x59a: {  	s20 =	simm.s32 $0x0;
	v2 =	vld.idx.msk [tilespmem:v9+s1+$0x0], $0xffff  }
.LBB2_58:
0x59b: {  	s19 =	sadd.s32 $0x80, s19;
	v6 =	vld.idx.msk [tilespmem:v6+s1+$0x0], $0xffff;
	s17 =	sadd.s32 $0x400, s17  }
0x59c: {  	s20 =	sadd.s32 $0x20, s20;
	s21 =	sand.u32 $0x3000, s19;
	s22 =	sand.u32 $0xC00, s17;
	v4 =	vld.idx.msk [tilespmem:v4+s1+$0x0], $0xffff  }
0x59d: {  	p0 =	slt.u32 s19, $0x3F80;
	s21 =	sor.u32 s21, s22;
	s22 =	sand.u32 $0x380, s20;
	v1 =	vld.idx.msk [tilespmem:v1+s1+$0x0], $0xffff;
	[tilespmem:s18+$0x8170] =	vst v7  }
0x59e: {  	s21 =	sor.u32 s22, s21;
	[tilespmem:s18+$0x8100] =	vst v5;
	v0 =	vld.idx.msk [tilespmem:v0+s1+$0x0], $0xffff  }
0x59f: {  	v5 =	vld [tilespmem:s21+$0x170];
	[tilespmem:s18+$0x8110] =	vst v3  }
0x5a0: {  	v3 =	vld [tilespmem:s21+$0x100];
	[tilespmem:s18+$0x8120] =	vst v2  }
0x5a1: {  	v2 =	vld [tilespmem:s21+$0x110];
	[tilespmem:s18+$0x8130] =	vst v6  }
0x5a2: {  	v8 =	vld [tilespmem:s21+$0x120];
	[tilespmem:s18+$0x8140] =	vst v4  }
0x5a3: {  	v6 =	vld [tilespmem:s21+$0x130];
	[tilespmem:s18+$0x8150] =	vst v1  }
0x5a4: {  	v4 =	vld [tilespmem:s21+$0x140];
	[tilespmem:s18+$0x8160] =	vst v0;
	s18 =	smov.u32 s21  }
0x5a5: {  	v1 =	vld [tilespmem:s18+$0x150]  }
.Ltmp28:
0x5a6: {  	v0 =	vld [tilespmem:s18+$0x160];
	(pc) =	sbr.rel @p0 .LBB2_58-.Ltmp28, $4  }
0x5a7: {  	v7 =	vld.idx.msk [tilespmem:v5+s1+$0x0], $0xffff  }
0x5a8: {  	v5 =	vld.idx.msk [tilespmem:v3+s1+$0x0], $0xffff  }
0x5a9: {  	v3 =	vld.idx.msk [tilespmem:v2+s1+$0x0], $0xffff  }
0x5aa: {  	v2 =	vld.idx.msk [tilespmem:v8+s1+$0x0], $0xffff  }
0x5ab: {  	_ =	sdelay $0x3  }
0x5ac: {  	v6 =	vld.idx.msk [tilespmem:v6+s1+$0x0], $0xffff  }
0x5ad: {  	v4 =	vld.idx.msk [tilespmem:v4+s1+$0x0], $0xffff;
	[tilespmem:s18+$0x8170] =	vst v7  }
0x5ae: {  	v1 =	vld.idx.msk [tilespmem:v1+s1+$0x0], $0xffff;
	[tilespmem:s18+$0x8100] =	vst v5  }
0x5af: {  	v0 =	vld.idx.msk [tilespmem:v0+s1+$0x0], $0xffff;
	[tilespmem:s18+$0x8110] =	vst v3  }
0x5b0: {  	[tilespmem:s18+$0x8120] =	vst v2  }
0x5b1: {  	[tilespmem:s18+$0x8130] =	vst v6  }
0x5b2: {  	[tilespmem:s18+$0x8140] =	vst v4  }
0x5b3: {  	[tilespmem:s18+$0x8150] =	vst v1  }
0x5b4: {  	s17 =	simm.s32 $0x0;
	[tilespmem:s18+$0x8160] =	vst v0  }
0x5b5: {  	[hbm4b:s28+s17] =	stream.linear.scatter [tilespmem:s11], [sflag:$0x3], $0x4000, $0x38;
	[tilespmem:$0x10100] =	vst v63  }
0x5b6: {  	_ = 	snop  }
0x5b7: {  	[tilespmem:s8], [sflag:$0x1] =	stream.linear.gather [hbm4b:s2+s17], $0x4000, $0x38;
	[tilespmem:$0x10100] =	vst v63  }
0x5b8: {  	_ =	swait.ge [sflag:s12], $0x4000  }
0x5b9: {  	[sflag:s12] =	ssyncset.done $0x0  }
0x5ba: {  	s19 =	simm.s32 $0x0;
	[sflag:s12] =	ssyncadd.s32 $0xFFFFC000  }
0x5bb: {  	s21 =	sand.u32 $0x3000, s19;
	s20 =	sand.u32 $0xC00, s17;
	_ =	swait.ge [sflag:s15], $0x4000  }
0x5bc: {  	s22 =	sand.u32 $0x380, s17;
	s18 =	sor.u32 s21, s20;
	[sflag:s15] =	ssyncset.done $0x0  }
0x5bd: {  	s18 =	sor.u32 s22, s18;
	[sflag:s15] =	ssyncadd.s32 $0xFFFFC000  }
0x5be: {  	v2 =	vld [tilespmem:s18+$0x4170]  }
0x5bf: {  	v3 =	vld [tilespmem:s18+$0x4100]  }
0x5c0: {  	v8 =	vld [tilespmem:s18+$0x4110]  }
0x5c1: {  	v9 =	vld [tilespmem:s18+$0x4120]  }
0x5c2: {  	v6 =	vld [tilespmem:s18+$0x4130]  }
0x5c3: {  	v4 =	vld [tilespmem:s18+$0x4140]  }
0x5c4: {  	v1 =	vld [tilespmem:s18+$0x4150]  }
0x5c5: {  	v0 =	vld [tilespmem:s18+$0x4160]  }
0x5c6: {  	v7 =	vld.idx.msk [tilespmem:v2+s1+$0x0], $0xffff  }
0x5c7: {  	v5 =	vld.idx.msk [tilespmem:v3+s1+$0x0], $0xffff  }
0x5c8: {  	v3 =	vld.idx.msk [tilespmem:v8+s1+$0x0], $0xffff  }
0x5c9: {  	s20 =	simm.s32 $0x0;
	v2 =	vld.idx.msk [tilespmem:v9+s1+$0x0], $0xffff  }
.LBB2_60:
0x5ca: {  	s19 =	sadd.s32 $0x80, s19;
	v6 =	vld.idx.msk [tilespmem:v6+s1+$0x0], $0xffff;
	s17 =	sadd.s32 $0x400, s17  }
0x5cb: {  	s20 =	sadd.s32 $0x20, s20;
	s21 =	sand.u32 $0x3000, s19;
	s22 =	sand.u32 $0xC00, s17;
	v4 =	vld.idx.msk [tilespmem:v4+s1+$0x0], $0xffff  }
0x5cc: {  	p0 =	slt.u32 s19, $0x3F80;
	s21 =	sor.u32 s21, s22;
	s22 =	sand.u32 $0x380, s20;
	v1 =	vld.idx.msk [tilespmem:v1+s1+$0x0], $0xffff;
	[tilespmem:s18+$0xC170] =	vst v7  }
0x5cd: {  	s21 =	sor.u32 s22, s21;
	[tilespmem:s18+$0xC100] =	vst v5;
	v0 =	vld.idx.msk [tilespmem:v0+s1+$0x0], $0xffff  }
0x5ce: {  	v5 =	vld [tilespmem:s21+$0x4170];
	[tilespmem:s18+$0xC110] =	vst v3  }
0x5cf: {  	v3 =	vld [tilespmem:s21+$0x4100];
	[tilespmem:s18+$0xC120] =	vst v2  }
0x5d0: {  	v2 =	vld [tilespmem:s21+$0x4110];
	[tilespmem:s18+$0xC130] =	vst v6  }
0x5d1: {  	v8 =	vld [tilespmem:s21+$0x4120];
	[tilespmem:s18+$0xC140] =	vst v4  }
0x5d2: {  	v6 =	vld [tilespmem:s21+$0x4130];
	[tilespmem:s18+$0xC150] =	vst v1  }
0x5d3: {  	v4 =	vld [tilespmem:s21+$0x4140];
	[tilespmem:s18+$0xC160] =	vst v0;
	s18 =	smov.u32 s21  }
0x5d4: {  	v1 =	vld [tilespmem:s18+$0x4150]  }
.Ltmp29:
0x5d5: {  	v0 =	vld [tilespmem:s18+$0x4160];
	(pc) =	sbr.rel @p0 .LBB2_60-.Ltmp29, $4  }
0x5d6: {  	v7 =	vld.idx.msk [tilespmem:v5+s1+$0x0], $0xffff  }
0x5d7: {  	v5 =	vld.idx.msk [tilespmem:v3+s1+$0x0], $0xffff  }
0x5d8: {  	v3 =	vld.idx.msk [tilespmem:v2+s1+$0x0], $0xffff  }
0x5d9: {  	v2 =	vld.idx.msk [tilespmem:v8+s1+$0x0], $0xffff  }
0x5da: {  	_ =	sdelay $0x3  }
0x5db: {  	v6 =	vld.idx.msk [tilespmem:v6+s1+$0x0], $0xffff  }
0x5dc: {  	v4 =	vld.idx.msk [tilespmem:v4+s1+$0x0], $0xffff;
	[tilespmem:s18+$0xC170] =	vst v7  }
0x5dd: {  	v1 =	vld.idx.msk [tilespmem:v1+s1+$0x0], $0xffff;
	[tilespmem:s18+$0xC100] =	vst v5  }
0x5de: {  	v0 =	vld.idx.msk [tilespmem:v0+s1+$0x0], $0xffff;
	[tilespmem:s18+$0xC110] =	vst v3  }
0x5df: {  	[tilespmem:s18+$0xC120] =	vst v2  }
0x5e0: {  	[tilespmem:s18+$0xC130] =	vst v6  }
0x5e1: {  	[tilespmem:s18+$0xC140] =	vst v4  }
0x5e2: {  	[tilespmem:s18+$0xC150] =	vst v1  }
0x5e3: {  	s17 =	simm.s32 $0x0;
	[tilespmem:s18+$0xC160] =	vst v0  }
0x5e4: {  	[hbm4b:s30+s17] =	stream.linear.scatter [tilespmem:s13], [sflag:$0x4], $0x4000, $0x38;
	[tilespmem:$0x10100] =	vst v63  }
0x5e5: {  	_ = 	snop  }
0x5e6: {  	[tilespmem:s9], [sflag:$0x2] =	stream.linear.gather [hbm4b:s3+s17], $0x4000, $0x38;
	[tilespmem:$0x10100] =	vst v63  }
0x5e7: {  	_ =	swait.ge [sflag:s10], $0x4000  }
0x5e8: {  	[sflag:s10] =	ssyncset.done $0x0  }
0x5e9: {  	s19 =	simm.s32 $0x0;
	[sflag:s10] =	ssyncadd.s32 $0xFFFFC000  }
0x5ea: {  	s21 =	sand.u32 $0x3000, s19;
	s20 =	sand.u32 $0xC00, s17;
	_ =	swait.ge [sflag:s14], $0x4000  }
0x5eb: {  	s22 =	sand.u32 $0x380, s17;
	s18 =	sor.u32 s21, s20;
	[sflag:s14] =	ssyncset.done $0x0  }
0x5ec: {  	s18 =	sor.u32 s22, s18;
	[sflag:s14] =	ssyncadd.s32 $0xFFFFC000  }
0x5ed: {  	v2 =	vld [tilespmem:s18+$0x170]  }
0x5ee: {  	v3 =	vld [tilespmem:s18+$0x100]  }
0x5ef: {  	v8 =	vld [tilespmem:s18+$0x110]  }
0x5f0: {  	v9 =	vld [tilespmem:s18+$0x120]  }
0x5f1: {  	v6 =	vld [tilespmem:s18+$0x130]  }
0x5f2: {  	v4 =	vld [tilespmem:s18+$0x140]  }
0x5f3: {  	v1 =	vld [tilespmem:s18+$0x150]  }
0x5f4: {  	v0 =	vld [tilespmem:s18+$0x160]  }
0x5f5: {  	v7 =	vld.idx.msk [tilespmem:v2+s1+$0x0], $0xffff  }
0x5f6: {  	v5 =	vld.idx.msk [tilespmem:v3+s1+$0x0], $0xffff  }
0x5f7: {  	v3 =	vld.idx.msk [tilespmem:v8+s1+$0x0], $0xffff  }
0x5f8: {  	s20 =	simm.s32 $0x0;
	v2 =	vld.idx.msk [tilespmem:v9+s1+$0x0], $0xffff  }
.LBB2_62:
0x5f9: {  	s19 =	sadd.s32 $0x80, s19;
	v6 =	vld.idx.msk [tilespmem:v6+s1+$0x0], $0xffff;
	s17 =	sadd.s32 $0x400, s17  }
0x5fa: {  	s20 =	sadd.s32 $0x20, s20;
	s21 =	sand.u32 $0x3000, s19;
	s22 =	sand.u32 $0xC00, s17;
	v4 =	vld.idx.msk [tilespmem:v4+s1+$0x0], $0xffff  }
0x5fb: {  	p0 =	slt.u32 s19, $0x3F80;
	s21 =	sor.u32 s21, s22;
	s22 =	sand.u32 $0x380, s20;
	v1 =	vld.idx.msk [tilespmem:v1+s1+$0x0], $0xffff;
	[tilespmem:s18+$0x8170] =	vst v7  }
0x5fc: {  	s21 =	sor.u32 s22, s21;
	[tilespmem:s18+$0x8100] =	vst v5;
	v0 =	vld.idx.msk [tilespmem:v0+s1+$0x0], $0xffff  }
0x5fd: {  	v5 =	vld [tilespmem:s21+$0x170];
	[tilespmem:s18+$0x8110] =	vst v3  }
0x5fe: {  	v3 =	vld [tilespmem:s21+$0x100];
	[tilespmem:s18+$0x8120] =	vst v2  }
0x5ff: {  	v2 =	vld [tilespmem:s21+$0x110];
	[tilespmem:s18+$0x8130] =	vst v6  }
0x600: {  	v8 =	vld [tilespmem:s21+$0x120];
	[tilespmem:s18+$0x8140] =	vst v4  }
0x601: {  	v6 =	vld [tilespmem:s21+$0x130];
	[tilespmem:s18+$0x8150] =	vst v1  }
0x602: {  	v4 =	vld [tilespmem:s21+$0x140];
	[tilespmem:s18+$0x8160] =	vst v0;
	s18 =	smov.u32 s21  }
0x603: {  	v1 =	vld [tilespmem:s18+$0x150]  }
.Ltmp30:
0x604: {  	v0 =	vld [tilespmem:s18+$0x160];
	(pc) =	sbr.rel @p0 .LBB2_62-.Ltmp30, $4  }
0x605: {  	v7 =	vld.idx.msk [tilespmem:v5+s1+$0x0], $0xffff  }
0x606: {  	v5 =	vld.idx.msk [tilespmem:v3+s1+$0x0], $0xffff  }
0x607: {  	v3 =	vld.idx.msk [tilespmem:v2+s1+$0x0], $0xffff  }
0x608: {  	v2 =	vld.idx.msk [tilespmem:v8+s1+$0x0], $0xffff  }
0x609: {  	_ =	sdelay $0x3  }
0x60a: {  	v6 =	vld.idx.msk [tilespmem:v6+s1+$0x0], $0xffff  }
0x60b: {  	v4 =	vld.idx.msk [tilespmem:v4+s1+$0x0], $0xffff;
	[tilespmem:s18+$0x8170] =	vst v7  }
0x60c: {  	v1 =	vld.idx.msk [tilespmem:v1+s1+$0x0], $0xffff;
	[tilespmem:s18+$0x8100] =	vst v5  }
0x60d: {  	v0 =	vld.idx.msk [tilespmem:v0+s1+$0x0], $0xffff;
	[tilespmem:s18+$0x8110] =	vst v3  }
0x60e: {  	[tilespmem:s18+$0x8120] =	vst v2  }
0x60f: {  	[tilespmem:s18+$0x8130] =	vst v6  }
0x610: {  	[tilespmem:s18+$0x8140] =	vst v4  }
0x611: {  	[tilespmem:s18+$0x8150] =	vst v1  }
0x612: {  	s17 =	simm.s32 $0x0;
	[tilespmem:s18+$0x8160] =	vst v0  }
0x613: {  	[hbm4b:s4+s17] =	stream.linear.scatter [tilespmem:s11], [sflag:$0x3], $0x4000, $0x38;
	[tilespmem:$0x10100] =	vst v63  }
0x614: {  	_ =	swait.ge [sflag:s12], $0x4000  }
0x615: {  	[sflag:s12] =	ssyncset.done $0x0  }
0x616: {  	s19 =	simm.s32 $0x0;
	[sflag:s12] =	ssyncadd.s32 $0xFFFFC000  }
0x617: {  	s21 =	sand.u32 $0x3000, s19;
	s20 =	sand.u32 $0xC00, s17;
	_ =	swait.ge [sflag:s15], $0x4000  }
0x618: {  	s22 =	sand.u32 $0x380, s17;
	s18 =	sor.u32 s21, s20;
	[sflag:s15] =	ssyncset.done $0x0  }
0x619: {  	s18 =	sor.u32 s22, s18;
	[sflag:s15] =	ssyncadd.s32 $0xFFFFC000  }
0x61a: {  	v2 =	vld [tilespmem:s18+$0x4170]  }
0x61b: {  	v3 =	vld [tilespmem:s18+$0x4100]  }
0x61c: {  	v8 =	vld [tilespmem:s18+$0x4110]  }
0x61d: {  	v9 =	vld [tilespmem:s18+$0x4120]  }
0x61e: {  	v6 =	vld [tilespmem:s18+$0x4130]  }
0x61f: {  	v4 =	vld [tilespmem:s18+$0x4140]  }
0x620: {  	v1 =	vld [tilespmem:s18+$0x4150]  }
0x621: {  	v0 =	vld [tilespmem:s18+$0x4160]  }
0x622: {  	v7 =	vld.idx.msk [tilespmem:v2+s1+$0x0], $0xffff  }
0x623: {  	v5 =	vld.idx.msk [tilespmem:v3+s1+$0x0], $0xffff  }
0x624: {  	v3 =	vld.idx.msk [tilespmem:v8+s1+$0x0], $0xffff  }
0x625: {  	s20 =	simm.s32 $0x0;
	v2 =	vld.idx.msk [tilespmem:v9+s1+$0x0], $0xffff  }
.LBB2_64:
0x626: {  	s19 =	sadd.s32 $0x80, s19;
	v6 =	vld.idx.msk [tilespmem:v6+s1+$0x0], $0xffff;
	s17 =	sadd.s32 $0x400, s17  }
0x627: {  	s20 =	sadd.s32 $0x20, s20;
	s21 =	sand.u32 $0x3000, s19;
	s22 =	sand.u32 $0xC00, s17;
	v4 =	vld.idx.msk [tilespmem:v4+s1+$0x0], $0xffff  }
0x628: {  	p0 =	slt.u32 s19, $0x3F80;
	s21 =	sor.u32 s21, s22;
	s22 =	sand.u32 $0x380, s20;
	v1 =	vld.idx.msk [tilespmem:v1+s1+$0x0], $0xffff;
	[tilespmem:s18+$0xC170] =	vst v7  }
0x629: {  	s21 =	sor.u32 s22, s21;
	[tilespmem:s18+$0xC100] =	vst v5;
	v0 =	vld.idx.msk [tilespmem:v0+s1+$0x0], $0xffff  }
0x62a: {  	v5 =	vld [tilespmem:s21+$0x4170];
	[tilespmem:s18+$0xC110] =	vst v3  }
0x62b: {  	v3 =	vld [tilespmem:s21+$0x4100];
	[tilespmem:s18+$0xC120] =	vst v2  }
0x62c: {  	v2 =	vld [tilespmem:s21+$0x4110];
	[tilespmem:s18+$0xC130] =	vst v6  }
0x62d: {  	v8 =	vld [tilespmem:s21+$0x4120];
	[tilespmem:s18+$0xC140] =	vst v4  }
0x62e: {  	v6 =	vld [tilespmem:s21+$0x4130];
	[tilespmem:s18+$0xC150] =	vst v1  }
0x62f: {  	v4 =	vld [tilespmem:s21+$0x4140];
	[tilespmem:s18+$0xC160] =	vst v0;
	s18 =	smov.u32 s21  }
0x630: {  	v1 =	vld [tilespmem:s18+$0x4150]  }
.Ltmp31:
0x631: {  	v0 =	vld [tilespmem:s18+$0x4160];
	(pc) =	sbr.rel @p0 .LBB2_64-.Ltmp31, $4  }
0x632: {  	v7 =	vld.idx.msk [tilespmem:v5+s1+$0x0], $0xffff  }
0x633: {  	v5 =	vld.idx.msk [tilespmem:v3+s1+$0x0], $0xffff  }
0x634: {  	v3 =	vld.idx.msk [tilespmem:v2+s1+$0x0], $0xffff  }
0x635: {  	v2 =	vld.idx.msk [tilespmem:v8+s1+$0x0], $0xffff  }
0x636: {  	_ =	sdelay $0x3  }
0x637: {  	v6 =	vld.idx.msk [tilespmem:v6+s1+$0x0], $0xffff  }
0x638: {  	v4 =	vld.idx.msk [tilespmem:v4+s1+$0x0], $0xffff;
	[tilespmem:s18+$0xC170] =	vst v7  }
0x639: {  	v1 =	vld.idx.msk [tilespmem:v1+s1+$0x0], $0xffff;
	[tilespmem:s18+$0xC100] =	vst v5  }
0x63a: {  	v0 =	vld.idx.msk [tilespmem:v0+s1+$0x0], $0xffff;
	[tilespmem:s18+$0xC110] =	vst v3  }
0x63b: {  	[tilespmem:s18+$0xC120] =	vst v2  }
0x63c: {  	[tilespmem:s18+$0xC130] =	vst v6  }
0x63d: {  	[tilespmem:s18+$0xC140] =	vst v4  }
0x63e: {  	[tilespmem:s18+$0xC150] =	vst v1  }
0x63f: {  	s16 =	sadd.s32 $0x1, s16;
	[tilespmem:s18+$0xC160] =	vst v0  }
0x640: {  	[hbm4b:s5+s1] =	stream.linear.scatter [tilespmem:s13], [sflag:$0x4], $0x4000, $0x38;
	[tilespmem:$0x10100] =	vst v63  }
0x641: {  	p0 =	sne.s32 s16, s6;
	_ =	swait.ge [sflag:s14], $0x4000  }
.Ltmp32:
0x642: {  	[sflag:s14] =	ssyncset.done $0x0;
	(pc) =	sbr.rel @p0 .LBB2_1-.Ltmp32, $4  }
0x643: {  	[sflag:s14] =	ssyncadd.s32 $0xFFFFC000  }
0x644: {  	_ =	swait.ge [sflag:s15], $0x4000  }
0x645: {  	[sflag:s15] =	ssyncset.done $0x0  }
0x646: {  	[sflag:s15] =	ssyncadd.s32 $0xFFFFC000  }
0x647: {  	_ =	sfence.sel $0x180000  }
0x648: {  	[bflag:$0x0] =	sbarrier.arrive $0xFFFF  }
0x649: {  	_ =	strace $0x90000047  }
0x64a: {  	s0 =	stileid.u32;
	[bflag:$0x2] =	sbarrier.arrive $0xFFFF  }
0x64b: {  	p0 =	sne.s32 s0, $0x0;
	s0 =	rddreg [dreg:$0x3]  }
0x64c: {  	s0 =	sadd.s32 @!p0 $0x100000, s0  }
0x64d: {  	[sflag:s0] =	ssyncadd.tile.s32 @!p0 $0x1;
	_ =	shalt  }
.Lfunc_end2:
_tile_overlayer_lowered:
.L_overlay_start_2:
0x64e: {  	(tag) =	ssettag $0x2  }
0x64f: {  	s0 =	rddreg [dreg:$0x0];
	s2 =	stileid.u32  }
0x650: {  	s1 =	rddreg [dreg:$0x1];
	p0 =	sne.s32 s2, $0x0  }
0x651: {  	s3 =	rddreg [dreg:$0x2];
	[bflag:$0x3] =	sbarrier.arrive $0xFFFF;
	s2 =	simm.s32 @!p0 $0x1C05  }
0x652: {  	[timem:s3], [sflag:s2] =	dma.local @!p0 [hbm:s0], s1  }
0x653: {  	s0 =	simm.s32 @!p0 $0x5  }
0x654: {  	_ =	swait.ge @!p0 [sflag:s0], s1  }
0x655: {  	s1 =	ssub.s32 @!p0 $0x0, s1;
	[sflag:s0] =	ssyncset.done @!p0 $0x0  }
0x656: {  	[sflag:s0] =	ssyncadd.s32 @!p0 s1  }
0x657: {  	[bflag:$0x3] =	sbarrier.arrive $0xFFFF  }
0x658: {  	_ =	shalt  }

</sc_bundles>
